<compile_context>
chip_gen: v7x
topology: tpu7x:2x2x1
jax: 0.10.2.dev20260603
libtpu: 0.0.44.dev20260713+nightly
codegen_flags: <defaults>
</compile_context>

<pallas_src>
import functools

import jax
import jax.numpy as jnp
from jax import lax
from jax.experimental import pallas as pl
from jax.experimental.pallas import tpu as pltpu
from jax.experimental.pallas import tpu_sc as plsc

D = 64
T = 200
NC = 2
NS = 16
NW = NC * NS
BW = 128
TB = T // 8
PITCH = BW + 1
NBUF = 4
AHEAD = 3


def _body(x4, tok, pos, ctab, out, idx_v, pos_v, col_v,
          bufs, slabs, gsems, ssems, isem):
    c = lax.axis_index("c")
    s = lax.axis_index("s")
    wid = s * NC + c

    def fire_gather(t, b):
        pltpu.async_copy(tok.at[idx_v.at[t // 8, t % 8]], bufs[b], gsems[b])

    def wait_gather(t, b):
        pltpu.make_async_copy(
            tok.at[idx_v.at[t // 8, t % 8]], bufs[b], gsems[b]
        ).wait()

    def fire_scatter(t, b):
        pltpu.async_copy(
            slabs[b].at[:, :, pl.ds(0, BW)], out.at[t, :, wid], ssems[b]
        )

    def wait_scatter(b):
        pltpu.make_async_copy(
            slabs[b].at[:, :, pl.ds(0, BW)], out.at[0, :, wid], ssems[b]
        ).wait()

    pltpu.sync_copy(pos, pos_v)
    pltpu.sync_copy(ctab, col_v)
    cps = []
    for tb in range(TB):
        cps.append(pltpu.async_copy(x4.at[tb, wid], idx_v.at[tb], isem))
    for cp in cps:
        cp.wait()

    lane = jnp.arange(16, dtype=jnp.int32)
    db_ids = [lane // 8 + 2 * k for k in range(D // 16)]
    di_ids = [lane % 8 for _ in range(D // 16)]

    for b in range(AHEAD):
        fire_gather(b, b)

    def outer(t4, carry):
        for b in range(NBUF):
            t = t4 * NBUF + b
            buf = bufs[b]
            slab = slabs[b]

            @pl.when(t >= AHEAD)
            def _():
                wait_scatter((b + 1) % NBUF)

            wait_gather(t, b)

            pvs = [pos_v[t, pl.ds(16 * k, 16)] for k in range(D // 16)]

            @plsc.parallel_loop(0, BW, unroll=8)
            def _(j):
                col = col_v[j, pl.ds(0, 16)]
                for k in range(D // 16):
                    v = buf[j, pl.ds(16 * k, 16)] + pvs[k]
                    plsc.store_scatter(slab, [db_ids[k], di_ids[k], col], v)

            @pl.when(t >= 1)
            def _():
                fire_scatter(t - 1, (b - 1) % NBUF)

            @pl.when(t + AHEAD < T)
            def _():
                fire_gather(t + AHEAD, (b + AHEAD) % NBUF)

        return carry

    lax.fori_loop(0, T // NBUF, outer, 0)

    fire_scatter(T - 1, (T - 1) % NBUF)
    for b in [1, 2, 3]:
        wait_scatter(b)


def _entry(x4, tok, pos, ctab, out, idx_v, pos_v, col_v,
           b0, b1, b2, b3, s0, s1, s2, s3,
           g0, g1, g2, g3, o0, o1, o2, o3, i0):
    _body(x4, tok, pos, ctab, out, idx_v, pos_v, col_v,
          [b0, b1, b2, b3], [s0, s1, s2, s3],
          [g0, g1, g2, g3], [o0, o1, o2, o3], i0)


@jax.jit
def _embed(x4, tok_emb, pos2d, ctab):
    run = pl.kernel(
        _entry,
        out_type=jax.ShapeDtypeStruct((T, D // 8, NW, 8, BW), jnp.float32),
        mesh=plsc.VectorSubcoreMesh(core_axis_name="c", subcore_axis_name="s"),
        scratch_types=(
            [pltpu.VMEM((TB, 8, BW), jnp.int32),
             pltpu.VMEM((T, D), jnp.float32),
             pltpu.VMEM((BW, 16), jnp.int32)]
            + [pltpu.VMEM((BW, D), jnp.float32) for _ in range(NBUF)]
            + [pltpu.VMEM((D // 8, 8, PITCH), jnp.float32) for _ in range(NBUF)]
            + [pltpu.SemaphoreType.DMA for _ in range(2 * NBUF + 1)]
        ),
        compiler_params=pltpu.CompilerParams(
            use_tc_tiling_on_sc=False,
            needs_layout_passes=False,
            disable_bounds_checks=True,
        ),
    )
    return run(x4, tok_emb, pos2d, ctab)


def kernel(x, tok_emb, pos_emb):
    b, t = x.shape
    x4 = (
        x.T.astype(jnp.int32)
        .reshape(TB, 8, NW, BW)
        .transpose(0, 2, 1, 3)
    )
    pos2d = pos_emb[0, :t, :]
    ctab = jnp.broadcast_to(
        jnp.arange(BW, dtype=jnp.int32)[:, None], (BW, 16)
    )
    out5 = _embed(x4, tok_emb, pos2d, ctab)
    return out5.transpose(2, 4, 0, 1, 3).reshape(b, t, D)

# --- scband reference (transcript-rebuilt; emitter-appended) ---
"""Pipeline reference for scband-text-embedder-18915035971702 (READ-ONLY COPY).

The authoritative reference and input builder live on the scoring server;
editing this copy changes nothing except your own understanding.
"""

import jax, jax.numpy as jnp
import numpy as np

VOCAB = 1000000
D_MODEL = 64
MAX_LEN = 512
BATCH = 4096
SEQ = 200


def setup_inputs(seed: int = 0) -> dict:
    key = jax.random.key(seed)
    k_x, k_tok, k_pos = jax.random.split(key, 3)
    x = jax.random.randint(k_x, (BATCH, SEQ), 0, VOCAB, dtype=jnp.int64 if jax.config.jax_enable_x64 else jnp.int32)
    tok_emb = jax.random.normal(k_tok, (VOCAB, D_MODEL), dtype=jnp.float32) * 0.02
    # padding_idx=0 row is zero-initialized in torch
    tok_emb = tok_emb.at[0].set(0.0)
    pos_emb = jax.random.normal(k_pos, (1, MAX_LEN, D_MODEL), dtype=jnp.float32) * 0.02
    return {"x": x, "tok_emb": tok_emb, "pos_emb": pos_emb}


def reference(x, tok_emb, pos_emb):
    # tok_emb(x): gather rows of the embedding table
    b, t = x.shape
    tok = jnp.take(tok_emb, x, axis=0)  # [B, T, D]
    return tok + pos_emb[:, :t, :]

if __name__ == "__main__":
    import jax
    _d = setup_inputs()
    print(jax.jit(kernel)(*tuple(_d.values())))

</pallas_src>

<mosaic_0001>
#map = affine_map<(d0, d1) -> (0, 0, 0, 0)>
#map1 = affine_map<(d0, d1) -> (0, 0)>
#map2 = affine_map<(d0, d1) -> (0, 0, 0, 0, 0)>
module attributes {stable_mosaic.version = 14 : i64} {
  func.func @_entry(%arg0: i32, %arg1: i32, %arg2: memref<25x32x8x128xi32, #tpu.memory_space<hbm>>, %arg3: memref<1000000x64xf32, #tpu.memory_space<hbm>>, %arg4: memref<200x64xf32, #tpu.memory_space<hbm>>, %arg5: memref<128x16xi32, #tpu.memory_space<hbm>>, %arg6: memref<200x8x32x8x128xf32, #tpu.memory_space<hbm>>, %arg7: memref<25x8x128xi32, #tpu.memory_space<vmem>>, %arg8: memref<200x64xf32, #tpu.memory_space<vmem>>, %arg9: memref<128x16xi32, #tpu.memory_space<vmem>>, %arg10: memref<128x64xf32, #tpu.memory_space<vmem>>, %arg11: memref<128x64xf32, #tpu.memory_space<vmem>>, %arg12: memref<128x64xf32, #tpu.memory_space<vmem>>, %arg13: memref<128x64xf32, #tpu.memory_space<vmem>>, %arg14: memref<8x8x129xf32, #tpu.memory_space<vmem>>, %arg15: memref<8x8x129xf32, #tpu.memory_space<vmem>>, %arg16: memref<8x8x129xf32, #tpu.memory_space<vmem>>, %arg17: memref<8x8x129xf32, #tpu.memory_space<vmem>>, %arg18: memref<!tpu.dma_semaphore, #tpu.memory_space<semaphore_mem>>, %arg19: memref<!tpu.dma_semaphore, #tpu.memory_space<semaphore_mem>>, %arg20: memref<!tpu.dma_semaphore, #tpu.memory_space<semaphore_mem>>, %arg21: memref<!tpu.dma_semaphore, #tpu.memory_space<semaphore_mem>>, %arg22: memref<!tpu.dma_semaphore, #tpu.memory_space<semaphore_mem>>, %arg23: memref<!tpu.dma_semaphore, #tpu.memory_space<semaphore_mem>>, %arg24: memref<!tpu.dma_semaphore, #tpu.memory_space<semaphore_mem>>, %arg25: memref<!tpu.dma_semaphore, #tpu.memory_space<semaphore_mem>>, %arg26: memref<!tpu.dma_semaphore, #tpu.memory_space<semaphore_mem>>) attributes {dimension_semantics = [#tpu.dimension_semantics<core_parallel>, #tpu.dimension_semantics<subcore_parallel>], iteration_bounds = array<i64: 2, 16>, scalar_prefetch = 0 : i64, scratch_operands = 20 : i64, tpu.core_type = #tpu.core_type<sc_vector_subcore>, window_params = [{transform_indices = #map}, {transform_indices = #map1}, {transform_indices = #map1}, {transform_indices = #map1}, {transform_indices = #map2}]} {
    %mul3A = arith.constant 2 : i32
    %mul3A_0 = arith.muli %arg1, %mul3A : i32
    %add3A = arith.addi %mul3A_0, %arg0 : i32
    "tpu.region"() ({
      %run_scoped3A = tpu.sem_alloc : memref<!tpu.dma_semaphore, #tpu.memory_space<semaphore_mem>>
      tpu.enqueue_dma source(%arg4 : memref<200x64xf32, #tpu.memory_space<hbm>>) target(%arg8 : memref<200x64xf32, #tpu.memory_space<vmem>>) target_semaphore(%run_scoped3A : memref<!tpu.dma_semaphore, #tpu.memory_space<semaphore_mem>>)
      tpu.wait_dma2 semaphore(%run_scoped3A : memref<!tpu.dma_semaphore, #tpu.memory_space<semaphore_mem>>) src(%arg4 : memref<200x64xf32, #tpu.memory_space<hbm>>) dst(%arg8 : memref<200x64xf32, #tpu.memory_space<vmem>>)
      tpu.yield
    }) : () -> ()
    "tpu.region"() ({
      %run_scoped3A = tpu.sem_alloc : memref<!tpu.dma_semaphore, #tpu.memory_space<semaphore_mem>>
      tpu.enqueue_dma source(%arg5 : memref<128x16xi32, #tpu.memory_space<hbm>>) target(%arg9 : memref<128x16xi32, #tpu.memory_space<vmem>>) target_semaphore(%run_scoped3A : memref<!tpu.dma_semaphore, #tpu.memory_space<semaphore_mem>>)
      tpu.wait_dma2 semaphore(%run_scoped3A : memref<!tpu.dma_semaphore, #tpu.memory_space<semaphore_mem>>) src(%arg5 : memref<128x16xi32, #tpu.memory_space<hbm>>) dst(%arg9 : memref<128x16xi32, #tpu.memory_space<vmem>>)
      tpu.yield
    }) : () -> ()
    %dma_start3A = arith.constant 0 : i32
    %dma_start3A_1 = arith.constant 0 : i32
    %dma_start3A_2 = arith.constant 0 : i32
    %dma_start3A_3 = arith.constant 0 : i32
    %dma_start3A_4 = tpu.memref_slice %arg7[%dma_start3A_1, %dma_start3A_2, %dma_start3A_3] : memref<25x8x128xi32, #tpu.memory_space<vmem>> -> memref<1x8x128xi32, #tpu.memory_space<vmem>>
    %dma_start3A_5 = tpu.memref_squeeze %dma_start3A_4 : memref<1x8x128xi32, #tpu.memory_space<vmem>> -> memref<8x128xi32, #tpu.memory_space<vmem>>
    %dma_start3A_6 = arith.constant 0 : i32
    %dma_start3A_7 = arith.constant 0 : i32
    %dma_start3A_8 = tpu.memref_slice %arg2[%dma_start3A, %add3A, %dma_start3A_6, %dma_start3A_7] : memref<25x32x8x128xi32, #tpu.memory_space<hbm>> -> memref<1x1x8x128xi32, #tpu.memory_space<hbm>>
    %dma_start3A_9 = tpu.memref_squeeze %dma_start3A_8 : memref<1x1x8x128xi32, #tpu.memory_space<hbm>> -> memref<8x128xi32, #tpu.memory_space<hbm>>
    %dma_start3A_10 = arith.constant 0 : i32
    %dma_start3A_11 = arith.constant 0 : i32
    %dma_start3A_12 = tpu.memref_slice %arg7[%dma_start3A_1, %dma_start3A_10, %dma_start3A_11] : memref<25x8x128xi32, #tpu.memory_space<vmem>> -> memref<1x8x128xi32, #tpu.memory_space<vmem>>
    %dma_start3A_13 = tpu.memref_squeeze %dma_start3A_12 : memref<1x8x128xi32, #tpu.memory_space<vmem>> -> memref<8x128xi32, #tpu.memory_space<vmem>>
    %dma_start3A_14 = arith.constant 0 : i32
    %dma_start3A_15 = arith.constant 0 : i32
    %dma_start3A_16 = tpu.memref_slice %arg2[%dma_start3A, %add3A, %dma_start3A_14, %dma_start3A_15] : memref<25x32x8x128xi32, #tpu.memory_space<hbm>> -> memref<1x1x8x128xi32, #tpu.memory_space<hbm>>
    %dma_start3A_17 = tpu.memref_squeeze %dma_start3A_16 : memref<1x1x8x128xi32, #tpu.memory_space<hbm>> -> memref<8x128xi32, #tpu.memory_space<hbm>>
    tpu.enqueue_dma source(%dma_start3A_17 : memref<8x128xi32, #tpu.memory_space<hbm>>) target(%dma_start3A_13 : memref<8x128xi32, #tpu.memory_space<vmem>>) target_semaphore(%arg26 : memref<!tpu.dma_semaphore, #tpu.memory_space<semaphore_mem>>)
    %dma_start3A_18 = arith.constant 1 : i32
    %dma_start3A_19 = arith.constant 1 : i32
    %dma_start3A_20 = arith.constant 0 : i32
    %dma_start3A_21 = arith.constant 0 : i32
    %dma_start3A_22 = tpu.memref_slice %arg7[%dma_start3A_19, %dma_start3A_20, %dma_start3A_21] : memref<25x8x128xi32, #tpu.memory_space<vmem>> -> memref<1x8x128xi32, #tpu.memory_space<vmem>>
    %dma_start3A_23 = tpu.memref_squeeze %dma_start3A_22 : memref<1x8x128xi32, #tpu.memory_space<vmem>> -> memref<8x128xi32, #tpu.memory_space<vmem>>
    %dma_start3A_24 = arith.constant 0 : i32
    %dma_start3A_25 = arith.constant 0 : i32
    %dma_start3A_26 = tpu.memref_slice %arg2[%dma_start3A_18, %add3A, %dma_start3A_24, %dma_start3A_25] : memref<25x32x8x128xi32, #tpu.memory_space<hbm>> -> memref<1x1x8x128xi32, #tpu.memory_space<hbm>>
    %dma_start3A_27 = tpu.memref_squeeze %dma_start3A_26 : memref<1x1x8x128xi32, #tpu.memory_space<hbm>> -> memref<8x128xi32, #tpu.memory_space<hbm>>
    %dma_start3A_28 = arith.constant 0 : i32
    %dma_start3A_29 = arith.constant 0 : i32
    %dma_start3A_30 = tpu.memref_slice %arg7[%dma_start3A_19, %dma_start3A_28, %dma_start3A_29] : memref<25x8x128xi32, #tpu.memory_space<vmem>> -> memref<1x8x128xi32, #tpu.memory_space<vmem>>
    %dma_start3A_31 = tpu.memref_squeeze %dma_start3A_30 : memref<1x8x128xi32, #tpu.memory_space<vmem>> -> memref<8x128xi32, #tpu.memory_space<vmem>>
    %dma_start3A_32 = arith.constant 0 : i32
    %dma_start3A_33 = arith.constant 0 : i32
    %dma_start3A_34 = tpu.memref_slice %arg2[%dma_start3A_18, %add3A, %dma_start3A_32, %dma_start3A_33] : memref<25x32x8x128xi32, #tpu.memory_space<hbm>> -> memref<1x1x8x128xi32, #tpu.memory_space<hbm>>
    %dma_start3A_35 = tpu.memref_squeeze %dma_start3A_34 : memref<1x1x8x128xi32, #tpu.memory_space<hbm>> -> memref<8x128xi32, #tpu.memory_space<hbm>>
    tpu.enqueue_dma source(%dma_start3A_35 : memref<8x128xi32, #tpu.memory_space<hbm>>) target(%dma_start3A_31 : memref<8x128xi32, #tpu.memory_space<vmem>>) target_semaphore(%arg26 : memref<!tpu.dma_semaphore, #tpu.memory_space<semaphore_mem>>)
    %dma_start3A_36 = arith.constant 2 : i32
    %dma_start3A_37 = arith.constant 2 : i32
    %dma_start3A_38 = arith.constant 0 : i32
    %dma_start3A_39 = arith.constant 0 : i32
    %dma_start3A_40 = tpu.memref_slice %arg7[%dma_start3A_37, %dma_start3A_38, %dma_start3A_39] : memref<25x8x128xi32, #tpu.memory_space<vmem>> -> memref<1x8x128xi32, #tpu.memory_space<vmem>>
    %dma_start3A_41 = tpu.memref_squeeze %dma_start3A_40 : memref<1x8x128xi32, #tpu.memory_space<vmem>> -> memref<8x128xi32, #tpu.memory_space<vmem>>
    %dma_start3A_42 = arith.constant 0 : i32
    %dma_start3A_43 = arith.constant 0 : i32
    %dma_start3A_44 = tpu.memref_slice %arg2[%dma_start3A_36, %add3A, %dma_start3A_42, %dma_start3A_43] : memref<25x32x8x128xi32, #tpu.memory_space<hbm>> -> memref<1x1x8x128xi32, #tpu.memory_space<hbm>>
    %dma_start3A_45 = tpu.memref_squeeze %dma_start3A_44 : memref<1x1x8x128xi32, #tpu.memory_space<hbm>> -> memref<8x128xi32, #tpu.memory_space<hbm>>
    %dma_start3A_46 = arith.constant 0 : i32
    %dma_start3A_47 = arith.constant 0 : i32
    %dma_start3A_48 = tpu.memref_slice %arg7[%dma_start3A_37, %dma_start3A_46, %dma_start3A_47] : memref<25x8x128xi32, #tpu.memory_space<vmem>> -> memref<1x8x128xi32, #tpu.memory_space<vmem>>
    %dma_start3A_49 = tpu.memref_squeeze %dma_start3A_48 : memref<1x8x128xi32, #tpu.memory_space<vmem>> -> memref<8x128xi32, #tpu.memory_space<vmem>>
    %dma_start3A_50 = arith.constant 0 : i32
    %dma_start3A_51 = arith.constant 0 : i32
    %dma_start3A_52 = tpu.memref_slice %arg2[%dma_start3A_36, %add3A, %dma_start3A_50, %dma_start3A_51] : memref<25x32x8x128xi32, #tpu.memory_space<hbm>> -> memref<1x1x8x128xi32, #tpu.memory_space<hbm>>
    %dma_start3A_53 = tpu.memref_squeeze %dma_start3A_52 : memref<1x1x8x128xi32, #tpu.memory_space<hbm>> -> memref<8x128xi32, #tpu.memory_space<hbm>>
    tpu.enqueue_dma source(%dma_start3A_53 : memref<8x128xi32, #tpu.memory_space<hbm>>) target(%dma_start3A_49 : memref<8x128xi32, #tpu.memory_space<vmem>>) target_semaphore(%arg26 : memref<!tpu.dma_semaphore, #tpu.memory_space<semaphore_mem>>)
    %dma_start3A_54 = arith.constant 3 : i32
    %dma_start3A_55 = arith.constant 3 : i32
    %dma_start3A_56 = arith.constant 0 : i32
    %dma_start3A_57 = arith.constant 0 : i32
    %dma_start3A_58 = tpu.memref_slice %arg7[%dma_start3A_55, %dma_start3A_56, %dma_start3A_57] : memref<25x8x128xi32, #tpu.memory_space<vmem>> -> memref<1x8x128xi32, #tpu.memory_space<vmem>>
    %dma_start3A_59 = tpu.memref_squeeze %dma_start3A_58 : memref<1x8x128xi32, #tpu.memory_space<vmem>> -> memref<8x128xi32, #tpu.memory_space<vmem>>
    %dma_start3A_60 = arith.constant 0 : i32
    %dma_start3A_61 = arith.constant 0 : i32
    %dma_start3A_62 = tpu.memref_slice %arg2[%dma_start3A_54, %add3A, %dma_start3A_60, %dma_start3A_61] : memref<25x32x8x128xi32, #tpu.memory_space<hbm>> -> memref<1x1x8x128xi32, #tpu.memory_space<hbm>>
    %dma_start3A_63 = tpu.memref_squeeze %dma_start3A_62 : memref<1x1x8x128xi32, #tpu.memory_space<hbm>> -> memref<8x128xi32, #tpu.memory_space<hbm>>
    %dma_start3A_64 = arith.constant 0 : i32
    %dma_start3A_65 = arith.constant 0 : i32
    %dma_start3A_66 = tpu.memref_slice %arg7[%dma_start3A_55, %dma_start3A_64, %dma_start3A_65] : memref<25x8x128xi32, #tpu.memory_space<vmem>> -> memref<1x8x128xi32, #tpu.memory_space<vmem>>
    %dma_start3A_67 = tpu.memref_squeeze %dma_start3A_66 : memref<1x8x128xi32, #tpu.memory_space<vmem>> -> memref<8x128xi32, #tpu.memory_space<vmem>>
    %dma_start3A_68 = arith.constant 0 : i32
    %dma_start3A_69 = arith.constant 0 : i32
    %dma_start3A_70 = tpu.memref_slice %arg2[%dma_start3A_54, %add3A, %dma_start3A_68, %dma_start3A_69] : memref<25x32x8x128xi32, #tpu.memory_space<hbm>> -> memref<1x1x8x128xi32, #tpu.memory_space<hbm>>
    %dma_start3A_71 = tpu.memref_squeeze %dma_start3A_70 : memref<1x1x8x128xi32, #tpu.memory_space<hbm>> -> memref<8x128xi32, #tpu.memory_space<hbm>>
    tpu.enqueue_dma source(%dma_start3A_71 : memref<8x128xi32, #tpu.memory_space<hbm>>) target(%dma_start3A_67 : memref<8x128xi32, #tpu.memory_space<vmem>>) target_semaphore(%arg26 : memref<!tpu.dma_semaphore, #tpu.memory_space<semaphore_mem>>)
    %dma_start3A_72 = arith.constant 4 : i32
    %dma_start3A_73 = arith.constant 4 : i32
    %dma_start3A_74 = arith.constant 0 : i32
    %dma_start3A_75 = arith.constant 0 : i32
    %dma_start3A_76 = tpu.memref_slice %arg7[%dma_start3A_73, %dma_start3A_74, %dma_start3A_75] : memref<25x8x128xi32, #tpu.memory_space<vmem>> -> memref<1x8x128xi32, #tpu.memory_space<vmem>>
    %dma_start3A_77 = tpu.memref_squeeze %dma_start3A_76 : memref<1x8x128xi32, #tpu.memory_space<vmem>> -> memref<8x128xi32, #tpu.memory_space<vmem>>
    %dma_start3A_78 = arith.constant 0 : i32
    %dma_start3A_79 = arith.constant 0 : i32
    %dma_start3A_80 = tpu.memref_slice %arg2[%dma_start3A_72, %add3A, %dma_start3A_78, %dma_start3A_79] : memref<25x32x8x128xi32, #tpu.memory_space<hbm>> -> memref<1x1x8x128xi32, #tpu.memory_space<hbm>>
    %dma_start3A_81 = tpu.memref_squeeze %dma_start3A_80 : memref<1x1x8x128xi32, #tpu.memory_space<hbm>> -> memref<8x128xi32, #tpu.memory_space<hbm>>
    %dma_start3A_82 = arith.constant 0 : i32
    %dma_start3A_83 = arith.constant 0 : i32
    %dma_start3A_84 = tpu.memref_slice %arg7[%dma_start3A_73, %dma_start3A_82, %dma_start3A_83] : memref<25x8x128xi32, #tpu.memory_space<vmem>> -> memref<1x8x128xi32, #tpu.memory_space<vmem>>
    %dma_start3A_85 = tpu.memref_squeeze %dma_start3A_84 : memref<1x8x128xi32, #tpu.memory_space<vmem>> -> memref<8x128xi32, #tpu.memory_space<vmem>>
    %dma_start3A_86 = arith.constant 0 : i32
    %dma_start3A_87 = arith.constant 0 : i32
    %dma_start3A_88 = tpu.memref_slice %arg2[%dma_start3A_72, %add3A, %dma_start3A_86, %dma_start3A_87] : memref<25x32x8x128xi32, #tpu.memory_space<hbm>> -> memref<1x1x8x128xi32, #tpu.memory_space<hbm>>
    %dma_start3A_89 = tpu.memref_squeeze %dma_start3A_88 : memref<1x1x8x128xi32, #tpu.memory_space<hbm>> -> memref<8x128xi32, #tpu.memory_space<hbm>>
    tpu.enqueue_dma source(%dma_start3A_89 : memref<8x128xi32, #tpu.memory_space<hbm>>) target(%dma_start3A_85 : memref<8x128xi32, #tpu.memory_space<vmem>>) target_semaphore(%arg26 : memref<!tpu.dma_semaphore, #tpu.memory_space<semaphore_mem>>)
    %dma_start3A_90 = arith.constant 5 : i32
    %dma_start3A_91 = arith.constant 5 : i32
    %dma_start3A_92 = arith.constant 0 : i32
    %dma_start3A_93 = arith.constant 0 : i32
    %dma_start3A_94 = tpu.memref_slice %arg7[%dma_start3A_91, %dma_start3A_92, %dma_start3A_93] : memref<25x8x128xi32, #tpu.memory_space<vmem>> -> memref<1x8x128xi32, #tpu.memory_space<vmem>>
    %dma_start3A_95 = tpu.memref_squeeze %dma_start3A_94 : memref<1x8x128xi32, #tpu.memory_space<vmem>> -> memref<8x128xi32, #tpu.memory_space<vmem>>
    %dma_start3A_96 = arith.constant 0 : i32
    %dma_start3A_97 = arith.constant 0 : i32
    %dma_start3A_98 = tpu.memref_slice %arg2[%dma_start3A_90, %add3A, %dma_start3A_96, %dma_start3A_97] : memref<25x32x8x128xi32, #tpu.memory_space<hbm>> -> memref<1x1x8x128xi32, #tpu.memory_space<hbm>>
    %dma_start3A_99 = tpu.memref_squeeze %dma_start3A_98 : memref<1x1x8x128xi32, #tpu.memory_space<hbm>> -> memref<8x128xi32, #tpu.memory_space<hbm>>
    %dma_start3A_100 = arith.constant 0 : i32
    %dma_start3A_101 = arith.constant 0 : i32
    %dma_start3A_102 = tpu.memref_slice %arg7[%dma_start3A_91, %dma_start3A_100, %dma_start3A_101] : memref<25x8x128xi32, #tpu.memory_space<vmem>> -> memref<1x8x128xi32, #tpu.memory_space<vmem>>
    %dma_start3A_103 = tpu.memref_squeeze %dma_start3A_102 : memref<1x8x128xi32, #tpu.memory_space<vmem>> -> memref<8x128xi32, #tpu.memory_space<vmem>>
    %dma_start3A_104 = arith.constant 0 : i32
    %dma_start3A_105 = arith.constant 0 : i32
    %dma_start3A_106 = tpu.memref_slice %arg2[%dma_start3A_90, %add3A, %dma_start3A_104, %dma_start3A_105] : memref<25x32x8x128xi32, #tpu.memory_space<hbm>> -> memref<1x1x8x128xi32, #tpu.memory_space<hbm>>
    %dma_start3A_107 = tpu.memref_squeeze %dma_start3A_106 : memref<1x1x8x128xi32, #tpu.memory_space<hbm>> -> memref<8x128xi32, #tpu.memory_space<hbm>>
    tpu.enqueue_dma source(%dma_start3A_107 : memref<8x128xi32, #tpu.memory_space<hbm>>) target(%dma_start3A_103 : memref<8x128xi32, #tpu.memory_space<vmem>>) target_semaphore(%arg26 : memref<!tpu.dma_semaphore, #tpu.memory_space<semaphore_mem>>)
    %dma_start3A_108 = arith.constant 6 : i32
    %dma_start3A_109 = arith.constant 6 : i32
    %dma_start3A_110 = arith.constant 0 : i32
    %dma_start3A_111 = arith.constant 0 : i32
    %dma_start3A_112 = tpu.memref_slice %arg7[%dma_start3A_109, %dma_start3A_110, %dma_start3A_111] : memref<25x8x128xi32, #tpu.memory_space<vmem>> -> memref<1x8x128xi32, #tpu.memory_space<vmem>>
    %dma_start3A_113 = tpu.memref_squeeze %dma_start3A_112 : memref<1x8x128xi32, #tpu.memory_space<vmem>> -> memref<8x128xi32, #tpu.memory_space<vmem>>
    %dma_start3A_114 = arith.constant 0 : i32
    %dma_start3A_115 = arith.constant 0 : i32
    %dma_start3A_116 = tpu.memref_slice %arg2[%dma_start3A_108, %add3A, %dma_start3A_114, %dma_start3A_115] : memref<25x32x8x128xi32, #tpu.memory_space<hbm>> -> memref<1x1x8x128xi32, #tpu.memory_space<hbm>>
    %dma_start3A_117 = tpu.memref_squeeze %dma_start3A_116 : memref<1x1x8x128xi32, #tpu.memory_space<hbm>> -> memref<8x128xi32, #tpu.memory_space<hbm>>
    %dma_start3A_118 = arith.constant 0 : i32
    %dma_start3A_119 = arith.constant 0 : i32
    %dma_start3A_120 = tpu.memref_slice %arg7[%dma_start3A_109, %dma_start3A_118, %dma_start3A_119] : memref<25x8x128xi32, #tpu.memory_space<vmem>> -> memref<1x8x128xi32, #tpu.memory_space<vmem>>
    %dma_start3A_121 = tpu.memref_squeeze %dma_start3A_120 : memref<1x8x128xi32, #tpu.memory_space<vmem>> -> memref<8x128xi32, #tpu.memory_space<vmem>>
    %dma_start3A_122 = arith.constant 0 : i32
    %dma_start3A_123 = arith.constant 0 : i32
    %dma_start3A_124 = tpu.memref_slice %arg2[%dma_start3A_108, %add3A, %dma_start3A_122, %dma_start3A_123] : memref<25x32x8x128xi32, #tpu.memory_space<hbm>> -> memref<1x1x8x128xi32, #tpu.memory_space<hbm>>
    %dma_start3A_125 = tpu.memref_squeeze %dma_start3A_124 : memref<1x1x8x128xi32, #tpu.memory_space<hbm>> -> memref<8x128xi32, #tpu.memory_space<hbm>>
    tpu.enqueue_dma source(%dma_start3A_125 : memref<8x128xi32, #tpu.memory_space<hbm>>) target(%dma_start3A_121 : memref<8x128xi32, #tpu.memory_space<vmem>>) target_semaphore(%arg26 : memref<!tpu.dma_semaphore, #tpu.memory_space<semaphore_mem>>)
    %dma_start3A_126 = arith.constant 7 : i32
    %dma_start3A_127 = arith.constant 7 : i32
    %dma_start3A_128 = arith.constant 0 : i32
    %dma_start3A_129 = arith.constant 0 : i32
    %dma_start3A_130 = tpu.memref_slice %arg7[%dma_start3A_127, %dma_start3A_128, %dma_start3A_129] : memref<25x8x128xi32, #tpu.memory_space<vmem>> -> memref<1x8x128xi32, #tpu.memory_space<vmem>>
    %dma_start3A_131 = tpu.memref_squeeze %dma_start3A_130 : memref<1x8x128xi32, #tpu.memory_space<vmem>> -> memref<8x128xi32, #tpu.memory_space<vmem>>
    %dma_start3A_132 = arith.constant 0 : i32
    %dma_start3A_133 = arith.constant 0 : i32
    %dma_start3A_134 = tpu.memref_slice %arg2[%dma_start3A_126, %add3A, %dma_start3A_132, %dma_start3A_133] : memref<25x32x8x128xi32, #tpu.memory_space<hbm>> -> memref<1x1x8x128xi32, #tpu.memory_space<hbm>>
    %dma_start3A_135 = tpu.memref_squeeze %dma_start3A_134 : memref<1x1x8x128xi32, #tpu.memory_space<hbm>> -> memref<8x128xi32, #tpu.memory_space<hbm>>
    %dma_start3A_136 = arith.constant 0 : i32
    %dma_start3A_137 = arith.constant 0 : i32
    %dma_start3A_138 = tpu.memref_slice %arg7[%dma_start3A_127, %dma_start3A_136, %dma_start3A_137] : memref<25x8x128xi32, #tpu.memory_space<vmem>> -> memref<1x8x128xi32, #tpu.memory_space<vmem>>
    %dma_start3A_139 = tpu.memref_squeeze %dma_start3A_138 : memref<1x8x128xi32, #tpu.memory_space<vmem>> -> memref<8x128xi32, #tpu.memory_space<vmem>>
    %dma_start3A_140 = arith.constant 0 : i32
    %dma_start3A_141 = arith.constant 0 : i32
    %dma_start3A_142 = tpu.memref_slice %arg2[%dma_start3A_126, %add3A, %dma_start3A_140, %dma_start3A_141] : memref<25x32x8x128xi32, #tpu.memory_space<hbm>> -> memref<1x1x8x128xi32, #tpu.memory_space<hbm>>
    %dma_start3A_143 = tpu.memref_squeeze %dma_start3A_142 : memref<1x1x8x128xi32, #tpu.memory_space<hbm>> -> memref<8x128xi32, #tpu.memory_space<hbm>>
    tpu.enqueue_dma source(%dma_start3A_143 : memref<8x128xi32, #tpu.memory_space<hbm>>) target(%dma_start3A_139 : memref<8x128xi32, #tpu.memory_space<vmem>>) target_semaphore(%arg26 : memref<!tpu.dma_semaphore, #tpu.memory_space<semaphore_mem>>)
    %dma_start3A_144 = arith.constant 8 : i32
    %dma_start3A_145 = arith.constant 8 : i32
    %dma_start3A_146 = arith.constant 0 : i32
    %dma_start3A_147 = arith.constant 0 : i32
    %dma_start3A_148 = tpu.memref_slice %arg7[%dma_start3A_145, %dma_start3A_146, %dma_start3A_147] : memref<25x8x128xi32, #tpu.memory_space<vmem>> -> memref<1x8x128xi32, #tpu.memory_space<vmem>>
    %dma_start3A_149 = tpu.memref_squeeze %dma_start3A_148 : memref<1x8x128xi32, #tpu.memory_space<vmem>> -> memref<8x128xi32, #tpu.memory_space<vmem>>
    %dma_start3A_150 = arith.constant 0 : i32
    %dma_start3A_151 = arith.constant 0 : i32
    %dma_start3A_152 = tpu.memref_slice %arg2[%dma_start3A_144, %add3A, %dma_start3A_150, %dma_start3A_151] : memref<25x32x8x128xi32, #tpu.memory_space<hbm>> -> memref<1x1x8x128xi32, #tpu.memory_space<hbm>>
    %dma_start3A_153 = tpu.memref_squeeze %dma_start3A_152 : memref<1x1x8x128xi32, #tpu.memory_space<hbm>> -> memref<8x128xi32, #tpu.memory_space<hbm>>
    %dma_start3A_154 = arith.constant 0 : i32
    %dma_start3A_155 = arith.constant 0 : i32
    %dma_start3A_156 = tpu.memref_slice %arg7[%dma_start3A_145, %dma_start3A_154, %dma_start3A_155] : memref<25x8x128xi32, #tpu.memory_space<vmem>> -> memref<1x8x128xi32, #tpu.memory_space<vmem>>
    %dma_start3A_157 = tpu.memref_squeeze %dma_start3A_156 : memref<1x8x128xi32, #tpu.memory_space<vmem>> -> memref<8x128xi32, #tpu.memory_space<vmem>>
    %dma_start3A_158 = arith.constant 0 : i32
    %dma_start3A_159 = arith.constant 0 : i32
    %dma_start3A_160 = tpu.memref_slice %arg2[%dma_start3A_144, %add3A, %dma_start3A_158, %dma_start3A_159] : memref<25x32x8x128xi32, #tpu.memory_space<hbm>> -> memref<1x1x8x128xi32, #tpu.memory_space<hbm>>
    %dma_start3A_161 = tpu.memref_squeeze %dma_start3A_160 : memref<1x1x8x128xi32, #tpu.memory_space<hbm>> -> memref<8x128xi32, #tpu.memory_space<hbm>>
    tpu.enqueue_dma source(%dma_start3A_161 : memref<8x128xi32, #tpu.memory_space<hbm>>) target(%dma_start3A_157 : memref<8x128xi32, #tpu.memory_space<vmem>>) target_semaphore(%arg26 : memref<!tpu.dma_semaphore, #tpu.memory_space<semaphore_mem>>)
    %dma_start3A_162 = arith.constant 9 : i32
    %dma_start3A_163 = arith.constant 9 : i32
    %dma_start3A_164 = arith.constant 0 : i32
    %dma_start3A_165 = arith.constant 0 : i32
    %dma_start3A_166 = tpu.memref_slice %arg7[%dma_start3A_163, %dma_start3A_164, %dma_start3A_165] : memref<25x8x128xi32, #tpu.memory_space<vmem>> -> memref<1x8x128xi32, #tpu.memory_space<vmem>>
    %dma_start3A_167 = tpu.memref_squeeze %dma_start3A_166 : memref<1x8x128xi32, #tpu.memory_space<vmem>> -> memref<8x128xi32, #tpu.memory_space<vmem>>
    %dma_start3A_168 = arith.constant 0 : i32
    %dma_start3A_169 = arith.constant 0 : i32
    %dma_start3A_170 = tpu.memref_slice %arg2[%dma_start3A_162, %add3A, %dma_start3A_168, %dma_start3A_169] : memref<25x32x8x128xi32, #tpu.memory_space<hbm>> -> memref<1x1x8x128xi32, #tpu.memory_space<hbm>>
    %dma_start3A_171 = tpu.memref_squeeze %dma_start3A_170 : memref<1x1x8x128xi32, #tpu.memory_space<hbm>> -> memref<8x128xi32, #tpu.memory_space<hbm>>
    %dma_start3A_172 = arith.constant 0 : i32
    %dma_start3A_173 = arith.constant 0 : i32
    %dma_start3A_174 = tpu.memref_slice %arg7[%dma_start3A_163, %dma_start3A_172, %dma_start3A_173] : memref<25x8x128xi32, #tpu.memory_space<vmem>> -> memref<1x8x128xi32, #tpu.memory_space<vmem>>
    %dma_start3A_175 = tpu.memref_squeeze %dma_start3A_174 : memref<1x8x128xi32, #tpu.memory_space<vmem>> -> memref<8x128xi32, #tpu.memory_space<vmem>>
    %dma_start3A_176 = arith.constant 0 : i32
    %dma_start3A_177 = arith.constant 0 : i32
    %dma_start3A_178 = tpu.memref_slice %arg2[%dma_start3A_162, %add3A, %dma_start3A_176, %dma_start3A_177] : memref<25x32x8x128xi32, #tpu.memory_space<hbm>> -> memref<1x1x8x128xi32, #tpu.memory_space<hbm>>
    %dma_start3A_179 = tpu.memref_squeeze %dma_start3A_178 : memref<1x1x8x128xi32, #tpu.memory_space<hbm>> -> memref<8x128xi32, #tpu.memory_space<hbm>>
    tpu.enqueue_dma source(%dma_start3A_179 : memref<8x128xi32, #tpu.memory_space<hbm>>) target(%dma_start3A_175 : memref<8x128xi32, #tpu.memory_space<vmem>>) target_semaphore(%arg26 : memref<!tpu.dma_semaphore, #tpu.memory_space<semaphore_mem>>)
    %dma_start3A_180 = arith.constant 10 : i32
    %dma_start3A_181 = arith.constant 10 : i32
    %dma_start3A_182 = arith.constant 0 : i32
    %dma_start3A_183 = arith.constant 0 : i32
    %dma_start3A_184 = tpu.memref_slice %arg7[%dma_start3A_181, %dma_start3A_182, %dma_start3A_183] : memref<25x8x128xi32, #tpu.memory_space<vmem>> -> memref<1x8x128xi32, #tpu.memory_space<vmem>>
    %dma_start3A_185 = tpu.memref_squeeze %dma_start3A_184 : memref<1x8x128xi32, #tpu.memory_space<vmem>> -> memref<8x128xi32, #tpu.memory_space<vmem>>
    %dma_start3A_186 = arith.constant 0 : i32
    %dma_start3A_187 = arith.constant 0 : i32
    %dma_start3A_188 = tpu.memref_slice %arg2[%dma_start3A_180, %add3A, %dma_start3A_186, %dma_start3A_187] : memref<25x32x8x128xi32, #tpu.memory_space<hbm>> -> memref<1x1x8x128xi32, #tpu.memory_space<hbm>>
    %dma_start3A_189 = tpu.memref_squeeze %dma_start3A_188 : memref<1x1x8x128xi32, #tpu.memory_space<hbm>> -> memref<8x128xi32, #tpu.memory_space<hbm>>
    %dma_start3A_190 = arith.constant 0 : i32
    %dma_start3A_191 = arith.constant 0 : i32
    %dma_start3A_192 = tpu.memref_slice %arg7[%dma_start3A_181, %dma_start3A_190, %dma_start3A_191] : memref<25x8x128xi32, #tpu.memory_space<vmem>> -> memref<1x8x128xi32, #tpu.memory_space<vmem>>
    %dma_start3A_193 = tpu.memref_squeeze %dma_start3A_192 : memref<1x8x128xi32, #tpu.memory_space<vmem>> -> memref<8x128xi32, #tpu.memory_space<vmem>>
    %dma_start3A_194 = arith.constant 0 : i32
    %dma_start3A_195 = arith.constant 0 : i32
    %dma_start3A_196 = tpu.memref_slice %arg2[%dma_start3A_180, %add3A, %dma_start3A_194, %dma_start3A_195] : memref<25x32x8x128xi32, #tpu.memory_space<hbm>> -> memref<1x1x8x128xi32, #tpu.memory_space<hbm>>
    %dma_start3A_197 = tpu.memref_squeeze %dma_start3A_196 : memref<1x1x8x128xi32, #tpu.memory_space<hbm>> -> memref<8x128xi32, #tpu.memory_space<hbm>>
    tpu.enqueue_dma source(%dma_start3A_197 : memref<8x128xi32, #tpu.memory_space<hbm>>) target(%dma_start3A_193 : memref<8x128xi32, #tpu.memory_space<vmem>>) target_semaphore(%arg26 : memref<!tpu.dma_semaphore, #tpu.memory_space<semaphore_mem>>)
    %dma_start3A_198 = arith.constant 11 : i32
    %dma_start3A_199 = arith.constant 11 : i32
    %dma_start3A_200 = arith.constant 0 : i32
    %dma_start3A_201 = arith.constant 0 : i32
    %dma_start3A_202 = tpu.memref_slice %arg7[%dma_start3A_199, %dma_start3A_200, %dma_start3A_201] : memref<25x8x128xi32, #tpu.memory_space<vmem>> -> memref<1x8x128xi32, #tpu.memory_space<vmem>>
    %dma_start3A_203 = tpu.memref_squeeze %dma_start3A_202 : memref<1x8x128xi32, #tpu.memory_space<vmem>> -> memref<8x128xi32, #tpu.memory_space<vmem>>
    %dma_start3A_204 = arith.constant 0 : i32
    %dma_start3A_205 = arith.constant 0 : i32
    %dma_start3A_206 = tpu.memref_slice %arg2[%dma_start3A_198, %add3A, %dma_start3A_204, %dma_start3A_205] : memref<25x32x8x128xi32, #tpu.memory_space<hbm>> -> memref<1x1x8x128xi32, #tpu.memory_space<hbm>>
    %dma_start3A_207 = tpu.memref_squeeze %dma_start3A_206 : memref<1x1x8x128xi32, #tpu.memory_space<hbm>> -> memref<8x128xi32, #tpu.memory_space<hbm>>
    %dma_start3A_208 = arith.constant 0 : i32
    %dma_start3A_209 = arith.constant 0 : i32
    %dma_start3A_210 = tpu.memref_slice %arg7[%dma_start3A_199, %dma_start3A_208, %dma_start3A_209] : memref<25x8x128xi32, #tpu.memory_space<vmem>> -> memref<1x8x128xi32, #tpu.memory_space<vmem>>
    %dma_start3A_211 = tpu.memref_squeeze %dma_start3A_210 : memref<1x8x128xi32, #tpu.memory_space<vmem>> -> memref<8x128xi32, #tpu.memory_space<vmem>>
    %dma_start3A_212 = arith.constant 0 : i32
    %dma_start3A_213 = arith.constant 0 : i32
    %dma_start3A_214 = tpu.memref_slice %arg2[%dma_start3A_198, %add3A, %dma_start3A_212, %dma_start3A_213] : memref<25x32x8x128xi32, #tpu.memory_space<hbm>> -> memref<1x1x8x128xi32, #tpu.memory_space<hbm>>
    %dma_start3A_215 = tpu.memref_squeeze %dma_start3A_214 : memref<1x1x8x128xi32, #tpu.memory_space<hbm>> -> memref<8x128xi32, #tpu.memory_space<hbm>>
    tpu.enqueue_dma source(%dma_start3A_215 : memref<8x128xi32, #tpu.memory_space<hbm>>) target(%dma_start3A_211 : memref<8x128xi32, #tpu.memory_space<vmem>>) target_semaphore(%arg26 : memref<!tpu.dma_semaphore, #tpu.memory_space<semaphore_mem>>)
    %dma_start3A_216 = arith.constant 12 : i32
    %dma_start3A_217 = arith.constant 12 : i32
    %dma_start3A_218 = arith.constant 0 : i32
    %dma_start3A_219 = arith.constant 0 : i32
    %dma_start3A_220 = tpu.memref_slice %arg7[%dma_start3A_217, %dma_start3A_218, %dma_start3A_219] : memref<25x8x128xi32, #tpu.memory_space<vmem>> -> memref<1x8x128xi32, #tpu.memory_space<vmem>>
    %dma_start3A_221 = tpu.memref_squeeze %dma_start3A_220 : memref<1x8x128xi32, #tpu.memory_space<vmem>> -> memref<8x128xi32, #tpu.memory_space<vmem>>
    %dma_start3A_222 = arith.constant 0 : i32
    %dma_start3A_223 = arith.constant 0 : i32
    %dma_start3A_224 = tpu.memref_slice %arg2[%dma_start3A_216, %add3A, %dma_start3A_222, %dma_start3A_223] : memref<25x32x8x128xi32, #tpu.memory_space<hbm>> -> memref<1x1x8x128xi32, #tpu.memory_space<hbm>>
    %dma_start3A_225 = tpu.memref_squeeze %dma_start3A_224 : memref<1x1x8x128xi32, #tpu.memory_space<hbm>> -> memref<8x128xi32, #tpu.memory_space<hbm>>
    %dma_start3A_226 = arith.constant 0 : i32
    %dma_start3A_227 = arith.constant 0 : i32
    %dma_start3A_228 = tpu.memref_slice %arg7[%dma_start3A_217, %dma_start3A_226, %dma_start3A_227] : memref<25x8x128xi32, #tpu.memory_space<vmem>> -> memref<1x8x128xi32, #tpu.memory_space<vmem>>
    %dma_start3A_229 = tpu.memref_squeeze %dma_start3A_228 : memref<1x8x128xi32, #tpu.memory_space<vmem>> -> memref<8x128xi32, #tpu.memory_space<vmem>>
    %dma_start3A_230 = arith.constant 0 : i32
    %dma_start3A_231 = arith.constant 0 : i32
    %dma_start3A_232 = tpu.memref_slice %arg2[%dma_start3A_216, %add3A, %dma_start3A_230, %dma_start3A_231] : memref<25x32x8x128xi32, #tpu.memory_space<hbm>> -> memref<1x1x8x128xi32, #tpu.memory_space<hbm>>
    %dma_start3A_233 = tpu.memref_squeeze %dma_start3A_232 : memref<1x1x8x128xi32, #tpu.memory_space<hbm>> -> memref<8x128xi32, #tpu.memory_space<hbm>>
    tpu.enqueue_dma source(%dma_start3A_233 : memref<8x128xi32, #tpu.memory_space<hbm>>) target(%dma_start3A_229 : memref<8x128xi32, #tpu.memory_space<vmem>>) target_semaphore(%arg26 : memref<!tpu.dma_semaphore, #tpu.memory_space<semaphore_mem>>)
    %dma_start3A_234 = arith.constant 13 : i32
    %dma_start3A_235 = arith.constant 13 : i32
    %dma_start3A_236 = arith.constant 0 : i32
    %dma_start3A_237 = arith.constant 0 : i32
    %dma_start3A_238 = tpu.memref_slice %arg7[%dma_start3A_235, %dma_start3A_236, %dma_start3A_237] : memref<25x8x128xi32, #tpu.memory_space<vmem>> -> memref<1x8x128xi32, #tpu.memory_space<vmem>>
    %dma_start3A_239 = tpu.memref_squeeze %dma_start3A_238 : memref<1x8x128xi32, #tpu.memory_space<vmem>> -> memref<8x128xi32, #tpu.memory_space<vmem>>
    %dma_start3A_240 = arith.constant 0 : i32
    %dma_start3A_241 = arith.constant 0 : i32
    %dma_start3A_242 = tpu.memref_slice %arg2[%dma_start3A_234, %add3A, %dma_start3A_240, %dma_start3A_241] : memref<25x32x8x128xi32, #tpu.memory_space<hbm>> -> memref<1x1x8x128xi32, #tpu.memory_space<hbm>>
    %dma_start3A_243 = tpu.memref_squeeze %dma_start3A_242 : memref<1x1x8x128xi32, #tpu.memory_space<hbm>> -> memref<8x128xi32, #tpu.memory_space<hbm>>
    %dma_start3A_244 = arith.constant 0 : i32
    %dma_start3A_245 = arith.constant 0 : i32
    %dma_start3A_246 = tpu.memref_slice %arg7[%dma_start3A_235, %dma_start3A_244, %dma_start3A_245] : memref<25x8x128xi32, #tpu.memory_space<vmem>> -> memref<1x8x128xi32, #tpu.memory_space<vmem>>
    %dma_start3A_247 = tpu.memref_squeeze %dma_start3A_246 : memref<1x8x128xi32, #tpu.memory_space<vmem>> -> memref<8x128xi32, #tpu.memory_space<vmem>>
    %dma_start3A_248 = arith.constant 0 : i32
    %dma_start3A_249 = arith.constant 0 : i32
    %dma_start3A_250 = tpu.memref_slice %arg2[%dma_start3A_234, %add3A, %dma_start3A_248, %dma_start3A_249] : memref<25x32x8x128xi32, #tpu.memory_space<hbm>> -> memref<1x1x8x128xi32, #tpu.memory_space<hbm>>
    %dma_start3A_251 = tpu.memref_squeeze %dma_start3A_250 : memref<1x1x8x128xi32, #tpu.memory_space<hbm>> -> memref<8x128xi32, #tpu.memory_space<hbm>>
    tpu.enqueue_dma source(%dma_start3A_251 : memref<8x128xi32, #tpu.memory_space<hbm>>) target(%dma_start3A_247 : memref<8x128xi32, #tpu.memory_space<vmem>>) target_semaphore(%arg26 : memref<!tpu.dma_semaphore, #tpu.memory_space<semaphore_mem>>)
    %dma_start3A_252 = arith.constant 14 : i32
    %dma_start3A_253 = arith.constant 14 : i32
    %dma_start3A_254 = arith.constant 0 : i32
    %dma_start3A_255 = arith.constant 0 : i32
    %dma_start3A_256 = tpu.memref_slice %arg7[%dma_start3A_253, %dma_start3A_254, %dma_start3A_255] : memref<25x8x128xi32, #tpu.memory_space<vmem>> -> memref<1x8x128xi32, #tpu.memory_space<vmem>>
    %dma_start3A_257 = tpu.memref_squeeze %dma_start3A_256 : memref<1x8x128xi32, #tpu.memory_space<vmem>> -> memref<8x128xi32, #tpu.memory_space<vmem>>
    %dma_start3A_258 = arith.constant 0 : i32
    %dma_start3A_259 = arith.constant 0 : i32
    %dma_start3A_260 = tpu.memref_slice %arg2[%dma_start3A_252, %add3A, %dma_start3A_258, %dma_start3A_259] : memref<25x32x8x128xi32, #tpu.memory_space<hbm>> -> memref<1x1x8x128xi32, #tpu.memory_space<hbm>>
    %dma_start3A_261 = tpu.memref_squeeze %dma_start3A_260 : memref<1x1x8x128xi32, #tpu.memory_space<hbm>> -> memref<8x128xi32, #tpu.memory_space<hbm>>
    %dma_start3A_262 = arith.constant 0 : i32
    %dma_start3A_263 = arith.constant 0 : i32
    %dma_start3A_264 = tpu.memref_slice %arg7[%dma_start3A_253, %dma_start3A_262, %dma_start3A_263] : memref<25x8x128xi32, #tpu.memory_space<vmem>> -> memref<1x8x128xi32, #tpu.memory_space<vmem>>
    %dma_start3A_265 = tpu.memref_squeeze %dma_start3A_264 : memref<1x8x128xi32, #tpu.memory_space<vmem>> -> memref<8x128xi32, #tpu.memory_space<vmem>>
    %dma_start3A_266 = arith.constant 0 : i32
    %dma_start3A_267 = arith.constant 0 : i32
    %dma_start3A_268 = tpu.memref_slice %arg2[%dma_start3A_252, %add3A, %dma_start3A_266, %dma_start3A_267] : memref<25x32x8x128xi32, #tpu.memory_space<hbm>> -> memref<1x1x8x128xi32, #tpu.memory_space<hbm>>
    %dma_start3A_269 = tpu.memref_squeeze %dma_start3A_268 : memref<1x1x8x128xi32, #tpu.memory_space<hbm>> -> memref<8x128xi32, #tpu.memory_space<hbm>>
    tpu.enqueue_dma source(%dma_start3A_269 : memref<8x128xi32, #tpu.memory_space<hbm>>) target(%dma_start3A_265 : memref<8x128xi32, #tpu.memory_space<vmem>>) target_semaphore(%arg26 : memref<!tpu.dma_semaphore, #tpu.memory_space<semaphore_mem>>)
    %dma_start3A_270 = arith.constant 15 : i32
    %dma_start3A_271 = arith.constant 15 : i32
    %dma_start3A_272 = arith.constant 0 : i32
    %dma_start3A_273 = arith.constant 0 : i32
    %dma_start3A_274 = tpu.memref_slice %arg7[%dma_start3A_271, %dma_start3A_272, %dma_start3A_273] : memref<25x8x128xi32, #tpu.memory_space<vmem>> -> memref<1x8x128xi32, #tpu.memory_space<vmem>>
    %dma_start3A_275 = tpu.memref_squeeze %dma_start3A_274 : memref<1x8x128xi32, #tpu.memory_space<vmem>> -> memref<8x128xi32, #tpu.memory_space<vmem>>
    %dma_start3A_276 = arith.constant 0 : i32
    %dma_start3A_277 = arith.constant 0 : i32
    %dma_start3A_278 = tpu.memref_slice %arg2[%dma_start3A_270, %add3A, %dma_start3A_276, %dma_start3A_277] : memref<25x32x8x128xi32, #tpu.memory_space<hbm>> -> memref<1x1x8x128xi32, #tpu.memory_space<hbm>>
    %dma_start3A_279 = tpu.memref_squeeze %dma_start3A_278 : memref<1x1x8x128xi32, #tpu.memory_space<hbm>> -> memref<8x128xi32, #tpu.memory_space<hbm>>
    %dma_start3A_280 = arith.constant 0 : i32
    %dma_start3A_281 = arith.constant 0 : i32
    %dma_start3A_282 = tpu.memref_slice %arg7[%dma_start3A_271, %dma_start3A_280, %dma_start3A_281] : memref<25x8x128xi32, #tpu.memory_space<vmem>> -> memref<1x8x128xi32, #tpu.memory_space<vmem>>
    %dma_start3A_283 = tpu.memref_squeeze %dma_start3A_282 : memref<1x8x128xi32, #tpu.memory_space<vmem>> -> memref<8x128xi32, #tpu.memory_space<vmem>>
    %dma_start3A_284 = arith.constant 0 : i32
    %dma_start3A_285 = arith.constant 0 : i32
    %dma_start3A_286 = tpu.memref_slice %arg2[%dma_start3A_270, %add3A, %dma_start3A_284, %dma_start3A_285] : memref<25x32x8x128xi32, #tpu.memory_space<hbm>> -> memref<1x1x8x128xi32, #tpu.memory_space<hbm>>
    %dma_start3A_287 = tpu.memref_squeeze %dma_start3A_286 : memref<1x1x8x128xi32, #tpu.memory_space<hbm>> -> memref<8x128xi32, #tpu.memory_space<hbm>>
    tpu.enqueue_dma source(%dma_start3A_287 : memref<8x128xi32, #tpu.memory_space<hbm>>) target(%dma_start3A_283 : memref<8x128xi32, #tpu.memory_space<vmem>>) target_semaphore(%arg26 : memref<!tpu.dma_semaphore, #tpu.memory_space<semaphore_mem>>)
    %dma_start3A_288 = arith.constant 16 : i32
    %dma_start3A_289 = arith.constant 16 : i32
    %dma_start3A_290 = arith.constant 0 : i32
    %dma_start3A_291 = arith.constant 0 : i32
    %dma_start3A_292 = tpu.memref_slice %arg7[%dma_start3A_289, %dma_start3A_290, %dma_start3A_291] : memref<25x8x128xi32, #tpu.memory_space<vmem>> -> memref<1x8x128xi32, #tpu.memory_space<vmem>>
    %dma_start3A_293 = tpu.memref_squeeze %dma_start3A_292 : memref<1x8x128xi32, #tpu.memory_space<vmem>> -> memref<8x128xi32, #tpu.memory_space<vmem>>
    %dma_start3A_294 = arith.constant 0 : i32
    %dma_start3A_295 = arith.constant 0 : i32
    %dma_start3A_296 = tpu.memref_slice %arg2[%dma_start3A_288, %add3A, %dma_start3A_294, %dma_start3A_295] : memref<25x32x8x128xi32, #tpu.memory_space<hbm>> -> memref<1x1x8x128xi32, #tpu.memory_space<hbm>>
    %dma_start3A_297 = tpu.memref_squeeze %dma_start3A_296 : memref<1x1x8x128xi32, #tpu.memory_space<hbm>> -> memref<8x128xi32, #tpu.memory_space<hbm>>
    %dma_start3A_298 = arith.constant 0 : i32
    %dma_start3A_299 = arith.constant 0 : i32
    %dma_start3A_300 = tpu.memref_slice %arg7[%dma_start3A_289, %dma_start3A_298, %dma_start3A_299] : memref<25x8x128xi32, #tpu.memory_space<vmem>> -> memref<1x8x128xi32, #tpu.memory_space<vmem>>
    %dma_start3A_301 = tpu.memref_squeeze %dma_start3A_300 : memref<1x8x128xi32, #tpu.memory_space<vmem>> -> memref<8x128xi32, #tpu.memory_space<vmem>>
    %dma_start3A_302 = arith.constant 0 : i32
    %dma_start3A_303 = arith.constant 0 : i32
    %dma_start3A_304 = tpu.memref_slice %arg2[%dma_start3A_288, %add3A, %dma_start3A_302, %dma_start3A_303] : memref<25x32x8x128xi32, #tpu.memory_space<hbm>> -> memref<1x1x8x128xi32, #tpu.memory_space<hbm>>
    %dma_start3A_305 = tpu.memref_squeeze %dma_start3A_304 : memref<1x1x8x128xi32, #tpu.memory_space<hbm>> -> memref<8x128xi32, #tpu.memory_space<hbm>>
    tpu.enqueue_dma source(%dma_start3A_305 : memref<8x128xi32, #tpu.memory_space<hbm>>) target(%dma_start3A_301 : memref<8x128xi32, #tpu.memory_space<vmem>>) target_semaphore(%arg26 : memref<!tpu.dma_semaphore, #tpu.memory_space<semaphore_mem>>)
    %dma_start3A_306 = arith.constant 17 : i32
    %dma_start3A_307 = arith.constant 17 : i32
    %dma_start3A_308 = arith.constant 0 : i32
    %dma_start3A_309 = arith.constant 0 : i32
    %dma_start3A_310 = tpu.memref_slice %arg7[%dma_start3A_307, %dma_start3A_308, %dma_start3A_309] : memref<25x8x128xi32, #tpu.memory_space<vmem>> -> memref<1x8x128xi32, #tpu.memory_space<vmem>>
    %dma_start3A_311 = tpu.memref_squeeze %dma_start3A_310 : memref<1x8x128xi32, #tpu.memory_space<vmem>> -> memref<8x128xi32, #tpu.memory_space<vmem>>
    %dma_start3A_312 = arith.constant 0 : i32
    %dma_start3A_313 = arith.constant 0 : i32
    %dma_start3A_314 = tpu.memref_slice %arg2[%dma_start3A_306, %add3A, %dma_start3A_312, %dma_start3A_313] : memref<25x32x8x128xi32, #tpu.memory_space<hbm>> -> memref<1x1x8x128xi32, #tpu.memory_space<hbm>>
    %dma_start3A_315 = tpu.memref_squeeze %dma_start3A_314 : memref<1x1x8x128xi32, #tpu.memory_space<hbm>> -> memref<8x128xi32, #tpu.memory_space<hbm>>
    %dma_start3A_316 = arith.constant 0 : i32
    %dma_start3A_317 = arith.constant 0 : i32
    %dma_start3A_318 = tpu.memref_slice %arg7[%dma_start3A_307, %dma_start3A_316, %dma_start3A_317] : memref<25x8x128xi32, #tpu.memory_space<vmem>> -> memref<1x8x128xi32, #tpu.memory_space<vmem>>
    %dma_start3A_319 = tpu.memref_squeeze %dma_start3A_318 : memref<1x8x128xi32, #tpu.memory_space<vmem>> -> memref<8x128xi32, #tpu.memory_space<vmem>>
    %dma_start3A_320 = arith.constant 0 : i32
    %dma_start3A_321 = arith.constant 0 : i32
    %dma_start3A_322 = tpu.memref_slice %arg2[%dma_start3A_306, %add3A, %dma_start3A_320, %dma_start3A_321] : memref<25x32x8x128xi32, #tpu.memory_space<hbm>> -> memref<1x1x8x128xi32, #tpu.memory_space<hbm>>
    %dma_start3A_323 = tpu.memref_squeeze %dma_start3A_322 : memref<1x1x8x128xi32, #tpu.memory_space<hbm>> -> memref<8x128xi32, #tpu.memory_space<hbm>>
    tpu.enqueue_dma source(%dma_start3A_323 : memref<8x128xi32, #tpu.memory_space<hbm>>) target(%dma_start3A_319 : memref<8x128xi32, #tpu.memory_space<vmem>>) target_semaphore(%arg26 : memref<!tpu.dma_semaphore, #tpu.memory_space<semaphore_mem>>)
    %dma_start3A_324 = arith.constant 18 : i32
    %dma_start3A_325 = arith.constant 18 : i32
    %dma_start3A_326 = arith.constant 0 : i32
    %dma_start3A_327 = arith.constant 0 : i32
    %dma_start3A_328 = tpu.memref_slice %arg7[%dma_start3A_325, %dma_start3A_326, %dma_start3A_327] : memref<25x8x128xi32, #tpu.memory_space<vmem>> -> memref<1x8x128xi32, #tpu.memory_space<vmem>>
    %dma_start3A_329 = tpu.memref_squeeze %dma_start3A_328 : memref<1x8x128xi32, #tpu.memory_space<vmem>> -> memref<8x128xi32, #tpu.memory_space<vmem>>
    %dma_start3A_330 = arith.constant 0 : i32
    %dma_start3A_331 = arith.constant 0 : i32
    %dma_start3A_332 = tpu.memref_slice %arg2[%dma_start3A_324, %add3A, %dma_start3A_330, %dma_start3A_331] : memref<25x32x8x128xi32, #tpu.memory_space<hbm>> -> memref<1x1x8x128xi32, #tpu.memory_space<hbm>>
    %dma_start3A_333 = tpu.memref_squeeze %dma_start3A_332 : memref<1x1x8x128xi32, #tpu.memory_space<hbm>> -> memref<8x128xi32, #tpu.memory_space<hbm>>
    %dma_start3A_334 = arith.constant 0 : i32
    %dma_start3A_335 = arith.constant 0 : i32
    %dma_start3A_336 = tpu.memref_slice %arg7[%dma_start3A_325, %dma_start3A_334, %dma_start3A_335] : memref<25x8x128xi32, #tpu.memory_space<vmem>> -> memref<1x8x128xi32, #tpu.memory_space<vmem>>
    %dma_start3A_337 = tpu.memref_squeeze %dma_start3A_336 : memref<1x8x128xi32, #tpu.memory_space<vmem>> -> memref<8x128xi32, #tpu.memory_space<vmem>>
    %dma_start3A_338 = arith.constant 0 : i32
    %dma_start3A_339 = arith.constant 0 : i32
    %dma_start3A_340 = tpu.memref_slice %arg2[%dma_start3A_324, %add3A, %dma_start3A_338, %dma_start3A_339] : memref<25x32x8x128xi32, #tpu.memory_space<hbm>> -> memref<1x1x8x128xi32, #tpu.memory_space<hbm>>
    %dma_start3A_341 = tpu.memref_squeeze %dma_start3A_340 : memref<1x1x8x128xi32, #tpu.memory_space<hbm>> -> memref<8x128xi32, #tpu.memory_space<hbm>>
    tpu.enqueue_dma source(%dma_start3A_341 : memref<8x128xi32, #tpu.memory_space<hbm>>) target(%dma_start3A_337 : memref<8x128xi32, #tpu.memory_space<vmem>>) target_semaphore(%arg26 : memref<!tpu.dma_semaphore, #tpu.memory_space<semaphore_mem>>)
    %dma_start3A_342 = arith.constant 19 : i32
    %dma_start3A_343 = arith.constant 19 : i32
    %dma_start3A_344 = arith.constant 0 : i32
    %dma_start3A_345 = arith.constant 0 : i32
    %dma_start3A_346 = tpu.memref_slice %arg7[%dma_start3A_343, %dma_start3A_344, %dma_start3A_345] : memref<25x8x128xi32, #tpu.memory_space<vmem>> -> memref<1x8x128xi32, #tpu.memory_space<vmem>>
    %dma_start3A_347 = tpu.memref_squeeze %dma_start3A_346 : memref<1x8x128xi32, #tpu.memory_space<vmem>> -> memref<8x128xi32, #tpu.memory_space<vmem>>
    %dma_start3A_348 = arith.constant 0 : i32
    %dma_start3A_349 = arith.constant 0 : i32
    %dma_start3A_350 = tpu.memref_slice %arg2[%dma_start3A_342, %add3A, %dma_start3A_348, %dma_start3A_349] : memref<25x32x8x128xi32, #tpu.memory_space<hbm>> -> memref<1x1x8x128xi32, #tpu.memory_space<hbm>>
    %dma_start3A_351 = tpu.memref_squeeze %dma_start3A_350 : memref<1x1x8x128xi32, #tpu.memory_space<hbm>> -> memref<8x128xi32, #tpu.memory_space<hbm>>
    %dma_start3A_352 = arith.constant 0 : i32
    %dma_start3A_353 = arith.constant 0 : i32
    %dma_start3A_354 = tpu.memref_slice %arg7[%dma_start3A_343, %dma_start3A_352, %dma_start3A_353] : memref<25x8x128xi32, #tpu.memory_space<vmem>> -> memref<1x8x128xi32, #tpu.memory_space<vmem>>
    %dma_start3A_355 = tpu.memref_squeeze %dma_start3A_354 : memref<1x8x128xi32, #tpu.memory_space<vmem>> -> memref<8x128xi32, #tpu.memory_space<vmem>>
    %dma_start3A_356 = arith.constant 0 : i32
    %dma_start3A_357 = arith.constant 0 : i32
    %dma_start3A_358 = tpu.memref_slice %arg2[%dma_start3A_342, %add3A, %dma_start3A_356, %dma_start3A_357] : memref<25x32x8x128xi32, #tpu.memory_space<hbm>> -> memref<1x1x8x128xi32, #tpu.memory_space<hbm>>
    %dma_start3A_359 = tpu.memref_squeeze %dma_start3A_358 : memref<1x1x8x128xi32, #tpu.memory_space<hbm>> -> memref<8x128xi32, #tpu.memory_space<hbm>>
    tpu.enqueue_dma source(%dma_start3A_359 : memref<8x128xi32, #tpu.memory_space<hbm>>) target(%dma_start3A_355 : memref<8x128xi32, #tpu.memory_space<vmem>>) target_semaphore(%arg26 : memref<!tpu.dma_semaphore, #tpu.memory_space<semaphore_mem>>)
    %dma_start3A_360 = arith.constant 20 : i32
    %dma_start3A_361 = arith.constant 20 : i32
    %dma_start3A_362 = arith.constant 0 : i32
    %dma_start3A_363 = arith.constant 0 : i32
    %dma_start3A_364 = tpu.memref_slice %arg7[%dma_start3A_361, %dma_start3A_362, %dma_start3A_363] : memref<25x8x128xi32, #tpu.memory_space<vmem>> -> memref<1x8x128xi32, #tpu.memory_space<vmem>>
    %dma_start3A_365 = tpu.memref_squeeze %dma_start3A_364 : memref<1x8x128xi32, #tpu.memory_space<vmem>> -> memref<8x128xi32, #tpu.memory_space<vmem>>
    %dma_start3A_366 = arith.constant 0 : i32
    %dma_start3A_367 = arith.constant 0 : i32
    %dma_start3A_368 = tpu.memref_slice %arg2[%dma_start3A_360, %add3A, %dma_start3A_366, %dma_start3A_367] : memref<25x32x8x128xi32, #tpu.memory_space<hbm>> -> memref<1x1x8x128xi32, #tpu.memory_space<hbm>>
    %dma_start3A_369 = tpu.memref_squeeze %dma_start3A_368 : memref<1x1x8x128xi32, #tpu.memory_space<hbm>> -> memref<8x128xi32, #tpu.memory_space<hbm>>
    %dma_start3A_370 = arith.constant 0 : i32
    %dma_start3A_371 = arith.constant 0 : i32
    %dma_start3A_372 = tpu.memref_slice %arg7[%dma_start3A_361, %dma_start3A_370, %dma_start3A_371] : memref<25x8x128xi32, #tpu.memory_space<vmem>> -> memref<1x8x128xi32, #tpu.memory_space<vmem>>
    %dma_start3A_373 = tpu.memref_squeeze %dma_start3A_372 : memref<1x8x128xi32, #tpu.memory_space<vmem>> -> memref<8x128xi32, #tpu.memory_space<vmem>>
    %dma_start3A_374 = arith.constant 0 : i32
    %dma_start3A_375 = arith.constant 0 : i32
    %dma_start3A_376 = tpu.memref_slice %arg2[%dma_start3A_360, %add3A, %dma_start3A_374, %dma_start3A_375] : memref<25x32x8x128xi32, #tpu.memory_space<hbm>> -> memref<1x1x8x128xi32, #tpu.memory_space<hbm>>
    %dma_start3A_377 = tpu.memref_squeeze %dma_start3A_376 : memref<1x1x8x128xi32, #tpu.memory_space<hbm>> -> memref<8x128xi32, #tpu.memory_space<hbm>>
    tpu.enqueue_dma source(%dma_start3A_377 : memref<8x128xi32, #tpu.memory_space<hbm>>) target(%dma_start3A_373 : memref<8x128xi32, #tpu.memory_space<vmem>>) target_semaphore(%arg26 : memref<!tpu.dma_semaphore, #tpu.memory_space<semaphore_mem>>)
    %dma_start3A_378 = arith.constant 21 : i32
    %dma_start3A_379 = arith.constant 21 : i32
    %dma_start3A_380 = arith.constant 0 : i32
    %dma_start3A_381 = arith.constant 0 : i32
    %dma_start3A_382 = tpu.memref_slice %arg7[%dma_start3A_379, %dma_start3A_380, %dma_start3A_381] : memref<25x8x128xi32, #tpu.memory_space<vmem>> -> memref<1x8x128xi32, #tpu.memory_space<vmem>>
    %dma_start3A_383 = tpu.memref_squeeze %dma_start3A_382 : memref<1x8x128xi32, #tpu.memory_space<vmem>> -> memref<8x128xi32, #tpu.memory_space<vmem>>
    %dma_start3A_384 = arith.constant 0 : i32
    %dma_start3A_385 = arith.constant 0 : i32
    %dma_start3A_386 = tpu.memref_slice %arg2[%dma_start3A_378, %add3A, %dma_start3A_384, %dma_start3A_385] : memref<25x32x8x128xi32, #tpu.memory_space<hbm>> -> memref<1x1x8x128xi32, #tpu.memory_space<hbm>>
    %dma_start3A_387 = tpu.memref_squeeze %dma_start3A_386 : memref<1x1x8x128xi32, #tpu.memory_space<hbm>> -> memref<8x128xi32, #tpu.memory_space<hbm>>
    %dma_start3A_388 = arith.constant 0 : i32
    %dma_start3A_389 = arith.constant 0 : i32
    %dma_start3A_390 = tpu.memref_slice %arg7[%dma_start3A_379, %dma_start3A_388, %dma_start3A_389] : memref<25x8x128xi32, #tpu.memory_space<vmem>> -> memref<1x8x128xi32, #tpu.memory_space<vmem>>
    %dma_start3A_391 = tpu.memref_squeeze %dma_start3A_390 : memref<1x8x128xi32, #tpu.memory_space<vmem>> -> memref<8x128xi32, #tpu.memory_space<vmem>>
    %dma_start3A_392 = arith.constant 0 : i32
    %dma_start3A_393 = arith.constant 0 : i32
    %dma_start3A_394 = tpu.memref_slice %arg2[%dma_start3A_378, %add3A, %dma_start3A_392, %dma_start3A_393] : memref<25x32x8x128xi32, #tpu.memory_space<hbm>> -> memref<1x1x8x128xi32, #tpu.memory_space<hbm>>
    %dma_start3A_395 = tpu.memref_squeeze %dma_start3A_394 : memref<1x1x8x128xi32, #tpu.memory_space<hbm>> -> memref<8x128xi32, #tpu.memory_space<hbm>>
    tpu.enqueue_dma source(%dma_start3A_395 : memref<8x128xi32, #tpu.memory_space<hbm>>) target(%dma_start3A_391 : memref<8x128xi32, #tpu.memory_space<vmem>>) target_semaphore(%arg26 : memref<!tpu.dma_semaphore, #tpu.memory_space<semaphore_mem>>)
    %dma_start3A_396 = arith.constant 22 : i32
    %dma_start3A_397 = arith.constant 22 : i32
    %dma_start3A_398 = arith.constant 0 : i32
    %dma_start3A_399 = arith.constant 0 : i32
    %dma_start3A_400 = tpu.memref_slice %arg7[%dma_start3A_397, %dma_start3A_398, %dma_start3A_399] : memref<25x8x128xi32, #tpu.memory_space<vmem>> -> memref<1x8x128xi32, #tpu.memory_space<vmem>>
    %dma_start3A_401 = tpu.memref_squeeze %dma_start3A_400 : memref<1x8x128xi32, #tpu.memory_space<vmem>> -> memref<8x128xi32, #tpu.memory_space<vmem>>
    %dma_start3A_402 = arith.constant 0 : i32
    %dma_start3A_403 = arith.constant 0 : i32
    %dma_start3A_404 = tpu.memref_slice %arg2[%dma_start3A_396, %add3A, %dma_start3A_402, %dma_start3A_403] : memref<25x32x8x128xi32, #tpu.memory_space<hbm>> -> memref<1x1x8x128xi32, #tpu.memory_space<hbm>>
    %dma_start3A_405 = tpu.memref_squeeze %dma_start3A_404 : memref<1x1x8x128xi32, #tpu.memory_space<hbm>> -> memref<8x128xi32, #tpu.memory_space<hbm>>
    %dma_start3A_406 = arith.constant 0 : i32
    %dma_start3A_407 = arith.constant 0 : i32
    %dma_start3A_408 = tpu.memref_slice %arg7[%dma_start3A_397, %dma_start3A_406, %dma_start3A_407] : memref<25x8x128xi32, #tpu.memory_space<vmem>> -> memref<1x8x128xi32, #tpu.memory_space<vmem>>
    %dma_start3A_409 = tpu.memref_squeeze %dma_start3A_408 : memref<1x8x128xi32, #tpu.memory_space<vmem>> -> memref<8x128xi32, #tpu.memory_space<vmem>>
    %dma_start3A_410 = arith.constant 0 : i32
    %dma_start3A_411 = arith.constant 0 : i32
    %dma_start3A_412 = tpu.memref_slice %arg2[%dma_start3A_396, %add3A, %dma_start3A_410, %dma_start3A_411] : memref<25x32x8x128xi32, #tpu.memory_space<hbm>> -> memref<1x1x8x128xi32, #tpu.memory_space<hbm>>
    %dma_start3A_413 = tpu.memref_squeeze %dma_start3A_412 : memref<1x1x8x128xi32, #tpu.memory_space<hbm>> -> memref<8x128xi32, #tpu.memory_space<hbm>>
    tpu.enqueue_dma source(%dma_start3A_413 : memref<8x128xi32, #tpu.memory_space<hbm>>) target(%dma_start3A_409 : memref<8x128xi32, #tpu.memory_space<vmem>>) target_semaphore(%arg26 : memref<!tpu.dma_semaphore, #tpu.memory_space<semaphore_mem>>)
    %dma_start3A_414 = arith.constant 23 : i32
    %dma_start3A_415 = arith.constant 23 : i32
    %dma_start3A_416 = arith.constant 0 : i32
    %dma_start3A_417 = arith.constant 0 : i32
    %dma_start3A_418 = tpu.memref_slice %arg7[%dma_start3A_415, %dma_start3A_416, %dma_start3A_417] : memref<25x8x128xi32, #tpu.memory_space<vmem>> -> memref<1x8x128xi32, #tpu.memory_space<vmem>>
    %dma_start3A_419 = tpu.memref_squeeze %dma_start3A_418 : memref<1x8x128xi32, #tpu.memory_space<vmem>> -> memref<8x128xi32, #tpu.memory_space<vmem>>
    %dma_start3A_420 = arith.constant 0 : i32
    %dma_start3A_421 = arith.constant 0 : i32
    %dma_start3A_422 = tpu.memref_slice %arg2[%dma_start3A_414, %add3A, %dma_start3A_420, %dma_start3A_421] : memref<25x32x8x128xi32, #tpu.memory_space<hbm>> -> memref<1x1x8x128xi32, #tpu.memory_space<hbm>>
    %dma_start3A_423 = tpu.memref_squeeze %dma_start3A_422 : memref<1x1x8x128xi32, #tpu.memory_space<hbm>> -> memref<8x128xi32, #tpu.memory_space<hbm>>
    %dma_start3A_424 = arith.constant 0 : i32
    %dma_start3A_425 = arith.constant 0 : i32
    %dma_start3A_426 = tpu.memref_slice %arg7[%dma_start3A_415, %dma_start3A_424, %dma_start3A_425] : memref<25x8x128xi32, #tpu.memory_space<vmem>> -> memref<1x8x128xi32, #tpu.memory_space<vmem>>
    %dma_start3A_427 = tpu.memref_squeeze %dma_start3A_426 : memref<1x8x128xi32, #tpu.memory_space<vmem>> -> memref<8x128xi32, #tpu.memory_space<vmem>>
    %dma_start3A_428 = arith.constant 0 : i32
    %dma_start3A_429 = arith.constant 0 : i32
    %dma_start3A_430 = tpu.memref_slice %arg2[%dma_start3A_414, %add3A, %dma_start3A_428, %dma_start3A_429] : memref<25x32x8x128xi32, #tpu.memory_space<hbm>> -> memref<1x1x8x128xi32, #tpu.memory_space<hbm>>
    %dma_start3A_431 = tpu.memref_squeeze %dma_start3A_430 : memref<1x1x8x128xi32, #tpu.memory_space<hbm>> -> memref<8x128xi32, #tpu.memory_space<hbm>>
    tpu.enqueue_dma source(%dma_start3A_431 : memref<8x128xi32, #tpu.memory_space<hbm>>) target(%dma_start3A_427 : memref<8x128xi32, #tpu.memory_space<vmem>>) target_semaphore(%arg26 : memref<!tpu.dma_semaphore, #tpu.memory_space<semaphore_mem>>)
    %dma_start3A_432 = arith.constant 24 : i32
    %dma_start3A_433 = arith.constant 24 : i32
    %dma_start3A_434 = arith.constant 0 : i32
    %dma_start3A_435 = arith.constant 0 : i32
    %dma_start3A_436 = tpu.memref_slice %arg7[%dma_start3A_433, %dma_start3A_434, %dma_start3A_435] : memref<25x8x128xi32, #tpu.memory_space<vmem>> -> memref<1x8x128xi32, #tpu.memory_space<vmem>>
    %dma_start3A_437 = tpu.memref_squeeze %dma_start3A_436 : memref<1x8x128xi32, #tpu.memory_space<vmem>> -> memref<8x128xi32, #tpu.memory_space<vmem>>
    %dma_start3A_438 = arith.constant 0 : i32
    %dma_start3A_439 = arith.constant 0 : i32
    %dma_start3A_440 = tpu.memref_slice %arg2[%dma_start3A_432, %add3A, %dma_start3A_438, %dma_start3A_439] : memref<25x32x8x128xi32, #tpu.memory_space<hbm>> -> memref<1x1x8x128xi32, #tpu.memory_space<hbm>>
    %dma_start3A_441 = tpu.memref_squeeze %dma_start3A_440 : memref<1x1x8x128xi32, #tpu.memory_space<hbm>> -> memref<8x128xi32, #tpu.memory_space<hbm>>
    %dma_start3A_442 = arith.constant 0 : i32
    %dma_start3A_443 = arith.constant 0 : i32
    %dma_start3A_444 = tpu.memref_slice %arg7[%dma_start3A_433, %dma_start3A_442, %dma_start3A_443] : memref<25x8x128xi32, #tpu.memory_space<vmem>> -> memref<1x8x128xi32, #tpu.memory_space<vmem>>
    %dma_start3A_445 = tpu.memref_squeeze %dma_start3A_444 : memref<1x8x128xi32, #tpu.memory_space<vmem>> -> memref<8x128xi32, #tpu.memory_space<vmem>>
    %dma_start3A_446 = arith.constant 0 : i32
    %dma_start3A_447 = arith.constant 0 : i32
    %dma_start3A_448 = tpu.memref_slice %arg2[%dma_start3A_432, %add3A, %dma_start3A_446, %dma_start3A_447] : memref<25x32x8x128xi32, #tpu.memory_space<hbm>> -> memref<1x1x8x128xi32, #tpu.memory_space<hbm>>
    %dma_start3A_449 = tpu.memref_squeeze %dma_start3A_448 : memref<1x1x8x128xi32, #tpu.memory_space<hbm>> -> memref<8x128xi32, #tpu.memory_space<hbm>>
    tpu.enqueue_dma source(%dma_start3A_449 : memref<8x128xi32, #tpu.memory_space<hbm>>) target(%dma_start3A_445 : memref<8x128xi32, #tpu.memory_space<vmem>>) target_semaphore(%arg26 : memref<!tpu.dma_semaphore, #tpu.memory_space<semaphore_mem>>)
    %dma_wait3A = arith.constant 0 : i32
    %dma_wait3A_450 = arith.constant 0 : i32
    %dma_wait3A_451 = arith.constant 0 : i32
    %dma_wait3A_452 = arith.constant 0 : i32
    %dma_wait3A_453 = tpu.memref_slice %arg7[%dma_wait3A_450, %dma_wait3A_451, %dma_wait3A_452] : memref<25x8x128xi32, #tpu.memory_space<vmem>> -> memref<1x8x128xi32, #tpu.memory_space<vmem>>
    %dma_wait3A_454 = tpu.memref_squeeze %dma_wait3A_453 : memref<1x8x128xi32, #tpu.memory_space<vmem>> -> memref<8x128xi32, #tpu.memory_space<vmem>>
    %dma_wait3A_455 = arith.constant 0 : i32
    %dma_wait3A_456 = arith.constant 0 : i32
    %dma_wait3A_457 = tpu.memref_slice %arg2[%dma_wait3A, %add3A, %dma_wait3A_455, %dma_wait3A_456] : memref<25x32x8x128xi32, #tpu.memory_space<hbm>> -> memref<1x1x8x128xi32, #tpu.memory_space<hbm>>
    %dma_wait3A_458 = tpu.memref_squeeze %dma_wait3A_457 : memref<1x1x8x128xi32, #tpu.memory_space<hbm>> -> memref<8x128xi32, #tpu.memory_space<hbm>>
    %dma_wait3A_459 = arith.constant 0 : i32
    %dma_wait3A_460 = arith.constant 0 : i32
    %dma_wait3A_461 = tpu.memref_slice %arg7[%dma_wait3A_450, %dma_wait3A_459, %dma_wait3A_460] : memref<25x8x128xi32, #tpu.memory_space<vmem>> -> memref<1x8x128xi32, #tpu.memory_space<vmem>>
    %dma_wait3A_462 = tpu.memref_squeeze %dma_wait3A_461 : memref<1x8x128xi32, #tpu.memory_space<vmem>> -> memref<8x128xi32, #tpu.memory_space<vmem>>
    %dma_wait3A_463 = arith.constant 0 : i32
    %dma_wait3A_464 = arith.constant 0 : i32
    %dma_wait3A_465 = tpu.memref_slice %arg2[%dma_wait3A, %add3A, %dma_wait3A_463, %dma_wait3A_464] : memref<25x32x8x128xi32, #tpu.memory_space<hbm>> -> memref<1x1x8x128xi32, #tpu.memory_space<hbm>>
    %dma_wait3A_466 = tpu.memref_squeeze %dma_wait3A_465 : memref<1x1x8x128xi32, #tpu.memory_space<hbm>> -> memref<8x128xi32, #tpu.memory_space<hbm>>
    tpu.wait_dma2 semaphore(%arg26 : memref<!tpu.dma_semaphore, #tpu.memory_space<semaphore_mem>>) src(%dma_wait3A_466 : memref<8x128xi32, #tpu.memory_space<hbm>>) dst(%dma_wait3A_462 : memref<8x128xi32, #tpu.memory_space<vmem>>)
    %dma_wait3A_467 = arith.constant 1 : i32
    %dma_wait3A_468 = arith.constant 1 : i32
    %dma_wait3A_469 = arith.constant 0 : i32
    %dma_wait3A_470 = arith.constant 0 : i32
    %dma_wait3A_471 = tpu.memref_slice %arg7[%dma_wait3A_468, %dma_wait3A_469, %dma_wait3A_470] : memref<25x8x128xi32, #tpu.memory_space<vmem>> -> memref<1x8x128xi32, #tpu.memory_space<vmem>>
    %dma_wait3A_472 = tpu.memref_squeeze %dma_wait3A_471 : memref<1x8x128xi32, #tpu.memory_space<vmem>> -> memref<8x128xi32, #tpu.memory_space<vmem>>
    %dma_wait3A_473 = arith.constant 0 : i32
    %dma_wait3A_474 = arith.constant 0 : i32
    %dma_wait3A_475 = tpu.memref_slice %arg2[%dma_wait3A_467, %add3A, %dma_wait3A_473, %dma_wait3A_474] : memref<25x32x8x128xi32, #tpu.memory_space<hbm>> -> memref<1x1x8x128xi32, #tpu.memory_space<hbm>>
    %dma_wait3A_476 = tpu.memref_squeeze %dma_wait3A_475 : memref<1x1x8x128xi32, #tpu.memory_space<hbm>> -> memref<8x128xi32, #tpu.memory_space<hbm>>
    %dma_wait3A_477 = arith.constant 0 : i32
    %dma_wait3A_478 = arith.constant 0 : i32
    %dma_wait3A_479 = tpu.memref_slice %arg7[%dma_wait3A_468, %dma_wait3A_477, %dma_wait3A_478] : memref<25x8x128xi32, #tpu.memory_space<vmem>> -> memref<1x8x128xi32, #tpu.memory_space<vmem>>
    %dma_wait3A_480 = tpu.memref_squeeze %dma_wait3A_479 : memref<1x8x128xi32, #tpu.memory_space<vmem>> -> memref<8x128xi32, #tpu.memory_space<vmem>>
    %dma_wait3A_481 = arith.constant 0 : i32
    %dma_wait3A_482 = arith.constant 0 : i32
    %dma_wait3A_483 = tpu.memref_slice %arg2[%dma_wait3A_467, %add3A, %dma_wait3A_481, %dma_wait3A_482] : memref<25x32x8x128xi32, #tpu.memory_space<hbm>> -> memref<1x1x8x128xi32, #tpu.memory_space<hbm>>
    %dma_wait3A_484 = tpu.memref_squeeze %dma_wait3A_483 : memref<1x1x8x128xi32, #tpu.memory_space<hbm>> -> memref<8x128xi32, #tpu.memory_space<hbm>>
    tpu.wait_dma2 semaphore(%arg26 : memref<!tpu.dma_semaphore, #tpu.memory_space<semaphore_mem>>) src(%dma_wait3A_484 : memref<8x128xi32, #tpu.memory_space<hbm>>) dst(%dma_wait3A_480 : memref<8x128xi32, #tpu.memory_space<vmem>>)
    %dma_wait3A_485 = arith.constant 2 : i32
    %dma_wait3A_486 = arith.constant 2 : i32
    %dma_wait3A_487 = arith.constant 0 : i32
    %dma_wait3A_488 = arith.constant 0 : i32
    %dma_wait3A_489 = tpu.memref_slice %arg7[%dma_wait3A_486, %dma_wait3A_487, %dma_wait3A_488] : memref<25x8x128xi32, #tpu.memory_space<vmem>> -> memref<1x8x128xi32, #tpu.memory_space<vmem>>
    %dma_wait3A_490 = tpu.memref_squeeze %dma_wait3A_489 : memref<1x8x128xi32, #tpu.memory_space<vmem>> -> memref<8x128xi32, #tpu.memory_space<vmem>>
    %dma_wait3A_491 = arith.constant 0 : i32
    %dma_wait3A_492 = arith.constant 0 : i32
    %dma_wait3A_493 = tpu.memref_slice %arg2[%dma_wait3A_485, %add3A, %dma_wait3A_491, %dma_wait3A_492] : memref<25x32x8x128xi32, #tpu.memory_space<hbm>> -> memref<1x1x8x128xi32, #tpu.memory_space<hbm>>
    %dma_wait3A_494 = tpu.memref_squeeze %dma_wait3A_493 : memref<1x1x8x128xi32, #tpu.memory_space<hbm>> -> memref<8x128xi32, #tpu.memory_space<hbm>>
    %dma_wait3A_495 = arith.constant 0 : i32
    %dma_wait3A_496 = arith.constant 0 : i32
    %dma_wait3A_497 = tpu.memref_slice %arg7[%dma_wait3A_486, %dma_wait3A_495, %dma_wait3A_496] : memref<25x8x128xi32, #tpu.memory_space<vmem>> -> memref<1x8x128xi32, #tpu.memory_space<vmem>>
    %dma_wait3A_498 = tpu.memref_squeeze %dma_wait3A_497 : memref<1x8x128xi32, #tpu.memory_space<vmem>> -> memref<8x128xi32, #tpu.memory_space<vmem>>
    %dma_wait3A_499 = arith.constant 0 : i32
    %dma_wait3A_500 = arith.constant 0 : i32
    %dma_wait3A_501 = tpu.memref_slice %arg2[%dma_wait3A_485, %add3A, %dma_wait3A_499, %dma_wait3A_500] : memref<25x32x8x128xi32, #tpu.memory_space<hbm>> -> memref<1x1x8x128xi32, #tpu.memory_space<hbm>>
    %dma_wait3A_502 = tpu.memref_squeeze %dma_wait3A_501 : memref<1x1x8x128xi32, #tpu.memory_space<hbm>> -> memref<8x128xi32, #tpu.memory_space<hbm>>
    tpu.wait_dma2 semaphore(%arg26 : memref<!tpu.dma_semaphore, #tpu.memory_space<semaphore_mem>>) src(%dma_wait3A_502 : memref<8x128xi32, #tpu.memory_space<hbm>>) dst(%dma_wait3A_498 : memref<8x128xi32, #tpu.memory_space<vmem>>)
    %dma_wait3A_503 = arith.constant 3 : i32
    %dma_wait3A_504 = arith.constant 3 : i32
    %dma_wait3A_505 = arith.constant 0 : i32
    %dma_wait3A_506 = arith.constant 0 : i32
    %dma_wait3A_507 = tpu.memref_slice %arg7[%dma_wait3A_504, %dma_wait3A_505, %dma_wait3A_506] : memref<25x8x128xi32, #tpu.memory_space<vmem>> -> memref<1x8x128xi32, #tpu.memory_space<vmem>>
    %dma_wait3A_508 = tpu.memref_squeeze %dma_wait3A_507 : memref<1x8x128xi32, #tpu.memory_space<vmem>> -> memref<8x128xi32, #tpu.memory_space<vmem>>
    %dma_wait3A_509 = arith.constant 0 : i32
    %dma_wait3A_510 = arith.constant 0 : i32
    %dma_wait3A_511 = tpu.memref_slice %arg2[%dma_wait3A_503, %add3A, %dma_wait3A_509, %dma_wait3A_510] : memref<25x32x8x128xi32, #tpu.memory_space<hbm>> -> memref<1x1x8x128xi32, #tpu.memory_space<hbm>>
    %dma_wait3A_512 = tpu.memref_squeeze %dma_wait3A_511 : memref<1x1x8x128xi32, #tpu.memory_space<hbm>> -> memref<8x128xi32, #tpu.memory_space<hbm>>
    %dma_wait3A_513 = arith.constant 0 : i32
    %dma_wait3A_514 = arith.constant 0 : i32
    %dma_wait3A_515 = tpu.memref_slice %arg7[%dma_wait3A_504, %dma_wait3A_513, %dma_wait3A_514] : memref<25x8x128xi32, #tpu.memory_space<vmem>> -> memref<1x8x128xi32, #tpu.memory_space<vmem>>
    %dma_wait3A_516 = tpu.memref_squeeze %dma_wait3A_515 : memref<1x8x128xi32, #tpu.memory_space<vmem>> -> memref<8x128xi32, #tpu.memory_space<vmem>>
    %dma_wait3A_517 = arith.constant 0 : i32
    %dma_wait3A_518 = arith.constant 0 : i32
    %dma_wait3A_519 = tpu.memref_slice %arg2[%dma_wait3A_503, %add3A, %dma_wait3A_517, %dma_wait3A_518] : memref<25x32x8x128xi32, #tpu.memory_space<hbm>> -> memref<1x1x8x128xi32, #tpu.memory_space<hbm>>
    %dma_wait3A_520 = tpu.memref_squeeze %dma_wait3A_519 : memref<1x1x8x128xi32, #tpu.memory_space<hbm>> -> memref<8x128xi32, #tpu.memory_space<hbm>>
    tpu.wait_dma2 semaphore(%arg26 : memref<!tpu.dma_semaphore, #tpu.memory_space<semaphore_mem>>) src(%dma_wait3A_520 : memref<8x128xi32, #tpu.memory_space<hbm>>) dst(%dma_wait3A_516 : memref<8x128xi32, #tpu.memory_space<vmem>>)
    %dma_wait3A_521 = arith.constant 4 : i32
    %dma_wait3A_522 = arith.constant 4 : i32
    %dma_wait3A_523 = arith.constant 0 : i32
    %dma_wait3A_524 = arith.constant 0 : i32
    %dma_wait3A_525 = tpu.memref_slice %arg7[%dma_wait3A_522, %dma_wait3A_523, %dma_wait3A_524] : memref<25x8x128xi32, #tpu.memory_space<vmem>> -> memref<1x8x128xi32, #tpu.memory_space<vmem>>
    %dma_wait3A_526 = tpu.memref_squeeze %dma_wait3A_525 : memref<1x8x128xi32, #tpu.memory_space<vmem>> -> memref<8x128xi32, #tpu.memory_space<vmem>>
    %dma_wait3A_527 = arith.constant 0 : i32
    %dma_wait3A_528 = arith.constant 0 : i32
    %dma_wait3A_529 = tpu.memref_slice %arg2[%dma_wait3A_521, %add3A, %dma_wait3A_527, %dma_wait3A_528] : memref<25x32x8x128xi32, #tpu.memory_space<hbm>> -> memref<1x1x8x128xi32, #tpu.memory_space<hbm>>
    %dma_wait3A_530 = tpu.memref_squeeze %dma_wait3A_529 : memref<1x1x8x128xi32, #tpu.memory_space<hbm>> -> memref<8x128xi32, #tpu.memory_space<hbm>>
    %dma_wait3A_531 = arith.constant 0 : i32
    %dma_wait3A_532 = arith.constant 0 : i32
    %dma_wait3A_533 = tpu.memref_slice %arg7[%dma_wait3A_522, %dma_wait3A_531, %dma_wait3A_532] : memref<25x8x128xi32, #tpu.memory_space<vmem>> -> memref<1x8x128xi32, #tpu.memory_space<vmem>>
    %dma_wait3A_534 = tpu.memref_squeeze %dma_wait3A_533 : memref<1x8x128xi32, #tpu.memory_space<vmem>> -> memref<8x128xi32, #tpu.memory_space<vmem>>
    %dma_wait3A_535 = arith.constant 0 : i32
    %dma_wait3A_536 = arith.constant 0 : i32
    %dma_wait3A_537 = tpu.memref_slice %arg2[%dma_wait3A_521, %add3A, %dma_wait3A_535, %dma_wait3A_536] : memref<25x32x8x128xi32, #tpu.memory_space<hbm>> -> memref<1x1x8x128xi32, #tpu.memory_space<hbm>>
    %dma_wait3A_538 = tpu.memref_squeeze %dma_wait3A_537 : memref<1x1x8x128xi32, #tpu.memory_space<hbm>> -> memref<8x128xi32, #tpu.memory_space<hbm>>
    tpu.wait_dma2 semaphore(%arg26 : memref<!tpu.dma_semaphore, #tpu.memory_space<semaphore_mem>>) src(%dma_wait3A_538 : memref<8x128xi32, #tpu.memory_space<hbm>>) dst(%dma_wait3A_534 : memref<8x128xi32, #tpu.memory_space<vmem>>)
    %dma_wait3A_539 = arith.constant 5 : i32
    %dma_wait3A_540 = arith.constant 5 : i32
    %dma_wait3A_541 = arith.constant 0 : i32
    %dma_wait3A_542 = arith.constant 0 : i32
    %dma_wait3A_543 = tpu.memref_slice %arg7[%dma_wait3A_540, %dma_wait3A_541, %dma_wait3A_542] : memref<25x8x128xi32, #tpu.memory_space<vmem>> -> memref<1x8x128xi32, #tpu.memory_space<vmem>>
    %dma_wait3A_544 = tpu.memref_squeeze %dma_wait3A_543 : memref<1x8x128xi32, #tpu.memory_space<vmem>> -> memref<8x128xi32, #tpu.memory_space<vmem>>
    %dma_wait3A_545 = arith.constant 0 : i32
    %dma_wait3A_546 = arith.constant 0 : i32
    %dma_wait3A_547 = tpu.memref_slice %arg2[%dma_wait3A_539, %add3A, %dma_wait3A_545, %dma_wait3A_546] : memref<25x32x8x128xi32, #tpu.memory_space<hbm>> -> memref<1x1x8x128xi32, #tpu.memory_space<hbm>>
    %dma_wait3A_548 = tpu.memref_squeeze %dma_wait3A_547 : memref<1x1x8x128xi32, #tpu.memory_space<hbm>> -> memref<8x128xi32, #tpu.memory_space<hbm>>
    %dma_wait3A_549 = arith.constant 0 : i32
    %dma_wait3A_550 = arith.constant 0 : i32
    %dma_wait3A_551 = tpu.memref_slice %arg7[%dma_wait3A_540, %dma_wait3A_549, %dma_wait3A_550] : memref<25x8x128xi32, #tpu.memory_space<vmem>> -> memref<1x8x128xi32, #tpu.memory_space<vmem>>
    %dma_wait3A_552 = tpu.memref_squeeze %dma_wait3A_551 : memref<1x8x128xi32, #tpu.memory_space<vmem>> -> memref<8x128xi32, #tpu.memory_space<vmem>>
    %dma_wait3A_553 = arith.constant 0 : i32
    %dma_wait3A_554 = arith.constant 0 : i32
    %dma_wait3A_555 = tpu.memref_slice %arg2[%dma_wait3A_539, %add3A, %dma_wait3A_553, %dma_wait3A_554] : memref<25x32x8x128xi32, #tpu.memory_space<hbm>> -> memref<1x1x8x128xi32, #tpu.memory_space<hbm>>
    %dma_wait3A_556 = tpu.memref_squeeze %dma_wait3A_555 : memref<1x1x8x128xi32, #tpu.memory_space<hbm>> -> memref<8x128xi32, #tpu.memory_space<hbm>>
    tpu.wait_dma2 semaphore(%arg26 : memref<!tpu.dma_semaphore, #tpu.memory_space<semaphore_mem>>) src(%dma_wait3A_556 : memref<8x128xi32, #tpu.memory_space<hbm>>) dst(%dma_wait3A_552 : memref<8x128xi32, #tpu.memory_space<vmem>>)
    %dma_wait3A_557 = arith.constant 6 : i32
    %dma_wait3A_558 = arith.constant 6 : i32
    %dma_wait3A_559 = arith.constant 0 : i32
    %dma_wait3A_560 = arith.constant 0 : i32
    %dma_wait3A_561 = tpu.memref_slice %arg7[%dma_wait3A_558, %dma_wait3A_559, %dma_wait3A_560] : memref<25x8x128xi32, #tpu.memory_space<vmem>> -> memref<1x8x128xi32, #tpu.memory_space<vmem>>
    %dma_wait3A_562 = tpu.memref_squeeze %dma_wait3A_561 : memref<1x8x128xi32, #tpu.memory_space<vmem>> -> memref<8x128xi32, #tpu.memory_space<vmem>>
    %dma_wait3A_563 = arith.constant 0 : i32
    %dma_wait3A_564 = arith.constant 0 : i32
    %dma_wait3A_565 = tpu.memref_slice %arg2[%dma_wait3A_557, %add3A, %dma_wait3A_563, %dma_wait3A_564] : memref<25x32x8x128xi32, #tpu.memory_space<hbm>> -> memref<1x1x8x128xi32, #tpu.memory_space<hbm>>
    %dma_wait3A_566 = tpu.memref_squeeze %dma_wait3A_565 : memref<1x1x8x128xi32, #tpu.memory_space<hbm>> -> memref<8x128xi32, #tpu.memory_space<hbm>>
    %dma_wait3A_567 = arith.constant 0 : i32
    %dma_wait3A_568 = arith.constant 0 : i32
    %dma_wait3A_569 = tpu.memref_slice %arg7[%dma_wait3A_558, %dma_wait3A_567, %dma_wait3A_568] : memref<25x8x128xi32, #tpu.memory_space<vmem>> -> memref<1x8x128xi32, #tpu.memory_space<vmem>>
    %dma_wait3A_570 = tpu.memref_squeeze %dma_wait3A_569 : memref<1x8x128xi32, #tpu.memory_space<vmem>> -> memref<8x128xi32, #tpu.memory_space<vmem>>
    %dma_wait3A_571 = arith.constant 0 : i32
    %dma_wait3A_572 = arith.constant 0 : i32
    %dma_wait3A_573 = tpu.memref_slice %arg2[%dma_wait3A_557, %add3A, %dma_wait3A_571, %dma_wait3A_572] : memref<25x32x8x128xi32, #tpu.memory_space<hbm>> -> memref<1x1x8x128xi32, #tpu.memory_space<hbm>>
    %dma_wait3A_574 = tpu.memref_squeeze %dma_wait3A_573 : memref<1x1x8x128xi32, #tpu.memory_space<hbm>> -> memref<8x128xi32, #tpu.memory_space<hbm>>
    tpu.wait_dma2 semaphore(%arg26 : memref<!tpu.dma_semaphore, #tpu.memory_space<semaphore_mem>>) src(%dma_wait3A_574 : memref<8x128xi32, #tpu.memory_space<hbm>>) dst(%dma_wait3A_570 : memref<8x128xi32, #tpu.memory_space<vmem>>)
    %dma_wait3A_575 = arith.constant 7 : i32
    %dma_wait3A_576 = arith.constant 7 : i32
    %dma_wait3A_577 = arith.constant 0 : i32
    %dma_wait3A_578 = arith.constant 0 : i32
    %dma_wait3A_579 = tpu.memref_slice %arg7[%dma_wait3A_576, %dma_wait3A_577, %dma_wait3A_578] : memref<25x8x128xi32, #tpu.memory_space<vmem>> -> memref<1x8x128xi32, #tpu.memory_space<vmem>>
    %dma_wait3A_580 = tpu.memref_squeeze %dma_wait3A_579 : memref<1x8x128xi32, #tpu.memory_space<vmem>> -> memref<8x128xi32, #tpu.memory_space<vmem>>
    %dma_wait3A_581 = arith.constant 0 : i32
    %dma_wait3A_582 = arith.constant 0 : i32
    %dma_wait3A_583 = tpu.memref_slice %arg2[%dma_wait3A_575, %add3A, %dma_wait3A_581, %dma_wait3A_582] : memref<25x32x8x128xi32, #tpu.memory_space<hbm>> -> memref<1x1x8x128xi32, #tpu.memory_space<hbm>>
    %dma_wait3A_584 = tpu.memref_squeeze %dma_wait3A_583 : memref<1x1x8x128xi32, #tpu.memory_space<hbm>> -> memref<8x128xi32, #tpu.memory_space<hbm>>
    %dma_wait3A_585 = arith.constant 0 : i32
    %dma_wait3A_586 = arith.constant 0 : i32
    %dma_wait3A_587 = tpu.memref_slice %arg7[%dma_wait3A_576, %dma_wait3A_585, %dma_wait3A_586] : memref<25x8x128xi32, #tpu.memory_space<vmem>> -> memref<1x8x128xi32, #tpu.memory_space<vmem>>
    %dma_wait3A_588 = tpu.memref_squeeze %dma_wait3A_587 : memref<1x8x128xi32, #tpu.memory_space<vmem>> -> memref<8x128xi32, #tpu.memory_space<vmem>>
    %dma_wait3A_589 = arith.constant 0 : i32
    %dma_wait3A_590 = arith.constant 0 : i32
    %dma_wait3A_591 = tpu.memref_slice %arg2[%dma_wait3A_575, %add3A, %dma_wait3A_589, %dma_wait3A_590] : memref<25x32x8x128xi32, #tpu.memory_space<hbm>> -> memref<1x1x8x128xi32, #tpu.memory_space<hbm>>
    %dma_wait3A_592 = tpu.memref_squeeze %dma_wait3A_591 : memref<1x1x8x128xi32, #tpu.memory_space<hbm>> -> memref<8x128xi32, #tpu.memory_space<hbm>>
    tpu.wait_dma2 semaphore(%arg26 : memref<!tpu.dma_semaphore, #tpu.memory_space<semaphore_mem>>) src(%dma_wait3A_592 : memref<8x128xi32, #tpu.memory_space<hbm>>) dst(%dma_wait3A_588 : memref<8x128xi32, #tpu.memory_space<vmem>>)
    %dma_wait3A_593 = arith.constant 8 : i32
    %dma_wait3A_594 = arith.constant 8 : i32
    %dma_wait3A_595 = arith.constant 0 : i32
    %dma_wait3A_596 = arith.constant 0 : i32
    %dma_wait3A_597 = tpu.memref_slice %arg7[%dma_wait3A_594, %dma_wait3A_595, %dma_wait3A_596] : memref<25x8x128xi32, #tpu.memory_space<vmem>> -> memref<1x8x128xi32, #tpu.memory_space<vmem>>
    %dma_wait3A_598 = tpu.memref_squeeze %dma_wait3A_597 : memref<1x8x128xi32, #tpu.memory_space<vmem>> -> memref<8x128xi32, #tpu.memory_space<vmem>>
    %dma_wait3A_599 = arith.constant 0 : i32
    %dma_wait3A_600 = arith.constant 0 : i32
    %dma_wait3A_601 = tpu.memref_slice %arg2[%dma_wait3A_593, %add3A, %dma_wait3A_599, %dma_wait3A_600] : memref<25x32x8x128xi32, #tpu.memory_space<hbm>> -> memref<1x1x8x128xi32, #tpu.memory_space<hbm>>
    %dma_wait3A_602 = tpu.memref_squeeze %dma_wait3A_601 : memref<1x1x8x128xi32, #tpu.memory_space<hbm>> -> memref<8x128xi32, #tpu.memory_space<hbm>>
    %dma_wait3A_603 = arith.constant 0 : i32
    %dma_wait3A_604 = arith.constant 0 : i32
    %dma_wait3A_605 = tpu.memref_slice %arg7[%dma_wait3A_594, %dma_wait3A_603, %dma_wait3A_604] : memref<25x8x128xi32, #tpu.memory_space<vmem>> -> memref<1x8x128xi32, #tpu.memory_space<vmem>>
    %dma_wait3A_606 = tpu.memref_squeeze %dma_wait3A_605 : memref<1x8x128xi32, #tpu.memory_space<vmem>> -> memref<8x128xi32, #tpu.memory_space<vmem>>
    %dma_wait3A_607 = arith.constant 0 : i32
    %dma_wait3A_608 = arith.constant 0 : i32
    %dma_wait3A_609 = tpu.memref_slice %arg2[%dma_wait3A_593, %add3A, %dma_wait3A_607, %dma_wait3A_608] : memref<25x32x8x128xi32, #tpu.memory_space<hbm>> -> memref<1x1x8x128xi32, #tpu.memory_space<hbm>>
    %dma_wait3A_610 = tpu.memref_squeeze %dma_wait3A_609 : memref<1x1x8x128xi32, #tpu.memory_space<hbm>> -> memref<8x128xi32, #tpu.memory_space<hbm>>
    tpu.wait_dma2 semaphore(%arg26 : memref<!tpu.dma_semaphore, #tpu.memory_space<semaphore_mem>>) src(%dma_wait3A_610 : memref<8x128xi32, #tpu.memory_space<hbm>>) dst(%dma_wait3A_606 : memref<8x128xi32, #tpu.memory_space<vmem>>)
    %dma_wait3A_611 = arith.constant 9 : i32
    %dma_wait3A_612 = arith.constant 9 : i32
    %dma_wait3A_613 = arith.constant 0 : i32
    %dma_wait3A_614 = arith.constant 0 : i32
    %dma_wait3A_615 = tpu.memref_slice %arg7[%dma_wait3A_612, %dma_wait3A_613, %dma_wait3A_614] : memref<25x8x128xi32, #tpu.memory_space<vmem>> -> memref<1x8x128xi32, #tpu.memory_space<vmem>>
    %dma_wait3A_616 = tpu.memref_squeeze %dma_wait3A_615 : memref<1x8x128xi32, #tpu.memory_space<vmem>> -> memref<8x128xi32, #tpu.memory_space<vmem>>
    %dma_wait3A_617 = arith.constant 0 : i32
    %dma_wait3A_618 = arith.constant 0 : i32
    %dma_wait3A_619 = tpu.memref_slice %arg2[%dma_wait3A_611, %add3A, %dma_wait3A_617, %dma_wait3A_618] : memref<25x32x8x128xi32, #tpu.memory_space<hbm>> -> memref<1x1x8x128xi32, #tpu.memory_space<hbm>>
    %dma_wait3A_620 = tpu.memref_squeeze %dma_wait3A_619 : memref<1x1x8x128xi32, #tpu.memory_space<hbm>> -> memref<8x128xi32, #tpu.memory_space<hbm>>
    %dma_wait3A_621 = arith.constant 0 : i32
    %dma_wait3A_622 = arith.constant 0 : i32
    %dma_wait3A_623 = tpu.memref_slice %arg7[%dma_wait3A_612, %dma_wait3A_621, %dma_wait3A_622] : memref<25x8x128xi32, #tpu.memory_space<vmem>> -> memref<1x8x128xi32, #tpu.memory_space<vmem>>
    %dma_wait3A_624 = tpu.memref_squeeze %dma_wait3A_623 : memref<1x8x128xi32, #tpu.memory_space<vmem>> -> memref<8x128xi32, #tpu.memory_space<vmem>>
    %dma_wait3A_625 = arith.constant 0 : i32
    %dma_wait3A_626 = arith.constant 0 : i32
    %dma_wait3A_627 = tpu.memref_slice %arg2[%dma_wait3A_611, %add3A, %dma_wait3A_625, %dma_wait3A_626] : memref<25x32x8x128xi32, #tpu.memory_space<hbm>> -> memref<1x1x8x128xi32, #tpu.memory_space<hbm>>
    %dma_wait3A_628 = tpu.memref_squeeze %dma_wait3A_627 : memref<1x1x8x128xi32, #tpu.memory_space<hbm>> -> memref<8x128xi32, #tpu.memory_space<hbm>>
    tpu.wait_dma2 semaphore(%arg26 : memref<!tpu.dma_semaphore, #tpu.memory_space<semaphore_mem>>) src(%dma_wait3A_628 : memref<8x128xi32, #tpu.memory_space<hbm>>) dst(%dma_wait3A_624 : memref<8x128xi32, #tpu.memory_space<vmem>>)
    %dma_wait3A_629 = arith.constant 10 : i32
    %dma_wait3A_630 = arith.constant 10 : i32
    %dma_wait3A_631 = arith.constant 0 : i32
    %dma_wait3A_632 = arith.constant 0 : i32
    %dma_wait3A_633 = tpu.memref_slice %arg7[%dma_wait3A_630, %dma_wait3A_631, %dma_wait3A_632] : memref<25x8x128xi32, #tpu.memory_space<vmem>> -> memref<1x8x128xi32, #tpu.memory_space<vmem>>
    %dma_wait3A_634 = tpu.memref_squeeze %dma_wait3A_633 : memref<1x8x128xi32, #tpu.memory_space<vmem>> -> memref<8x128xi32, #tpu.memory_space<vmem>>
    %dma_wait3A_635 = arith.constant 0 : i32
    %dma_wait3A_636 = arith.constant 0 : i32
    %dma_wait3A_637 = tpu.memref_slice %arg2[%dma_wait3A_629, %add3A, %dma_wait3A_635, %dma_wait3A_636] : memref<25x32x8x128xi32, #tpu.memory_space<hbm>> -> memref<1x1x8x128xi32, #tpu.memory_space<hbm>>
    %dma_wait3A_638 = tpu.memref_squeeze %dma_wait3A_637 : memref<1x1x8x128xi32, #tpu.memory_space<hbm>> -> memref<8x128xi32, #tpu.memory_space<hbm>>
    %dma_wait3A_639 = arith.constant 0 : i32
    %dma_wait3A_640 = arith.constant 0 : i32
    %dma_wait3A_641 = tpu.memref_slice %arg7[%dma_wait3A_630, %dma_wait3A_639, %dma_wait3A_640] : memref<25x8x128xi32, #tpu.memory_space<vmem>> -> memref<1x8x128xi32, #tpu.memory_space<vmem>>
    %dma_wait3A_642 = tpu.memref_squeeze %dma_wait3A_641 : memref<1x8x128xi32, #tpu.memory_space<vmem>> -> memref<8x128xi32, #tpu.memory_space<vmem>>
    %dma_wait3A_643 = arith.constant 0 : i32
    %dma_wait3A_644 = arith.constant 0 : i32
    %dma_wait3A_645 = tpu.memref_slice %arg2[%dma_wait3A_629, %add3A, %dma_wait3A_643, %dma_wait3A_644] : memref<25x32x8x128xi32, #tpu.memory_space<hbm>> -> memref<1x1x8x128xi32, #tpu.memory_space<hbm>>
    %dma_wait3A_646 = tpu.memref_squeeze %dma_wait3A_645 : memref<1x1x8x128xi32, #tpu.memory_space<hbm>> -> memref<8x128xi32, #tpu.memory_space<hbm>>
    tpu.wait_dma2 semaphore(%arg26 : memref<!tpu.dma_semaphore, #tpu.memory_space<semaphore_mem>>) src(%dma_wait3A_646 : memref<8x128xi32, #tpu.memory_space<hbm>>) dst(%dma_wait3A_642 : memref<8x128xi32, #tpu.memory_space<vmem>>)
    %dma_wait3A_647 = arith.constant 11 : i32
    %dma_wait3A_648 = arith.constant 11 : i32
    %dma_wait3A_649 = arith.constant 0 : i32
    %dma_wait3A_650 = arith.constant 0 : i32
    %dma_wait3A_651 = tpu.memref_slice %arg7[%dma_wait3A_648, %dma_wait3A_649, %dma_wait3A_650] : memref<25x8x128xi32, #tpu.memory_space<vmem>> -> memref<1x8x128xi32, #tpu.memory_space<vmem>>
    %dma_wait3A_652 = tpu.memref_squeeze %dma_wait3A_651 : memref<1x8x128xi32, #tpu.memory_space<vmem>> -> memref<8x128xi32, #tpu.memory_space<vmem>>
    %dma_wait3A_653 = arith.constant 0 : i32
    %dma_wait3A_654 = arith.constant 0 : i32
    %dma_wait3A_655 = tpu.memref_slice %arg2[%dma_wait3A_647, %add3A, %dma_wait3A_653, %dma_wait3A_654] : memref<25x32x8x128xi32, #tpu.memory_space<hbm>> -> memref<1x1x8x128xi32, #tpu.memory_space<hbm>>
    %dma_wait3A_656 = tpu.memref_squeeze %dma_wait3A_655 : memref<1x1x8x128xi32, #tpu.memory_space<hbm>> -> memref<8x128xi32, #tpu.memory_space<hbm>>
    %dma_wait3A_657 = arith.constant 0 : i32
    %dma_wait3A_658 = arith.constant 0 : i32
    %dma_wait3A_659 = tpu.memref_slice %arg7[%dma_wait3A_648, %dma_wait3A_657, %dma_wait3A_658] : memref<25x8x128xi32, #tpu.memory_space<vmem>> -> memref<1x8x128xi32, #tpu.memory_space<vmem>>
    %dma_wait3A_660 = tpu.memref_squeeze %dma_wait3A_659 : memref<1x8x128xi32, #tpu.memory_space<vmem>> -> memref<8x128xi32, #tpu.memory_space<vmem>>
    %dma_wait3A_661 = arith.constant 0 : i32
    %dma_wait3A_662 = arith.constant 0 : i32
    %dma_wait3A_663 = tpu.memref_slice %arg2[%dma_wait3A_647, %add3A, %dma_wait3A_661, %dma_wait3A_662] : memref<25x32x8x128xi32, #tpu.memory_space<hbm>> -> memref<1x1x8x128xi32, #tpu.memory_space<hbm>>
    %dma_wait3A_664 = tpu.memref_squeeze %dma_wait3A_663 : memref<1x1x8x128xi32, #tpu.memory_space<hbm>> -> memref<8x128xi32, #tpu.memory_space<hbm>>
    tpu.wait_dma2 semaphore(%arg26 : memref<!tpu.dma_semaphore, #tpu.memory_space<semaphore_mem>>) src(%dma_wait3A_664 : memref<8x128xi32, #tpu.memory_space<hbm>>) dst(%dma_wait3A_660 : memref<8x128xi32, #tpu.memory_space<vmem>>)
    %dma_wait3A_665 = arith.constant 12 : i32
    %dma_wait3A_666 = arith.constant 12 : i32
    %dma_wait3A_667 = arith.constant 0 : i32
    %dma_wait3A_668 = arith.constant 0 : i32
    %dma_wait3A_669 = tpu.memref_slice %arg7[%dma_wait3A_666, %dma_wait3A_667, %dma_wait3A_668] : memref<25x8x128xi32, #tpu.memory_space<vmem>> -> memref<1x8x128xi32, #tpu.memory_space<vmem>>
    %dma_wait3A_670 = tpu.memref_squeeze %dma_wait3A_669 : memref<1x8x128xi32, #tpu.memory_space<vmem>> -> memref<8x128xi32, #tpu.memory_space<vmem>>
    %dma_wait3A_671 = arith.constant 0 : i32
    %dma_wait3A_672 = arith.constant 0 : i32
    %dma_wait3A_673 = tpu.memref_slice %arg2[%dma_wait3A_665, %add3A, %dma_wait3A_671, %dma_wait3A_672] : memref<25x32x8x128xi32, #tpu.memory_space<hbm>> -> memref<1x1x8x128xi32, #tpu.memory_space<hbm>>
    %dma_wait3A_674 = tpu.memref_squeeze %dma_wait3A_673 : memref<1x1x8x128xi32, #tpu.memory_space<hbm>> -> memref<8x128xi32, #tpu.memory_space<hbm>>
    %dma_wait3A_675 = arith.constant 0 : i32
    %dma_wait3A_676 = arith.constant 0 : i32
    %dma_wait3A_677 = tpu.memref_slice %arg7[%dma_wait3A_666, %dma_wait3A_675, %dma_wait3A_676] : memref<25x8x128xi32, #tpu.memory_space<vmem>> -> memref<1x8x128xi32, #tpu.memory_space<vmem>>
    %dma_wait3A_678 = tpu.memref_squeeze %dma_wait3A_677 : memref<1x8x128xi32, #tpu.memory_space<vmem>> -> memref<8x128xi32, #tpu.memory_space<vmem>>
    %dma_wait3A_679 = arith.constant 0 : i32
    %dma_wait3A_680 = arith.constant 0 : i32
    %dma_wait3A_681 = tpu.memref_slice %arg2[%dma_wait3A_665, %add3A, %dma_wait3A_679, %dma_wait3A_680] : memref<25x32x8x128xi32, #tpu.memory_space<hbm>> -> memref<1x1x8x128xi32, #tpu.memory_space<hbm>>
    %dma_wait3A_682 = tpu.memref_squeeze %dma_wait3A_681 : memref<1x1x8x128xi32, #tpu.memory_space<hbm>> -> memref<8x128xi32, #tpu.memory_space<hbm>>
    tpu.wait_dma2 semaphore(%arg26 : memref<!tpu.dma_semaphore, #tpu.memory_space<semaphore_mem>>) src(%dma_wait3A_682 : memref<8x128xi32, #tpu.memory_space<hbm>>) dst(%dma_wait3A_678 : memref<8x128xi32, #tpu.memory_space<vmem>>)
    %dma_wait3A_683 = arith.constant 13 : i32
    %dma_wait3A_684 = arith.constant 13 : i32
    %dma_wait3A_685 = arith.constant 0 : i32
    %dma_wait3A_686 = arith.constant 0 : i32
    %dma_wait3A_687 = tpu.memref_slice %arg7[%dma_wait3A_684, %dma_wait3A_685, %dma_wait3A_686] : memref<25x8x128xi32, #tpu.memory_space<vmem>> -> memref<1x8x128xi32, #tpu.memory_space<vmem>>
    %dma_wait3A_688 = tpu.memref_squeeze %dma_wait3A_687 : memref<1x8x128xi32, #tpu.memory_space<vmem>> -> memref<8x128xi32, #tpu.memory_space<vmem>>
    %dma_wait3A_689 = arith.constant 0 : i32
    %dma_wait3A_690 = arith.constant 0 : i32
    %dma_wait3A_691 = tpu.memref_slice %arg2[%dma_wait3A_683, %add3A, %dma_wait3A_689, %dma_wait3A_690] : memref<25x32x8x128xi32, #tpu.memory_space<hbm>> -> memref<1x1x8x128xi32, #tpu.memory_space<hbm>>
    %dma_wait3A_692 = tpu.memref_squeeze %dma_wait3A_691 : memref<1x1x8x128xi32, #tpu.memory_space<hbm>> -> memref<8x128xi32, #tpu.memory_space<hbm>>
    %dma_wait3A_693 = arith.constant 0 : i32
    %dma_wait3A_694 = arith.constant 0 : i32
    %dma_wait3A_695 = tpu.memref_slice %arg7[%dma_wait3A_684, %dma_wait3A_693, %dma_wait3A_694] : memref<25x8x128xi32, #tpu.memory_space<vmem>> -> memref<1x8x128xi32, #tpu.memory_space<vmem>>
    %dma_wait3A_696 = tpu.memref_squeeze %dma_wait3A_695 : memref<1x8x128xi32, #tpu.memory_space<vmem>> -> memref<8x128xi32, #tpu.memory_space<vmem>>
    %dma_wait3A_697 = arith.constant 0 : i32
    %dma_wait3A_698 = arith.constant 0 : i32
    %dma_wait3A_699 = tpu.memref_slice %arg2[%dma_wait3A_683, %add3A, %dma_wait3A_697, %dma_wait3A_698] : memref<25x32x8x128xi32, #tpu.memory_space<hbm>> -> memref<1x1x8x128xi32, #tpu.memory_space<hbm>>
    %dma_wait3A_700 = tpu.memref_squeeze %dma_wait3A_699 : memref<1x1x8x128xi32, #tpu.memory_space<hbm>> -> memref<8x128xi32, #tpu.memory_space<hbm>>
    tpu.wait_dma2 semaphore(%arg26 : memref<!tpu.dma_semaphore, #tpu.memory_space<semaphore_mem>>) src(%dma_wait3A_700 : memref<8x128xi32, #tpu.memory_space<hbm>>) dst(%dma_wait3A_696 : memref<8x128xi32, #tpu.memory_space<vmem>>)
    %dma_wait3A_701 = arith.constant 14 : i32
    %dma_wait3A_702 = arith.constant 14 : i32
    %dma_wait3A_703 = arith.constant 0 : i32
    %dma_wait3A_704 = arith.constant 0 : i32
    %dma_wait3A_705 = tpu.memref_slice %arg7[%dma_wait3A_702, %dma_wait3A_703, %dma_wait3A_704] : memref<25x8x128xi32, #tpu.memory_space<vmem>> -> memref<1x8x128xi32, #tpu.memory_space<vmem>>
    %dma_wait3A_706 = tpu.memref_squeeze %dma_wait3A_705 : memref<1x8x128xi32, #tpu.memory_space<vmem>> -> memref<8x128xi32, #tpu.memory_space<vmem>>
    %dma_wait3A_707 = arith.constant 0 : i32
    %dma_wait3A_708 = arith.constant 0 : i32
    %dma_wait3A_709 = tpu.memref_slice %arg2[%dma_wait3A_701, %add3A, %dma_wait3A_707, %dma_wait3A_708] : memref<25x32x8x128xi32, #tpu.memory_space<hbm>> -> memref<1x1x8x128xi32, #tpu.memory_space<hbm>>
    %dma_wait3A_710 = tpu.memref_squeeze %dma_wait3A_709 : memref<1x1x8x128xi32, #tpu.memory_space<hbm>> -> memref<8x128xi32, #tpu.memory_space<hbm>>
    %dma_wait3A_711 = arith.constant 0 : i32
    %dma_wait3A_712 = arith.constant 0 : i32
    %dma_wait3A_713 = tpu.memref_slice %arg7[%dma_wait3A_702, %dma_wait3A_711, %dma_wait3A_712] : memref<25x8x128xi32, #tpu.memory_space<vmem>> -> memref<1x8x128xi32, #tpu.memory_space<vmem>>
    %dma_wait3A_714 = tpu.memref_squeeze %dma_wait3A_713 : memref<1x8x128xi32, #tpu.memory_space<vmem>> -> memref<8x128xi32, #tpu.memory_space<vmem>>
    %dma_wait3A_715 = arith.constant 0 : i32
    %dma_wait3A_716 = arith.constant 0 : i32
    %dma_wait3A_717 = tpu.memref_slice %arg2[%dma_wait3A_701, %add3A, %dma_wait3A_715, %dma_wait3A_716] : memref<25x32x8x128xi32, #tpu.memory_space<hbm>> -> memref<1x1x8x128xi32, #tpu.memory_space<hbm>>
    %dma_wait3A_718 = tpu.memref_squeeze %dma_wait3A_717 : memref<1x1x8x128xi32, #tpu.memory_space<hbm>> -> memref<8x128xi32, #tpu.memory_space<hbm>>
    tpu.wait_dma2 semaphore(%arg26 : memref<!tpu.dma_semaphore, #tpu.memory_space<semaphore_mem>>) src(%dma_wait3A_718 : memref<8x128xi32, #tpu.memory_space<hbm>>) dst(%dma_wait3A_714 : memref<8x128xi32, #tpu.memory_space<vmem>>)
    %dma_wait3A_719 = arith.constant 15 : i32
    %dma_wait3A_720 = arith.constant 15 : i32
    %dma_wait3A_721 = arith.constant 0 : i32
    %dma_wait3A_722 = arith.constant 0 : i32
    %dma_wait3A_723 = tpu.memref_slice %arg7[%dma_wait3A_720, %dma_wait3A_721, %dma_wait3A_722] : memref<25x8x128xi32, #tpu.memory_space<vmem>> -> memref<1x8x128xi32, #tpu.memory_space<vmem>>
    %dma_wait3A_724 = tpu.memref_squeeze %dma_wait3A_723 : memref<1x8x128xi32, #tpu.memory_space<vmem>> -> memref<8x128xi32, #tpu.memory_space<vmem>>
    %dma_wait3A_725 = arith.constant 0 : i32
    %dma_wait3A_726 = arith.constant 0 : i32
    %dma_wait3A_727 = tpu.memref_slice %arg2[%dma_wait3A_719, %add3A, %dma_wait3A_725, %dma_wait3A_726] : memref<25x32x8x128xi32, #tpu.memory_space<hbm>> -> memref<1x1x8x128xi32, #tpu.memory_space<hbm>>
    %dma_wait3A_728 = tpu.memref_squeeze %dma_wait3A_727 : memref<1x1x8x128xi32, #tpu.memory_space<hbm>> -> memref<8x128xi32, #tpu.memory_space<hbm>>
    %dma_wait3A_729 = arith.constant 0 : i32
    %dma_wait3A_730 = arith.constant 0 : i32
    %dma_wait3A_731 = tpu.memref_slice %arg7[%dma_wait3A_720, %dma_wait3A_729, %dma_wait3A_730] : memref<25x8x128xi32, #tpu.memory_space<vmem>> -> memref<1x8x128xi32, #tpu.memory_space<vmem>>
    %dma_wait3A_732 = tpu.memref_squeeze %dma_wait3A_731 : memref<1x8x128xi32, #tpu.memory_space<vmem>> -> memref<8x128xi32, #tpu.memory_space<vmem>>
    %dma_wait3A_733 = arith.constant 0 : i32
    %dma_wait3A_734 = arith.constant 0 : i32
    %dma_wait3A_735 = tpu.memref_slice %arg2[%dma_wait3A_719, %add3A, %dma_wait3A_733, %dma_wait3A_734] : memref<25x32x8x128xi32, #tpu.memory_space<hbm>> -> memref<1x1x8x128xi32, #tpu.memory_space<hbm>>
    %dma_wait3A_736 = tpu.memref_squeeze %dma_wait3A_735 : memref<1x1x8x128xi32, #tpu.memory_space<hbm>> -> memref<8x128xi32, #tpu.memory_space<hbm>>
    tpu.wait_dma2 semaphore(%arg26 : memref<!tpu.dma_semaphore, #tpu.memory_space<semaphore_mem>>) src(%dma_wait3A_736 : memref<8x128xi32, #tpu.memory_space<hbm>>) dst(%dma_wait3A_732 : memref<8x128xi32, #tpu.memory_space<vmem>>)
    %dma_wait3A_737 = arith.constant 16 : i32
    %dma_wait3A_738 = arith.constant 16 : i32
    %dma_wait3A_739 = arith.constant 0 : i32
    %dma_wait3A_740 = arith.constant 0 : i32
    %dma_wait3A_741 = tpu.memref_slice %arg7[%dma_wait3A_738, %dma_wait3A_739, %dma_wait3A_740] : memref<25x8x128xi32, #tpu.memory_space<vmem>> -> memref<1x8x128xi32, #tpu.memory_space<vmem>>
    %dma_wait3A_742 = tpu.memref_squeeze %dma_wait3A_741 : memref<1x8x128xi32, #tpu.memory_space<vmem>> -> memref<8x128xi32, #tpu.memory_space<vmem>>
    %dma_wait3A_743 = arith.constant 0 : i32
    %dma_wait3A_744 = arith.constant 0 : i32
    %dma_wait3A_745 = tpu.memref_slice %arg2[%dma_wait3A_737, %add3A, %dma_wait3A_743, %dma_wait3A_744] : memref<25x32x8x128xi32, #tpu.memory_space<hbm>> -> memref<1x1x8x128xi32, #tpu.memory_space<hbm>>
    %dma_wait3A_746 = tpu.memref_squeeze %dma_wait3A_745 : memref<1x1x8x128xi32, #tpu.memory_space<hbm>> -> memref<8x128xi32, #tpu.memory_space<hbm>>
    %dma_wait3A_747 = arith.constant 0 : i32
    %dma_wait3A_748 = arith.constant 0 : i32
    %dma_wait3A_749 = tpu.memref_slice %arg7[%dma_wait3A_738, %dma_wait3A_747, %dma_wait3A_748] : memref<25x8x128xi32, #tpu.memory_space<vmem>> -> memref<1x8x128xi32, #tpu.memory_space<vmem>>
    %dma_wait3A_750 = tpu.memref_squeeze %dma_wait3A_749 : memref<1x8x128xi32, #tpu.memory_space<vmem>> -> memref<8x128xi32, #tpu.memory_space<vmem>>
    %dma_wait3A_751 = arith.constant 0 : i32
    %dma_wait3A_752 = arith.constant 0 : i32
    %dma_wait3A_753 = tpu.memref_slice %arg2[%dma_wait3A_737, %add3A, %dma_wait3A_751, %dma_wait3A_752] : memref<25x32x8x128xi32, #tpu.memory_space<hbm>> -> memref<1x1x8x128xi32, #tpu.memory_space<hbm>>
    %dma_wait3A_754 = tpu.memref_squeeze %dma_wait3A_753 : memref<1x1x8x128xi32, #tpu.memory_space<hbm>> -> memref<8x128xi32, #tpu.memory_space<hbm>>
    tpu.wait_dma2 semaphore(%arg26 : memref<!tpu.dma_semaphore, #tpu.memory_space<semaphore_mem>>) src(%dma_wait3A_754 : memref<8x128xi32, #tpu.memory_space<hbm>>) dst(%dma_wait3A_750 : memref<8x128xi32, #tpu.memory_space<vmem>>)
    %dma_wait3A_755 = arith.constant 17 : i32
    %dma_wait3A_756 = arith.constant 17 : i32
    %dma_wait3A_757 = arith.constant 0 : i32
    %dma_wait3A_758 = arith.constant 0 : i32
    %dma_wait3A_759 = tpu.memref_slice %arg7[%dma_wait3A_756, %dma_wait3A_757, %dma_wait3A_758] : memref<25x8x128xi32, #tpu.memory_space<vmem>> -> memref<1x8x128xi32, #tpu.memory_space<vmem>>
    %dma_wait3A_760 = tpu.memref_squeeze %dma_wait3A_759 : memref<1x8x128xi32, #tpu.memory_space<vmem>> -> memref<8x128xi32, #tpu.memory_space<vmem>>
    %dma_wait3A_761 = arith.constant 0 : i32
    %dma_wait3A_762 = arith.constant 0 : i32
    %dma_wait3A_763 = tpu.memref_slice %arg2[%dma_wait3A_755, %add3A, %dma_wait3A_761, %dma_wait3A_762] : memref<25x32x8x128xi32, #tpu.memory_space<hbm>> -> memref<1x1x8x128xi32, #tpu.memory_space<hbm>>
    %dma_wait3A_764 = tpu.memref_squeeze %dma_wait3A_763 : memref<1x1x8x128xi32, #tpu.memory_space<hbm>> -> memref<8x128xi32, #tpu.memory_space<hbm>>
    %dma_wait3A_765 = arith.constant 0 : i32
    %dma_wait3A_766 = arith.constant 0 : i32
    %dma_wait3A_767 = tpu.memref_slice %arg7[%dma_wait3A_756, %dma_wait3A_765, %dma_wait3A_766] : memref<25x8x128xi32, #tpu.memory_space<vmem>> -> memref<1x8x128xi32, #tpu.memory_space<vmem>>
    %dma_wait3A_768 = tpu.memref_squeeze %dma_wait3A_767 : memref<1x8x128xi32, #tpu.memory_space<vmem>> -> memref<8x128xi32, #tpu.memory_space<vmem>>
    %dma_wait3A_769 = arith.constant 0 : i32
    %dma_wait3A_770 = arith.constant 0 : i32
    %dma_wait3A_771 = tpu.memref_slice %arg2[%dma_wait3A_755, %add3A, %dma_wait3A_769, %dma_wait3A_770] : memref<25x32x8x128xi32, #tpu.memory_space<hbm>> -> memref<1x1x8x128xi32, #tpu.memory_space<hbm>>
    %dma_wait3A_772 = tpu.memref_squeeze %dma_wait3A_771 : memref<1x1x8x128xi32, #tpu.memory_space<hbm>> -> memref<8x128xi32, #tpu.memory_space<hbm>>
    tpu.wait_dma2 semaphore(%arg26 : memref<!tpu.dma_semaphore, #tpu.memory_space<semaphore_mem>>) src(%dma_wait3A_772 : memref<8x128xi32, #tpu.memory_space<hbm>>) dst(%dma_wait3A_768 : memref<8x128xi32, #tpu.memory_space<vmem>>)
    %dma_wait3A_773 = arith.constant 18 : i32
    %dma_wait3A_774 = arith.constant 18 : i32
    %dma_wait3A_775 = arith.constant 0 : i32
    %dma_wait3A_776 = arith.constant 0 : i32
    %dma_wait3A_777 = tpu.memref_slice %arg7[%dma_wait3A_774, %dma_wait3A_775, %dma_wait3A_776] : memref<25x8x128xi32, #tpu.memory_space<vmem>> -> memref<1x8x128xi32, #tpu.memory_space<vmem>>
    %dma_wait3A_778 = tpu.memref_squeeze %dma_wait3A_777 : memref<1x8x128xi32, #tpu.memory_space<vmem>> -> memref<8x128xi32, #tpu.memory_space<vmem>>
    %dma_wait3A_779 = arith.constant 0 : i32
    %dma_wait3A_780 = arith.constant 0 : i32
    %dma_wait3A_781 = tpu.memref_slice %arg2[%dma_wait3A_773, %add3A, %dma_wait3A_779, %dma_wait3A_780] : memref<25x32x8x128xi32, #tpu.memory_space<hbm>> -> memref<1x1x8x128xi32, #tpu.memory_space<hbm>>
    %dma_wait3A_782 = tpu.memref_squeeze %dma_wait3A_781 : memref<1x1x8x128xi32, #tpu.memory_space<hbm>> -> memref<8x128xi32, #tpu.memory_space<hbm>>
    %dma_wait3A_783 = arith.constant 0 : i32
    %dma_wait3A_784 = arith.constant 0 : i32
    %dma_wait3A_785 = tpu.memref_slice %arg7[%dma_wait3A_774, %dma_wait3A_783, %dma_wait3A_784] : memref<25x8x128xi32, #tpu.memory_space<vmem>> -> memref<1x8x128xi32, #tpu.memory_space<vmem>>
    %dma_wait3A_786 = tpu.memref_squeeze %dma_wait3A_785 : memref<1x8x128xi32, #tpu.memory_space<vmem>> -> memref<8x128xi32, #tpu.memory_space<vmem>>
    %dma_wait3A_787 = arith.constant 0 : i32
    %dma_wait3A_788 = arith.constant 0 : i32
    %dma_wait3A_789 = tpu.memref_slice %arg2[%dma_wait3A_773, %add3A, %dma_wait3A_787, %dma_wait3A_788] : memref<25x32x8x128xi32, #tpu.memory_space<hbm>> -> memref<1x1x8x128xi32, #tpu.memory_space<hbm>>
    %dma_wait3A_790 = tpu.memref_squeeze %dma_wait3A_789 : memref<1x1x8x128xi32, #tpu.memory_space<hbm>> -> memref<8x128xi32, #tpu.memory_space<hbm>>
    tpu.wait_dma2 semaphore(%arg26 : memref<!tpu.dma_semaphore, #tpu.memory_space<semaphore_mem>>) src(%dma_wait3A_790 : memref<8x128xi32, #tpu.memory_space<hbm>>) dst(%dma_wait3A_786 : memref<8x128xi32, #tpu.memory_space<vmem>>)
    %dma_wait3A_791 = arith.constant 19 : i32
    %dma_wait3A_792 = arith.constant 19 : i32
    %dma_wait3A_793 = arith.constant 0 : i32
    %dma_wait3A_794 = arith.constant 0 : i32
    %dma_wait3A_795 = tpu.memref_slice %arg7[%dma_wait3A_792, %dma_wait3A_793, %dma_wait3A_794] : memref<25x8x128xi32, #tpu.memory_space<vmem>> -> memref<1x8x128xi32, #tpu.memory_space<vmem>>
    %dma_wait3A_796 = tpu.memref_squeeze %dma_wait3A_795 : memref<1x8x128xi32, #tpu.memory_space<vmem>> -> memref<8x128xi32, #tpu.memory_space<vmem>>
    %dma_wait3A_797 = arith.constant 0 : i32
    %dma_wait3A_798 = arith.constant 0 : i32
    %dma_wait3A_799 = tpu.memref_slice %arg2[%dma_wait3A_791, %add3A, %dma_wait3A_797, %dma_wait3A_798] : memref<25x32x8x128xi32, #tpu.memory_space<hbm>> -> memref<1x1x8x128xi32, #tpu.memory_space<hbm>>
    %dma_wait3A_800 = tpu.memref_squeeze %dma_wait3A_799 : memref<1x1x8x128xi32, #tpu.memory_space<hbm>> -> memref<8x128xi32, #tpu.memory_space<hbm>>
    %dma_wait3A_801 = arith.constant 0 : i32
    %dma_wait3A_802 = arith.constant 0 : i32
    %dma_wait3A_803 = tpu.memref_slice %arg7[%dma_wait3A_792, %dma_wait3A_801, %dma_wait3A_802] : memref<25x8x128xi32, #tpu.memory_space<vmem>> -> memref<1x8x128xi32, #tpu.memory_space<vmem>>
    %dma_wait3A_804 = tpu.memref_squeeze %dma_wait3A_803 : memref<1x8x128xi32, #tpu.memory_space<vmem>> -> memref<8x128xi32, #tpu.memory_space<vmem>>
    %dma_wait3A_805 = arith.constant 0 : i32
    %dma_wait3A_806 = arith.constant 0 : i32
    %dma_wait3A_807 = tpu.memref_slice %arg2[%dma_wait3A_791, %add3A, %dma_wait3A_805, %dma_wait3A_806] : memref<25x32x8x128xi32, #tpu.memory_space<hbm>> -> memref<1x1x8x128xi32, #tpu.memory_space<hbm>>
    %dma_wait3A_808 = tpu.memref_squeeze %dma_wait3A_807 : memref<1x1x8x128xi32, #tpu.memory_space<hbm>> -> memref<8x128xi32, #tpu.memory_space<hbm>>
    tpu.wait_dma2 semaphore(%arg26 : memref<!tpu.dma_semaphore, #tpu.memory_space<semaphore_mem>>) src(%dma_wait3A_808 : memref<8x128xi32, #tpu.memory_space<hbm>>) dst(%dma_wait3A_804 : memref<8x128xi32, #tpu.memory_space<vmem>>)
    %dma_wait3A_809 = arith.constant 20 : i32
    %dma_wait3A_810 = arith.constant 20 : i32
    %dma_wait3A_811 = arith.constant 0 : i32
    %dma_wait3A_812 = arith.constant 0 : i32
    %dma_wait3A_813 = tpu.memref_slice %arg7[%dma_wait3A_810, %dma_wait3A_811, %dma_wait3A_812] : memref<25x8x128xi32, #tpu.memory_space<vmem>> -> memref<1x8x128xi32, #tpu.memory_space<vmem>>
    %dma_wait3A_814 = tpu.memref_squeeze %dma_wait3A_813 : memref<1x8x128xi32, #tpu.memory_space<vmem>> -> memref<8x128xi32, #tpu.memory_space<vmem>>
    %dma_wait3A_815 = arith.constant 0 : i32
    %dma_wait3A_816 = arith.constant 0 : i32
    %dma_wait3A_817 = tpu.memref_slice %arg2[%dma_wait3A_809, %add3A, %dma_wait3A_815, %dma_wait3A_816] : memref<25x32x8x128xi32, #tpu.memory_space<hbm>> -> memref<1x1x8x128xi32, #tpu.memory_space<hbm>>
    %dma_wait3A_818 = tpu.memref_squeeze %dma_wait3A_817 : memref<1x1x8x128xi32, #tpu.memory_space<hbm>> -> memref<8x128xi32, #tpu.memory_space<hbm>>
    %dma_wait3A_819 = arith.constant 0 : i32
    %dma_wait3A_820 = arith.constant 0 : i32
    %dma_wait3A_821 = tpu.memref_slice %arg7[%dma_wait3A_810, %dma_wait3A_819, %dma_wait3A_820] : memref<25x8x128xi32, #tpu.memory_space<vmem>> -> memref<1x8x128xi32, #tpu.memory_space<vmem>>
    %dma_wait3A_822 = tpu.memref_squeeze %dma_wait3A_821 : memref<1x8x128xi32, #tpu.memory_space<vmem>> -> memref<8x128xi32, #tpu.memory_space<vmem>>
    %dma_wait3A_823 = arith.constant 0 : i32
    %dma_wait3A_824 = arith.constant 0 : i32
    %dma_wait3A_825 = tpu.memref_slice %arg2[%dma_wait3A_809, %add3A, %dma_wait3A_823, %dma_wait3A_824] : memref<25x32x8x128xi32, #tpu.memory_space<hbm>> -> memref<1x1x8x128xi32, #tpu.memory_space<hbm>>
    %dma_wait3A_826 = tpu.memref_squeeze %dma_wait3A_825 : memref<1x1x8x128xi32, #tpu.memory_space<hbm>> -> memref<8x128xi32, #tpu.memory_space<hbm>>
    tpu.wait_dma2 semaphore(%arg26 : memref<!tpu.dma_semaphore, #tpu.memory_space<semaphore_mem>>) src(%dma_wait3A_826 : memref<8x128xi32, #tpu.memory_space<hbm>>) dst(%dma_wait3A_822 : memref<8x128xi32, #tpu.memory_space<vmem>>)
    %dma_wait3A_827 = arith.constant 21 : i32
    %dma_wait3A_828 = arith.constant 21 : i32
    %dma_wait3A_829 = arith.constant 0 : i32
    %dma_wait3A_830 = arith.constant 0 : i32
    %dma_wait3A_831 = tpu.memref_slice %arg7[%dma_wait3A_828, %dma_wait3A_829, %dma_wait3A_830] : memref<25x8x128xi32, #tpu.memory_space<vmem>> -> memref<1x8x128xi32, #tpu.memory_space<vmem>>
    %dma_wait3A_832 = tpu.memref_squeeze %dma_wait3A_831 : memref<1x8x128xi32, #tpu.memory_space<vmem>> -> memref<8x128xi32, #tpu.memory_space<vmem>>
    %dma_wait3A_833 = arith.constant 0 : i32
    %dma_wait3A_834 = arith.constant 0 : i32
    %dma_wait3A_835 = tpu.memref_slice %arg2[%dma_wait3A_827, %add3A, %dma_wait3A_833, %dma_wait3A_834] : memref<25x32x8x128xi32, #tpu.memory_space<hbm>> -> memref<1x1x8x128xi32, #tpu.memory_space<hbm>>
    %dma_wait3A_836 = tpu.memref_squeeze %dma_wait3A_835 : memref<1x1x8x128xi32, #tpu.memory_space<hbm>> -> memref<8x128xi32, #tpu.memory_space<hbm>>
    %dma_wait3A_837 = arith.constant 0 : i32
    %dma_wait3A_838 = arith.constant 0 : i32
    %dma_wait3A_839 = tpu.memref_slice %arg7[%dma_wait3A_828, %dma_wait3A_837, %dma_wait3A_838] : memref<25x8x128xi32, #tpu.memory_space<vmem>> -> memref<1x8x128xi32, #tpu.memory_space<vmem>>
    %dma_wait3A_840 = tpu.memref_squeeze %dma_wait3A_839 : memref<1x8x128xi32, #tpu.memory_space<vmem>> -> memref<8x128xi32, #tpu.memory_space<vmem>>
    %dma_wait3A_841 = arith.constant 0 : i32
    %dma_wait3A_842 = arith.constant 0 : i32
    %dma_wait3A_843 = tpu.memref_slice %arg2[%dma_wait3A_827, %add3A, %dma_wait3A_841, %dma_wait3A_842] : memref<25x32x8x128xi32, #tpu.memory_space<hbm>> -> memref<1x1x8x128xi32, #tpu.memory_space<hbm>>
    %dma_wait3A_844 = tpu.memref_squeeze %dma_wait3A_843 : memref<1x1x8x128xi32, #tpu.memory_space<hbm>> -> memref<8x128xi32, #tpu.memory_space<hbm>>
    tpu.wait_dma2 semaphore(%arg26 : memref<!tpu.dma_semaphore, #tpu.memory_space<semaphore_mem>>) src(%dma_wait3A_844 : memref<8x128xi32, #tpu.memory_space<hbm>>) dst(%dma_wait3A_840 : memref<8x128xi32, #tpu.memory_space<vmem>>)
    %dma_wait3A_845 = arith.constant 22 : i32
    %dma_wait3A_846 = arith.constant 22 : i32
    %dma_wait3A_847 = arith.constant 0 : i32
    %dma_wait3A_848 = arith.constant 0 : i32
    %dma_wait3A_849 = tpu.memref_slice %arg7[%dma_wait3A_846, %dma_wait3A_847, %dma_wait3A_848] : memref<25x8x128xi32, #tpu.memory_space<vmem>> -> memref<1x8x128xi32, #tpu.memory_space<vmem>>
    %dma_wait3A_850 = tpu.memref_squeeze %dma_wait3A_849 : memref<1x8x128xi32, #tpu.memory_space<vmem>> -> memref<8x128xi32, #tpu.memory_space<vmem>>
    %dma_wait3A_851 = arith.constant 0 : i32
    %dma_wait3A_852 = arith.constant 0 : i32
    %dma_wait3A_853 = tpu.memref_slice %arg2[%dma_wait3A_845, %add3A, %dma_wait3A_851, %dma_wait3A_852] : memref<25x32x8x128xi32, #tpu.memory_space<hbm>> -> memref<1x1x8x128xi32, #tpu.memory_space<hbm>>
    %dma_wait3A_854 = tpu.memref_squeeze %dma_wait3A_853 : memref<1x1x8x128xi32, #tpu.memory_space<hbm>> -> memref<8x128xi32, #tpu.memory_space<hbm>>
    %dma_wait3A_855 = arith.constant 0 : i32
    %dma_wait3A_856 = arith.constant 0 : i32
    %dma_wait3A_857 = tpu.memref_slice %arg7[%dma_wait3A_846, %dma_wait3A_855, %dma_wait3A_856] : memref<25x8x128xi32, #tpu.memory_space<vmem>> -> memref<1x8x128xi32, #tpu.memory_space<vmem>>
    %dma_wait3A_858 = tpu.memref_squeeze %dma_wait3A_857 : memref<1x8x128xi32, #tpu.memory_space<vmem>> -> memref<8x128xi32, #tpu.memory_space<vmem>>
    %dma_wait3A_859 = arith.constant 0 : i32
    %dma_wait3A_860 = arith.constant 0 : i32
    %dma_wait3A_861 = tpu.memref_slice %arg2[%dma_wait3A_845, %add3A, %dma_wait3A_859, %dma_wait3A_860] : memref<25x32x8x128xi32, #tpu.memory_space<hbm>> -> memref<1x1x8x128xi32, #tpu.memory_space<hbm>>
    %dma_wait3A_862 = tpu.memref_squeeze %dma_wait3A_861 : memref<1x1x8x128xi32, #tpu.memory_space<hbm>> -> memref<8x128xi32, #tpu.memory_space<hbm>>
    tpu.wait_dma2 semaphore(%arg26 : memref<!tpu.dma_semaphore, #tpu.memory_space<semaphore_mem>>) src(%dma_wait3A_862 : memref<8x128xi32, #tpu.memory_space<hbm>>) dst(%dma_wait3A_858 : memref<8x128xi32, #tpu.memory_space<vmem>>)
    %dma_wait3A_863 = arith.constant 23 : i32
    %dma_wait3A_864 = arith.constant 23 : i32
    %dma_wait3A_865 = arith.constant 0 : i32
    %dma_wait3A_866 = arith.constant 0 : i32
    %dma_wait3A_867 = tpu.memref_slice %arg7[%dma_wait3A_864, %dma_wait3A_865, %dma_wait3A_866] : memref<25x8x128xi32, #tpu.memory_space<vmem>> -> memref<1x8x128xi32, #tpu.memory_space<vmem>>
    %dma_wait3A_868 = tpu.memref_squeeze %dma_wait3A_867 : memref<1x8x128xi32, #tpu.memory_space<vmem>> -> memref<8x128xi32, #tpu.memory_space<vmem>>
    %dma_wait3A_869 = arith.constant 0 : i32
    %dma_wait3A_870 = arith.constant 0 : i32
    %dma_wait3A_871 = tpu.memref_slice %arg2[%dma_wait3A_863, %add3A, %dma_wait3A_869, %dma_wait3A_870] : memref<25x32x8x128xi32, #tpu.memory_space<hbm>> -> memref<1x1x8x128xi32, #tpu.memory_space<hbm>>
    %dma_wait3A_872 = tpu.memref_squeeze %dma_wait3A_871 : memref<1x1x8x128xi32, #tpu.memory_space<hbm>> -> memref<8x128xi32, #tpu.memory_space<hbm>>
    %dma_wait3A_873 = arith.constant 0 : i32
    %dma_wait3A_874 = arith.constant 0 : i32
    %dma_wait3A_875 = tpu.memref_slice %arg7[%dma_wait3A_864, %dma_wait3A_873, %dma_wait3A_874] : memref<25x8x128xi32, #tpu.memory_space<vmem>> -> memref<1x8x128xi32, #tpu.memory_space<vmem>>
    %dma_wait3A_876 = tpu.memref_squeeze %dma_wait3A_875 : memref<1x8x128xi32, #tpu.memory_space<vmem>> -> memref<8x128xi32, #tpu.memory_space<vmem>>
    %dma_wait3A_877 = arith.constant 0 : i32
    %dma_wait3A_878 = arith.constant 0 : i32
    %dma_wait3A_879 = tpu.memref_slice %arg2[%dma_wait3A_863, %add3A, %dma_wait3A_877, %dma_wait3A_878] : memref<25x32x8x128xi32, #tpu.memory_space<hbm>> -> memref<1x1x8x128xi32, #tpu.memory_space<hbm>>
    %dma_wait3A_880 = tpu.memref_squeeze %dma_wait3A_879 : memref<1x1x8x128xi32, #tpu.memory_space<hbm>> -> memref<8x128xi32, #tpu.memory_space<hbm>>
    tpu.wait_dma2 semaphore(%arg26 : memref<!tpu.dma_semaphore, #tpu.memory_space<semaphore_mem>>) src(%dma_wait3A_880 : memref<8x128xi32, #tpu.memory_space<hbm>>) dst(%dma_wait3A_876 : memref<8x128xi32, #tpu.memory_space<vmem>>)
    %dma_wait3A_881 = arith.constant 24 : i32
    %dma_wait3A_882 = arith.constant 24 : i32
    %dma_wait3A_883 = arith.constant 0 : i32
    %dma_wait3A_884 = arith.constant 0 : i32
    %dma_wait3A_885 = tpu.memref_slice %arg7[%dma_wait3A_882, %dma_wait3A_883, %dma_wait3A_884] : memref<25x8x128xi32, #tpu.memory_space<vmem>> -> memref<1x8x128xi32, #tpu.memory_space<vmem>>
    %dma_wait3A_886 = tpu.memref_squeeze %dma_wait3A_885 : memref<1x8x128xi32, #tpu.memory_space<vmem>> -> memref<8x128xi32, #tpu.memory_space<vmem>>
    %dma_wait3A_887 = arith.constant 0 : i32
    %dma_wait3A_888 = arith.constant 0 : i32
    %dma_wait3A_889 = tpu.memref_slice %arg2[%dma_wait3A_881, %add3A, %dma_wait3A_887, %dma_wait3A_888] : memref<25x32x8x128xi32, #tpu.memory_space<hbm>> -> memref<1x1x8x128xi32, #tpu.memory_space<hbm>>
    %dma_wait3A_890 = tpu.memref_squeeze %dma_wait3A_889 : memref<1x1x8x128xi32, #tpu.memory_space<hbm>> -> memref<8x128xi32, #tpu.memory_space<hbm>>
    %dma_wait3A_891 = arith.constant 0 : i32
    %dma_wait3A_892 = arith.constant 0 : i32
    %dma_wait3A_893 = tpu.memref_slice %arg7[%dma_wait3A_882, %dma_wait3A_891, %dma_wait3A_892] : memref<25x8x128xi32, #tpu.memory_space<vmem>> -> memref<1x8x128xi32, #tpu.memory_space<vmem>>
    %dma_wait3A_894 = tpu.memref_squeeze %dma_wait3A_893 : memref<1x8x128xi32, #tpu.memory_space<vmem>> -> memref<8x128xi32, #tpu.memory_space<vmem>>
    %dma_wait3A_895 = arith.constant 0 : i32
    %dma_wait3A_896 = arith.constant 0 : i32
    %dma_wait3A_897 = tpu.memref_slice %arg2[%dma_wait3A_881, %add3A, %dma_wait3A_895, %dma_wait3A_896] : memref<25x32x8x128xi32, #tpu.memory_space<hbm>> -> memref<1x1x8x128xi32, #tpu.memory_space<hbm>>
    %dma_wait3A_898 = tpu.memref_squeeze %dma_wait3A_897 : memref<1x1x8x128xi32, #tpu.memory_space<hbm>> -> memref<8x128xi32, #tpu.memory_space<hbm>>
    tpu.wait_dma2 semaphore(%arg26 : memref<!tpu.dma_semaphore, #tpu.memory_space<semaphore_mem>>) src(%dma_wait3A_898 : memref<8x128xi32, #tpu.memory_space<hbm>>) dst(%dma_wait3A_894 : memref<8x128xi32, #tpu.memory_space<vmem>>)
    %iota3A = tpu.iota {dimensions = array<i32: 0>} : vector<16xi32>
    %jit3A = arith.constant 8 : i32
    %div3A = vector.broadcast %jit3A : i32 to vector<16xi32>
    %div3A_899 = arith.divsi %iota3A, %div3A : vector<16xi32>
    %sign3A = arith.constant 0 : i32
    %sign3A_900 = vector.broadcast %sign3A : i32 to vector<16xi32>
    %sign3A_901 = arith.cmpi sgt, %iota3A, %sign3A_900 : vector<16xi32>
    %sign3A_902 = arith.extui %sign3A_901 : vector<16xi1> to vector<16xi32>
    %sign3A_903 = arith.constant 0 : i32
    %sign3A_904 = vector.broadcast %sign3A_903 : i32 to vector<16xi32>
    %sign3A_905 = arith.cmpi slt, %iota3A, %sign3A_904 : vector<16xi32>
    %sign3A_906 = arith.extui %sign3A_905 : vector<16xi1> to vector<16xi32>
    %sign3A_907 = arith.subi %sign3A_902, %sign3A_906 : vector<16xi32>
    %sign3A_908 = arith.constant 0 : i32
    %sign3A_909 = arith.cmpi sgt, %jit3A, %sign3A_908 : i32
    %sign3A_910 = arith.extui %sign3A_909 : i1 to i32
    %sign3A_911 = arith.constant 0 : i32
    %sign3A_912 = arith.cmpi slt, %jit3A, %sign3A_911 : i32
    %sign3A_913 = arith.extui %sign3A_912 : i1 to i32
    %sign3A_914 = arith.subi %sign3A_910, %sign3A_913 : i32
    %ne3A = vector.broadcast %sign3A_914 : i32 to vector<16xi32>
    %ne3A_915 = arith.cmpi ne, %sign3A_907, %ne3A : vector<16xi32>
    %rem3A = vector.broadcast %jit3A : i32 to vector<16xi32>
    %rem3A_916 = arith.remsi %iota3A, %rem3A : vector<16xi32>
    %ne3A_917 = arith.constant 0 : i32
    %ne3A_918 = vector.broadcast %ne3A_917 : i32 to vector<16xi32>
    %ne3A_919 = arith.cmpi ne, %rem3A_916, %ne3A_918 : vector<16xi32>
    %and3A = arith.andi %ne3A_915, %ne3A_919 : vector<16xi1>
    %sub3A = arith.constant 1 : i32
    %sub3A_920 = vector.broadcast %sub3A : i32 to vector<16xi32>
    %sub3A_921 = arith.subi %div3A_899, %sub3A_920 : vector<16xi32>
    %select_n3A = arith.select %and3A, %sub3A_921, %div3A_899 : vector<16xi1>, vector<16xi32>
    %add3A_922 = arith.constant 0 : i32
    %add3A_923 = vector.broadcast %add3A_922 : i32 to vector<16xi32>
    %add3A_924 = arith.addi %select_n3A, %add3A_923 : vector<16xi32>
    %jit3A_925 = arith.constant 8 : i32
    %div3A_926 = vector.broadcast %jit3A_925 : i32 to vector<16xi32>
    %div3A_927 = arith.divsi %iota3A, %div3A_926 : vector<16xi32>
    %sign3A_928 = arith.constant 0 : i32
    %sign3A_929 = vector.broadcast %sign3A_928 : i32 to vector<16xi32>
    %sign3A_930 = arith.cmpi sgt, %iota3A, %sign3A_929 : vector<16xi32>
    %sign3A_931 = arith.extui %sign3A_930 : vector<16xi1> to vector<16xi32>
    %sign3A_932 = arith.constant 0 : i32
    %sign3A_933 = vector.broadcast %sign3A_932 : i32 to vector<16xi32>
    %sign3A_934 = arith.cmpi slt, %iota3A, %sign3A_933 : vector<16xi32>
    %sign3A_935 = arith.extui %sign3A_934 : vector<16xi1> to vector<16xi32>
    %sign3A_936 = arith.subi %sign3A_931, %sign3A_935 : vector<16xi32>
    %sign3A_937 = arith.constant 0 : i32
    %sign3A_938 = arith.cmpi sgt, %jit3A_925, %sign3A_937 : i32
    %sign3A_939 = arith.extui %sign3A_938 : i1 to i32
    %sign3A_940 = arith.constant 0 : i32
    %sign3A_941 = arith.cmpi slt, %jit3A_925, %sign3A_940 : i32
    %sign3A_942 = arith.extui %sign3A_941 : i1 to i32
    %sign3A_943 = arith.subi %sign3A_939, %sign3A_942 : i32
    %ne3A_944 = vector.broadcast %sign3A_943 : i32 to vector<16xi32>
    %ne3A_945 = arith.cmpi ne, %sign3A_936, %ne3A_944 : vector<16xi32>
    %rem3A_946 = vector.broadcast %jit3A_925 : i32 to vector<16xi32>
    %rem3A_947 = arith.remsi %iota3A, %rem3A_946 : vector<16xi32>
    %ne3A_948 = arith.constant 0 : i32
    %ne3A_949 = vector.broadcast %ne3A_948 : i32 to vector<16xi32>
    %ne3A_950 = arith.cmpi ne, %rem3A_947, %ne3A_949 : vector<16xi32>
    %and3A_951 = arith.andi %ne3A_945, %ne3A_950 : vector<16xi1>
    %sub3A_952 = arith.constant 1 : i32
    %sub3A_953 = vector.broadcast %sub3A_952 : i32 to vector<16xi32>
    %sub3A_954 = arith.subi %div3A_927, %sub3A_953 : vector<16xi32>
    %select_n3A_955 = arith.select %and3A_951, %sub3A_954, %div3A_927 : vector<16xi1>, vector<16xi32>
    %add3A_956 = arith.constant 2 : i32
    %add3A_957 = vector.broadcast %add3A_956 : i32 to vector<16xi32>
    %add3A_958 = arith.addi %select_n3A_955, %add3A_957 : vector<16xi32>
    %jit3A_959 = arith.constant 8 : i32
    %div3A_960 = vector.broadcast %jit3A_959 : i32 to vector<16xi32>
    %div3A_961 = arith.divsi %iota3A, %div3A_960 : vector<16xi32>
    %sign3A_962 = arith.constant 0 : i32
    %sign3A_963 = vector.broadcast %sign3A_962 : i32 to vector<16xi32>
    %sign3A_964 = arith.cmpi sgt, %iota3A, %sign3A_963 : vector<16xi32>
    %sign3A_965 = arith.extui %sign3A_964 : vector<16xi1> to vector<16xi32>
    %sign3A_966 = arith.constant 0 : i32
    %sign3A_967 = vector.broadcast %sign3A_966 : i32 to vector<16xi32>
    %sign3A_968 = arith.cmpi slt, %iota3A, %sign3A_967 : vector<16xi32>
    %sign3A_969 = arith.extui %sign3A_968 : vector<16xi1> to vector<16xi32>
    %sign3A_970 = arith.subi %sign3A_965, %sign3A_969 : vector<16xi32>
    %sign3A_971 = arith.constant 0 : i32
    %sign3A_972 = arith.cmpi sgt, %jit3A_959, %sign3A_971 : i32
    %sign3A_973 = arith.extui %sign3A_972 : i1 to i32
    %sign3A_974 = arith.constant 0 : i32
    %sign3A_975 = arith.cmpi slt, %jit3A_959, %sign3A_974 : i32
    %sign3A_976 = arith.extui %sign3A_975 : i1 to i32
    %sign3A_977 = arith.subi %sign3A_973, %sign3A_976 : i32
    %ne3A_978 = vector.broadcast %sign3A_977 : i32 to vector<16xi32>
    %ne3A_979 = arith.cmpi ne, %sign3A_970, %ne3A_978 : vector<16xi32>
    %rem3A_980 = vector.broadcast %jit3A_959 : i32 to vector<16xi32>
    %rem3A_981 = arith.remsi %iota3A, %rem3A_980 : vector<16xi32>
    %ne3A_982 = arith.constant 0 : i32
    %ne3A_983 = vector.broadcast %ne3A_982 : i32 to vector<16xi32>
    %ne3A_984 = arith.cmpi ne, %rem3A_981, %ne3A_983 : vector<16xi32>
    %and3A_985 = arith.andi %ne3A_979, %ne3A_984 : vector<16xi1>
    %sub3A_986 = arith.constant 1 : i32
    %sub3A_987 = vector.broadcast %sub3A_986 : i32 to vector<16xi32>
    %sub3A_988 = arith.subi %div3A_961, %sub3A_987 : vector<16xi32>
    %select_n3A_989 = arith.select %and3A_985, %sub3A_988, %div3A_961 : vector<16xi1>, vector<16xi32>
    %add3A_990 = arith.constant 4 : i32
    %add3A_991 = vector.broadcast %add3A_990 : i32 to vector<16xi32>
    %add3A_992 = arith.addi %select_n3A_989, %add3A_991 : vector<16xi32>
    %jit3A_993 = arith.constant 8 : i32
    %div3A_994 = vector.broadcast %jit3A_993 : i32 to vector<16xi32>
    %div3A_995 = arith.divsi %iota3A, %div3A_994 : vector<16xi32>
    %sign3A_996 = arith.constant 0 : i32
    %sign3A_997 = vector.broadcast %sign3A_996 : i32 to vector<16xi32>
    %sign3A_998 = arith.cmpi sgt, %iota3A, %sign3A_997 : vector<16xi32>
    %sign3A_999 = arith.extui %sign3A_998 : vector<16xi1> to vector<16xi32>
    %sign3A_1000 = arith.constant 0 : i32
    %sign3A_1001 = vector.broadcast %sign3A_1000 : i32 to vector<16xi32>
    %sign3A_1002 = arith.cmpi slt, %iota3A, %sign3A_1001 : vector<16xi32>
    %sign3A_1003 = arith.extui %sign3A_1002 : vector<16xi1> to vector<16xi32>
    %sign3A_1004 = arith.subi %sign3A_999, %sign3A_1003 : vector<16xi32>
    %sign3A_1005 = arith.constant 0 : i32
    %sign3A_1006 = arith.cmpi sgt, %jit3A_993, %sign3A_1005 : i32
    %sign3A_1007 = arith.extui %sign3A_1006 : i1 to i32
    %sign3A_1008 = arith.constant 0 : i32
    %sign3A_1009 = arith.cmpi slt, %jit3A_993, %sign3A_1008 : i32
    %sign3A_1010 = arith.extui %sign3A_1009 : i1 to i32
    %sign3A_1011 = arith.subi %sign3A_1007, %sign3A_1010 : i32
    %ne3A_1012 = vector.broadcast %sign3A_1011 : i32 to vector<16xi32>
    %ne3A_1013 = arith.cmpi ne, %sign3A_1004, %ne3A_1012 : vector<16xi32>
    %rem3A_1014 = vector.broadcast %jit3A_993 : i32 to vector<16xi32>
    %rem3A_1015 = arith.remsi %iota3A, %rem3A_1014 : vector<16xi32>
    %ne3A_1016 = arith.constant 0 : i32
    %ne3A_1017 = vector.broadcast %ne3A_1016 : i32 to vector<16xi32>
    %ne3A_1018 = arith.cmpi ne, %rem3A_1015, %ne3A_1017 : vector<16xi32>
    %and3A_1019 = arith.andi %ne3A_1013, %ne3A_1018 : vector<16xi1>
    %sub3A_1020 = arith.constant 1 : i32
    %sub3A_1021 = vector.broadcast %sub3A_1020 : i32 to vector<16xi32>
    %sub3A_1022 = arith.subi %div3A_995, %sub3A_1021 : vector<16xi32>
    %select_n3A_1023 = arith.select %and3A_1019, %sub3A_1022, %div3A_995 : vector<16xi1>, vector<16xi32>
    %add3A_1024 = arith.constant 6 : i32
    %add3A_1025 = vector.broadcast %add3A_1024 : i32 to vector<16xi32>
    %add3A_1026 = arith.addi %select_n3A_1023, %add3A_1025 : vector<16xi32>
    %jit3A_1027 = arith.constant 8 : i32
    %eq3A = arith.constant 0 : i32
    %eq3A_1028 = arith.cmpi eq, %jit3A_1027, %eq3A : i32
    %jit3A_1029 = arith.constant 1 : i32
    %select_n3A_1030 = arith.select %eq3A_1028, %jit3A_1029, %jit3A_1027 : i32
    %rem3A_1031 = vector.broadcast %select_n3A_1030 : i32 to vector<16xi32>
    %rem3A_1032 = arith.remsi %iota3A, %rem3A_1031 : vector<16xi32>
    %ne3A_1033 = arith.constant 0 : i32
    %ne3A_1034 = vector.broadcast %ne3A_1033 : i32 to vector<16xi32>
    %ne3A_1035 = arith.cmpi ne, %rem3A_1032, %ne3A_1034 : vector<16xi32>
    %lt3A = arith.constant 0 : i32
    %lt3A_1036 = vector.broadcast %lt3A : i32 to vector<16xi32>
    %lt3A_1037 = arith.cmpi slt, %rem3A_1032, %lt3A_1036 : vector<16xi32>
    %lt3A_1038 = arith.constant 0 : i32
    %lt3A_1039 = arith.cmpi slt, %select_n3A_1030, %lt3A_1038 : i32
    %ne3A_1040 = vector.broadcast %lt3A_1039 : i1 to vector<16xi1>
    %ne3A_1041 = vector.broadcast %ne3A_1040 : vector<16xi1> to vector<16xi1>
    %ne3A_1042 = arith.xori %lt3A_1037, %ne3A_1041 : vector<16xi1>
    %and3A_1043 = arith.andi %ne3A_1042, %ne3A_1035 : vector<16xi1>
    %add3A_1044 = vector.broadcast %select_n3A_1030 : i32 to vector<16xi32>
    %add3A_1045 = arith.addi %rem3A_1032, %add3A_1044 : vector<16xi32>
    %select_n3A_1046 = arith.select %and3A_1043, %add3A_1045, %rem3A_1032 : vector<16xi1>, vector<16xi32>
    %jit3A_1047 = arith.constant 8 : i32
    %eq3A_1048 = arith.constant 0 : i32
    %eq3A_1049 = arith.cmpi eq, %jit3A_1047, %eq3A_1048 : i32
    %jit3A_1050 = arith.constant 1 : i32
    %select_n3A_1051 = arith.select %eq3A_1049, %jit3A_1050, %jit3A_1047 : i32
    %rem3A_1052 = vector.broadcast %select_n3A_1051 : i32 to vector<16xi32>
    %rem3A_1053 = arith.remsi %iota3A, %rem3A_1052 : vector<16xi32>
    %ne3A_1054 = arith.constant 0 : i32
    %ne3A_1055 = vector.broadcast %ne3A_1054 : i32 to vector<16xi32>
    %ne3A_1056 = arith.cmpi ne, %rem3A_1053, %ne3A_1055 : vector<16xi32>
    %lt3A_1057 = arith.constant 0 : i32
    %lt3A_1058 = vector.broadcast %lt3A_1057 : i32 to vector<16xi32>
    %lt3A_1059 = arith.cmpi slt, %rem3A_1053, %lt3A_1058 : vector<16xi32>
    %lt3A_1060 = arith.constant 0 : i32
    %lt3A_1061 = arith.cmpi slt, %select_n3A_1051, %lt3A_1060 : i32
    %ne3A_1062 = vector.broadcast %lt3A_1061 : i1 to vector<16xi1>
    %ne3A_1063 = vector.broadcast %ne3A_1062 : vector<16xi1> to vector<16xi1>
    %ne3A_1064 = arith.xori %lt3A_1059, %ne3A_1063 : vector<16xi1>
    %and3A_1065 = arith.andi %ne3A_1064, %ne3A_1056 : vector<16xi1>
    %add3A_1066 = vector.broadcast %select_n3A_1051 : i32 to vector<16xi32>
    %add3A_1067 = arith.addi %rem3A_1053, %add3A_1066 : vector<16xi32>
    %select_n3A_1068 = arith.select %and3A_1065, %add3A_1067, %rem3A_1053 : vector<16xi1>, vector<16xi32>
    %jit3A_1069 = arith.constant 8 : i32
    %eq3A_1070 = arith.constant 0 : i32
    %eq3A_1071 = arith.cmpi eq, %jit3A_1069, %eq3A_1070 : i32
    %jit3A_1072 = arith.constant 1 : i32
    %select_n3A_1073 = arith.select %eq3A_1071, %jit3A_1072, %jit3A_1069 : i32
    %rem3A_1074 = vector.broadcast %select_n3A_1073 : i32 to vector<16xi32>
    %rem3A_1075 = arith.remsi %iota3A, %rem3A_1074 : vector<16xi32>
    %ne3A_1076 = arith.constant 0 : i32
    %ne3A_1077 = vector.broadcast %ne3A_1076 : i32 to vector<16xi32>
    %ne3A_1078 = arith.cmpi ne, %rem3A_1075, %ne3A_1077 : vector<16xi32>
    %lt3A_1079 = arith.constant 0 : i32
    %lt3A_1080 = vector.broadcast %lt3A_1079 : i32 to vector<16xi32>
    %lt3A_1081 = arith.cmpi slt, %rem3A_1075, %lt3A_1080 : vector<16xi32>
    %lt3A_1082 = arith.constant 0 : i32
    %lt3A_1083 = arith.cmpi slt, %select_n3A_1073, %lt3A_1082 : i32
    %ne3A_1084 = vector.broadcast %lt3A_1083 : i1 to vector<16xi1>
    %ne3A_1085 = vector.broadcast %ne3A_1084 : vector<16xi1> to vector<16xi1>
    %ne3A_1086 = arith.xori %lt3A_1081, %ne3A_1085 : vector<16xi1>
    %and3A_1087 = arith.andi %ne3A_1086, %ne3A_1078 : vector<16xi1>
    %add3A_1088 = vector.broadcast %select_n3A_1073 : i32 to vector<16xi32>
    %add3A_1089 = arith.addi %rem3A_1075, %add3A_1088 : vector<16xi32>
    %select_n3A_1090 = arith.select %and3A_1087, %add3A_1089, %rem3A_1075 : vector<16xi1>, vector<16xi32>
    %jit3A_1091 = arith.constant 8 : i32
    %eq3A_1092 = arith.constant 0 : i32
    %eq3A_1093 = arith.cmpi eq, %jit3A_1091, %eq3A_1092 : i32
    %jit3A_1094 = arith.constant 1 : i32
    %select_n3A_1095 = arith.select %eq3A_1093, %jit3A_1094, %jit3A_1091 : i32
    %rem3A_1096 = vector.broadcast %select_n3A_1095 : i32 to vector<16xi32>
    %rem3A_1097 = arith.remsi %iota3A, %rem3A_1096 : vector<16xi32>
    %ne3A_1098 = arith.constant 0 : i32
    %ne3A_1099 = vector.broadcast %ne3A_1098 : i32 to vector<16xi32>
    %ne3A_1100 = arith.cmpi ne, %rem3A_1097, %ne3A_1099 : vector<16xi32>
    %lt3A_1101 = arith.constant 0 : i32
    %lt3A_1102 = vector.broadcast %lt3A_1101 : i32 to vector<16xi32>
    %lt3A_1103 = arith.cmpi slt, %rem3A_1097, %lt3A_1102 : vector<16xi32>
    %lt3A_1104 = arith.constant 0 : i32
    %lt3A_1105 = arith.cmpi slt, %select_n3A_1095, %lt3A_1104 : i32
    %ne3A_1106 = vector.broadcast %lt3A_1105 : i1 to vector<16xi1>
    %ne3A_1107 = vector.broadcast %ne3A_1106 : vector<16xi1> to vector<16xi1>
    %ne3A_1108 = arith.xori %lt3A_1103, %ne3A_1107 : vector<16xi1>
    %and3A_1109 = arith.andi %ne3A_1108, %ne3A_1100 : vector<16xi1>
    %add3A_1110 = vector.broadcast %select_n3A_1095 : i32 to vector<16xi32>
    %add3A_1111 = arith.addi %rem3A_1097, %add3A_1110 : vector<16xi32>
    %select_n3A_1112 = arith.select %and3A_1109, %add3A_1111, %rem3A_1097 : vector<16xi1>, vector<16xi32>
    %dma_start3A_1113 = arith.constant 0 : i32
    %dma_start3A_1114 = arith.constant 0 : i32
    %dma_start3A_1115 = arith.constant 0 : i32
    %dma_start3A_1116 = tpu.memref_slice %arg7[%dma_start3A_1113, %dma_start3A_1114, %dma_start3A_1115] : memref<25x8x128xi32, #tpu.memory_space<vmem>> -> memref<1x1x128xi32, #tpu.memory_space<vmem>>
    %dma_start3A_1117 = tpu.memref_squeeze %dma_start3A_1116 : memref<1x1x128xi32, #tpu.memory_space<vmem>> -> memref<128xi32, #tpu.memory_space<vmem>>
    %dma_start3A_1118 = arith.constant 0 : i32
    %dma_start3A_1119 = arith.constant 0 : i32
    %dma_start3A_1120 = tpu.memref_slice %arg3[%dma_start3A_1118, %dma_start3A_1119] : memref<1000000x64xf32, #tpu.memory_space<hbm>> -> memref<1000000x64xf32, #tpu.memory_space<hbm>>
    tpu.enqueue_indirect_dma source(%dma_start3A_1120 : memref<1000000x64xf32, #tpu.memory_space<hbm>>) target(%arg10 : memref<128x64xf32, #tpu.memory_space<vmem>>) offsets(%dma_start3A_1117 : memref<128xi32, #tpu.memory_space<vmem>>) semaphore(%arg18 : memref<!tpu.dma_semaphore, #tpu.memory_space<semaphore_mem>>)
    %dma_start3A_1121 = arith.constant 0 : i32
    %dma_start3A_1122 = arith.constant 1 : i32
    %dma_start3A_1123 = arith.constant 0 : i32
    %dma_start3A_1124 = tpu.memref_slice %arg7[%dma_start3A_1121, %dma_start3A_1122, %dma_start3A_1123] : memref<25x8x128xi32, #tpu.memory_space<vmem>> -> memref<1x1x128xi32, #tpu.memory_space<vmem>>
    %dma_start3A_1125 = tpu.memref_squeeze %dma_start3A_1124 : memref<1x1x128xi32, #tpu.memory_space<vmem>> -> memref<128xi32, #tpu.memory_space<vmem>>
    %dma_start3A_1126 = arith.constant 0 : i32
    %dma_start3A_1127 = arith.constant 0 : i32
    %dma_start3A_1128 = tpu.memref_slice %arg3[%dma_start3A_1126, %dma_start3A_1127] : memref<1000000x64xf32, #tpu.memory_space<hbm>> -> memref<1000000x64xf32, #tpu.memory_space<hbm>>
    tpu.enqueue_indirect_dma source(%dma_start3A_1128 : memref<1000000x64xf32, #tpu.memory_space<hbm>>) target(%arg11 : memref<128x64xf32, #tpu.memory_space<vmem>>) offsets(%dma_start3A_1125 : memref<128xi32, #tpu.memory_space<vmem>>) semaphore(%arg19 : memref<!tpu.dma_semaphore, #tpu.memory_space<semaphore_mem>>)
    %dma_start3A_1129 = arith.constant 0 : i32
    %dma_start3A_1130 = arith.constant 2 : i32
    %dma_start3A_1131 = arith.constant 0 : i32
    %dma_start3A_1132 = tpu.memref_slice %arg7[%dma_start3A_1129, %dma_start3A_1130, %dma_start3A_1131] : memref<25x8x128xi32, #tpu.memory_space<vmem>> -> memref<1x1x128xi32, #tpu.memory_space<vmem>>
    %dma_start3A_1133 = tpu.memref_squeeze %dma_start3A_1132 : memref<1x1x128xi32, #tpu.memory_space<vmem>> -> memref<128xi32, #tpu.memory_space<vmem>>
    %dma_start3A_1134 = arith.constant 0 : i32
    %dma_start3A_1135 = arith.constant 0 : i32
    %dma_start3A_1136 = tpu.memref_slice %arg3[%dma_start3A_1134, %dma_start3A_1135] : memref<1000000x64xf32, #tpu.memory_space<hbm>> -> memref<1000000x64xf32, #tpu.memory_space<hbm>>
    tpu.enqueue_indirect_dma source(%dma_start3A_1136 : memref<1000000x64xf32, #tpu.memory_space<hbm>>) target(%arg12 : memref<128x64xf32, #tpu.memory_space<vmem>>) offsets(%dma_start3A_1133 : memref<128xi32, #tpu.memory_space<vmem>>) semaphore(%arg20 : memref<!tpu.dma_semaphore, #tpu.memory_space<semaphore_mem>>)
    %scan3A = arith.constant 0 : i32
    %scan3A_1137 = arith.constant 0 : i32
    %scan3A_1138 = arith.constant 50 : i32
    %scan3A_1139 = arith.addi %scan3A_1137, %scan3A_1138 : i32
    %scan3A_1140 = arith.constant 1 : i32
    scf.for %scan3A_1218 = %scan3A_1137 to %scan3A_1139 step %scan3A_1140  : i32 {
      %mul3A_1219 = arith.constant 4 : i32
      %mul3A_1220 = arith.muli %scan3A_1218, %mul3A_1219 : i32
      %add3A_1221 = arith.constant 0 : i32
      %add3A_1222 = arith.addi %mul3A_1220, %add3A_1221 : i32
      %ge3A = arith.constant 3 : i32
      %ge3A_1223 = arith.cmpi sge, %add3A_1222, %ge3A : i32
      %convert_element_type3A = arith.extui %ge3A_1223 : i1 to i32
      %cond3A = arith.constant 0 : i32
      %cond3A_1224 = arith.cmpi ne, %convert_element_type3A, %cond3A : i32
      scf.if %cond3A_1224 {
        %dma_wait3A_1542 = arith.constant 0 : i32
        %dma_wait3A_1543 = arith.constant 0 : i32
        %dma_wait3A_1544 = arith.constant 0 : i32
        %dma_wait3A_1545 = arith.constant 0 : i32
        %dma_wait3A_1546 = tpu.memref_slice %arg15[%dma_wait3A_1543, %dma_wait3A_1544, %dma_wait3A_1545] : memref<8x8x129xf32, #tpu.memory_space<vmem>> -> memref<8x8x128xf32, #tpu.memory_space<vmem>>
        %dma_wait3A_1547 = arith.constant 0 : i32
        %dma_wait3A_1548 = arith.constant 0 : i32
        %dma_wait3A_1549 = arith.constant 0 : i32
        %dma_wait3A_1550 = tpu.memref_slice %arg6[%dma_wait3A_1542, %dma_wait3A_1547, %add3A, %dma_wait3A_1548, %dma_wait3A_1549] : memref<200x8x32x8x128xf32, #tpu.memory_space<hbm>> -> memref<1x8x1x8x128xf32, #tpu.memory_space<hbm>>
        %dma_wait3A_1551 = tpu.memref_squeeze %dma_wait3A_1550 : memref<1x8x1x8x128xf32, #tpu.memory_space<hbm>> -> memref<8x8x128xf32, #tpu.memory_space<hbm>>
        %dma_wait3A_1552 = arith.constant 0 : i32
        %dma_wait3A_1553 = arith.constant 0 : i32
        %dma_wait3A_1554 = arith.constant 0 : i32
        %dma_wait3A_1555 = tpu.memref_slice %arg6[%dma_wait3A_1542, %dma_wait3A_1552, %add3A, %dma_wait3A_1553, %dma_wait3A_1554] : memref<200x8x32x8x128xf32, #tpu.memory_space<hbm>> -> memref<1x8x1x8x128xf32, #tpu.memory_space<hbm>>
        %dma_wait3A_1556 = tpu.memref_squeeze %dma_wait3A_1555 : memref<1x8x1x8x128xf32, #tpu.memory_space<hbm>> -> memref<8x8x128xf32, #tpu.memory_space<hbm>>
        %dma_wait3A_1557 = arith.constant 0 : i32
        %dma_wait3A_1558 = arith.constant 0 : i32
        %dma_wait3A_1559 = arith.constant 0 : i32
        %dma_wait3A_1560 = tpu.memref_slice %arg15[%dma_wait3A_1557, %dma_wait3A_1558, %dma_wait3A_1559] : memref<8x8x129xf32, #tpu.memory_space<vmem>> -> memref<8x8x128xf32, #tpu.memory_space<vmem>>
        tpu.wait_dma2 semaphore(%arg23 : memref<!tpu.dma_semaphore, #tpu.memory_space<semaphore_mem>>) src(%dma_wait3A_1560 : memref<8x8x128xf32, #tpu.memory_space<vmem>>) dst(%dma_wait3A_1556 : memref<8x8x128xf32, #tpu.memory_space<hbm>>)
      } else {
      }
      %jit3A_1225 = arith.constant 8 : i32
      %div3A_1226 = arith.divsi %add3A_1222, %jit3A_1225 : i32
      %sign3A_1227 = arith.constant 0 : i32
      %sign3A_1228 = arith.cmpi sgt, %add3A_1222, %sign3A_1227 : i32
      %sign3A_1229 = arith.extui %sign3A_1228 : i1 to i32
      %sign3A_1230 = arith.constant 0 : i32
      %sign3A_1231 = arith.cmpi slt, %add3A_1222, %sign3A_1230 : i32
      %sign3A_1232 = arith.extui %sign3A_1231 : i1 to i32
      %sign3A_1233 = arith.subi %sign3A_1229, %sign3A_1232 : i32
      %sign3A_1234 = arith.constant 0 : i32
      %sign3A_1235 = arith.cmpi sgt, %jit3A_1225, %sign3A_1234 : i32
      %sign3A_1236 = arith.extui %sign3A_1235 : i1 to i32
      %sign3A_1237 = arith.constant 0 : i32
      %sign3A_1238 = arith.cmpi slt, %jit3A_1225, %sign3A_1237 : i32
      %sign3A_1239 = arith.extui %sign3A_1238 : i1 to i32
      %sign3A_1240 = arith.subi %sign3A_1236, %sign3A_1239 : i32
      %ne3A_1241 = arith.cmpi ne, %sign3A_1233, %sign3A_1240 : i32
      %rem3A_1242 = arith.remsi %add3A_1222, %jit3A_1225 : i32
      %ne3A_1243 = arith.constant 0 : i32
      %ne3A_1244 = arith.cmpi ne, %rem3A_1242, %ne3A_1243 : i32
      %and3A_1245 = arith.andi %ne3A_1241, %ne3A_1244 : i1
      %sub3A_1246 = arith.constant 1 : i32
      %sub3A_1247 = arith.subi %div3A_1226, %sub3A_1246 : i32
      %select_n3A_1248 = arith.select %and3A_1245, %sub3A_1247, %div3A_1226 : i32
      %jit3A_1249 = arith.constant 8 : i32
      %eq3A_1250 = arith.constant 0 : i32
      %eq3A_1251 = arith.cmpi eq, %jit3A_1249, %eq3A_1250 : i32
      %jit3A_1252 = arith.constant 1 : i32
      %select_n3A_1253 = arith.select %eq3A_1251, %jit3A_1252, %jit3A_1249 : i32
      %rem3A_1254 = arith.remsi %add3A_1222, %select_n3A_1253 : i32
      %ne3A_1255 = arith.constant 0 : i32
      %ne3A_1256 = arith.cmpi ne, %rem3A_1254, %ne3A_1255 : i32
      %lt3A_1257 = arith.constant 0 : i32
      %lt3A_1258 = arith.cmpi slt, %rem3A_1254, %lt3A_1257 : i32
      %lt3A_1259 = arith.constant 0 : i32
      %lt3A_1260 = arith.cmpi slt, %select_n3A_1253, %lt3A_1259 : i32
      %ne3A_1261 = arith.xori %lt3A_1258, %lt3A_1260 : i1
      %and3A_1262 = arith.andi %ne3A_1261, %ne3A_1256 : i1
      %add3A_1263 = arith.addi %rem3A_1254, %select_n3A_1253 : i32
      %select_n3A_1264 = arith.select %and3A_1262, %add3A_1263, %rem3A_1254 : i32
      %dma_wait3A_1265 = arith.constant 0 : i32
      %dma_wait3A_1266 = tpu.memref_slice %arg7[%select_n3A_1248, %select_n3A_1264, %dma_wait3A_1265] : memref<25x8x128xi32, #tpu.memory_space<vmem>> -> memref<1x1x128xi32, #tpu.memory_space<vmem>>
      %dma_wait3A_1267 = tpu.memref_squeeze %dma_wait3A_1266 : memref<1x1x128xi32, #tpu.memory_space<vmem>> -> memref<128xi32, #tpu.memory_space<vmem>>
      %dma_wait3A_1268 = arith.constant 0 : i32
      %dma_wait3A_1269 = arith.constant 0 : i32
      %dma_wait3A_1270 = tpu.memref_slice %arg3[%dma_wait3A_1268, %dma_wait3A_1269] : memref<1000000x64xf32, #tpu.memory_space<hbm>> -> memref<1000000x64xf32, #tpu.memory_space<hbm>>
      tpu.wait_indirect_dma semaphore(%arg18 : memref<!tpu.dma_semaphore, #tpu.memory_space<semaphore_mem>>) src(%dma_wait3A_1270 : memref<1000000x64xf32, #tpu.memory_space<hbm>>) dst(%arg10 : memref<128x64xf32, #tpu.memory_space<vmem>>)
      %get3A = arith.index_cast %add3A_1222 : i32 to index
      %get3A_1271 = arith.constant 0 : index
      %get3A_1272 = tpu.vector_load %arg8[%get3A, %get3A_1271] {strides = array<i32>} : memref<200x64xf32, #tpu.memory_space<vmem>>, vector<16xf32>,
      %get3A_1273 = arith.index_cast %add3A_1222 : i32 to index
      %get3A_1274 = arith.constant 16 : index
      %get3A_1275 = tpu.vector_load %arg8[%get3A_1273, %get3A_1274] {strides = array<i32>} : memref<200x64xf32, #tpu.memory_space<vmem>>, vector<16xf32>,
      %get3A_1276 = arith.index_cast %add3A_1222 : i32 to index
      %get3A_1277 = arith.constant 32 : index
      %get3A_1278 = tpu.vector_load %arg8[%get3A_1276, %get3A_1277] {strides = array<i32>} : memref<200x64xf32, #tpu.memory_space<vmem>>, vector<16xf32>,
      %get3A_1279 = arith.index_cast %add3A_1222 : i32 to index
      %get3A_1280 = arith.constant 48 : index
      %get3A_1281 = tpu.vector_load %arg8[%get3A_1279, %get3A_1280] {strides = array<i32>} : memref<200x64xf32, #tpu.memory_space<vmem>>, vector<16xf32>,
      %parallel_loop3A = arith.constant 0 : i32
      %parallel_loop3A_1282 = arith.constant 128 : i32
      %parallel_loop3A_1283 = arith.constant 1 : i32
      scf.for %parallel_loop3A_1542 = %parallel_loop3A to %parallel_loop3A_1282 step %parallel_loop3A_1283  : i32 {
        %parallel_loop3A_1543 = arith.index_cast %parallel_loop3A_1542 : i32 to index
        %parallel_loop3A_1544 = arith.constant 0 : index
        %parallel_loop3A_1545 = tpu.vector_load %arg9[%parallel_loop3A_1543, %parallel_loop3A_1544] {strides = array<i32>} : memref<128x16xi32, #tpu.memory_space<vmem>>, vector<16xi32>,
        %parallel_loop3A_1546 = arith.index_cast %parallel_loop3A_1542 : i32 to index
        %parallel_loop3A_1547 = arith.constant 0 : index
        %parallel_loop3A_1548 = tpu.vector_load %arg10[%parallel_loop3A_1546, %parallel_loop3A_1547] {strides = array<i32>} : memref<128x64xf32, #tpu.memory_space<vmem>>, vector<16xf32>,
        %parallel_loop3A_1549 = arith.addf %parallel_loop3A_1548, %get3A_1272 : vector<16xf32>
        tpu.vector_store_idx %arg14[%add3A_924, %select_n3A_1046, %parallel_loop3A_1545], %parallel_loop3A_1549 : memref<8x8x129xf32, #tpu.memory_space<vmem>>[vector<16xi32>, vector<16xi32>, vector<16xi32>], vector<16xf32>,
        %parallel_loop3A_1550 = arith.index_cast %parallel_loop3A_1542 : i32 to index
        %parallel_loop3A_1551 = arith.constant 16 : index
        %parallel_loop3A_1552 = tpu.vector_load %arg10[%parallel_loop3A_1550, %parallel_loop3A_1551] {strides = array<i32>} : memref<128x64xf32, #tpu.memory_space<vmem>>, vector<16xf32>,
        %parallel_loop3A_1553 = arith.addf %parallel_loop3A_1552, %get3A_1275 : vector<16xf32>
        tpu.vector_store_idx %arg14[%add3A_958, %select_n3A_1068, %parallel_loop3A_1545], %parallel_loop3A_1553 : memref<8x8x129xf32, #tpu.memory_space<vmem>>[vector<16xi32>, vector<16xi32>, vector<16xi32>], vector<16xf32>,
        %parallel_loop3A_1554 = arith.index_cast %parallel_loop3A_1542 : i32 to index
        %parallel_loop3A_1555 = arith.constant 32 : index
        %parallel_loop3A_1556 = tpu.vector_load %arg10[%parallel_loop3A_1554, %parallel_loop3A_1555] {strides = array<i32>} : memref<128x64xf32, #tpu.memory_space<vmem>>, vector<16xf32>,
        %parallel_loop3A_1557 = arith.addf %parallel_loop3A_1556, %get3A_1278 : vector<16xf32>
        tpu.vector_store_idx %arg14[%add3A_992, %select_n3A_1090, %parallel_loop3A_1545], %parallel_loop3A_1557 : memref<8x8x129xf32, #tpu.memory_space<vmem>>[vector<16xi32>, vector<16xi32>, vector<16xi32>], vector<16xf32>,
        %parallel_loop3A_1558 = arith.index_cast %parallel_loop3A_1542 : i32 to index
        %parallel_loop3A_1559 = arith.constant 48 : index
        %parallel_loop3A_1560 = tpu.vector_load %arg10[%parallel_loop3A_1558, %parallel_loop3A_1559] {strides = array<i32>} : memref<128x64xf32, #tpu.memory_space<vmem>>, vector<16xf32>,
        %parallel_loop3A_1561 = arith.addf %parallel_loop3A_1560, %get3A_1281 : vector<16xf32>
        tpu.vector_store_idx %arg14[%add3A_1026, %select_n3A_1112, %parallel_loop3A_1545], %parallel_loop3A_1561 : memref<8x8x129xf32, #tpu.memory_space<vmem>>[vector<16xi32>, vector<16xi32>, vector<16xi32>], vector<16xf32>,
      } {sc.loop_unroll_factor = 8 : i64, sc.parallel_access}
      %ge3A_1284 = arith.constant 1 : i32
      %ge3A_1285 = arith.cmpi sge, %add3A_1222, %ge3A_1284 : i32
      %convert_element_type3A_1286 = arith.extui %ge3A_1285 : i1 to i32
      %cond3A_1287 = arith.constant 0 : i32
      %cond3A_1288 = arith.cmpi ne, %convert_element_type3A_1286, %cond3A_1287 : i32
      scf.if %cond3A_1288 {
        %sub3A_1542 = arith.constant 1 : i32
        %sub3A_1543 = arith.subi %add3A_1222, %sub3A_1542 : i32
        %dma_start3A_1544 = arith.constant 0 : i32
        %dma_start3A_1545 = arith.constant 0 : i32
        %dma_start3A_1546 = arith.constant 0 : i32
        %dma_start3A_1547 = tpu.memref_slice %arg17[%dma_start3A_1544, %dma_start3A_1545, %dma_start3A_1546] : memref<8x8x129xf32, #tpu.memory_space<vmem>> -> memref<8x8x128xf32, #tpu.memory_space<vmem>>
        %dma_start3A_1548 = arith.constant 0 : i32
        %dma_start3A_1549 = arith.constant 0 : i32
        %dma_start3A_1550 = arith.constant 0 : i32
        %dma_start3A_1551 = tpu.memref_slice %arg6[%sub3A_1543, %dma_start3A_1548, %add3A, %dma_start3A_1549, %dma_start3A_1550] : memref<200x8x32x8x128xf32, #tpu.memory_space<hbm>> -> memref<1x8x1x8x128xf32, #tpu.memory_space<hbm>>
        %dma_start3A_1552 = tpu.memref_squeeze %dma_start3A_1551 : memref<1x8x1x8x128xf32, #tpu.memory_space<hbm>> -> memref<8x8x128xf32, #tpu.memory_space<hbm>>
        %dma_start3A_1553 = arith.constant 0 : i32
        %dma_start3A_1554 = arith.constant 0 : i32
        %dma_start3A_1555 = arith.constant 0 : i32
        %dma_start3A_1556 = tpu.memref_slice %arg6[%sub3A_1543, %dma_start3A_1553, %add3A, %dma_start3A_1554, %dma_start3A_1555] : memref<200x8x32x8x128xf32, #tpu.memory_space<hbm>> -> memref<1x8x1x8x128xf32, #tpu.memory_space<hbm>>
        %dma_start3A_1557 = tpu.memref_squeeze %dma_start3A_1556 : memref<1x8x1x8x128xf32, #tpu.memory_space<hbm>> -> memref<8x8x128xf32, #tpu.memory_space<hbm>>
        %dma_start3A_1558 = arith.constant 0 : i32
        %dma_start3A_1559 = arith.constant 0 : i32
        %dma_start3A_1560 = arith.constant 0 : i32
        %dma_start3A_1561 = tpu.memref_slice %arg17[%dma_start3A_1558, %dma_start3A_1559, %dma_start3A_1560] : memref<8x8x129xf32, #tpu.memory_space<vmem>> -> memref<8x8x128xf32, #tpu.memory_space<vmem>>
        tpu.enqueue_dma source(%dma_start3A_1561 : memref<8x8x128xf32, #tpu.memory_space<vmem>>) target(%dma_start3A_1557 : memref<8x8x128xf32, #tpu.memory_space<hbm>>) target_semaphore(%arg25 : memref<!tpu.dma_semaphore, #tpu.memory_space<semaphore_mem>>)
      } else {
      }
      %add3A_1289 = arith.constant 3 : i32
      %add3A_1290 = arith.addi %add3A_1222, %add3A_1289 : i32
      %lt3A_1291 = arith.constant 200 : i32
      %lt3A_1292 = arith.cmpi slt, %add3A_1290, %lt3A_1291 : i32
      %convert_element_type3A_1293 = arith.extui %lt3A_1292 : i1 to i32
      %cond3A_1294 = arith.constant 0 : i32
      %cond3A_1295 = arith.cmpi ne, %convert_element_type3A_1293, %cond3A_1294 : i32
      scf.if %cond3A_1295 {
        %add3A_1542 = arith.constant 3 : i32
        %add3A_1543 = arith.addi %add3A_1222, %add3A_1542 : i32
        %jit3A_1544 = arith.constant 8 : i32
        %div3A_1545 = arith.divsi %add3A_1543, %jit3A_1544 : i32
        %sign3A_1546 = arith.constant 0 : i32
        %sign3A_1547 = arith.cmpi sgt, %add3A_1543, %sign3A_1546 : i32
        %sign3A_1548 = arith.extui %sign3A_1547 : i1 to i32
        %sign3A_1549 = arith.constant 0 : i32
        %sign3A_1550 = arith.cmpi slt, %add3A_1543, %sign3A_1549 : i32
        %sign3A_1551 = arith.extui %sign3A_1550 : i1 to i32
        %sign3A_1552 = arith.subi %sign3A_1548, %sign3A_1551 : i32
        %sign3A_1553 = arith.constant 0 : i32
        %sign3A_1554 = arith.cmpi sgt, %jit3A_1544, %sign3A_1553 : i32
        %sign3A_1555 = arith.extui %sign3A_1554 : i1 to i32
        %sign3A_1556 = arith.constant 0 : i32
        %sign3A_1557 = arith.cmpi slt, %jit3A_1544, %sign3A_1556 : i32
        %sign3A_1558 = arith.extui %sign3A_1557 : i1 to i32
        %sign3A_1559 = arith.subi %sign3A_1555, %sign3A_1558 : i32
        %ne3A_1560 = arith.cmpi ne, %sign3A_1552, %sign3A_1559 : i32
        %rem3A_1561 = arith.remsi %add3A_1543, %jit3A_1544 : i32
        %ne3A_1562 = arith.constant 0 : i32
        %ne3A_1563 = arith.cmpi ne, %rem3A_1561, %ne3A_1562 : i32
        %and3A_1564 = arith.andi %ne3A_1560, %ne3A_1563 : i1
        %sub3A_1565 = arith.constant 1 : i32
        %sub3A_1566 = arith.subi %div3A_1545, %sub3A_1565 : i32
        %select_n3A_1567 = arith.select %and3A_1564, %sub3A_1566, %div3A_1545 : i32
        %jit3A_1568 = arith.constant 8 : i32
        %eq3A_1569 = arith.constant 0 : i32
        %eq3A_1570 = arith.cmpi eq, %jit3A_1568, %eq3A_1569 : i32
        %jit3A_1571 = arith.constant 1 : i32
        %select_n3A_1572 = arith.select %eq3A_1570, %jit3A_1571, %jit3A_1568 : i32
        %rem3A_1573 = arith.remsi %add3A_1543, %select_n3A_1572 : i32
        %ne3A_1574 = arith.constant 0 : i32
        %ne3A_1575 = arith.cmpi ne, %rem3A_1573, %ne3A_1574 : i32
        %lt3A_1576 = arith.constant 0 : i32
        %lt3A_1577 = arith.cmpi slt, %rem3A_1573, %lt3A_1576 : i32
        %lt3A_1578 = arith.constant 0 : i32
        %lt3A_1579 = arith.cmpi slt, %select_n3A_1572, %lt3A_1578 : i32
        %ne3A_1580 = arith.xori %lt3A_1577, %lt3A_1579 : i1
        %and3A_1581 = arith.andi %ne3A_1580, %ne3A_1575 : i1
        %add3A_1582 = arith.addi %rem3A_1573, %select_n3A_1572 : i32
        %select_n3A_1583 = arith.select %and3A_1581, %add3A_1582, %rem3A_1573 : i32
        %dma_start3A_1584 = arith.constant 0 : i32
        %dma_start3A_1585 = tpu.memref_slice %arg7[%select_n3A_1567, %select_n3A_1583, %dma_start3A_1584] : memref<25x8x128xi32, #tpu.memory_space<vmem>> -> memref<1x1x128xi32, #tpu.memory_space<vmem>>
        %dma_start3A_1586 = tpu.memref_squeeze %dma_start3A_1585 : memref<1x1x128xi32, #tpu.memory_space<vmem>> -> memref<128xi32, #tpu.memory_space<vmem>>
        %dma_start3A_1587 = arith.constant 0 : i32
        %dma_start3A_1588 = arith.constant 0 : i32
        %dma_start3A_1589 = tpu.memref_slice %arg3[%dma_start3A_1587, %dma_start3A_1588] : memref<1000000x64xf32, #tpu.memory_space<hbm>> -> memref<1000000x64xf32, #tpu.memory_space<hbm>>
        tpu.enqueue_indirect_dma source(%dma_start3A_1589 : memref<1000000x64xf32, #tpu.memory_space<hbm>>) target(%arg13 : memref<128x64xf32, #tpu.memory_space<vmem>>) offsets(%dma_start3A_1586 : memref<128xi32, #tpu.memory_space<vmem>>) semaphore(%arg21 : memref<!tpu.dma_semaphore, #tpu.memory_space<semaphore_mem>>)
      } else {
      }
      %mul3A_1296 = arith.constant 4 : i32
      %mul3A_1297 = arith.muli %scan3A_1218, %mul3A_1296 : i32
      %add3A_1298 = arith.constant 1 : i32
      %add3A_1299 = arith.addi %mul3A_1297, %add3A_1298 : i32
      %ge3A_1300 = arith.constant 3 : i32
      %ge3A_1301 = arith.cmpi sge, %add3A_1299, %ge3A_1300 : i32
      %convert_element_type3A_1302 = arith.extui %ge3A_1301 : i1 to i32
      %cond3A_1303 = arith.constant 0 : i32
      %cond3A_1304 = arith.cmpi ne, %convert_element_type3A_1302, %cond3A_1303 : i32
      scf.if %cond3A_1304 {
        %dma_wait3A_1542 = arith.constant 0 : i32
        %dma_wait3A_1543 = arith.constant 0 : i32
        %dma_wait3A_1544 = arith.constant 0 : i32
        %dma_wait3A_1545 = arith.constant 0 : i32
        %dma_wait3A_1546 = tpu.memref_slice %arg16[%dma_wait3A_1543, %dma_wait3A_1544, %dma_wait3A_1545] : memref<8x8x129xf32, #tpu.memory_space<vmem>> -> memref<8x8x128xf32, #tpu.memory_space<vmem>>
        %dma_wait3A_1547 = arith.constant 0 : i32
        %dma_wait3A_1548 = arith.constant 0 : i32
        %dma_wait3A_1549 = arith.constant 0 : i32
        %dma_wait3A_1550 = tpu.memref_slice %arg6[%dma_wait3A_1542, %dma_wait3A_1547, %add3A, %dma_wait3A_1548, %dma_wait3A_1549] : memref<200x8x32x8x128xf32, #tpu.memory_space<hbm>> -> memref<1x8x1x8x128xf32, #tpu.memory_space<hbm>>
        %dma_wait3A_1551 = tpu.memref_squeeze %dma_wait3A_1550 : memref<1x8x1x8x128xf32, #tpu.memory_space<hbm>> -> memref<8x8x128xf32, #tpu.memory_space<hbm>>
        %dma_wait3A_1552 = arith.constant 0 : i32
        %dma_wait3A_1553 = arith.constant 0 : i32
        %dma_wait3A_1554 = arith.constant 0 : i32
        %dma_wait3A_1555 = tpu.memref_slice %arg6[%dma_wait3A_1542, %dma_wait3A_1552, %add3A, %dma_wait3A_1553, %dma_wait3A_1554] : memref<200x8x32x8x128xf32, #tpu.memory_space<hbm>> -> memref<1x8x1x8x128xf32, #tpu.memory_space<hbm>>
        %dma_wait3A_1556 = tpu.memref_squeeze %dma_wait3A_1555 : memref<1x8x1x8x128xf32, #tpu.memory_space<hbm>> -> memref<8x8x128xf32, #tpu.memory_space<hbm>>
        %dma_wait3A_1557 = arith.constant 0 : i32
        %dma_wait3A_1558 = arith.constant 0 : i32
        %dma_wait3A_1559 = arith.constant 0 : i32
        %dma_wait3A_1560 = tpu.memref_slice %arg16[%dma_wait3A_1557, %dma_wait3A_1558, %dma_wait3A_1559] : memref<8x8x129xf32, #tpu.memory_space<vmem>> -> memref<8x8x128xf32, #tpu.memory_space<vmem>>
        tpu.wait_dma2 semaphore(%arg24 : memref<!tpu.dma_semaphore, #tpu.memory_space<semaphore_mem>>) src(%dma_wait3A_1560 : memref<8x8x128xf32, #tpu.memory_space<vmem>>) dst(%dma_wait3A_1556 : memref<8x8x128xf32, #tpu.memory_space<hbm>>)
      } else {
      }
      %jit3A_1305 = arith.constant 8 : i32
      %div3A_1306 = arith.divsi %add3A_1299, %jit3A_1305 : i32
      %sign3A_1307 = arith.constant 0 : i32
      %sign3A_1308 = arith.cmpi sgt, %add3A_1299, %sign3A_1307 : i32
      %sign3A_1309 = arith.extui %sign3A_1308 : i1 to i32
      %sign3A_1310 = arith.constant 0 : i32
      %sign3A_1311 = arith.cmpi slt, %add3A_1299, %sign3A_1310 : i32
      %sign3A_1312 = arith.extui %sign3A_1311 : i1 to i32
      %sign3A_1313 = arith.subi %sign3A_1309, %sign3A_1312 : i32
      %sign3A_1314 = arith.constant 0 : i32
      %sign3A_1315 = arith.cmpi sgt, %jit3A_1305, %sign3A_1314 : i32
      %sign3A_1316 = arith.extui %sign3A_1315 : i1 to i32
      %sign3A_1317 = arith.constant 0 : i32
      %sign3A_1318 = arith.cmpi slt, %jit3A_1305, %sign3A_1317 : i32
      %sign3A_1319 = arith.extui %sign3A_1318 : i1 to i32
      %sign3A_1320 = arith.subi %sign3A_1316, %sign3A_1319 : i32
      %ne3A_1321 = arith.cmpi ne, %sign3A_1313, %sign3A_1320 : i32
      %rem3A_1322 = arith.remsi %add3A_1299, %jit3A_1305 : i32
      %ne3A_1323 = arith.constant 0 : i32
      %ne3A_1324 = arith.cmpi ne, %rem3A_1322, %ne3A_1323 : i32
      %and3A_1325 = arith.andi %ne3A_1321, %ne3A_1324 : i1
      %sub3A_1326 = arith.constant 1 : i32
      %sub3A_1327 = arith.subi %div3A_1306, %sub3A_1326 : i32
      %select_n3A_1328 = arith.select %and3A_1325, %sub3A_1327, %div3A_1306 : i32
      %jit3A_1329 = arith.constant 8 : i32
      %eq3A_1330 = arith.constant 0 : i32
      %eq3A_1331 = arith.cmpi eq, %jit3A_1329, %eq3A_1330 : i32
      %jit3A_1332 = arith.constant 1 : i32
      %select_n3A_1333 = arith.select %eq3A_1331, %jit3A_1332, %jit3A_1329 : i32
      %rem3A_1334 = arith.remsi %add3A_1299, %select_n3A_1333 : i32
      %ne3A_1335 = arith.constant 0 : i32
      %ne3A_1336 = arith.cmpi ne, %rem3A_1334, %ne3A_1335 : i32
      %lt3A_1337 = arith.constant 0 : i32
      %lt3A_1338 = arith.cmpi slt, %rem3A_1334, %lt3A_1337 : i32
      %lt3A_1339 = arith.constant 0 : i32
      %lt3A_1340 = arith.cmpi slt, %select_n3A_1333, %lt3A_1339 : i32
      %ne3A_1341 = arith.xori %lt3A_1338, %lt3A_1340 : i1
      %and3A_1342 = arith.andi %ne3A_1341, %ne3A_1336 : i1
      %add3A_1343 = arith.addi %rem3A_1334, %select_n3A_1333 : i32
      %select_n3A_1344 = arith.select %and3A_1342, %add3A_1343, %rem3A_1334 : i32
      %dma_wait3A_1345 = arith.constant 0 : i32
      %dma_wait3A_1346 = tpu.memref_slice %arg7[%select_n3A_1328, %select_n3A_1344, %dma_wait3A_1345] : memref<25x8x128xi32, #tpu.memory_space<vmem>> -> memref<1x1x128xi32, #tpu.memory_space<vmem>>
      %dma_wait3A_1347 = tpu.memref_squeeze %dma_wait3A_1346 : memref<1x1x128xi32, #tpu.memory_space<vmem>> -> memref<128xi32, #tpu.memory_space<vmem>>
      %dma_wait3A_1348 = arith.constant 0 : i32
      %dma_wait3A_1349 = arith.constant 0 : i32
      %dma_wait3A_1350 = tpu.memref_slice %arg3[%dma_wait3A_1348, %dma_wait3A_1349] : memref<1000000x64xf32, #tpu.memory_space<hbm>> -> memref<1000000x64xf32, #tpu.memory_space<hbm>>
      tpu.wait_indirect_dma semaphore(%arg19 : memref<!tpu.dma_semaphore, #tpu.memory_space<semaphore_mem>>) src(%dma_wait3A_1350 : memref<1000000x64xf32, #tpu.memory_space<hbm>>) dst(%arg11 : memref<128x64xf32, #tpu.memory_space<vmem>>)
      %get3A_1351 = arith.index_cast %add3A_1299 : i32 to index
      %get3A_1352 = arith.constant 0 : index
      %get3A_1353 = tpu.vector_load %arg8[%get3A_1351, %get3A_1352] {strides = array<i32>} : memref<200x64xf32, #tpu.memory_space<vmem>>, vector<16xf32>,
      %get3A_1354 = arith.index_cast %add3A_1299 : i32 to index
      %get3A_1355 = arith.constant 16 : index
      %get3A_1356 = tpu.vector_load %arg8[%get3A_1354, %get3A_1355] {strides = array<i32>} : memref<200x64xf32, #tpu.memory_space<vmem>>, vector<16xf32>,
      %get3A_1357 = arith.index_cast %add3A_1299 : i32 to index
      %get3A_1358 = arith.constant 32 : index
      %get3A_1359 = tpu.vector_load %arg8[%get3A_1357, %get3A_1358] {strides = array<i32>} : memref<200x64xf32, #tpu.memory_space<vmem>>, vector<16xf32>,
      %get3A_1360 = arith.index_cast %add3A_1299 : i32 to index
      %get3A_1361 = arith.constant 48 : index
      %get3A_1362 = tpu.vector_load %arg8[%get3A_1360, %get3A_1361] {strides = array<i32>} : memref<200x64xf32, #tpu.memory_space<vmem>>, vector<16xf32>,
      %parallel_loop3A_1363 = arith.constant 0 : i32
      %parallel_loop3A_1364 = arith.constant 128 : i32
      %parallel_loop3A_1365 = arith.constant 1 : i32
      scf.for %parallel_loop3A_1542 = %parallel_loop3A_1363 to %parallel_loop3A_1364 step %parallel_loop3A_1365  : i32 {
        %parallel_loop3A_1543 = arith.index_cast %parallel_loop3A_1542 : i32 to index
        %parallel_loop3A_1544 = arith.constant 0 : index
        %parallel_loop3A_1545 = tpu.vector_load %arg9[%parallel_loop3A_1543, %parallel_loop3A_1544] {strides = array<i32>} : memref<128x16xi32, #tpu.memory_space<vmem>>, vector<16xi32>,
        %parallel_loop3A_1546 = arith.index_cast %parallel_loop3A_1542 : i32 to index
        %parallel_loop3A_1547 = arith.constant 0 : index
        %parallel_loop3A_1548 = tpu.vector_load %arg11[%parallel_loop3A_1546, %parallel_loop3A_1547] {strides = array<i32>} : memref<128x64xf32, #tpu.memory_space<vmem>>, vector<16xf32>,
        %parallel_loop3A_1549 = arith.addf %parallel_loop3A_1548, %get3A_1353 : vector<16xf32>
        tpu.vector_store_idx %arg15[%add3A_924, %select_n3A_1046, %parallel_loop3A_1545], %parallel_loop3A_1549 : memref<8x8x129xf32, #tpu.memory_space<vmem>>[vector<16xi32>, vector<16xi32>, vector<16xi32>], vector<16xf32>,
        %parallel_loop3A_1550 = arith.index_cast %parallel_loop3A_1542 : i32 to index
        %parallel_loop3A_1551 = arith.constant 16 : index
        %parallel_loop3A_1552 = tpu.vector_load %arg11[%parallel_loop3A_1550, %parallel_loop3A_1551] {strides = array<i32>} : memref<128x64xf32, #tpu.memory_space<vmem>>, vector<16xf32>,
        %parallel_loop3A_1553 = arith.addf %parallel_loop3A_1552, %get3A_1356 : vector<16xf32>
        tpu.vector_store_idx %arg15[%add3A_958, %select_n3A_1068, %parallel_loop3A_1545], %parallel_loop3A_1553 : memref<8x8x129xf32, #tpu.memory_space<vmem>>[vector<16xi32>, vector<16xi32>, vector<16xi32>], vector<16xf32>,
        %parallel_loop3A_1554 = arith.index_cast %parallel_loop3A_1542 : i32 to index
        %parallel_loop3A_1555 = arith.constant 32 : index
        %parallel_loop3A_1556 = tpu.vector_load %arg11[%parallel_loop3A_1554, %parallel_loop3A_1555] {strides = array<i32>} : memref<128x64xf32, #tpu.memory_space<vmem>>, vector<16xf32>,
        %parallel_loop3A_1557 = arith.addf %parallel_loop3A_1556, %get3A_1359 : vector<16xf32>
        tpu.vector_store_idx %arg15[%add3A_992, %select_n3A_1090, %parallel_loop3A_1545], %parallel_loop3A_1557 : memref<8x8x129xf32, #tpu.memory_space<vmem>>[vector<16xi32>, vector<16xi32>, vector<16xi32>], vector<16xf32>,
        %parallel_loop3A_1558 = arith.index_cast %parallel_loop3A_1542 : i32 to index
        %parallel_loop3A_1559 = arith.constant 48 : index
        %parallel_loop3A_1560 = tpu.vector_load %arg11[%parallel_loop3A_1558, %parallel_loop3A_1559] {strides = array<i32>} : memref<128x64xf32, #tpu.memory_space<vmem>>, vector<16xf32>,
        %parallel_loop3A_1561 = arith.addf %parallel_loop3A_1560, %get3A_1362 : vector<16xf32>
        tpu.vector_store_idx %arg15[%add3A_1026, %select_n3A_1112, %parallel_loop3A_1545], %parallel_loop3A_1561 : memref<8x8x129xf32, #tpu.memory_space<vmem>>[vector<16xi32>, vector<16xi32>, vector<16xi32>], vector<16xf32>,
      } {sc.loop_unroll_factor = 8 : i64, sc.parallel_access}
      %ge3A_1366 = arith.constant 1 : i32
      %ge3A_1367 = arith.cmpi sge, %add3A_1299, %ge3A_1366 : i32
      %convert_element_type3A_1368 = arith.extui %ge3A_1367 : i1 to i32
      %cond3A_1369 = arith.constant 0 : i32
      %cond3A_1370 = arith.cmpi ne, %convert_element_type3A_1368, %cond3A_1369 : i32
      scf.if %cond3A_1370 {
        %sub3A_1542 = arith.constant 1 : i32
        %sub3A_1543 = arith.subi %add3A_1299, %sub3A_1542 : i32
        %dma_start3A_1544 = arith.constant 0 : i32
        %dma_start3A_1545 = arith.constant 0 : i32
        %dma_start3A_1546 = arith.constant 0 : i32
        %dma_start3A_1547 = tpu.memref_slice %arg14[%dma_start3A_1544, %dma_start3A_1545, %dma_start3A_1546] : memref<8x8x129xf32, #tpu.memory_space<vmem>> -> memref<8x8x128xf32, #tpu.memory_space<vmem>>
        %dma_start3A_1548 = arith.constant 0 : i32
        %dma_start3A_1549 = arith.constant 0 : i32
        %dma_start3A_1550 = arith.constant 0 : i32
        %dma_start3A_1551 = tpu.memref_slice %arg6[%sub3A_1543, %dma_start3A_1548, %add3A, %dma_start3A_1549, %dma_start3A_1550] : memref<200x8x32x8x128xf32, #tpu.memory_space<hbm>> -> memref<1x8x1x8x128xf32, #tpu.memory_space<hbm>>
        %dma_start3A_1552 = tpu.memref_squeeze %dma_start3A_1551 : memref<1x8x1x8x128xf32, #tpu.memory_space<hbm>> -> memref<8x8x128xf32, #tpu.memory_space<hbm>>
        %dma_start3A_1553 = arith.constant 0 : i32
        %dma_start3A_1554 = arith.constant 0 : i32
        %dma_start3A_1555 = arith.constant 0 : i32
        %dma_start3A_1556 = tpu.memref_slice %arg6[%sub3A_1543, %dma_start3A_1553, %add3A, %dma_start3A_1554, %dma_start3A_1555] : memref<200x8x32x8x128xf32, #tpu.memory_space<hbm>> -> memref<1x8x1x8x128xf32, #tpu.memory_space<hbm>>
        %dma_start3A_1557 = tpu.memref_squeeze %dma_start3A_1556 : memref<1x8x1x8x128xf32, #tpu.memory_space<hbm>> -> memref<8x8x128xf32, #tpu.memory_space<hbm>>
        %dma_start3A_1558 = arith.constant 0 : i32
        %dma_start3A_1559 = arith.constant 0 : i32
        %dma_start3A_1560 = arith.constant 0 : i32
        %dma_start3A_1561 = tpu.memref_slice %arg14[%dma_start3A_1558, %dma_start3A_1559, %dma_start3A_1560] : memref<8x8x129xf32, #tpu.memory_space<vmem>> -> memref<8x8x128xf32, #tpu.memory_space<vmem>>
        tpu.enqueue_dma source(%dma_start3A_1561 : memref<8x8x128xf32, #tpu.memory_space<vmem>>) target(%dma_start3A_1557 : memref<8x8x128xf32, #tpu.memory_space<hbm>>) target_semaphore(%arg22 : memref<!tpu.dma_semaphore, #tpu.memory_space<semaphore_mem>>)
      } else {
      }
      %add3A_1371 = arith.constant 3 : i32
      %add3A_1372 = arith.addi %add3A_1299, %add3A_1371 : i32
      %lt3A_1373 = arith.constant 200 : i32
      %lt3A_1374 = arith.cmpi slt, %add3A_1372, %lt3A_1373 : i32
      %convert_element_type3A_1375 = arith.extui %lt3A_1374 : i1 to i32
      %cond3A_1376 = arith.constant 0 : i32
      %cond3A_1377 = arith.cmpi ne, %convert_element_type3A_1375, %cond3A_1376 : i32
      scf.if %cond3A_1377 {
        %add3A_1542 = arith.constant 3 : i32
        %add3A_1543 = arith.addi %add3A_1299, %add3A_1542 : i32
        %jit3A_1544 = arith.constant 8 : i32
        %div3A_1545 = arith.divsi %add3A_1543, %jit3A_1544 : i32
        %sign3A_1546 = arith.constant 0 : i32
        %sign3A_1547 = arith.cmpi sgt, %add3A_1543, %sign3A_1546 : i32
        %sign3A_1548 = arith.extui %sign3A_1547 : i1 to i32
        %sign3A_1549 = arith.constant 0 : i32
        %sign3A_1550 = arith.cmpi slt, %add3A_1543, %sign3A_1549 : i32
        %sign3A_1551 = arith.extui %sign3A_1550 : i1 to i32
        %sign3A_1552 = arith.subi %sign3A_1548, %sign3A_1551 : i32
        %sign3A_1553 = arith.constant 0 : i32
        %sign3A_1554 = arith.cmpi sgt, %jit3A_1544, %sign3A_1553 : i32
        %sign3A_1555 = arith.extui %sign3A_1554 : i1 to i32
        %sign3A_1556 = arith.constant 0 : i32
        %sign3A_1557 = arith.cmpi slt, %jit3A_1544, %sign3A_1556 : i32
        %sign3A_1558 = arith.extui %sign3A_1557 : i1 to i32
        %sign3A_1559 = arith.subi %sign3A_1555, %sign3A_1558 : i32
        %ne3A_1560 = arith.cmpi ne, %sign3A_1552, %sign3A_1559 : i32
        %rem3A_1561 = arith.remsi %add3A_1543, %jit3A_1544 : i32
        %ne3A_1562 = arith.constant 0 : i32
        %ne3A_1563 = arith.cmpi ne, %rem3A_1561, %ne3A_1562 : i32
        %and3A_1564 = arith.andi %ne3A_1560, %ne3A_1563 : i1
        %sub3A_1565 = arith.constant 1 : i32
        %sub3A_1566 = arith.subi %div3A_1545, %sub3A_1565 : i32
        %select_n3A_1567 = arith.select %and3A_1564, %sub3A_1566, %div3A_1545 : i32
        %jit3A_1568 = arith.constant 8 : i32
        %eq3A_1569 = arith.constant 0 : i32
        %eq3A_1570 = arith.cmpi eq, %jit3A_1568, %eq3A_1569 : i32
        %jit3A_1571 = arith.constant 1 : i32
        %select_n3A_1572 = arith.select %eq3A_1570, %jit3A_1571, %jit3A_1568 : i32
        %rem3A_1573 = arith.remsi %add3A_1543, %select_n3A_1572 : i32
        %ne3A_1574 = arith.constant 0 : i32
        %ne3A_1575 = arith.cmpi ne, %rem3A_1573, %ne3A_1574 : i32
        %lt3A_1576 = arith.constant 0 : i32
        %lt3A_1577 = arith.cmpi slt, %rem3A_1573, %lt3A_1576 : i32
        %lt3A_1578 = arith.constant 0 : i32
        %lt3A_1579 = arith.cmpi slt, %select_n3A_1572, %lt3A_1578 : i32
        %ne3A_1580 = arith.xori %lt3A_1577, %lt3A_1579 : i1
        %and3A_1581 = arith.andi %ne3A_1580, %ne3A_1575 : i1
        %add3A_1582 = arith.addi %rem3A_1573, %select_n3A_1572 : i32
        %select_n3A_1583 = arith.select %and3A_1581, %add3A_1582, %rem3A_1573 : i32
        %dma_start3A_1584 = arith.constant 0 : i32
        %dma_start3A_1585 = tpu.memref_slice %arg7[%select_n3A_1567, %select_n3A_1583, %dma_start3A_1584] : memref<25x8x128xi32, #tpu.memory_space<vmem>> -> memref<1x1x128xi32, #tpu.memory_space<vmem>>
        %dma_start3A_1586 = tpu.memref_squeeze %dma_start3A_1585 : memref<1x1x128xi32, #tpu.memory_space<vmem>> -> memref<128xi32, #tpu.memory_space<vmem>>
        %dma_start3A_1587 = arith.constant 0 : i32
        %dma_start3A_1588 = arith.constant 0 : i32
        %dma_start3A_1589 = tpu.memref_slice %arg3[%dma_start3A_1587, %dma_start3A_1588] : memref<1000000x64xf32, #tpu.memory_space<hbm>> -> memref<1000000x64xf32, #tpu.memory_space<hbm>>
        tpu.enqueue_indirect_dma source(%dma_start3A_1589 : memref<1000000x64xf32, #tpu.memory_space<hbm>>) target(%arg10 : memref<128x64xf32, #tpu.memory_space<vmem>>) offsets(%dma_start3A_1586 : memref<128xi32, #tpu.memory_space<vmem>>) semaphore(%arg18 : memref<!tpu.dma_semaphore, #tpu.memory_space<semaphore_mem>>)
      } else {
      }
      %mul3A_1378 = arith.constant 4 : i32
      %mul3A_1379 = arith.muli %scan3A_1218, %mul3A_1378 : i32
      %add3A_1380 = arith.constant 2 : i32
      %add3A_1381 = arith.addi %mul3A_1379, %add3A_1380 : i32
      %ge3A_1382 = arith.constant 3 : i32
      %ge3A_1383 = arith.cmpi sge, %add3A_1381, %ge3A_1382 : i32
      %convert_element_type3A_1384 = arith.extui %ge3A_1383 : i1 to i32
      %cond3A_1385 = arith.constant 0 : i32
      %cond3A_1386 = arith.cmpi ne, %convert_element_type3A_1384, %cond3A_1385 : i32
      scf.if %cond3A_1386 {
        %dma_wait3A_1542 = arith.constant 0 : i32
        %dma_wait3A_1543 = arith.constant 0 : i32
        %dma_wait3A_1544 = arith.constant 0 : i32
        %dma_wait3A_1545 = arith.constant 0 : i32
        %dma_wait3A_1546 = tpu.memref_slice %arg17[%dma_wait3A_1543, %dma_wait3A_1544, %dma_wait3A_1545] : memref<8x8x129xf32, #tpu.memory_space<vmem>> -> memref<8x8x128xf32, #tpu.memory_space<vmem>>
        %dma_wait3A_1547 = arith.constant 0 : i32
        %dma_wait3A_1548 = arith.constant 0 : i32
        %dma_wait3A_1549 = arith.constant 0 : i32
        %dma_wait3A_1550 = tpu.memref_slice %arg6[%dma_wait3A_1542, %dma_wait3A_1547, %add3A, %dma_wait3A_1548, %dma_wait3A_1549] : memref<200x8x32x8x128xf32, #tpu.memory_space<hbm>> -> memref<1x8x1x8x128xf32, #tpu.memory_space<hbm>>
        %dma_wait3A_1551 = tpu.memref_squeeze %dma_wait3A_1550 : memref<1x8x1x8x128xf32, #tpu.memory_space<hbm>> -> memref<8x8x128xf32, #tpu.memory_space<hbm>>
        %dma_wait3A_1552 = arith.constant 0 : i32
        %dma_wait3A_1553 = arith.constant 0 : i32
        %dma_wait3A_1554 = arith.constant 0 : i32
        %dma_wait3A_1555 = tpu.memref_slice %arg6[%dma_wait3A_1542, %dma_wait3A_1552, %add3A, %dma_wait3A_1553, %dma_wait3A_1554] : memref<200x8x32x8x128xf32, #tpu.memory_space<hbm>> -> memref<1x8x1x8x128xf32, #tpu.memory_space<hbm>>
        %dma_wait3A_1556 = tpu.memref_squeeze %dma_wait3A_1555 : memref<1x8x1x8x128xf32, #tpu.memory_space<hbm>> -> memref<8x8x128xf32, #tpu.memory_space<hbm>>
        %dma_wait3A_1557 = arith.constant 0 : i32
        %dma_wait3A_1558 = arith.constant 0 : i32
        %dma_wait3A_1559 = arith.constant 0 : i32
        %dma_wait3A_1560 = tpu.memref_slice %arg17[%dma_wait3A_1557, %dma_wait3A_1558, %dma_wait3A_1559] : memref<8x8x129xf32, #tpu.memory_space<vmem>> -> memref<8x8x128xf32, #tpu.memory_space<vmem>>
        tpu.wait_dma2 semaphore(%arg25 : memref<!tpu.dma_semaphore, #tpu.memory_space<semaphore_mem>>) src(%dma_wait3A_1560 : memref<8x8x128xf32, #tpu.memory_space<vmem>>) dst(%dma_wait3A_1556 : memref<8x8x128xf32, #tpu.memory_space<hbm>>)
      } else {
      }
      %jit3A_1387 = arith.constant 8 : i32
      %div3A_1388 = arith.divsi %add3A_1381, %jit3A_1387 : i32
      %sign3A_1389 = arith.constant 0 : i32
      %sign3A_1390 = arith.cmpi sgt, %add3A_1381, %sign3A_1389 : i32
      %sign3A_1391 = arith.extui %sign3A_1390 : i1 to i32
      %sign3A_1392 = arith.constant 0 : i32
      %sign3A_1393 = arith.cmpi slt, %add3A_1381, %sign3A_1392 : i32
      %sign3A_1394 = arith.extui %sign3A_1393 : i1 to i32
      %sign3A_1395 = arith.subi %sign3A_1391, %sign3A_1394 : i32
      %sign3A_1396 = arith.constant 0 : i32
      %sign3A_1397 = arith.cmpi sgt, %jit3A_1387, %sign3A_1396 : i32
      %sign3A_1398 = arith.extui %sign3A_1397 : i1 to i32
      %sign3A_1399 = arith.constant 0 : i32
      %sign3A_1400 = arith.cmpi slt, %jit3A_1387, %sign3A_1399 : i32
      %sign3A_1401 = arith.extui %sign3A_1400 : i1 to i32
      %sign3A_1402 = arith.subi %sign3A_1398, %sign3A_1401 : i32
      %ne3A_1403 = arith.cmpi ne, %sign3A_1395, %sign3A_1402 : i32
      %rem3A_1404 = arith.remsi %add3A_1381, %jit3A_1387 : i32
      %ne3A_1405 = arith.constant 0 : i32
      %ne3A_1406 = arith.cmpi ne, %rem3A_1404, %ne3A_1405 : i32
      %and3A_1407 = arith.andi %ne3A_1403, %ne3A_1406 : i1
      %sub3A_1408 = arith.constant 1 : i32
      %sub3A_1409 = arith.subi %div3A_1388, %sub3A_1408 : i32
      %select_n3A_1410 = arith.select %and3A_1407, %sub3A_1409, %div3A_1388 : i32
      %jit3A_1411 = arith.constant 8 : i32
      %eq3A_1412 = arith.constant 0 : i32
      %eq3A_1413 = arith.cmpi eq, %jit3A_1411, %eq3A_1412 : i32
      %jit3A_1414 = arith.constant 1 : i32
      %select_n3A_1415 = arith.select %eq3A_1413, %jit3A_1414, %jit3A_1411 : i32
      %rem3A_1416 = arith.remsi %add3A_1381, %select_n3A_1415 : i32
      %ne3A_1417 = arith.constant 0 : i32
      %ne3A_1418 = arith.cmpi ne, %rem3A_1416, %ne3A_1417 : i32
      %lt3A_1419 = arith.constant 0 : i32
      %lt3A_1420 = arith.cmpi slt, %rem3A_1416, %lt3A_1419 : i32
      %lt3A_1421 = arith.constant 0 : i32
      %lt3A_1422 = arith.cmpi slt, %select_n3A_1415, %lt3A_1421 : i32
      %ne3A_1423 = arith.xori %lt3A_1420, %lt3A_1422 : i1
      %and3A_1424 = arith.andi %ne3A_1423, %ne3A_1418 : i1
      %add3A_1425 = arith.addi %rem3A_1416, %select_n3A_1415 : i32
      %select_n3A_1426 = arith.select %and3A_1424, %add3A_1425, %rem3A_1416 : i32
      %dma_wait3A_1427 = arith.constant 0 : i32
      %dma_wait3A_1428 = tpu.memref_slice %arg7[%select_n3A_1410, %select_n3A_1426, %dma_wait3A_1427] : memref<25x8x128xi32, #tpu.memory_space<vmem>> -> memref<1x1x128xi32, #tpu.memory_space<vmem>>
      %dma_wait3A_1429 = tpu.memref_squeeze %dma_wait3A_1428 : memref<1x1x128xi32, #tpu.memory_space<vmem>> -> memref<128xi32, #tpu.memory_space<vmem>>
      %dma_wait3A_1430 = arith.constant 0 : i32
      %dma_wait3A_1431 = arith.constant 0 : i32
      %dma_wait3A_1432 = tpu.memref_slice %arg3[%dma_wait3A_1430, %dma_wait3A_1431] : memref<1000000x64xf32, #tpu.memory_space<hbm>> -> memref<1000000x64xf32, #tpu.memory_space<hbm>>
      tpu.wait_indirect_dma semaphore(%arg20 : memref<!tpu.dma_semaphore, #tpu.memory_space<semaphore_mem>>) src(%dma_wait3A_1432 : memref<1000000x64xf32, #tpu.memory_space<hbm>>) dst(%arg12 : memref<128x64xf32, #tpu.memory_space<vmem>>)
      %get3A_1433 = arith.index_cast %add3A_1381 : i32 to index
      %get3A_1434 = arith.constant 0 : index
      %get3A_1435 = tpu.vector_load %arg8[%get3A_1433, %get3A_1434] {strides = array<i32>} : memref<200x64xf32, #tpu.memory_space<vmem>>, vector<16xf32>,
      %get3A_1436 = arith.index_cast %add3A_1381 : i32 to index
      %get3A_1437 = arith.constant 16 : index
      %get3A_1438 = tpu.vector_load %arg8[%get3A_1436, %get3A_1437] {strides = array<i32>} : memref<200x64xf32, #tpu.memory_space<vmem>>, vector<16xf32>,
      %get3A_1439 = arith.index_cast %add3A_1381 : i32 to index
      %get3A_1440 = arith.constant 32 : index
      %get3A_1441 = tpu.vector_load %arg8[%get3A_1439, %get3A_1440] {strides = array<i32>} : memref<200x64xf32, #tpu.memory_space<vmem>>, vector<16xf32>,
      %get3A_1442 = arith.index_cast %add3A_1381 : i32 to index
      %get3A_1443 = arith.constant 48 : index
      %get3A_1444 = tpu.vector_load %arg8[%get3A_1442, %get3A_1443] {strides = array<i32>} : memref<200x64xf32, #tpu.memory_space<vmem>>, vector<16xf32>,
      %parallel_loop3A_1445 = arith.constant 0 : i32
      %parallel_loop3A_1446 = arith.constant 128 : i32
      %parallel_loop3A_1447 = arith.constant 1 : i32
      scf.for %parallel_loop3A_1542 = %parallel_loop3A_1445 to %parallel_loop3A_1446 step %parallel_loop3A_1447  : i32 {
        %parallel_loop3A_1543 = arith.index_cast %parallel_loop3A_1542 : i32 to index
        %parallel_loop3A_1544 = arith.constant 0 : index
        %parallel_loop3A_1545 = tpu.vector_load %arg9[%parallel_loop3A_1543, %parallel_loop3A_1544] {strides = array<i32>} : memref<128x16xi32, #tpu.memory_space<vmem>>, vector<16xi32>,
        %parallel_loop3A_1546 = arith.index_cast %parallel_loop3A_1542 : i32 to index
        %parallel_loop3A_1547 = arith.constant 0 : index
        %parallel_loop3A_1548 = tpu.vector_load %arg12[%parallel_loop3A_1546, %parallel_loop3A_1547] {strides = array<i32>} : memref<128x64xf32, #tpu.memory_space<vmem>>, vector<16xf32>,
        %parallel_loop3A_1549 = arith.addf %parallel_loop3A_1548, %get3A_1435 : vector<16xf32>
        tpu.vector_store_idx %arg16[%add3A_924, %select_n3A_1046, %parallel_loop3A_1545], %parallel_loop3A_1549 : memref<8x8x129xf32, #tpu.memory_space<vmem>>[vector<16xi32>, vector<16xi32>, vector<16xi32>], vector<16xf32>,
        %parallel_loop3A_1550 = arith.index_cast %parallel_loop3A_1542 : i32 to index
        %parallel_loop3A_1551 = arith.constant 16 : index
        %parallel_loop3A_1552 = tpu.vector_load %arg12[%parallel_loop3A_1550, %parallel_loop3A_1551] {strides = array<i32>} : memref<128x64xf32, #tpu.memory_space<vmem>>, vector<16xf32>,
        %parallel_loop3A_1553 = arith.addf %parallel_loop3A_1552, %get3A_1438 : vector<16xf32>
        tpu.vector_store_idx %arg16[%add3A_958, %select_n3A_1068, %parallel_loop3A_1545], %parallel_loop3A_1553 : memref<8x8x129xf32, #tpu.memory_space<vmem>>[vector<16xi32>, vector<16xi32>, vector<16xi32>], vector<16xf32>,
        %parallel_loop3A_1554 = arith.index_cast %parallel_loop3A_1542 : i32 to index
        %parallel_loop3A_1555 = arith.constant 32 : index
        %parallel_loop3A_1556 = tpu.vector_load %arg12[%parallel_loop3A_1554, %parallel_loop3A_1555] {strides = array<i32>} : memref<128x64xf32, #tpu.memory_space<vmem>>, vector<16xf32>,
        %parallel_loop3A_1557 = arith.addf %parallel_loop3A_1556, %get3A_1441 : vector<16xf32>
        tpu.vector_store_idx %arg16[%add3A_992, %select_n3A_1090, %parallel_loop3A_1545], %parallel_loop3A_1557 : memref<8x8x129xf32, #tpu.memory_space<vmem>>[vector<16xi32>, vector<16xi32>, vector<16xi32>], vector<16xf32>,
        %parallel_loop3A_1558 = arith.index_cast %parallel_loop3A_1542 : i32 to index
        %parallel_loop3A_1559 = arith.constant 48 : index
        %parallel_loop3A_1560 = tpu.vector_load %arg12[%parallel_loop3A_1558, %parallel_loop3A_1559] {strides = array<i32>} : memref<128x64xf32, #tpu.memory_space<vmem>>, vector<16xf32>,
        %parallel_loop3A_1561 = arith.addf %parallel_loop3A_1560, %get3A_1444 : vector<16xf32>
        tpu.vector_store_idx %arg16[%add3A_1026, %select_n3A_1112, %parallel_loop3A_1545], %parallel_loop3A_1561 : memref<8x8x129xf32, #tpu.memory_space<vmem>>[vector<16xi32>, vector<16xi32>, vector<16xi32>], vector<16xf32>,
      } {sc.loop_unroll_factor = 8 : i64, sc.parallel_access}
      %ge3A_1448 = arith.constant 1 : i32
      %ge3A_1449 = arith.cmpi sge, %add3A_1381, %ge3A_1448 : i32
      %convert_element_type3A_1450 = arith.extui %ge3A_1449 : i1 to i32
      %cond3A_1451 = arith.constant 0 : i32
      %cond3A_1452 = arith.cmpi ne, %convert_element_type3A_1450, %cond3A_1451 : i32
      scf.if %cond3A_1452 {
        %sub3A_1542 = arith.constant 1 : i32
        %sub3A_1543 = arith.subi %add3A_1381, %sub3A_1542 : i32
        %dma_start3A_1544 = arith.constant 0 : i32
        %dma_start3A_1545 = arith.constant 0 : i32
        %dma_start3A_1546 = arith.constant 0 : i32
        %dma_start3A_1547 = tpu.memref_slice %arg15[%dma_start3A_1544, %dma_start3A_1545, %dma_start3A_1546] : memref<8x8x129xf32, #tpu.memory_space<vmem>> -> memref<8x8x128xf32, #tpu.memory_space<vmem>>
        %dma_start3A_1548 = arith.constant 0 : i32
        %dma_start3A_1549 = arith.constant 0 : i32
        %dma_start3A_1550 = arith.constant 0 : i32
        %dma_start3A_1551 = tpu.memref_slice %arg6[%sub3A_1543, %dma_start3A_1548, %add3A, %dma_start3A_1549, %dma_start3A_1550] : memref<200x8x32x8x128xf32, #tpu.memory_space<hbm>> -> memref<1x8x1x8x128xf32, #tpu.memory_space<hbm>>
        %dma_start3A_1552 = tpu.memref_squeeze %dma_start3A_1551 : memref<1x8x1x8x128xf32, #tpu.memory_space<hbm>> -> memref<8x8x128xf32, #tpu.memory_space<hbm>>
        %dma_start3A_1553 = arith.constant 0 : i32
        %dma_start3A_1554 = arith.constant 0 : i32
        %dma_start3A_1555 = arith.constant 0 : i32
        %dma_start3A_1556 = tpu.memref_slice %arg6[%sub3A_1543, %dma_start3A_1553, %add3A, %dma_start3A_1554, %dma_start3A_1555] : memref<200x8x32x8x128xf32, #tpu.memory_space<hbm>> -> memref<1x8x1x8x128xf32, #tpu.memory_space<hbm>>
        %dma_start3A_1557 = tpu.memref_squeeze %dma_start3A_1556 : memref<1x8x1x8x128xf32, #tpu.memory_space<hbm>> -> memref<8x8x128xf32, #tpu.memory_space<hbm>>
        %dma_start3A_1558 = arith.constant 0 : i32
        %dma_start3A_1559 = arith.constant 0 : i32
        %dma_start3A_1560 = arith.constant 0 : i32
        %dma_start3A_1561 = tpu.memref_slice %arg15[%dma_start3A_1558, %dma_start3A_1559, %dma_start3A_1560] : memref<8x8x129xf32, #tpu.memory_space<vmem>> -> memref<8x8x128xf32, #tpu.memory_space<vmem>>
        tpu.enqueue_dma source(%dma_start3A_1561 : memref<8x8x128xf32, #tpu.memory_space<vmem>>) target(%dma_start3A_1557 : memref<8x8x128xf32, #tpu.memory_space<hbm>>) target_semaphore(%arg23 : memref<!tpu.dma_semaphore, #tpu.memory_space<semaphore_mem>>)
      } else {
      }
      %add3A_1453 = arith.constant 3 : i32
      %add3A_1454 = arith.addi %add3A_1381, %add3A_1453 : i32
      %lt3A_1455 = arith.constant 200 : i32
      %lt3A_1456 = arith.cmpi slt, %add3A_1454, %lt3A_1455 : i32
      %convert_element_type3A_1457 = arith.extui %lt3A_1456 : i1 to i32
      %cond3A_1458 = arith.constant 0 : i32
      %cond3A_1459 = arith.cmpi ne, %convert_element_type3A_1457, %cond3A_1458 : i32
      scf.if %cond3A_1459 {
        %add3A_1542 = arith.constant 3 : i32
        %add3A_1543 = arith.addi %add3A_1381, %add3A_1542 : i32
        %jit3A_1544 = arith.constant 8 : i32
        %div3A_1545 = arith.divsi %add3A_1543, %jit3A_1544 : i32
        %sign3A_1546 = arith.constant 0 : i32
        %sign3A_1547 = arith.cmpi sgt, %add3A_1543, %sign3A_1546 : i32
        %sign3A_1548 = arith.extui %sign3A_1547 : i1 to i32
        %sign3A_1549 = arith.constant 0 : i32
        %sign3A_1550 = arith.cmpi slt, %add3A_1543, %sign3A_1549 : i32
        %sign3A_1551 = arith.extui %sign3A_1550 : i1 to i32
        %sign3A_1552 = arith.subi %sign3A_1548, %sign3A_1551 : i32
        %sign3A_1553 = arith.constant 0 : i32
        %sign3A_1554 = arith.cmpi sgt, %jit3A_1544, %sign3A_1553 : i32
        %sign3A_1555 = arith.extui %sign3A_1554 : i1 to i32
        %sign3A_1556 = arith.constant 0 : i32
        %sign3A_1557 = arith.cmpi slt, %jit3A_1544, %sign3A_1556 : i32
        %sign3A_1558 = arith.extui %sign3A_1557 : i1 to i32
        %sign3A_1559 = arith.subi %sign3A_1555, %sign3A_1558 : i32
        %ne3A_1560 = arith.cmpi ne, %sign3A_1552, %sign3A_1559 : i32
        %rem3A_1561 = arith.remsi %add3A_1543, %jit3A_1544 : i32
        %ne3A_1562 = arith.constant 0 : i32
        %ne3A_1563 = arith.cmpi ne, %rem3A_1561, %ne3A_1562 : i32
        %and3A_1564 = arith.andi %ne3A_1560, %ne3A_1563 : i1
        %sub3A_1565 = arith.constant 1 : i32
        %sub3A_1566 = arith.subi %div3A_1545, %sub3A_1565 : i32
        %select_n3A_1567 = arith.select %and3A_1564, %sub3A_1566, %div3A_1545 : i32
        %jit3A_1568 = arith.constant 8 : i32
        %eq3A_1569 = arith.constant 0 : i32
        %eq3A_1570 = arith.cmpi eq, %jit3A_1568, %eq3A_1569 : i32
        %jit3A_1571 = arith.constant 1 : i32
        %select_n3A_1572 = arith.select %eq3A_1570, %jit3A_1571, %jit3A_1568 : i32
        %rem3A_1573 = arith.remsi %add3A_1543, %select_n3A_1572 : i32
        %ne3A_1574 = arith.constant 0 : i32
        %ne3A_1575 = arith.cmpi ne, %rem3A_1573, %ne3A_1574 : i32
        %lt3A_1576 = arith.constant 0 : i32
        %lt3A_1577 = arith.cmpi slt, %rem3A_1573, %lt3A_1576 : i32
        %lt3A_1578 = arith.constant 0 : i32
        %lt3A_1579 = arith.cmpi slt, %select_n3A_1572, %lt3A_1578 : i32
        %ne3A_1580 = arith.xori %lt3A_1577, %lt3A_1579 : i1
        %and3A_1581 = arith.andi %ne3A_1580, %ne3A_1575 : i1
        %add3A_1582 = arith.addi %rem3A_1573, %select_n3A_1572 : i32
        %select_n3A_1583 = arith.select %and3A_1581, %add3A_1582, %rem3A_1573 : i32
        %dma_start3A_1584 = arith.constant 0 : i32
        %dma_start3A_1585 = tpu.memref_slice %arg7[%select_n3A_1567, %select_n3A_1583, %dma_start3A_1584] : memref<25x8x128xi32, #tpu.memory_space<vmem>> -> memref<1x1x128xi32, #tpu.memory_space<vmem>>
        %dma_start3A_1586 = tpu.memref_squeeze %dma_start3A_1585 : memref<1x1x128xi32, #tpu.memory_space<vmem>> -> memref<128xi32, #tpu.memory_space<vmem>>
        %dma_start3A_1587 = arith.constant 0 : i32
        %dma_start3A_1588 = arith.constant 0 : i32
        %dma_start3A_1589 = tpu.memref_slice %arg3[%dma_start3A_1587, %dma_start3A_1588] : memref<1000000x64xf32, #tpu.memory_space<hbm>> -> memref<1000000x64xf32, #tpu.memory_space<hbm>>
        tpu.enqueue_indirect_dma source(%dma_start3A_1589 : memref<1000000x64xf32, #tpu.memory_space<hbm>>) target(%arg11 : memref<128x64xf32, #tpu.memory_space<vmem>>) offsets(%dma_start3A_1586 : memref<128xi32, #tpu.memory_space<vmem>>) semaphore(%arg19 : memref<!tpu.dma_semaphore, #tpu.memory_space<semaphore_mem>>)
      } else {
      }
      %mul3A_1460 = arith.constant 4 : i32
      %mul3A_1461 = arith.muli %scan3A_1218, %mul3A_1460 : i32
      %add3A_1462 = arith.constant 3 : i32
      %add3A_1463 = arith.addi %mul3A_1461, %add3A_1462 : i32
      %ge3A_1464 = arith.constant 3 : i32
      %ge3A_1465 = arith.cmpi sge, %add3A_1463, %ge3A_1464 : i32
      %convert_element_type3A_1466 = arith.extui %ge3A_1465 : i1 to i32
      %cond3A_1467 = arith.constant 0 : i32
      %cond3A_1468 = arith.cmpi ne, %convert_element_type3A_1466, %cond3A_1467 : i32
      scf.if %cond3A_1468 {
        %dma_wait3A_1542 = arith.constant 0 : i32
        %dma_wait3A_1543 = arith.constant 0 : i32
        %dma_wait3A_1544 = arith.constant 0 : i32
        %dma_wait3A_1545 = arith.constant 0 : i32
        %dma_wait3A_1546 = tpu.memref_slice %arg14[%dma_wait3A_1543, %dma_wait3A_1544, %dma_wait3A_1545] : memref<8x8x129xf32, #tpu.memory_space<vmem>> -> memref<8x8x128xf32, #tpu.memory_space<vmem>>
        %dma_wait3A_1547 = arith.constant 0 : i32
        %dma_wait3A_1548 = arith.constant 0 : i32
        %dma_wait3A_1549 = arith.constant 0 : i32
        %dma_wait3A_1550 = tpu.memref_slice %arg6[%dma_wait3A_1542, %dma_wait3A_1547, %add3A, %dma_wait3A_1548, %dma_wait3A_1549] : memref<200x8x32x8x128xf32, #tpu.memory_space<hbm>> -> memref<1x8x1x8x128xf32, #tpu.memory_space<hbm>>
        %dma_wait3A_1551 = tpu.memref_squeeze %dma_wait3A_1550 : memref<1x8x1x8x128xf32, #tpu.memory_space<hbm>> -> memref<8x8x128xf32, #tpu.memory_space<hbm>>
        %dma_wait3A_1552 = arith.constant 0 : i32
        %dma_wait3A_1553 = arith.constant 0 : i32
        %dma_wait3A_1554 = arith.constant 0 : i32
        %dma_wait3A_1555 = tpu.memref_slice %arg6[%dma_wait3A_1542, %dma_wait3A_1552, %add3A, %dma_wait3A_1553, %dma_wait3A_1554] : memref<200x8x32x8x128xf32, #tpu.memory_space<hbm>> -> memref<1x8x1x8x128xf32, #tpu.memory_space<hbm>>
        %dma_wait3A_1556 = tpu.memref_squeeze %dma_wait3A_1555 : memref<1x8x1x8x128xf32, #tpu.memory_space<hbm>> -> memref<8x8x128xf32, #tpu.memory_space<hbm>>
        %dma_wait3A_1557 = arith.constant 0 : i32
        %dma_wait3A_1558 = arith.constant 0 : i32
        %dma_wait3A_1559 = arith.constant 0 : i32
        %dma_wait3A_1560 = tpu.memref_slice %arg14[%dma_wait3A_1557, %dma_wait3A_1558, %dma_wait3A_1559] : memref<8x8x129xf32, #tpu.memory_space<vmem>> -> memref<8x8x128xf32, #tpu.memory_space<vmem>>
        tpu.wait_dma2 semaphore(%arg22 : memref<!tpu.dma_semaphore, #tpu.memory_space<semaphore_mem>>) src(%dma_wait3A_1560 : memref<8x8x128xf32, #tpu.memory_space<vmem>>) dst(%dma_wait3A_1556 : memref<8x8x128xf32, #tpu.memory_space<hbm>>)
      } else {
      }
      %jit3A_1469 = arith.constant 8 : i32
      %div3A_1470 = arith.divsi %add3A_1463, %jit3A_1469 : i32
      %sign3A_1471 = arith.constant 0 : i32
      %sign3A_1472 = arith.cmpi sgt, %add3A_1463, %sign3A_1471 : i32
      %sign3A_1473 = arith.extui %sign3A_1472 : i1 to i32
      %sign3A_1474 = arith.constant 0 : i32
      %sign3A_1475 = arith.cmpi slt, %add3A_1463, %sign3A_1474 : i32
      %sign3A_1476 = arith.extui %sign3A_1475 : i1 to i32
      %sign3A_1477 = arith.subi %sign3A_1473, %sign3A_1476 : i32
      %sign3A_1478 = arith.constant 0 : i32
      %sign3A_1479 = arith.cmpi sgt, %jit3A_1469, %sign3A_1478 : i32
      %sign3A_1480 = arith.extui %sign3A_1479 : i1 to i32
      %sign3A_1481 = arith.constant 0 : i32
      %sign3A_1482 = arith.cmpi slt, %jit3A_1469, %sign3A_1481 : i32
      %sign3A_1483 = arith.extui %sign3A_1482 : i1 to i32
      %sign3A_1484 = arith.subi %sign3A_1480, %sign3A_1483 : i32
      %ne3A_1485 = arith.cmpi ne, %sign3A_1477, %sign3A_1484 : i32
      %rem3A_1486 = arith.remsi %add3A_1463, %jit3A_1469 : i32
      %ne3A_1487 = arith.constant 0 : i32
      %ne3A_1488 = arith.cmpi ne, %rem3A_1486, %ne3A_1487 : i32
      %and3A_1489 = arith.andi %ne3A_1485, %ne3A_1488 : i1
      %sub3A_1490 = arith.constant 1 : i32
      %sub3A_1491 = arith.subi %div3A_1470, %sub3A_1490 : i32
      %select_n3A_1492 = arith.select %and3A_1489, %sub3A_1491, %div3A_1470 : i32
      %jit3A_1493 = arith.constant 8 : i32
      %eq3A_1494 = arith.constant 0 : i32
      %eq3A_1495 = arith.cmpi eq, %jit3A_1493, %eq3A_1494 : i32
      %jit3A_1496 = arith.constant 1 : i32
      %select_n3A_1497 = arith.select %eq3A_1495, %jit3A_1496, %jit3A_1493 : i32
      %rem3A_1498 = arith.remsi %add3A_1463, %select_n3A_1497 : i32
      %ne3A_1499 = arith.constant 0 : i32
      %ne3A_1500 = arith.cmpi ne, %rem3A_1498, %ne3A_1499 : i32
      %lt3A_1501 = arith.constant 0 : i32
      %lt3A_1502 = arith.cmpi slt, %rem3A_1498, %lt3A_1501 : i32
      %lt3A_1503 = arith.constant 0 : i32
      %lt3A_1504 = arith.cmpi slt, %select_n3A_1497, %lt3A_1503 : i32
      %ne3A_1505 = arith.xori %lt3A_1502, %lt3A_1504 : i1
      %and3A_1506 = arith.andi %ne3A_1505, %ne3A_1500 : i1
      %add3A_1507 = arith.addi %rem3A_1498, %select_n3A_1497 : i32
      %select_n3A_1508 = arith.select %and3A_1506, %add3A_1507, %rem3A_1498 : i32
      %dma_wait3A_1509 = arith.constant 0 : i32
      %dma_wait3A_1510 = tpu.memref_slice %arg7[%select_n3A_1492, %select_n3A_1508, %dma_wait3A_1509] : memref<25x8x128xi32, #tpu.memory_space<vmem>> -> memref<1x1x128xi32, #tpu.memory_space<vmem>>
      %dma_wait3A_1511 = tpu.memref_squeeze %dma_wait3A_1510 : memref<1x1x128xi32, #tpu.memory_space<vmem>> -> memref<128xi32, #tpu.memory_space<vmem>>
      %dma_wait3A_1512 = arith.constant 0 : i32
      %dma_wait3A_1513 = arith.constant 0 : i32
      %dma_wait3A_1514 = tpu.memref_slice %arg3[%dma_wait3A_1512, %dma_wait3A_1513] : memref<1000000x64xf32, #tpu.memory_space<hbm>> -> memref<1000000x64xf32, #tpu.memory_space<hbm>>
      tpu.wait_indirect_dma semaphore(%arg21 : memref<!tpu.dma_semaphore, #tpu.memory_space<semaphore_mem>>) src(%dma_wait3A_1514 : memref<1000000x64xf32, #tpu.memory_space<hbm>>) dst(%arg13 : memref<128x64xf32, #tpu.memory_space<vmem>>)
      %get3A_1515 = arith.index_cast %add3A_1463 : i32 to index
      %get3A_1516 = arith.constant 0 : index
      %get3A_1517 = tpu.vector_load %arg8[%get3A_1515, %get3A_1516] {strides = array<i32>} : memref<200x64xf32, #tpu.memory_space<vmem>>, vector<16xf32>,
      %get3A_1518 = arith.index_cast %add3A_1463 : i32 to index
      %get3A_1519 = arith.constant 16 : index
      %get3A_1520 = tpu.vector_load %arg8[%get3A_1518, %get3A_1519] {strides = array<i32>} : memref<200x64xf32, #tpu.memory_space<vmem>>, vector<16xf32>,
      %get3A_1521 = arith.index_cast %add3A_1463 : i32 to index
      %get3A_1522 = arith.constant 32 : index
      %get3A_1523 = tpu.vector_load %arg8[%get3A_1521, %get3A_1522] {strides = array<i32>} : memref<200x64xf32, #tpu.memory_space<vmem>>, vector<16xf32>,
      %get3A_1524 = arith.index_cast %add3A_1463 : i32 to index
      %get3A_1525 = arith.constant 48 : index
      %get3A_1526 = tpu.vector_load %arg8[%get3A_1524, %get3A_1525] {strides = array<i32>} : memref<200x64xf32, #tpu.memory_space<vmem>>, vector<16xf32>,
      %parallel_loop3A_1527 = arith.constant 0 : i32
      %parallel_loop3A_1528 = arith.constant 128 : i32
      %parallel_loop3A_1529 = arith.constant 1 : i32
      scf.for %parallel_loop3A_1542 = %parallel_loop3A_1527 to %parallel_loop3A_1528 step %parallel_loop3A_1529  : i32 {
        %parallel_loop3A_1543 = arith.index_cast %parallel_loop3A_1542 : i32 to index
        %parallel_loop3A_1544 = arith.constant 0 : index
        %parallel_loop3A_1545 = tpu.vector_load %arg9[%parallel_loop3A_1543, %parallel_loop3A_1544] {strides = array<i32>} : memref<128x16xi32, #tpu.memory_space<vmem>>, vector<16xi32>,
        %parallel_loop3A_1546 = arith.index_cast %parallel_loop3A_1542 : i32 to index
        %parallel_loop3A_1547 = arith.constant 0 : index
        %parallel_loop3A_1548 = tpu.vector_load %arg13[%parallel_loop3A_1546, %parallel_loop3A_1547] {strides = array<i32>} : memref<128x64xf32, #tpu.memory_space<vmem>>, vector<16xf32>,
        %parallel_loop3A_1549 = arith.addf %parallel_loop3A_1548, %get3A_1517 : vector<16xf32>
        tpu.vector_store_idx %arg17[%add3A_924, %select_n3A_1046, %parallel_loop3A_1545], %parallel_loop3A_1549 : memref<8x8x129xf32, #tpu.memory_space<vmem>>[vector<16xi32>, vector<16xi32>, vector<16xi32>], vector<16xf32>,
        %parallel_loop3A_1550 = arith.index_cast %parallel_loop3A_1542 : i32 to index
        %parallel_loop3A_1551 = arith.constant 16 : index
        %parallel_loop3A_1552 = tpu.vector_load %arg13[%parallel_loop3A_1550, %parallel_loop3A_1551] {strides = array<i32>} : memref<128x64xf32, #tpu.memory_space<vmem>>, vector<16xf32>,
        %parallel_loop3A_1553 = arith.addf %parallel_loop3A_1552, %get3A_1520 : vector<16xf32>
        tpu.vector_store_idx %arg17[%add3A_958, %select_n3A_1068, %parallel_loop3A_1545], %parallel_loop3A_1553 : memref<8x8x129xf32, #tpu.memory_space<vmem>>[vector<16xi32>, vector<16xi32>, vector<16xi32>], vector<16xf32>,
        %parallel_loop3A_1554 = arith.index_cast %parallel_loop3A_1542 : i32 to index
        %parallel_loop3A_1555 = arith.constant 32 : index
        %parallel_loop3A_1556 = tpu.vector_load %arg13[%parallel_loop3A_1554, %parallel_loop3A_1555] {strides = array<i32>} : memref<128x64xf32, #tpu.memory_space<vmem>>, vector<16xf32>,
        %parallel_loop3A_1557 = arith.addf %parallel_loop3A_1556, %get3A_1523 : vector<16xf32>
        tpu.vector_store_idx %arg17[%add3A_992, %select_n3A_1090, %parallel_loop3A_1545], %parallel_loop3A_1557 : memref<8x8x129xf32, #tpu.memory_space<vmem>>[vector<16xi32>, vector<16xi32>, vector<16xi32>], vector<16xf32>,
        %parallel_loop3A_1558 = arith.index_cast %parallel_loop3A_1542 : i32 to index
        %parallel_loop3A_1559 = arith.constant 48 : index
        %parallel_loop3A_1560 = tpu.vector_load %arg13[%parallel_loop3A_1558, %parallel_loop3A_1559] {strides = array<i32>} : memref<128x64xf32, #tpu.memory_space<vmem>>, vector<16xf32>,
        %parallel_loop3A_1561 = arith.addf %parallel_loop3A_1560, %get3A_1526 : vector<16xf32>
        tpu.vector_store_idx %arg17[%add3A_1026, %select_n3A_1112, %parallel_loop3A_1545], %parallel_loop3A_1561 : memref<8x8x129xf32, #tpu.memory_space<vmem>>[vector<16xi32>, vector<16xi32>, vector<16xi32>], vector<16xf32>,
      } {sc.loop_unroll_factor = 8 : i64, sc.parallel_access}
      %ge3A_1530 = arith.constant 1 : i32
      %ge3A_1531 = arith.cmpi sge, %add3A_1463, %ge3A_1530 : i32
      %convert_element_type3A_1532 = arith.extui %ge3A_1531 : i1 to i32
      %cond3A_1533 = arith.constant 0 : i32
      %cond3A_1534 = arith.cmpi ne, %convert_element_type3A_1532, %cond3A_1533 : i32
      scf.if %cond3A_1534 {
        %sub3A_1542 = arith.constant 1 : i32
        %sub3A_1543 = arith.subi %add3A_1463, %sub3A_1542 : i32
        %dma_start3A_1544 = arith.constant 0 : i32
        %dma_start3A_1545 = arith.constant 0 : i32
        %dma_start3A_1546 = arith.constant 0 : i32
        %dma_start3A_1547 = tpu.memref_slice %arg16[%dma_start3A_1544, %dma_start3A_1545, %dma_start3A_1546] : memref<8x8x129xf32, #tpu.memory_space<vmem>> -> memref<8x8x128xf32, #tpu.memory_space<vmem>>
        %dma_start3A_1548 = arith.constant 0 : i32
        %dma_start3A_1549 = arith.constant 0 : i32
        %dma_start3A_1550 = arith.constant 0 : i32
        %dma_start3A_1551 = tpu.memref_slice %arg6[%sub3A_1543, %dma_start3A_1548, %add3A, %dma_start3A_1549, %dma_start3A_1550] : memref<200x8x32x8x128xf32, #tpu.memory_space<hbm>> -> memref<1x8x1x8x128xf32, #tpu.memory_space<hbm>>
        %dma_start3A_1552 = tpu.memref_squeeze %dma_start3A_1551 : memref<1x8x1x8x128xf32, #tpu.memory_space<hbm>> -> memref<8x8x128xf32, #tpu.memory_space<hbm>>
        %dma_start3A_1553 = arith.constant 0 : i32
        %dma_start3A_1554 = arith.constant 0 : i32
        %dma_start3A_1555 = arith.constant 0 : i32
        %dma_start3A_1556 = tpu.memref_slice %arg6[%sub3A_1543, %dma_start3A_1553, %add3A, %dma_start3A_1554, %dma_start3A_1555] : memref<200x8x32x8x128xf32, #tpu.memory_space<hbm>> -> memref<1x8x1x8x128xf32, #tpu.memory_space<hbm>>
        %dma_start3A_1557 = tpu.memref_squeeze %dma_start3A_1556 : memref<1x8x1x8x128xf32, #tpu.memory_space<hbm>> -> memref<8x8x128xf32, #tpu.memory_space<hbm>>
        %dma_start3A_1558 = arith.constant 0 : i32
        %dma_start3A_1559 = arith.constant 0 : i32
        %dma_start3A_1560 = arith.constant 0 : i32
        %dma_start3A_1561 = tpu.memref_slice %arg16[%dma_start3A_1558, %dma_start3A_1559, %dma_start3A_1560] : memref<8x8x129xf32, #tpu.memory_space<vmem>> -> memref<8x8x128xf32, #tpu.memory_space<vmem>>
        tpu.enqueue_dma source(%dma_start3A_1561 : memref<8x8x128xf32, #tpu.memory_space<vmem>>) target(%dma_start3A_1557 : memref<8x8x128xf32, #tpu.memory_space<hbm>>) target_semaphore(%arg24 : memref<!tpu.dma_semaphore, #tpu.memory_space<semaphore_mem>>)
      } else {
      }
      %add3A_1535 = arith.constant 3 : i32
      %add3A_1536 = arith.addi %add3A_1463, %add3A_1535 : i32
      %lt3A_1537 = arith.constant 200 : i32
      %lt3A_1538 = arith.cmpi slt, %add3A_1536, %lt3A_1537 : i32
      %convert_element_type3A_1539 = arith.extui %lt3A_1538 : i1 to i32
      %cond3A_1540 = arith.constant 0 : i32
      %cond3A_1541 = arith.cmpi ne, %convert_element_type3A_1539, %cond3A_1540 : i32
      scf.if %cond3A_1541 {
        %add3A_1542 = arith.constant 3 : i32
        %add3A_1543 = arith.addi %add3A_1463, %add3A_1542 : i32
        %jit3A_1544 = arith.constant 8 : i32
        %div3A_1545 = arith.divsi %add3A_1543, %jit3A_1544 : i32
        %sign3A_1546 = arith.constant 0 : i32
        %sign3A_1547 = arith.cmpi sgt, %add3A_1543, %sign3A_1546 : i32
        %sign3A_1548 = arith.extui %sign3A_1547 : i1 to i32
        %sign3A_1549 = arith.constant 0 : i32
        %sign3A_1550 = arith.cmpi slt, %add3A_1543, %sign3A_1549 : i32
        %sign3A_1551 = arith.extui %sign3A_1550 : i1 to i32
        %sign3A_1552 = arith.subi %sign3A_1548, %sign3A_1551 : i32
        %sign3A_1553 = arith.constant 0 : i32
        %sign3A_1554 = arith.cmpi sgt, %jit3A_1544, %sign3A_1553 : i32
        %sign3A_1555 = arith.extui %sign3A_1554 : i1 to i32
        %sign3A_1556 = arith.constant 0 : i32
        %sign3A_1557 = arith.cmpi slt, %jit3A_1544, %sign3A_1556 : i32
        %sign3A_1558 = arith.extui %sign3A_1557 : i1 to i32
        %sign3A_1559 = arith.subi %sign3A_1555, %sign3A_1558 : i32
        %ne3A_1560 = arith.cmpi ne, %sign3A_1552, %sign3A_1559 : i32
        %rem3A_1561 = arith.remsi %add3A_1543, %jit3A_1544 : i32
        %ne3A_1562 = arith.constant 0 : i32
        %ne3A_1563 = arith.cmpi ne, %rem3A_1561, %ne3A_1562 : i32
        %and3A_1564 = arith.andi %ne3A_1560, %ne3A_1563 : i1
        %sub3A_1565 = arith.constant 1 : i32
        %sub3A_1566 = arith.subi %div3A_1545, %sub3A_1565 : i32
        %select_n3A_1567 = arith.select %and3A_1564, %sub3A_1566, %div3A_1545 : i32
        %jit3A_1568 = arith.constant 8 : i32
        %eq3A_1569 = arith.constant 0 : i32
        %eq3A_1570 = arith.cmpi eq, %jit3A_1568, %eq3A_1569 : i32
        %jit3A_1571 = arith.constant 1 : i32
        %select_n3A_1572 = arith.select %eq3A_1570, %jit3A_1571, %jit3A_1568 : i32
        %rem3A_1573 = arith.remsi %add3A_1543, %select_n3A_1572 : i32
        %ne3A_1574 = arith.constant 0 : i32
        %ne3A_1575 = arith.cmpi ne, %rem3A_1573, %ne3A_1574 : i32
        %lt3A_1576 = arith.constant 0 : i32
        %lt3A_1577 = arith.cmpi slt, %rem3A_1573, %lt3A_1576 : i32
        %lt3A_1578 = arith.constant 0 : i32
        %lt3A_1579 = arith.cmpi slt, %select_n3A_1572, %lt3A_1578 : i32
        %ne3A_1580 = arith.xori %lt3A_1577, %lt3A_1579 : i1
        %and3A_1581 = arith.andi %ne3A_1580, %ne3A_1575 : i1
        %add3A_1582 = arith.addi %rem3A_1573, %select_n3A_1572 : i32
        %select_n3A_1583 = arith.select %and3A_1581, %add3A_1582, %rem3A_1573 : i32
        %dma_start3A_1584 = arith.constant 0 : i32
        %dma_start3A_1585 = tpu.memref_slice %arg7[%select_n3A_1567, %select_n3A_1583, %dma_start3A_1584] : memref<25x8x128xi32, #tpu.memory_space<vmem>> -> memref<1x1x128xi32, #tpu.memory_space<vmem>>
        %dma_start3A_1586 = tpu.memref_squeeze %dma_start3A_1585 : memref<1x1x128xi32, #tpu.memory_space<vmem>> -> memref<128xi32, #tpu.memory_space<vmem>>
        %dma_start3A_1587 = arith.constant 0 : i32
        %dma_start3A_1588 = arith.constant 0 : i32
        %dma_start3A_1589 = tpu.memref_slice %arg3[%dma_start3A_1587, %dma_start3A_1588] : memref<1000000x64xf32, #tpu.memory_space<hbm>> -> memref<1000000x64xf32, #tpu.memory_space<hbm>>
        tpu.enqueue_indirect_dma source(%dma_start3A_1589 : memref<1000000x64xf32, #tpu.memory_space<hbm>>) target(%arg12 : memref<128x64xf32, #tpu.memory_space<vmem>>) offsets(%dma_start3A_1586 : memref<128xi32, #tpu.memory_space<vmem>>) semaphore(%arg20 : memref<!tpu.dma_semaphore, #tpu.memory_space<semaphore_mem>>)
      } else {
      }
    }
    %scan3A_1141 = arith.constant 50 : i32
    %dma_start3A_1142 = arith.constant 199 : i32
    %dma_start3A_1143 = arith.constant 0 : i32
    %dma_start3A_1144 = arith.constant 0 : i32
    %dma_start3A_1145 = arith.constant 0 : i32
    %dma_start3A_1146 = tpu.memref_slice %arg17[%dma_start3A_1143, %dma_start3A_1144, %dma_start3A_1145] : memref<8x8x129xf32, #tpu.memory_space<vmem>> -> memref<8x8x128xf32, #tpu.memory_space<vmem>>
    %dma_start3A_1147 = arith.constant 0 : i32
    %dma_start3A_1148 = arith.constant 0 : i32
    %dma_start3A_1149 = arith.constant 0 : i32
    %dma_start3A_1150 = tpu.memref_slice %arg6[%dma_start3A_1142, %dma_start3A_1147, %add3A, %dma_start3A_1148, %dma_start3A_1149] : memref<200x8x32x8x128xf32, #tpu.memory_space<hbm>> -> memref<1x8x1x8x128xf32, #tpu.memory_space<hbm>>
    %dma_start3A_1151 = tpu.memref_squeeze %dma_start3A_1150 : memref<1x8x1x8x128xf32, #tpu.memory_space<hbm>> -> memref<8x8x128xf32, #tpu.memory_space<hbm>>
    %dma_start3A_1152 = arith.constant 0 : i32
    %dma_start3A_1153 = arith.constant 0 : i32
    %dma_start3A_1154 = arith.constant 0 : i32
    %dma_start3A_1155 = tpu.memref_slice %arg6[%dma_start3A_1142, %dma_start3A_1152, %add3A, %dma_start3A_1153, %dma_start3A_1154] : memref<200x8x32x8x128xf32, #tpu.memory_space<hbm>> -> memref<1x8x1x8x128xf32, #tpu.memory_space<hbm>>
    %dma_start3A_1156 = tpu.memref_squeeze %dma_start3A_1155 : memref<1x8x1x8x128xf32, #tpu.memory_space<hbm>> -> memref<8x8x128xf32, #tpu.memory_space<hbm>>
    %dma_start3A_1157 = arith.constant 0 : i32
    %dma_start3A_1158 = arith.constant 0 : i32
    %dma_start3A_1159 = arith.constant 0 : i32
    %dma_start3A_1160 = tpu.memref_slice %arg17[%dma_start3A_1157, %dma_start3A_1158, %dma_start3A_1159] : memref<8x8x129xf32, #tpu.memory_space<vmem>> -> memref<8x8x128xf32, #tpu.memory_space<vmem>>
    tpu.enqueue_dma source(%dma_start3A_1160 : memref<8x8x128xf32, #tpu.memory_space<vmem>>) target(%dma_start3A_1156 : memref<8x8x128xf32, #tpu.memory_space<hbm>>) target_semaphore(%arg25 : memref<!tpu.dma_semaphore, #tpu.memory_space<semaphore_mem>>)
    %dma_wait3A_1161 = arith.constant 0 : i32
    %dma_wait3A_1162 = arith.constant 0 : i32
    %dma_wait3A_1163 = arith.constant 0 : i32
    %dma_wait3A_1164 = arith.constant 0 : i32
    %dma_wait3A_1165 = tpu.memref_slice %arg15[%dma_wait3A_1162, %dma_wait3A_1163, %dma_wait3A_1164] : memref<8x8x129xf32, #tpu.memory_space<vmem>> -> memref<8x8x128xf32, #tpu.memory_space<vmem>>
    %dma_wait3A_1166 = arith.constant 0 : i32
    %dma_wait3A_1167 = arith.constant 0 : i32
    %dma_wait3A_1168 = arith.constant 0 : i32
    %dma_wait3A_1169 = tpu.memref_slice %arg6[%dma_wait3A_1161, %dma_wait3A_1166, %add3A, %dma_wait3A_1167, %dma_wait3A_1168] : memref<200x8x32x8x128xf32, #tpu.memory_space<hbm>> -> memref<1x8x1x8x128xf32, #tpu.memory_space<hbm>>
    %dma_wait3A_1170 = tpu.memref_squeeze %dma_wait3A_1169 : memref<1x8x1x8x128xf32, #tpu.memory_space<hbm>> -> memref<8x8x128xf32, #tpu.memory_space<hbm>>
    %dma_wait3A_1171 = arith.constant 0 : i32
    %dma_wait3A_1172 = arith.constant 0 : i32
    %dma_wait3A_1173 = arith.constant 0 : i32
    %dma_wait3A_1174 = tpu.memref_slice %arg6[%dma_wait3A_1161, %dma_wait3A_1171, %add3A, %dma_wait3A_1172, %dma_wait3A_1173] : memref<200x8x32x8x128xf32, #tpu.memory_space<hbm>> -> memref<1x8x1x8x128xf32, #tpu.memory_space<hbm>>
    %dma_wait3A_1175 = tpu.memref_squeeze %dma_wait3A_1174 : memref<1x8x1x8x128xf32, #tpu.memory_space<hbm>> -> memref<8x8x128xf32, #tpu.memory_space<hbm>>
    %dma_wait3A_1176 = arith.constant 0 : i32
    %dma_wait3A_1177 = arith.constant 0 : i32
    %dma_wait3A_1178 = arith.constant 0 : i32
    %dma_wait3A_1179 = tpu.memref_slice %arg15[%dma_wait3A_1176, %dma_wait3A_1177, %dma_wait3A_1178] : memref<8x8x129xf32, #tpu.memory_space<vmem>> -> memref<8x8x128xf32, #tpu.memory_space<vmem>>
    tpu.wait_dma2 semaphore(%arg23 : memref<!tpu.dma_semaphore, #tpu.memory_space<semaphore_mem>>) src(%dma_wait3A_1179 : memref<8x8x128xf32, #tpu.memory_space<vmem>>) dst(%dma_wait3A_1175 : memref<8x8x128xf32, #tpu.memory_space<hbm>>)
    %dma_wait3A_1180 = arith.constant 0 : i32
    %dma_wait3A_1181 = arith.constant 0 : i32
    %dma_wait3A_1182 = arith.constant 0 : i32
    %dma_wait3A_1183 = arith.constant 0 : i32
    %dma_wait3A_1184 = tpu.memref_slice %arg16[%dma_wait3A_1181, %dma_wait3A_1182, %dma_wait3A_1183] : memref<8x8x129xf32, #tpu.memory_space<vmem>> -> memref<8x8x128xf32, #tpu.memory_space<vmem>>
    %dma_wait3A_1185 = arith.constant 0 : i32
    %dma_wait3A_1186 = arith.constant 0 : i32
    %dma_wait3A_1187 = arith.constant 0 : i32
    %dma_wait3A_1188 = tpu.memref_slice %arg6[%dma_wait3A_1180, %dma_wait3A_1185, %add3A, %dma_wait3A_1186, %dma_wait3A_1187] : memref<200x8x32x8x128xf32, #tpu.memory_space<hbm>> -> memref<1x8x1x8x128xf32, #tpu.memory_space<hbm>>
    %dma_wait3A_1189 = tpu.memref_squeeze %dma_wait3A_1188 : memref<1x8x1x8x128xf32, #tpu.memory_space<hbm>> -> memref<8x8x128xf32, #tpu.memory_space<hbm>>
    %dma_wait3A_1190 = arith.constant 0 : i32
    %dma_wait3A_1191 = arith.constant 0 : i32
    %dma_wait3A_1192 = arith.constant 0 : i32
    %dma_wait3A_1193 = tpu.memref_slice %arg6[%dma_wait3A_1180, %dma_wait3A_1190, %add3A, %dma_wait3A_1191, %dma_wait3A_1192] : memref<200x8x32x8x128xf32, #tpu.memory_space<hbm>> -> memref<1x8x1x8x128xf32, #tpu.memory_space<hbm>>
    %dma_wait3A_1194 = tpu.memref_squeeze %dma_wait3A_1193 : memref<1x8x1x8x128xf32, #tpu.memory_space<hbm>> -> memref<8x8x128xf32, #tpu.memory_space<hbm>>
    %dma_wait3A_1195 = arith.constant 0 : i32
    %dma_wait3A_1196 = arith.constant 0 : i32
    %dma_wait3A_1197 = arith.constant 0 : i32
    %dma_wait3A_1198 = tpu.memref_slice %arg16[%dma_wait3A_1195, %dma_wait3A_1196, %dma_wait3A_1197] : memref<8x8x129xf32, #tpu.memory_space<vmem>> -> memref<8x8x128xf32, #tpu.memory_space<vmem>>
    tpu.wait_dma2 semaphore(%arg24 : memref<!tpu.dma_semaphore, #tpu.memory_space<semaphore_mem>>) src(%dma_wait3A_1198 : memref<8x8x128xf32, #tpu.memory_space<vmem>>) dst(%dma_wait3A_1194 : memref<8x8x128xf32, #tpu.memory_space<hbm>>)
    %dma_wait3A_1199 = arith.constant 0 : i32
    %dma_wait3A_1200 = arith.constant 0 : i32
    %dma_wait3A_1201 = arith.constant 0 : i32
    %dma_wait3A_1202 = arith.constant 0 : i32
    %dma_wait3A_1203 = tpu.memref_slice %arg17[%dma_wait3A_1200, %dma_wait3A_1201, %dma_wait3A_1202] : memref<8x8x129xf32, #tpu.memory_space<vmem>> -> memref<8x8x128xf32, #tpu.memory_space<vmem>>
    %dma_wait3A_1204 = arith.constant 0 : i32
    %dma_wait3A_1205 = arith.constant 0 : i32
    %dma_wait3A_1206 = arith.constant 0 : i32
    %dma_wait3A_1207 = tpu.memref_slice %arg6[%dma_wait3A_1199, %dma_wait3A_1204, %add3A, %dma_wait3A_1205, %dma_wait3A_1206] : memref<200x8x32x8x128xf32, #tpu.memory_space<hbm>> -> memref<1x8x1x8x128xf32, #tpu.memory_space<hbm>>
    %dma_wait3A_1208 = tpu.memref_squeeze %dma_wait3A_1207 : memref<1x8x1x8x128xf32, #tpu.memory_space<hbm>> -> memref<8x8x128xf32, #tpu.memory_space<hbm>>
    %dma_wait3A_1209 = arith.constant 0 : i32
    %dma_wait3A_1210 = arith.constant 0 : i32
    %dma_wait3A_1211 = arith.constant 0 : i32
    %dma_wait3A_1212 = tpu.memref_slice %arg6[%dma_wait3A_1199, %dma_wait3A_1209, %add3A, %dma_wait3A_1210, %dma_wait3A_1211] : memref<200x8x32x8x128xf32, #tpu.memory_space<hbm>> -> memref<1x8x1x8x128xf32, #tpu.memory_space<hbm>>
    %dma_wait3A_1213 = tpu.memref_squeeze %dma_wait3A_1212 : memref<1x8x1x8x128xf32, #tpu.memory_space<hbm>> -> memref<8x8x128xf32, #tpu.memory_space<hbm>>
    %dma_wait3A_1214 = arith.constant 0 : i32
    %dma_wait3A_1215 = arith.constant 0 : i32
    %dma_wait3A_1216 = arith.constant 0 : i32
    %dma_wait3A_1217 = tpu.memref_slice %arg17[%dma_wait3A_1214, %dma_wait3A_1215, %dma_wait3A_1216] : memref<8x8x129xf32, #tpu.memory_space<vmem>> -> memref<8x8x128xf32, #tpu.memory_space<vmem>>
    tpu.wait_dma2 semaphore(%arg25 : memref<!tpu.dma_semaphore, #tpu.memory_space<semaphore_mem>>) src(%dma_wait3A_1217 : memref<8x8x128xf32, #tpu.memory_space<vmem>>) dst(%dma_wait3A_1213 : memref<8x8x128xf32, #tpu.memory_space<hbm>>)
    return
  }
}

</mosaic_0001>

<sc_bundles>
// kernel: _embed.3.cloned.1.call-start
scs
__scs_entry_jumppad:
0x0: {  	(pc) =	sbr.rel $0x88, $3  }
0x1: {  	(tag) =	ssettag $0x0;
	lr =	simm.s32 $0x1  }
0x2: {  	[smem:$0x3F9D] =	sst lr;
	_ =	strace $0xD0000000  }
0x3: {  	_ = 	snop  }
0x4: {  	_ = 	snop  }
0x5: {  	_ = 	snop  }
0x6: {  	_ = 	snop  }
0x7: {  	_ = 	snop  }
__scs_overlays_trampoline_lowered:
0x8: {  	[smem:$0x3FAC] =	sst s0  }
0x9: {  	[smem:$0x3FAD] =	sst s1  }
0xa: {  	[smem:$0x3FAE] =	sst s2  }
0xb: {  	[smem:$0x3FAF] =	sst s3  }
0xc: {  	[smem:$0x3FB0] =	sst s4  }
0xd: {  	[smem:$0x3FB1] =	sst s5  }
0xe: {  	[smem:$0x3FB2] =	sst s6  }
0xf: {  	[smem:$0x3FB3] =	sst s7  }
0x10: {  	[smem:$0x3FB4] =	sst s8  }
0x11: {  	[smem:$0x3FB5] =	sst s9;
	s0 =	simm.s32 @!p0 $0x0  }
0x12: {  	s1 =	sld [smem:$0x3F9B];
	s0 =	simm.s32 @p0 $0x1  }
0x13: {  	[smem:$0x3FB6] =	sst s0;
	s0 =	simm.s32 @!p1 $0x0  }
0x14: {  	s2 =	sld [smem:$0x3F9A];
	s0 =	simm.s32 @p1 $0x1  }
0x15: {  	[smem:$0x3FB7] =	sst s0;
	s0 =	simm.s32 @!p2 $0x0  }
0x16: {  	s3 =	sld [smem:$0x3FDB];
	s0 =	simm.s32 @p2 $0x1  }
0x17: {  	s4 =	simm.s32 $0x1BF5;
	[smem:$0x3FB9] =	sst s0  }
0x18: {  	s0 =	sld [smem:$0x3F9C];
	_ =	swait.ge [sflag:s4], $0x0  }
0x19: {  	s7 =	sld [smem:$0x3F9D]  }
0x1a: {  	s8 =	sadd.s32 $0xFFFFE003, lr  }
0x1b: {  	s9 =	sadd.s32 $0xFFFFFEF7, lr;
	s5 =	simm.s32 $0xFFFFFFFF;
	p2 =	slt.u32 s8, $0xFFFFF086  }
0x1c: {  	p1 =	slt.u32 s9, $0xF7A;
	s5 =	simm.s32 @!p2 $0x0  }
0x1d: {  	s5 =	simm.s32 @p1 $0x1;
	p0 =	seq.s32 s7, s2  }
0x1e: {  	s7 =	smul.u32 @!p0 $0xF7A, s2;
	p2 =	seq.s32 @!p0 s5, $0x0  }
0x1f: {  	s9 =	smul.u32 $0xF7A, s1;
	s8 =	simm.s32 @!p0 $0x1BF5;
	p2 =	por !p2, p0  }
0x20: {  	[sflag:s8] =	ssyncset.s32 @!p0 $0xFFFFF086;
	s6 =	sadd.s32 @!p0 s3, s7;
	s7 =	simm.s32 @!p0 $0x108  }
0x21: {  	s3 =	sadd.s32 s3, s9;
	s6 =	sadd.s32 @!p0 $0x88, s6;
	s7 =	simm.s32 @p2 $0x1082  }
0x22: {  	[simem:s7], [sflag:s8] =	dma.local @!p0 [hbm:s6], $0xF7A  }
0x23: {  	s9 =	sor.u32 $0xD0000000, s2;
	s6 =	simm.s32 $0x108;
	_ =	swait.ge @!p0 [sflag:s8], $0x0  }
0x24: {  	s3 =	sadd.s32 $0x88, s3;
	s6 =	simm.s32 @!p1 $0x1082;
	[sflag:s4] =	ssyncset.s32 $0xFFFFF086  }
0x25: {  	[simem:s6], [sflag:s4] =	dma.local [hbm:s3], $0xF7A  }
0x26: {  	[smem:$0x3F9D] =	sst s1;
	(tag) =	ssettag s2;
	_ =	strace s9  }
0x27: {  	s1 =	sld [smem:$0x3FAD]  }
0x28: {  	s2 =	sld [smem:$0x3FAE]  }
0x29: {  	s4 =	sld [smem:$0x3FB0]  }
0x2a: {  	p0 =	seq.s32 s5, $0x0;
	s5 =	sld [smem:$0x3FB1]  }
0x2b: {  	s6 =	sld [smem:$0x3FB2]  }
0x2c: {  	s7 =	sld [smem:$0x3FB3]  }
0x2d: {  	s3 =	simm.s32 $0x108;
	s8 =	sld [smem:$0x3FB4]  }
0x2e: {  	s3 =	simm.s32 @!p0 $0x1082;
	s9 =	sld [smem:$0x3FB5]  }
0x2f: {  	lr =	sadd.s32 s0, s3;
	s0 =	sld [smem:$0x3FAC]  }
0x30: {  	s3 =	sld [smem:$0x3FAF]  }
0x31: {  	[smem:$0x3FB8] =	sst s10  }
0x32: {  	s10 =	sld [smem:$0x3FB6];
	_ =	sdelay $0x3  }
0x33: {  	p0 =	seq.s32 s10, $0x1;
	s10 =	sld [smem:$0x3FB8];
	_ =	sdelay $0x3  }
0x34: {  	[smem:$0x3FB8] =	sst s10  }
0x35: {  	s10 =	sld [smem:$0x3FB7];
	_ =	sdelay $0x3  }
0x36: {  	p1 =	seq.s32 s10, $0x1;
	s10 =	sld [smem:$0x3FB8];
	_ =	sdelay $0x3  }
0x37: {  	[smem:$0x3FB8] =	sst s10  }
0x38: {  	s10 =	sld [smem:$0x3FB9]  }
0x39: {  	_ = 	snop;
	(pc) =	sbr.ind lr, $3  }
0x3a: {  	_ = 	snop  }
0x3b: {  	_ = 	snop  }
0x3c: {  	p2 =	seq.s32 s10, $0x1;
	s10 =	sld [smem:$0x3FB8]  }
0x3d: {  	_ =	shalt  }
0x3e: {  	_ =	shalt  }
0x3f: {  	_ =	shalt  }
0x40: {  	_ =	shalt  }
0x41: {  	_ =	shalt  }
0x42: {  	_ =	shalt  }
0x43: {  	_ =	shalt  }
0x44: {  	_ =	shalt  }
0x45: {  	_ =	shalt  }
0x46: {  	_ =	shalt  }
0x47: {  	_ =	shalt  }
0x48: {  	_ =	shalt  }
0x49: {  	_ =	shalt  }
0x4a: {  	_ =	shalt  }
0x4b: {  	_ =	shalt  }
0x4c: {  	_ =	shalt  }
0x4d: {  	_ =	shalt  }
0x4e: {  	_ =	shalt  }
0x4f: {  	_ =	shalt  }
0x50: {  	_ =	shalt  }
0x51: {  	_ =	shalt  }
0x52: {  	_ =	shalt  }
0x53: {  	_ =	shalt  }
0x54: {  	_ =	shalt  }
0x55: {  	_ =	shalt  }
0x56: {  	_ =	shalt  }
0x57: {  	_ =	shalt  }
0x58: {  	_ =	shalt  }
0x59: {  	_ =	shalt  }
0x5a: {  	_ =	shalt  }
0x5b: {  	_ =	shalt  }
0x5c: {  	_ =	shalt  }
0x5d: {  	_ =	shalt  }
0x5e: {  	_ =	shalt  }
0x5f: {  	_ =	shalt  }
0x60: {  	_ =	shalt  }
0x61: {  	_ =	shalt  }
0x62: {  	_ =	shalt  }
0x63: {  	_ =	shalt  }
0x64: {  	_ =	shalt  }
0x65: {  	_ =	shalt  }
0x66: {  	_ =	shalt  }
0x67: {  	_ =	shalt  }
0x68: {  	_ =	shalt  }
0x69: {  	_ =	shalt  }
0x6a: {  	_ =	shalt  }
0x6b: {  	_ =	shalt  }
0x6c: {  	_ =	shalt  }
0x6d: {  	_ =	shalt  }
0x6e: {  	_ =	shalt  }
0x6f: {  	_ =	shalt  }
0x70: {  	_ =	shalt  }
0x71: {  	_ =	shalt  }
0x72: {  	_ =	shalt  }
0x73: {  	_ =	shalt  }
0x74: {  	_ =	shalt  }
0x75: {  	_ =	shalt  }
0x76: {  	_ =	shalt  }
0x77: {  	_ =	shalt  }
0x78: {  	_ =	shalt  }
0x79: {  	_ =	shalt  }
0x7a: {  	_ =	shalt  }
0x7b: {  	_ =	shalt  }
0x7c: {  	_ =	shalt  }
0x7d: {  	_ =	shalt  }
0x7e: {  	_ =	shalt  }
0x7f: {  	_ =	shalt  }
0x80: {  	_ =	shalt  }
0x81: {  	_ =	shalt  }
0x82: {  	_ =	shalt  }
0x83: {  	_ =	shalt  }
0x84: {  	_ =	shalt  }
0x85: {  	_ =	shalt  }
0x86: {  	_ =	shalt  }
0x87: {  	_ =	shalt  }
.Lfunc_end0:
.L_simem_size_0:
called_computation_lowered:
.L_overlay_start_0:
0x88: {  	s2 =	sld [smem:$0x3FD9]  }
0x89: {  	s3 =	sld [smem:$0x3FFE];
	_ =	sdelay $0x1  }
0x8a: {  	s1 =	srdreg.scid  }
0x8b: {  	s0 =	sand.u32 $0x1, s1  }
0x8c: {  	s17 =	sshll.u32 s0, $0xA;
	s2 =	sadd.s32 s3, s2  }
0x8d: {  	s2 =	sadd.s32 s2, s17  }
0x8e: {  	[smem:$0x3FC4] =	sst s2  }
0x8f: {  	_ = 	snop  }
0x90: {  	s2 =	sld [smem:$0x3FC9]  }
0x91: {  	s18 =	sld [smem:$0x3FD0];
	(tm) =	ssettm $0x1  }
0x92: {  	s4 =	sld [smem:$0x3FFB];
	_ =	sdelay $0x3  }
0x93: {  	_ =	strace s4  }
0x94: {  	s4 =	sld [smem:$0x3FFC];
	_ =	sdelay $0x3  }
0x95: {  	_ =	strace s4  }
0x96: {  	s4 =	sld [smem:$0x3FFD];
	_ =	sdelay $0x3  }
0x97: {  	_ =	strace s4  }
0x98: {  	_ =	strace $0x8FFFFFFF  }
0x99: {  	s19 =	sld [smem:$0x3FDB];
	_ =	sdelay $0x1  }
0x9a: {  	s5 =	simm.s32 $_scs_section_size  }
0x9b: {  	s6 =	simm.s32 $_size__tile_overlayer_lowered;
	s7 =	simm.s32 $_tile_overlayer_lowered  }
0x9c: {  	s22 =	simm.s32 $0x1BFF;
	s21 =	sshll.u32 s7, $0x1;
	s4 =	sadd.s32 s5, s19  }
0x9d: {  	s8 =	simm.s32 $0x0;
	s20 =	sshll.u32 s6, $0x1;
	s6 =	sadd.s32 s21, s4  }
0x9e: {  	[timem:s8], [sflag:s22] =	dma.local [hbm:s6], s20  }
0x9f: {  	_ =	swait.ge [sflag:s22], s20  }
0xa0: {  	s5 =	ssub.s32 $0x0, s20;
	[sflag:s22] =	ssyncset.done $0x0  }
0xa1: {  	[sflag:s22] =	ssyncadd.s32 s5;
	_ =	sdelay $0x1  }
0xa2: {  	s23 =	simm.s32 $0x1B8B  }
0xa3: {  	_ =	swait.ge [sflag:s23], $0x1  }
0xa4: {  	[sflag:s23] =	ssyncset.done $0x0  }
0xa5: {  	s25 =	simm.s32 $0x1B8E;
	s24 =	sld [smem:$0x3FFE];
	[sflag:s23] =	ssyncadd.s32 $0xFFFFFFFF  }
0xa6: {  	s26 =	simm.s32 $execute0_lowered;
	[smem:$0x3FD2] =	sst s25  }
0xa7: {  	s6 =	sshll.u32 s26, $0x1;
	_ =	strace $0x80000046;
	[dreg:$0x1] =	wrdreg $0xFFFFFFFF  }
0xa8: {  	s28 =	simm.s32 $_size_execute0_lowered;
	s4 =	sadd.s32 s4, s6;
	[dreg:$0x0] =	wrdreg $0x0  }
0xa9: {  	s6 =	sshll.u32 s28, $0x1;
	[dreg:$0x2] =	wrdreg s4  }
0xaa: {  	[dreg:$0x3] =	wrdreg s6  }
0xab: {  	[dreg:$0x4] =	wrdreg $0xC0  }
0xac: {  	_ =	task [dreg:s8], $0x5FFFF  }
0xad: {  	[dreg:$0x1] =	wrdreg $0xFFFFFFFF  }
0xae: {  	[dreg:$0x0] =	wrdreg $0x60  }
0xaf: {  	[dreg:$0x2] =	wrdreg s2  }
0xb0: {  	[dreg:$0x3] =	wrdreg s24  }
0xb1: {  	[dreg:$0x4] =	wrdreg s18  }
0xb2: {  	[dreg:$0x5] =	wrdreg $0x9  }
0xb3: {  	_ =	task.clear_ibuf [dreg:s8], $0x6FFFF;
	_ =	strace $0x90000046  }
0xb4: {  	s29 =	simm.s32 $0x9;
	_ =	strace $0x80000048  }
0xb5: {  	_ =	swait.ge [sflag:s29], $0x1  }
0xb6: {  	[sflag:s29] =	ssyncadd.s32 $0xFFFFFFFF  }
0xb7: {  	_ =	strace $0x90000048  }
0xb8: {  	_ =	sfence  }
0xb9: {  	s30 =	sld [smem:$0x0];
	_ =	sdelay $0x2  }
0xba: {  	s31 =	sshll.u32 s1, $0xD;
	s1 =	sshrl.u32 s1, $0x2  }
0xbb: {  	s3 =	sand.u32 $0x4000, s31;
	s1 =	sadd.s32 s1, s30  }
0xbc: {  	s0 =	sor.u32 s3, s0;
	s1 =	sshll.u32 s1, $0x11  }
0xbd: {  	s0 =	sor.u32 s1, s0  }
0xbe: {  	s0 =	sadd.s32 $0x8F2B, s0  }
0xbf: {  	[sflag:s0] =	ssyncadd.remote.s32 $0x1  }
0xc0: {  	_ =	sfence.sel $0xFFFF  }
0xc1: {  	[dreg:$0x0] =	wrdreg $0xFFFFFFFF;
	(pc) =	sbr.abs _section_cstart, $3  }
0xc2: {  	[dreg:$0x1] =	wrdreg $0xFFFFFFFF  }
0xc3: {  	_ =	task.clear_ibuf [dreg:s8], $0x2FFFF;
	_ =	strace $0x9FFFFFFF  }
0xc4: {  	(tm) =	ssettm $0x7FFFFFFF  }
0xc5: {  	_ =	shalt  }
tec
execute0_lowered:
.L_overlay_start_1:
0x0: {  	(tag) =	ssettag $0x1  }
0x1: {  	s0 =	rddreg [dreg:$0x0]  }
0x2: {  	s2 =	rddreg [dreg:$0x1]  }
0x3: {  	s1 =	rddreg [dreg:$0x2];
	s3 =	simm.s32 $0x0;
	s4 =	srdreg.scid  }
0x4: {  	s6 =	stileid.u32;
	[smem:$0x7FF] =	sst s3  }
0x5: {  	s5 =	sand.u32 $0x1, s4;
	s6 =	sshll.u32 s6, $0xB;
	s4 =	sadd.s32 $0xF42C00, s2  }
0x6: {  	s23 =	sadd.s32 $0x800, s2;
	s2 =	sadd.s32 $0x1000, s2;
	s8 =	ssub.s32 $0x2, s5  }
0x7: {  	_ =	strace $0x80000047;
	s7 =	sshll.u32 s5, $0xA;
	s24 =	sshrl.u32 s8, $0x1  }
0x8: {  	[dreg:$0x4] =	wrdreg s23;
	s5 =	sor.u32 s7, s6;
	s25 =	ssub.s32 s8, s24  }
0x9: {  	[dreg:$0x5] =	wrdreg s2;
	s7 =	sshrl.u32 s5, $0x3;
	s19 =	smax.u32 s25, $0x1  }
0xa: {  	s6 =	sadd.s32 s0, s7;
	[dreg:$0x16] =	wrdreg s19  }
0xb: {  	s0 =	sadd.s32 $0x1000, s6;
	[dreg:$0x6] =	wrdreg s6  }
0xc: {  	s26 =	sadd.s32 $0x2000, s6;
	[dreg:$0x7] =	wrdreg s0  }
0xd: {  	s29 =	sadd.s32 $0x3000, s6;
	[dreg:$0x8] =	wrdreg s26  }
0xe: {  	s30 =	sadd.s32 $0x4000, s6;
	[dreg:$0x9] =	wrdreg s29  }
0xf: {  	s31 =	sadd.s32 $0x5000, s6;
	[dreg:$0xa] =	wrdreg s30  }
0x10: {  	s8 =	sadd.s32 $0x6000, s6;
	[dreg:$0xb] =	wrdreg s31  }
0x11: {  	s9 =	sadd.s32 $0x7000, s6;
	[dreg:$0xc] =	wrdreg s8  }
0x12: {  	s10 =	sadd.s32 $0x8000, s6;
	[dreg:$0xd] =	wrdreg s9  }
0x13: {  	s11 =	sadd.s32 $0x9000, s6;
	[dreg:$0xe] =	wrdreg s10  }
0x14: {  	s12 =	sadd.s32 $0xA000, s6;
	[dreg:$0xf] =	wrdreg s11  }
0x15: {  	s13 =	sadd.s32 $0xB000, s6;
	[dreg:$0x10] =	wrdreg s12  }
0x16: {  	s14 =	sadd.s32 $0xC000, s6;
	[dreg:$0x11] =	wrdreg s13  }
0x17: {  	s15 =	sadd.s32 $0xD000, s6;
	[dreg:$0x12] =	wrdreg s14  }
0x18: {  	s16 =	sadd.s32 $0xE000, s6;
	[dreg:$0x13] =	wrdreg s15  }
0x19: {  	s28 =	simm.s32 $0x8;
	s18 =	sadd.s32 $0xF000, s6;
	[dreg:$0x14] =	wrdreg s16  }
0x1a: {  	s2 =	simm.s32 $0x0;
	s20 =	sadd.s32 $0x10000, s6;
	[dreg:$0x15] =	wrdreg s18  }
0x1b: {  	s17 =	sadd.s32 s7, s1;
	s21 =	sadd.s32 $0x11000, s6;
	[dreg:$0x17] =	wrdreg s20  }
0x1c: {  	s24 =	sadd.s32 $0x638000, s17;
	s22 =	sadd.s32 $0x12000, s6;
	[dreg:$0x18] =	wrdreg s21  }
0x1d: {  	s23 =	sadd.s32 $0x13000, s6;
	s25 =	sadd.s32 $0x14000, s6;
	[dreg:$0x19] =	wrdreg s22  }
0x1e: {  	s17 =	simm.s32 $0x2;
	s19 =	simm.s32 $0x3;
	[dreg:$0x1a] =	wrdreg s23  }
0x1f: {  	[dreg:$0x1b] =	wrdreg s25;
	s26 =	sadd.s32 $0x15000, s6;
	s29 =	sadd.s32 $0x16000, s6  }
0x20: {  	s30 =	sadd.s32 $0x17000, s6;
	s31 =	sadd.s32 $0x18000, s6;
	s9 =	sor.u32 $0xFFFC0000, s5  }
0x21: {  	s11 =	simm.s32 $0x9;
	s12 =	simm.s32 $0x80;
	s13 =	simm.s32 $0xDE00  }
0x22: {  	v0 =	vlaneseq.u32;
	s14 =	simm.s32 $0x1;
	s15 =	simm.s32 $0x11E00;
	[dreg:$0x1c] =	wrdreg s26  }
0x23: {  	v0 =	vmul.u32 $0x88, v0;
	s16 =	simm.s32 $0xFE00;
	s18 =	simm.s32 $0x14000;
	[dreg:$0x1d] =	wrdreg s29  }
0x24: {  	s20 =	simm.s32 $0x16200;
	s21 =	simm.s32 $0x5;
	[dreg:$0x1e] =	wrdreg s30  }
0x25: {  	v1 =	vadd.s32 $0x880, v0;
	v2 =	vadd.s32 $0x1100, v0;
	v3 =	vadd.s32 $0x1980, v0;
	s22 =	simm.s32 $0x4;
	s23 =	simm.s32 $0x18400;
	[dreg:$0x1f] =	wrdreg s31  }
.LBB2_1:
0x26: {  	[smem:$0x7FD] =	sst s2  }
0x27: {  	s0 =	rddreg [dreg:$0x4];
	s8 =	simm.s32 $0x6400;
	s10 =	simm.s32 $0xA  }
0x28: {  	[tilespmem:s8], [sflag:$0xA] =	stream.linear.gather [hbm4b:s0+s3], $0x3200, $0x38;
	[tilespmem:$0x1A600] =	vst v63  }
0x29: {  	_ =	swait.ge [sflag:s10], $0x3200  }
0x2a: {  	[sflag:s10] =	ssyncset.done $0x0  }
0x2b: {  	s6 =	simm.s32 $0x9600;
	s25 =	rddreg [dreg:$0x5];
	[sflag:s10] =	ssyncadd.s32 $0xFFFFCE00  }
0x2c: {  	[tilespmem:s6], [sflag:$0xA] =	stream.linear.gather [hbm4b:s25+s3], $0x800, $0x38;
	[tilespmem:$0x1A600] =	vst v63  }
0x2d: {  	_ =	swait.ge [sflag:s10], $0x800  }
0x2e: {  	[sflag:s10] =	ssyncset.done $0x0  }
0x2f: {  	s26 =	rddreg [dreg:$0x6];
	[sflag:s10] =	ssyncadd.s32 $0xFFFFF800  }
0x30: {  	[tilespmem:s3], [sflag:$0x9] =	stream.linear.gather [hbm4b:s26+s3], $0x400, $0x38;
	[tilespmem:$0x1A600] =	vst v63  }
0x31: {  	s31 =	simm.s32 $0x400;
	s29 =	rddreg [dreg:$0x7]  }
0x32: {  	[tilespmem:s31], [sflag:$0x9] =	stream.linear.gather [hbm4b:s29+s3], $0x400, $0x38;
	[tilespmem:$0x1A600] =	vst v63  }
0x33: {  	s7 =	simm.s32 $0x800;
	s6 =	rddreg [dreg:$0x8]  }
0x34: {  	[tilespmem:s7], [sflag:$0x9] =	stream.linear.gather [hbm4b:s6+s3], $0x400, $0x38;
	[tilespmem:$0x1A600] =	vst v63  }
0x35: {  	s8 =	rddreg [dreg:$0x9];
	s10 =	simm.s32 $0xC00  }
0x36: {  	[tilespmem:s10], [sflag:$0x9] =	stream.linear.gather [hbm4b:s8+s3], $0x400, $0x38;
	[tilespmem:$0x1A600] =	vst v63  }
0x37: {  	s25 =	rddreg [dreg:$0xa];
	s26 =	simm.s32 $0x1000  }
0x38: {  	[tilespmem:s26], [sflag:$0x9] =	stream.linear.gather [hbm4b:s25+s3], $0x400, $0x38;
	[tilespmem:$0x1A600] =	vst v63  }
0x39: {  	s29 =	rddreg [dreg:$0xb];
	s31 =	simm.s32 $0x1400  }
0x3a: {  	[tilespmem:s31], [sflag:$0x9] =	stream.linear.gather [hbm4b:s29+s3], $0x400, $0x38;
	[tilespmem:$0x1A600] =	vst v63  }
0x3b: {  	s6 =	rddreg [dreg:$0xc];
	s7 =	simm.s32 $0x1800  }
0x3c: {  	[tilespmem:s7], [sflag:$0x9] =	stream.linear.gather [hbm4b:s6+s3], $0x400, $0x38;
	[tilespmem:$0x1A600] =	vst v63  }
0x3d: {  	s8 =	rddreg [dreg:$0xd];
	s10 =	simm.s32 $0x1C00  }
0x3e: {  	[tilespmem:s10], [sflag:$0x9] =	stream.linear.gather [hbm4b:s8+s3], $0x400, $0x38;
	[tilespmem:$0x1A600] =	vst v63  }
0x3f: {  	s25 =	rddreg [dreg:$0xe];
	s26 =	simm.s32 $0x2000  }
0x40: {  	[tilespmem:s26], [sflag:$0x9] =	stream.linear.gather [hbm4b:s25+s3], $0x400, $0x38;
	[tilespmem:$0x1A600] =	vst v63  }
0x41: {  	s29 =	rddreg [dreg:$0xf];
	s31 =	simm.s32 $0x2400  }
0x42: {  	[tilespmem:s31], [sflag:$0x9] =	stream.linear.gather [hbm4b:s29+s3], $0x400, $0x38;
	[tilespmem:$0x1A600] =	vst v63  }
0x43: {  	s6 =	rddreg [dreg:$0x10];
	s7 =	simm.s32 $0x2800  }
0x44: {  	[tilespmem:s7], [sflag:$0x9] =	stream.linear.gather [hbm4b:s6+s3], $0x400, $0x38;
	[tilespmem:$0x1A600] =	vst v63  }
0x45: {  	s8 =	rddreg [dreg:$0x11];
	s10 =	simm.s32 $0x2C00  }
0x46: {  	[tilespmem:s10], [sflag:$0x9] =	stream.linear.gather [hbm4b:s8+s3], $0x400, $0x38;
	[tilespmem:$0x1A600] =	vst v63  }
0x47: {  	s25 =	rddreg [dreg:$0x12];
	s26 =	simm.s32 $0x3000  }
0x48: {  	[tilespmem:s26], [sflag:$0x9] =	stream.linear.gather [hbm4b:s25+s3], $0x400, $0x38;
	[tilespmem:$0x1A600] =	vst v63  }
0x49: {  	s29 =	rddreg [dreg:$0x13];
	s31 =	simm.s32 $0x3400  }
0x4a: {  	[tilespmem:s31], [sflag:$0x9] =	stream.linear.gather [hbm4b:s29+s3], $0x400, $0x38;
	[tilespmem:$0x1A600] =	vst v63  }
0x4b: {  	s6 =	rddreg [dreg:$0x14];
	s7 =	simm.s32 $0x3800  }
0x4c: {  	[tilespmem:s7], [sflag:$0x9] =	stream.linear.gather [hbm4b:s6+s3], $0x400, $0x38;
	[tilespmem:$0x1A600] =	vst v63  }
0x4d: {  	s8 =	rddreg [dreg:$0x15];
	s10 =	simm.s32 $0x3C00  }
0x4e: {  	[tilespmem:s10], [sflag:$0x9] =	stream.linear.gather [hbm4b:s8+s3], $0x400, $0x38;
	[tilespmem:$0x1A600] =	vst v63  }
0x4f: {  	s25 =	rddreg [dreg:$0x17];
	s26 =	simm.s32 $0x4000  }
0x50: {  	[tilespmem:s26], [sflag:$0x9] =	stream.linear.gather [hbm4b:s25+s3], $0x400, $0x38;
	[tilespmem:$0x1A600] =	vst v63  }
0x51: {  	s29 =	rddreg [dreg:$0x18];
	s31 =	simm.s32 $0x4400  }
0x52: {  	[tilespmem:s31], [sflag:$0x9] =	stream.linear.gather [hbm4b:s29+s3], $0x400, $0x38;
	[tilespmem:$0x1A600] =	vst v63  }
0x53: {  	s6 =	rddreg [dreg:$0x19];
	s7 =	simm.s32 $0x4800  }
0x54: {  	[tilespmem:s7], [sflag:$0x9] =	stream.linear.gather [hbm4b:s6+s3], $0x400, $0x38;
	[tilespmem:$0x1A600] =	vst v63  }
0x55: {  	s8 =	rddreg [dreg:$0x1a];
	s10 =	simm.s32 $0x4C00  }
0x56: {  	[tilespmem:s10], [sflag:$0x9] =	stream.linear.gather [hbm4b:s8+s3], $0x400, $0x38;
	[tilespmem:$0x1A600] =	vst v63  }
0x57: {  	s25 =	rddreg [dreg:$0x1b];
	s26 =	simm.s32 $0x5000  }
0x58: {  	[tilespmem:s26], [sflag:$0x9] =	stream.linear.gather [hbm4b:s25+s3], $0x400, $0x38;
	[tilespmem:$0x1A600] =	vst v63  }
0x59: {  	s29 =	rddreg [dreg:$0x1c];
	s31 =	simm.s32 $0x5400  }
0x5a: {  	[tilespmem:s31], [sflag:$0x9] =	stream.linear.gather [hbm4b:s29+s3], $0x400, $0x38;
	[tilespmem:$0x1A600] =	vst v63  }
0x5b: {  	s2 =	rddreg [dreg:$0x1d];
	s6 =	simm.s32 $0x5800  }
0x5c: {  	[tilespmem:s6], [sflag:$0x9] =	stream.linear.gather [hbm4b:s2+s3], $0x400, $0x38;
	[tilespmem:$0x1A600] =	vst v63  }
0x5d: {  	s7 =	rddreg [dreg:$0x1e];
	s8 =	simm.s32 $0x5C00  }
0x5e: {  	[tilespmem:s8], [sflag:$0x9] =	stream.linear.gather [hbm4b:s7+s3], $0x400, $0x38;
	[tilespmem:$0x1A600] =	vst v63  }
0x5f: {  	s10 =	rddreg [dreg:$0x1f];
	s25 =	simm.s32 $0x6000  }
0x60: {  	[tilespmem:s25], [sflag:$0x9] =	stream.linear.gather [hbm4b:s10+s3], $0x400, $0x38;
	[tilespmem:$0x1A600] =	vst v63  }
0x61: {  	_ =	swait.ge [sflag:s11], $0x400  }
0x62: {  	[sflag:s11] =	ssyncset.done $0x0  }
0x63: {  	[sflag:s11] =	ssyncadd.s32 $0xFFFFFC00  }
0x64: {  	_ =	swait.ge [sflag:s11], $0x400  }
0x65: {  	[sflag:s11] =	ssyncset.done $0x0  }
0x66: {  	[sflag:s11] =	ssyncadd.s32 $0xFFFFFC00  }
0x67: {  	_ =	swait.ge [sflag:s11], $0x400  }
0x68: {  	[sflag:s11] =	ssyncset.done $0x0  }
0x69: {  	[sflag:s11] =	ssyncadd.s32 $0xFFFFFC00  }
0x6a: {  	_ =	swait.ge [sflag:s11], $0x400  }
0x6b: {  	[sflag:s11] =	ssyncset.done $0x0  }
0x6c: {  	[sflag:s11] =	ssyncadd.s32 $0xFFFFFC00  }
0x6d: {  	_ =	swait.ge [sflag:s11], $0x400  }
0x6e: {  	[sflag:s11] =	ssyncset.done $0x0  }
0x6f: {  	[sflag:s11] =	ssyncadd.s32 $0xFFFFFC00  }
0x70: {  	_ =	swait.ge [sflag:s11], $0x400  }
0x71: {  	[sflag:s11] =	ssyncset.done $0x0  }
0x72: {  	[sflag:s11] =	ssyncadd.s32 $0xFFFFFC00  }
0x73: {  	_ =	swait.ge [sflag:s11], $0x400  }
0x74: {  	[sflag:s11] =	ssyncset.done $0x0  }
0x75: {  	[sflag:s11] =	ssyncadd.s32 $0xFFFFFC00  }
0x76: {  	_ =	swait.ge [sflag:s11], $0x400  }
0x77: {  	[sflag:s11] =	ssyncset.done $0x0  }
0x78: {  	[sflag:s11] =	ssyncadd.s32 $0xFFFFFC00  }
0x79: {  	_ =	swait.ge [sflag:s11], $0x400  }
0x7a: {  	[sflag:s11] =	ssyncset.done $0x0  }
0x7b: {  	[sflag:s11] =	ssyncadd.s32 $0xFFFFFC00  }
0x7c: {  	_ =	swait.ge [sflag:s11], $0x400  }
0x7d: {  	[sflag:s11] =	ssyncset.done $0x0  }
0x7e: {  	[sflag:s11] =	ssyncadd.s32 $0xFFFFFC00  }
0x7f: {  	_ =	swait.ge [sflag:s11], $0x400  }
0x80: {  	[sflag:s11] =	ssyncset.done $0x0  }
0x81: {  	[sflag:s11] =	ssyncadd.s32 $0xFFFFFC00  }
0x82: {  	_ =	swait.ge [sflag:s11], $0x400  }
0x83: {  	[sflag:s11] =	ssyncset.done $0x0  }
0x84: {  	[sflag:s11] =	ssyncadd.s32 $0xFFFFFC00  }
0x85: {  	_ =	swait.ge [sflag:s11], $0x400  }
0x86: {  	[sflag:s11] =	ssyncset.done $0x0  }
0x87: {  	[sflag:s11] =	ssyncadd.s32 $0xFFFFFC00  }
0x88: {  	_ =	swait.ge [sflag:s11], $0x400  }
0x89: {  	[sflag:s11] =	ssyncset.done $0x0  }
0x8a: {  	[sflag:s11] =	ssyncadd.s32 $0xFFFFFC00  }
0x8b: {  	_ =	swait.ge [sflag:s11], $0x400  }
0x8c: {  	[sflag:s11] =	ssyncset.done $0x0  }
0x8d: {  	[sflag:s11] =	ssyncadd.s32 $0xFFFFFC00  }
0x8e: {  	_ =	swait.ge [sflag:s11], $0x400  }
0x8f: {  	[sflag:s11] =	ssyncset.done $0x0  }
0x90: {  	[sflag:s11] =	ssyncadd.s32 $0xFFFFFC00  }
0x91: {  	_ =	swait.ge [sflag:s11], $0x400  }
0x92: {  	[sflag:s11] =	ssyncset.done $0x0  }
0x93: {  	[sflag:s11] =	ssyncadd.s32 $0xFFFFFC00  }
0x94: {  	_ =	swait.ge [sflag:s11], $0x400  }
0x95: {  	[sflag:s11] =	ssyncset.done $0x0  }
0x96: {  	[sflag:s11] =	ssyncadd.s32 $0xFFFFFC00  }
0x97: {  	_ =	swait.ge [sflag:s11], $0x400  }
0x98: {  	[sflag:s11] =	ssyncset.done $0x0  }
0x99: {  	[sflag:s11] =	ssyncadd.s32 $0xFFFFFC00  }
0x9a: {  	_ =	swait.ge [sflag:s11], $0x400  }
0x9b: {  	[sflag:s11] =	ssyncset.done $0x0  }
0x9c: {  	[sflag:s11] =	ssyncadd.s32 $0xFFFFFC00  }
0x9d: {  	_ =	swait.ge [sflag:s11], $0x400  }
0x9e: {  	[sflag:s11] =	ssyncset.done $0x0  }
0x9f: {  	[sflag:s11] =	ssyncadd.s32 $0xFFFFFC00  }
0xa0: {  	_ =	swait.ge [sflag:s11], $0x400  }
0xa1: {  	[sflag:s11] =	ssyncset.done $0x0  }
0xa2: {  	[sflag:s11] =	ssyncadd.s32 $0xFFFFFC00  }
0xa3: {  	_ =	swait.ge [sflag:s11], $0x400  }
0xa4: {  	[sflag:s11] =	ssyncset.done $0x0  }
0xa5: {  	[sflag:s11] =	ssyncadd.s32 $0xFFFFFC00  }
0xa6: {  	_ =	swait.ge [sflag:s11], $0x400  }
0xa7: {  	[sflag:s11] =	ssyncset.done $0x0  }
0xa8: {  	[sflag:s11] =	ssyncadd.s32 $0xFFFFFC00  }
0xa9: {  	_ =	swait.ge [sflag:s11], $0x400  }
0xaa: {  	[sflag:s11] =	ssyncset.done $0x0  }
0xab: {  	s26 =	simm.s32 $0x9E00;
	[sflag:s11] =	ssyncadd.s32 $0xFFFFFC00  }
0xac: {  	[tilespmem:s26], [sflag:$0x1] =	stream.indirect.gather [hbm4b:s4+s12], $0x40, s3, s12, $0xb8;
	[tilespmem:$0x1A600] =	vst v63  }
0xad: {  	s29 =	simm.s32 $0xBE00  }
0xae: {  	[tilespmem:s29], [sflag:$0x2] =	stream.indirect.gather [hbm4b:s4+s12], $0x40, s12, s12, $0xb8;
	[tilespmem:$0x1A600] =	vst v63  }
0xaf: {  	s30 =	simm.s32 $0x0;
	s31 =	simm.s32 $0x100  }
0xb0: {  	[tilespmem:s13], [sflag:$0x3] =	stream.indirect.gather [hbm4b:s4+s12], $0x40, s31, s12, $0xb8;
	[tilespmem:$0x1A600] =	vst v63  }
.LBB2_2:
0xb1: {  	p0 =	seq.s32 s30, $0x0  }
0xb2: {  	s0 =	simm.s32 @!p0 $0x6  }
0xb3: {  	_ =	swait.ge @!p0 [sflag:s0], $0x2000  }
0xb4: {  	[sflag:s0] =	ssyncset.done @!p0 $0x0  }
0xb5: {  	[sflag:s0] =	ssyncadd.s32 @!p0 $0xFFFFE000  }
0xb6: {  	_ =	swait.ge [sflag:s14], $0x2000  }
0xb7: {  	s26 =	sshll.u32 s30, $0x8;
	[sflag:s14] =	ssyncset.done $0x0  }
0xb8: {  	s0 =	sand.u32 $0x3FFFFF00, s26;
	[sflag:s14] =	ssyncadd.s32 $0xFFFFE000  }
0xb9: {  	v5 =	vld [tilespmem:s0+$0x6400]  }
0xba: {  	s6 =	simm.s32 $0x9640;
	v6 =	vld [tilespmem:s0+$0x6410]  }
0xbb: {  	v8 =	vld [tilespmem:s6+$0x30]  }
0xbc: {  	v7 =	vld [tilespmem:s0+$0x6420]  }
0xbd: {  	s2 =	simm.s32 $0x9F00;
	v4 =	vld [tilespmem:s0+$0x6430]  }
0xbe: {  	v9 =	vld [tilespmem:s2+$0xC0]  }
0xbf: {  	v10 =	vld [tilespmem:s6+$0xFFFFFFD0]  }
0xc0: {  	v11 =	vld [tilespmem:s6+$0xFFFFFFE0]  }
0xc1: {  	v13 =	vld [tilespmem:s2+$0xFFFFFF40]  }
0xc2: {  	v14 =	vld [tilespmem:s2+$0xFFFFFF80]  }
0xc3: {  	v15 =	vld [tilespmem:s2+$0xFFFFFFC0];
	v12 =	vadd.s32 v0, v8  }
0xc4: {  	v16 =	vld [tilespmem:s2+$0x0]  }
0xc5: {  	v17 =	vld [tilespmem:s6+$0x0]  }
0xc6: {  	v19 =	vld [tilespmem:s6+$0x10];
	v9 =	vadd.f32 v9, v5  }
0xc7: {  	v21 =	vld [tilespmem:s6+$0x20]  }
0xc8: {  	[tilespmem:v12+s15+$0x0] =	vst.idx.msk $0xffff, v9;
	v12 =	vld [tilespmem:s6+$0xFFFFFFF0]  }
0xc9: {  	v22 =	vld [tilespmem:s6+$0xFFFFFFC0];
	v18 =	vadd.s32 v0, v10  }
0xca: {  	v20 =	vadd.s32 v0, v11;
	v9 =	vld [tilespmem:s2+$0xD0]  }
0xcb: {  	v24 =	vld [tilespmem:s2+$0x40];
	v27 =	vadd.s32 v0, v17  }
0xcc: {  	v26 =	vld [tilespmem:s2+$0x80];
	v13 =	vadd.f32 v13, v5;
	v25 =	vadd.s32 v1, v8  }
0xcd: {  	s29 =	simm.s32 $0x96C0;
	v28 =	vld [tilespmem:s2+$0xFFFFFF00];
	v14 =	vadd.f32 v14, v5;
	v23 =	vadd.s32 v0, v12  }
0xce: {  	s0 =	simm.s32 $0xA100;
	v56 =	vld [tilespmem:s29+$0x20];
	v16 =	vadd.f32 v16, v5;
	[tilespmem:v18+s15+$0x0] =	vst.idx.msk $0xffff, v13;
	v13 =	vadd.f32 v15, v5  }
0xcf: {  	v31 =	vld [tilespmem:s0+$0xFFFFFF00];
	v15 =	vadd.s32 v0, v19;
	[tilespmem:v20+s15+$0x0] =	vst.idx.msk $0xffff, v14;
	v9 =	vadd.f32 v9, v6  }
0xd0: {  	v18 =	vadd.s32 v0, v21;
	[tilespmem:v27+s15+$0x0] =	vst.idx.msk $0xffff, v16;
	v14 =	vld [tilespmem:s2+$0xFFFFFF50]  }
0xd1: {  	v29 =	vadd.s32 v0, v22;
	v20 =	vld [tilespmem:s2+$0xFFFFFF90];
	[tilespmem:v25+s15+$0x0] =	vst.idx.msk $0xffff, v9;
	v25 =	vadd.f32 v26, v5  }
0xd2: {  	v26 =	vld [tilespmem:s2+$0xE0];
	[tilespmem:v23+s15+$0x0] =	vst.idx.msk $0xffff, v13;
	v13 =	vadd.s32 v1, v10;
	v23 =	vadd.f32 v24, v5  }
0xd3: {  	v16 =	vadd.f32 v28, v5;
	v28 =	vld [tilespmem:s2+$0x10];
	v24 =	vadd.s32 v1, v11  }
0xd4: {  	v9 =	vld [tilespmem:s2+$0xFFFFFFD0];
	[tilespmem:v15+s15+$0x0] =	vst.idx.msk $0xffff, v23;
	v15 =	vadd.s32 v2, v8  }
0xd5: {  	v36 =	vld [tilespmem:s0+$0xFFFFFF80];
	v14 =	vadd.f32 v14, v6;
	[tilespmem:v18+s15+$0x0] =	vst.idx.msk $0xffff, v25;
	v18 =	vadd.s32 v1, v17  }
0xd6: {  	[tilespmem:v29+s15+$0x0] =	vst.idx.msk $0xffff, v16;
	v27 =	vadd.s32 v1, v12;
	v20 =	vadd.f32 v20, v6;
	v25 =	vld [tilespmem:s2+$0x90]  }
0xd7: {  	v23 =	vld [tilespmem:s2+$0x50];
	[tilespmem:v13+s15+$0x0] =	vst.idx.msk $0xffff, v14;
	v14 =	vadd.f32 v26, v7  }
0xd8: {  	v29 =	vld [tilespmem:s2+$0xFFFFFF10];
	[tilespmem:v24+s15+$0x0] =	vst.idx.msk $0xffff, v20;
	v24 =	vadd.f32 v28, v6  }
0xd9: {  	v16 =	vadd.s32 v1, v19;
	v9 =	vadd.f32 v9, v6;
	v26 =	vld [tilespmem:s2+$0xFFFFFF60];
	[tilespmem:v15+s15+$0x0] =	vst.idx.msk $0xffff, v14  }
0xda: {  	v13 =	vadd.s32 v1, v21;
	v28 =	vld [tilespmem:s2+$0xFFFFFFA0];
	[tilespmem:v18+s15+$0x0] =	vst.idx.msk $0xffff, v24  }
0xdb: {  	v20 =	vadd.s32 v1, v22;
	[tilespmem:v27+s15+$0x0] =	vst.idx.msk $0xffff, v9;
	v27 =	vld [tilespmem:s2+$0xF0]  }
0xdc: {  	v18 =	vadd.f32 v25, v6;
	v14 =	vadd.f32 v23, v6;
	v25 =	vld [tilespmem:s2+$0x20]  }
0xdd: {  	v23 =	vadd.s32 v2, v11;
	v15 =	vld [tilespmem:s2+$0xFFFFFFE0]  }
0xde: {  	[tilespmem:v16+s15+$0x0] =	vst.idx.msk $0xffff, v14;
	v14 =	vadd.f32 v29, v6;
	v29 =	vld [tilespmem:s0+$0xC0]  }
0xdf: {  	v9 =	vadd.s32 v2, v10;
	[tilespmem:v13+s15+$0x0] =	vst.idx.msk $0xffff, v18;
	v16 =	vld [tilespmem:s2+$0x60]  }
0xe0: {  	v8 =	vadd.s32 v3, v8;
	v18 =	vld [tilespmem:s2+$0xA0];
	[tilespmem:v20+s15+$0x0] =	vst.idx.msk $0xffff, v14;
	v14 =	vadd.f32 v28, v7  }
0xe1: {  	v24 =	vadd.s32 v2, v12;
	v13 =	vadd.f32 v26, v7;
	v26 =	vld [tilespmem:s29+$0xFFFFFFE0]  }
0xe2: {  	v30 =	vadd.s32 v3, v10;
	v28 =	vadd.s32 v2, v17;
	[tilespmem:v23+s15+$0x0] =	vst.idx.msk $0xffff, v14;
	v23 =	vld [tilespmem:s29+$0x30]  }
0xe3: {  	v32 =	vadd.s32 v3, v11;
	v10 =	vadd.s32 v2, v19;
	v20 =	vld [tilespmem:s2+$0xFFFFFF20];
	v11 =	vadd.f32 v27, v4  }
0xe4: {  	[tilespmem:v9+s15+$0x0] =	vst.idx.msk $0xffff, v13;
	v9 =	vadd.f32 v15, v7;
	v14 =	vld [tilespmem:s2+$0xFFFFFFB0]  }
0xe5: {  	v35 =	vadd.s32 v2, v21;
	v27 =	vld [tilespmem:s0+$0xFFFFFF40];
	v25 =	vadd.f32 v25, v7;
	[tilespmem:v8+s15+$0x0] =	vst.idx.msk $0xffff, v11  }
0xe6: {  	v34 =	vadd.s32 v2, v22;
	v13 =	vld [tilespmem:s2+$0xFFFFFF70];
	[tilespmem:v24+s15+$0x0] =	vst.idx.msk $0xffff, v9;
	v11 =	vadd.f32 v16, v7  }
0xe7: {  	v8 =	vadd.s32 v3, v17;
	v24 =	vld [tilespmem:s29+$0xFFFFFFD0];
	[tilespmem:v28+s15+$0x0] =	vst.idx.msk $0xffff, v25;
	v33 =	vadd.s32 v0, v23  }
0xe8: {  	v9 =	vadd.s32 v3, v22;
	v16 =	vld [tilespmem:s0+$0xFFFFFFC0];
	v17 =	vadd.f32 v18, v7;
	[tilespmem:v10+s15+$0x0] =	vst.idx.msk $0xffff, v11  }
0xe9: {  	v15 =	vld [tilespmem:s2+$0xFFFFFFF0];
	v11 =	vadd.f32 v20, v7;
	v20 =	vadd.s32 v0, v26;
	v14 =	vadd.f32 v14, v4  }
0xea: {  	v22 =	vadd.s32 v3, v12;
	v12 =	vadd.f32 v29, v5;
	v18 =	vld [tilespmem:s0+$0x40];
	[tilespmem:v35+s15+$0x0] =	vst.idx.msk $0xffff, v17  }
0xeb: {  	v29 =	vld [tilespmem:s29+$0x0];
	[tilespmem:v32+s15+$0x0] =	vst.idx.msk $0xffff, v14;
	v14 =	vadd.f32 v27, v5;
	v27 =	vadd.f32 v36, v5  }
0xec: {  	v28 =	vld [tilespmem:s29+$0xFFFFFFF0];
	[tilespmem:v33+s15+$0x0] =	vst.idx.msk $0xffff, v12;
	v12 =	vadd.f32 v13, v4;
	v13 =	vadd.s32 v0, v24  }
0xed: {  	[tilespmem:v34+s15+$0x0] =	vst.idx.msk $0xffff, v11;
	v17 =	vld [tilespmem:s0+$0xD0]  }
0xee: {  	v57 =	vadd.s32 v1, v26;
	v25 =	vld [tilespmem:s0+$0x0];
	v15 =	vadd.f32 v15, v4;
	[tilespmem:v20+s15+$0x0] =	vst.idx.msk $0xffff, v27  }
0xef: {  	v58 =	vadd.s32 v2, v26;
	[tilespmem:v30+s15+$0x0] =	vst.idx.msk $0xffff, v12;
	v12 =	vadd.s32 v1, v23;
	v30 =	vld [tilespmem:s29+$0x10]  }
0xf0: {  	v10 =	vadd.s32 v3, v19;
	v19 =	vld [tilespmem:s0+$0x80];
	v11 =	vadd.s32 v3, v21;
	[tilespmem:v22+s15+$0x0] =	vst.idx.msk $0xffff, v15  }
0xf1: {  	v21 =	vadd.s32 v1, v24;
	v27 =	vadd.s32 v0, v28;
	[tilespmem:v13+s15+$0x0] =	vst.idx.msk $0xffff, v14;
	v14 =	vld [tilespmem:s29+$0xFFFFFFC0]  }
0xf2: {  	v38 =	vld [tilespmem:s2+$0x30];
	v15 =	vadd.f32 v16, v5;
	v16 =	vadd.s32 v0, v56;
	v17 =	vadd.f32 v17, v6  }
0xf3: {  	v55 =	vadd.s32 v2, v24;
	v59 =	vadd.s32 v0, v29;
	v13 =	vadd.s32 v3, v24;
	v24 =	vld [tilespmem:s0+$0xFFFFFF90]  }
0xf4: {  	v40 =	vld [tilespmem:s2+$0x70];
	[tilespmem:v12+s15+$0x0] =	vst.idx.msk $0xffff, v17;
	v12 =	vadd.s32 v3, v26;
	v26 =	vadd.s32 v0, v30  }
0xf5: {  	v19 =	vadd.f32 v19, v5;
	v17 =	vadd.f32 v31, v5;
	v31 =	vld [tilespmem:s0+$0xE0]  }
0xf6: {  	v22 =	vadd.f32 v25, v5;
	[tilespmem:v27+s15+$0x0] =	vst.idx.msk $0xffff, v15;
	v20 =	vld [tilespmem:s0+$0xFFFFFF50];
	v39 =	vadd.s32 v0, v14  }
0xf7: {  	v18 =	vadd.f32 v18, v5;
	v25 =	vadd.s32 v2, v23;
	[tilespmem:v16+s15+$0x0] =	vst.idx.msk $0xffff, v19;
	v27 =	vld [tilespmem:s0+$0xFFFFFFD0]  }
0xf8: {  	[tilespmem:v59+s15+$0x0] =	vst.idx.msk $0xffff, v22;
	v19 =	vld [tilespmem:s0+$0x90];
	v24 =	vadd.f32 v24, v6  }
0xf9: {  	v41 =	vadd.s32 v2, v28;
	v22 =	vadd.s32 v1, v29;
	v36 =	vld [tilespmem:s0+$0x10];
	[tilespmem:v26+s15+$0x0] =	vst.idx.msk $0xffff, v18  }
0xfa: {  	v15 =	vadd.s32 v1, v28;
	[tilespmem:v57+s15+$0x0] =	vst.idx.msk $0xffff, v24;
	v26 =	vadd.f32 v31, v7;
	v43 =	vld [tilespmem:s0+$0x50]  }
0xfb: {  	v37 =	vld [tilespmem:s2+$0xFFFFFF30];
	v23 =	vadd.s32 v3, v23;
	v16 =	vadd.f32 v20, v6;
	[tilespmem:v39+s15+$0x0] =	vst.idx.msk $0xffff, v17  }
0xfc: {  	v42 =	vadd.s32 v1, v30;
	v20 =	vadd.s32 v1, v56;
	[tilespmem:v25+s15+$0x0] =	vst.idx.msk $0xffff, v26;
	v39 =	vld [tilespmem:s0+$0xFFFFFF10]  }
0xfd: {  	v19 =	vadd.f32 v19, v6;
	[tilespmem:v21+s15+$0x0] =	vst.idx.msk $0xffff, v16;
	v16 =	vadd.f32 v27, v6;
	v17 =	vld [tilespmem:s0+$0xF0]  }
0xfe: {  	v24 =	vadd.f32 v36, v6;
	v18 =	vadd.s32 v2, v30;
	v44 =	vld [tilespmem:s0+$0xFFFFFF60];
	v25 =	vadd.s32 v1, v14  }
0xff: {  	v21 =	vadd.s32 v2, v14;
	v34 =	vld [tilespmem:s0+$0xFFFFFFA0];
	[tilespmem:v15+s15+$0x0] =	vst.idx.msk $0xffff, v16;
	v15 =	vadd.f32 v43, v6  }
0x100: {  	v27 =	vadd.f32 v37, v4;
	v31 =	vadd.s32 v2, v29;
	[tilespmem:v22+s15+$0x0] =	vst.idx.msk $0xffff, v24;
	v16 =	vld [tilespmem:s0+$0xFFFFFFE0]  }
0x101: {  	v22 =	vadd.s32 v3, v14;
	v60 =	vld [tilespmem:s0+$0x20];
	[tilespmem:v42+s15+$0x0] =	vst.idx.msk $0xffff, v15;
	v24 =	vadd.f32 v39, v6  }
0x102: {  	v26 =	vadd.s32 v2, v56;
	[tilespmem:v20+s15+$0x0] =	vst.idx.msk $0xffff, v19;
	v14 =	vadd.f32 v17, v4;
	v61 =	vld [tilespmem:s0+$0x60]  }
0x103: {  	v20 =	vadd.f32 v38, v4;
	v62 =	vld [tilespmem:s0+$0xA0];
	v19 =	vadd.f32 v44, v7;
	[tilespmem:v25+s15+$0x0] =	vst.idx.msk $0xffff, v24  }
0x104: {  	v17 =	vadd.s32 v3, v28;
	v28 =	vld [tilespmem:s2+$0xB0];
	[tilespmem:v23+s15+$0x0] =	vst.idx.msk $0xffff, v14;
	v23 =	vadd.f32 v34, v7  }
0x105: {  	v15 =	vadd.s32 v3, v29;
	[tilespmem:v55+s15+$0x0] =	vst.idx.msk $0xffff, v19;
	v63 =	vadd.f32 v16, v7;
	v29 =	vld [tilespmem:s0+$0xFFFFFF20]  }
0x106: {  	v19 =	vadd.f32 v40, v4;
	v24 =	vld [tilespmem:s0+$0xFFFFFF70];
	[tilespmem:v58+s15+$0x0] =	vst.idx.msk $0xffff, v23;
	v23 =	vadd.f32 v60, v7  }
0x107: {  	s31 =	sshll.u32 s30, $0x2;
	v16 =	vadd.s32 v3, v56;
	[tilespmem:v41+s15+$0x0] =	vst.idx.msk $0xffff, v63;
	v25 =	vld [tilespmem:s0+$0xFFFFFFB0];
	v32 =	vadd.f32 v61, v7  }
0x108: {  	s7 =	simm.s32 $0x9740;
	s6 =	simm.s32 $0x8;
	s2 =	simm.s32 $0xA100;
	v14 =	vadd.s32 v3, v30;
	v30 =	vld [tilespmem:s0+$0xFFFFFFF0];
	[tilespmem:v31+s15+$0x0] =	vst.idx.msk $0xffff, v23;
	v31 =	vadd.f32 v62, v7  }
.LBB2_3:
0x109: {  	v23 =	vld [tilespmem:s7+$0x30];
	s6 =	sadd.s32 $0x8, s6;
	[tilespmem:v18+s15+$0x0] =	vst.idx.msk $0xffff, v32;
	v18 =	vadd.f32 v28, v4  }
0x10a: {  	v28 =	vld [tilespmem:s7+$0xFFFFFFD0];
	p1 =	slt.u32 s6, $0x78;
	v29 =	vadd.f32 v29, v7;
	[tilespmem:v26+s15+$0x0] =	vst.idx.msk $0xffff, v31  }
0x10b: {  	s0 =	sadd.s32 $0x200, s0;
	v26 =	vld [tilespmem:s7+$0xFFFFFFE0];
	v24 =	vadd.f32 v24, v4;
	[tilespmem:v9+s15+$0x0] =	vst.idx.msk $0xffff, v27;
	v9 =	vmov v22  }
0x10c: {  	v22 =	vld [tilespmem:s0+$0xC0];
	[tilespmem:v21+s15+$0x0] =	vst.idx.msk $0xffff, v29;
	v21 =	vadd.f32 v25, v4  }
0x10d: {  	v27 =	vld [tilespmem:s0+$0xFFFFFF00];
	[tilespmem:v13+s15+$0x0] =	vst.idx.msk $0xffff, v24;
	v29 =	vadd.f32 v30, v4  }
0x10e: {  	v30 =	vld [tilespmem:s0+$0xFFFFFF40];
	v31 =	vadd.s32 v0, v23;
	[tilespmem:v12+s15+$0x0] =	vst.idx.msk $0xffff, v21  }
0x10f: {  	v21 =	vadd.s32 v0, v28;
	v32 =	vadd.s32 v1, v28;
	v24 =	vadd.s32 v2, v28;
	v33 =	vld [tilespmem:s0+$0xFFFFFF80]  }
0x110: {  	v34 =	vadd.s32 v0, v26;
	v35 =	vadd.s32 v1, v26;
	v25 =	vadd.s32 v2, v26;
	v36 =	vld [tilespmem:s0+$0xFFFFFFC0]  }
0x111: {  	v13 =	vadd.s32 v3, v28;
	v12 =	vadd.s32 v3, v26;
	v26 =	vld [tilespmem:s0+$0x0];
	v22 =	vadd.f32 v22, v5  }
0x112: {  	v28 =	vadd.f32 v27, v5;
	v27 =	vld [tilespmem:s0+$0x40];
	[tilespmem:v17+s15+$0x0] =	vst.idx.msk $0xffff, v29  }
0x113: {  	v17 =	vadd.f32 v30, v5;
	v29 =	vld [tilespmem:s0+$0x80];
	[tilespmem:v31+s15+$0x0] =	vst.idx.msk $0xffff, v22  }
0x114: {  	v22 =	vadd.f32 v33, v5;
	v30 =	vld [tilespmem:s0+$0xD0];
	[tilespmem:v8+s15+$0x0] =	vst.idx.msk $0xffff, v20;
	v8 =	vmov v15  }
0x115: {  	[tilespmem:v21+s15+$0x0] =	vst.idx.msk $0xffff, v17;
	v15 =	vld [tilespmem:s7+$0xFFFFFFF0];
	v17 =	vadd.f32 v36, v5  }
0x116: {  	v21 =	vadd.s32 v1, v23;
	[tilespmem:v34+s15+$0x0] =	vst.idx.msk $0xffff, v22;
	v20 =	vld [tilespmem:s7+$0x0];
	v22 =	vadd.f32 v26, v5  }
0x117: {  	v31 =	vld [tilespmem:s7+$0x10];
	v27 =	vadd.f32 v27, v5;
	[tilespmem:v10+s15+$0x0] =	vst.idx.msk $0xffff, v19;
	v10 =	vmov v14  }
0x118: {  	v33 =	vld [tilespmem:s7+$0x20];
	v14 =	vadd.f32 v29, v5;
	[tilespmem:v11+s15+$0x0] =	vst.idx.msk $0xffff, v18;
	v11 =	vmov v16  }
0x119: {  	v16 =	vld [tilespmem:s7+$0xFFFFFFC0];
	v18 =	vadd.f32 v30, v6  }
0x11a: {  	v19 =	vld [tilespmem:s0+$0xFFFFFF50];
	v26 =	vadd.s32 v0, v15;
	v29 =	vadd.s32 v1, v15;
	v30 =	vadd.s32 v2, v15  }
0x11b: {  	v34 =	vld [tilespmem:s0+$0xFFFFFF90];
	v36 =	vadd.s32 v0, v20;
	v37 =	vadd.s32 v1, v20;
	[tilespmem:v21+s15+$0x0] =	vst.idx.msk $0xffff, v18  }
0x11c: {  	v38 =	vadd.s32 v2, v20;
	v39 =	vadd.s32 v0, v31;
	v40 =	vadd.s32 v1, v31;
	v41 =	vld [tilespmem:s0+$0xE0]  }
0x11d: {  	v18 =	vadd.s32 v2, v31;
	v42 =	vadd.s32 v0, v33;
	v43 =	vadd.s32 v1, v33;
	v44 =	vld [tilespmem:s2+$0xFFFFFF30]  }
0x11e: {  	v47 =	vadd.s32 v2, v23;
	v45 =	vadd.s32 v0, v16;
	v46 =	vadd.s32 v1, v16;
	v48 =	vld [tilespmem:s2+$0x30]  }
0x11f: {  	v21 =	vadd.s32 v2, v16;
	v49 =	vadd.f32 v19, v6;
	[tilespmem:v26+s15+$0x0] =	vst.idx.msk $0xffff, v17;
	v19 =	vld [tilespmem:s2+$0x70]  }
0x120: {  	v26 =	vadd.s32 v2, v33;
	v34 =	vadd.f32 v34, v6;
	v50 =	vld [tilespmem:s0+$0xFFFFFFD0];
	[tilespmem:v36+s15+$0x0] =	vst.idx.msk $0xffff, v22  }
0x121: {  	v22 =	vadd.s32 v3, v16;
	v36 =	vld [tilespmem:s0+$0x10];
	[tilespmem:v39+s15+$0x0] =	vst.idx.msk $0xffff, v27;
	v16 =	vadd.f32 v41, v7  }
0x122: {  	v17 =	vadd.s32 v3, v15;
	v39 =	vld [tilespmem:s0+$0x50];
	[tilespmem:v42+s15+$0x0] =	vst.idx.msk $0xffff, v14;
	v27 =	vadd.f32 v44, v4  }
0x123: {  	v15 =	vadd.s32 v3, v20;
	v41 =	vld [tilespmem:s0+$0x90];
	[tilespmem:v47+s15+$0x0] =	vst.idx.msk $0xffff, v16;
	v20 =	vadd.f32 v48, v4  }
0x124: {  	v14 =	vadd.s32 v3, v31;
	[tilespmem:v45+s15+$0x0] =	vst.idx.msk $0xffff, v28;
	v28 =	vld [tilespmem:s0+$0xF0];
	v19 =	vadd.f32 v19, v4  }
0x125: {  	v16 =	vadd.s32 v3, v33;
	v31 =	vld [tilespmem:s0+$0xFFFFFF10];
	[tilespmem:v32+s15+$0x0] =	vst.idx.msk $0xffff, v49;
	v32 =	vadd.f32 v50, v6  }
0x126: {  	v23 =	vadd.s32 v3, v23;
	v33 =	vld [tilespmem:s0+$0xFFFFFF60];
	[tilespmem:v35+s15+$0x0] =	vst.idx.msk $0xffff, v34;
	v34 =	vadd.f32 v36, v6  }
0x127: {  	v35 =	vld [tilespmem:s0+$0xFFFFFFA0];
	[tilespmem:v29+s15+$0x0] =	vst.idx.msk $0xffff, v32;
	v29 =	vadd.f32 v39, v6  }
0x128: {  	v32 =	vld [tilespmem:s0+$0xFFFFFFE0];
	[tilespmem:v37+s15+$0x0] =	vst.idx.msk $0xffff, v34;
	v34 =	vadd.f32 v41, v6  }
0x129: {  	v36 =	vld [tilespmem:s0+$0x20];
	[tilespmem:v40+s15+$0x0] =	vst.idx.msk $0xffff, v29;
	v28 =	vadd.f32 v28, v4  }
0x12a: {  	v29 =	vadd.f32 v31, v6;
	v31 =	vld [tilespmem:s0+$0x60];
	[tilespmem:v43+s15+$0x0] =	vst.idx.msk $0xffff, v34  }
0x12b: {  	v33 =	vadd.f32 v33, v7;
	v34 =	vld [tilespmem:s0+$0xA0];
	[tilespmem:v23+s15+$0x0] =	vst.idx.msk $0xffff, v28  }
.Ltmp0:
0x12c: {  	[tilespmem:v46+s15+$0x0] =	vst.idx.msk $0xffff, v29;
	v23 =	vadd.f32 v35, v7;
	v28 =	vld [tilespmem:s2+$0xB0];
	s2 =	smov.u32 s0;
	(pc) =	sbr.rel @p1 .LBB2_3-.Ltmp0, $4  }
0x12d: {  	v29 =	vld [tilespmem:s0+$0xFFFFFF20];
	[tilespmem:v24+s15+$0x0] =	vst.idx.msk $0xffff, v33;
	v32 =	vadd.f32 v32, v7  }
0x12e: {  	v24 =	vld [tilespmem:s0+$0xFFFFFF70];
	[tilespmem:v25+s15+$0x0] =	vst.idx.msk $0xffff, v23;
	v23 =	vadd.f32 v36, v7  }
0x12f: {  	v25 =	vld [tilespmem:s0+$0xFFFFFFB0];
	[tilespmem:v30+s15+$0x0] =	vst.idx.msk $0xffff, v32;
	v32 =	vadd.f32 v31, v7  }
0x130: {  	s7 =	sadd.s32 $0x80, s7;
	v30 =	vld [tilespmem:s0+$0xFFFFFFF0];
	[tilespmem:v38+s15+$0x0] =	vst.idx.msk $0xffff, v23;
	v31 =	vadd.f32 v34, v7  }
0x131: {  	_ =	sdelay $0x3  }
0x132: {  	[tilespmem:v18+s15+$0x0] =	vst.idx.msk $0xffff, v32  }
0x133: {  	[tilespmem:v9+s15+$0x0] =	vst.idx.msk $0xffff, v27;
	v5 =	vadd.f32 v29, v7  }
0x134: {  	[tilespmem:v8+s15+$0x0] =	vst.idx.msk $0xffff, v20  }
0x135: {  	v60 =	vld [tilespmem:s2+$0x30];
	[tilespmem:v21+s15+$0x0] =	vst.idx.msk $0xffff, v5;
	v5 =	vadd.f32 v25, v4  }
0x136: {  	[tilespmem:v26+s15+$0x0] =	vst.idx.msk $0xffff, v31;
	v58 =	vld [tilespmem:s2+$0xFFFFFF30]  }
0x137: {  	v62 =	vadd.f32 v28, v4;
	[tilespmem:v12+s15+$0x0] =	vst.idx.msk $0xffff, v5;
	v5 =	vld [tilespmem:s2+$0x70]  }
0x138: {  	[tilespmem:v10+s15+$0x0] =	vst.idx.msk $0xffff, v19;
	v6 =	vadd.f32 v24, v4;
	v61 =	vld [tilespmem:s2+$0xB0]  }
0x139: {  	[tilespmem:v11+s15+$0x0] =	vst.idx.msk $0xffff, v62;
	v59 =	vadd.f32 v30, v4  }
0x13a: {  	[tilespmem:v13+s15+$0x0] =	vst.idx.msk $0xffff, v6;
	v63 =	vadd.f32 v60, v4  }
.Ltmp1:
0x13b: {  	[tilespmem:v17+s15+$0x0] =	vst.idx.msk $0xffff, v59;
	v7 =	vadd.f32 v58, v4;
	(pc) =	sbr.rel @p0 .LBB2_8-.Ltmp1, $4  }
0x13c: {  	[tilespmem:v15+s15+$0x0] =	vst.idx.msk $0xffff, v63;
	v5 =	vadd.f32 v5, v4  }
0x13d: {  	v4 =	vadd.f32 v61, v4;
	[tilespmem:v22+s15+$0x0] =	vst.idx.msk $0xffff, v7  }
0x13e: {  	[tilespmem:v14+s15+$0x0] =	vst.idx.msk $0xffff, v5  }
0x13f: {  	[tilespmem:v16+s15+$0x0] =	vst.idx.msk $0xffff, v4  }
0x140: {  	s0 =	sshll.u32 s30, $0x14  }
0x141: {  	s0 =	sadd.s32 s9, s0  }
0x142: {  	s0 =	sshrl.u32 s0, $0x3  }
0x143: {  	s7 =	simm.s32 $0x18400;
	s2 =	sadd.s32 s1, s0  }
0x144: {  	[hbm4b:s2+s3] =	stream.linear.scatter [tilespmem:s7], [sflag:$0x8], $0x80, $0x38;
	[tilespmem:$0x1A600] =	vst v63  }
0x145: {  	s8 =	simm.s32 $0x18488;
	s6 =	sadd.s32 $0x10, s2  }
0x146: {  	[hbm4b:s6+s3] =	stream.linear.scatter [tilespmem:s8], [sflag:$0x8], $0x80, $0x38;
	[tilespmem:$0x1A600] =	vst v63  }
0x147: {  	s10 =	simm.s32 $0x18510;
	s26 =	simm.s32 $0x18598;
	s25 =	sadd.s32 $0x20, s2  }
0x148: {  	[hbm4b:s25+s3] =	stream.linear.scatter [tilespmem:s10], [sflag:$0x8], $0x80, $0x38;
	[tilespmem:$0x1A600] =	vst v63  }
0x149: {  	s0 =	simm.s32 $0x440;
	s29 =	sadd.s32 $0x30, s2;
	s7 =	simm.s32 $0x18620  }
0x14a: {  	[hbm4b:s29+s3] =	stream.linear.scatter [tilespmem:s26], [sflag:$0x8], $0x80, $0x38;
	[tilespmem:$0x1A600] =	vst v63  }
0x14b: {  	s8 =	sadd.s32 $0x40, s2;
	s6 =	simm.s32 $0x2200;
	s10 =	simm.s32 $0x186A8  }
0x14c: {  	[hbm4b:s8+s3] =	stream.linear.scatter [tilespmem:s7], [sflag:$0x8], $0x80, $0x38;
	[tilespmem:$0x1A600] =	vst v63  }
0x14d: {  	s25 =	sadd.s32 $0x50, s2;
	s26 =	simm.s32 $0x18730;
	s29 =	sadd.s32 $0x60, s2  }
0x14e: {  	[hbm4b:s25+s3] =	stream.linear.scatter [tilespmem:s10], [sflag:$0x8], $0x80, $0x38;
	[tilespmem:$0x1A600] =	vst v63  }
0x14f: {  	s7 =	simm.s32 $0x187B8;
	s8 =	sadd.s32 $0x70, s2;
	s2 =	sadd.s32 $0x1000, s2  }
0x150: {  	[hbm4b:s29+s3] =	stream.linear.scatter [tilespmem:s26], [sflag:$0x8], $0x80, $0x38;
	[tilespmem:$0x1A600] =	vst v63  }
.LBB2_6:
0x151: {  	[hbm4b:s8+s3] =	stream.linear.scatter [tilespmem:s7], [sflag:$0x8], $0x80, $0x38;
	[tilespmem:$0x1A600] =	vst v63  }
0x152: {  	s7 =	smov.u32 s0;
	s0 =	smov.u32 s6  }
0x153: {  	s10 =	sadd.s32 $0x1100, s6;
	s0 =	sshra.s32 s0, $0x2;
	s8 =	sadd.s32 $0x18400, s7  }
0x154: {  	[hbm4b:s2+s3] =	stream.linear.scatter [tilespmem:s8], [sflag:$0x8], $0x80, $0x38;
	[tilespmem:$0x1A600] =	vst v63  }
0x155: {  	p1 =	sne.s32 s6, $0x7700;
	s6 =	sadd.s32 $0x18488, s7;
	s8 =	sadd.s32 $0x10, s2  }
0x156: {  	[hbm4b:s8+s3] =	stream.linear.scatter [tilespmem:s6], [sflag:$0x8], $0x80, $0x38;
	[tilespmem:$0x1A600] =	vst v63  }
0x157: {  	s6 =	sadd.s32 $0x18510, s7;
	s8 =	sadd.s32 $0x20, s2  }
0x158: {  	[hbm4b:s8+s3] =	stream.linear.scatter [tilespmem:s6], [sflag:$0x8], $0x80, $0x38;
	[tilespmem:$0x1A600] =	vst v63  }
0x159: {  	s6 =	sadd.s32 $0x18598, s7;
	s8 =	sadd.s32 $0x30, s2  }
0x15a: {  	[hbm4b:s8+s3] =	stream.linear.scatter [tilespmem:s6], [sflag:$0x8], $0x80, $0x38;
	[tilespmem:$0x1A600] =	vst v63  }
0x15b: {  	s6 =	sadd.s32 $0x18620, s7;
	s8 =	sadd.s32 $0x40, s2  }
0x15c: {  	[hbm4b:s8+s3] =	stream.linear.scatter [tilespmem:s6], [sflag:$0x8], $0x80, $0x38;
	[tilespmem:$0x1A600] =	vst v63  }
.Ltmp2:
0x15d: {  	s6 =	sadd.s32 $0x186A8, s7;
	s8 =	sadd.s32 $0x50, s2;
	(pc) =	sbr.rel @p1 .LBB2_6-.Ltmp2, $4  }
0x15e: {  	[hbm4b:s8+s3] =	stream.linear.scatter [tilespmem:s6], [sflag:$0x8], $0x80, $0x38;
	[tilespmem:$0x1A600] =	vst v63  }
0x15f: {  	s6 =	sadd.s32 $0x18730, s7;
	s8 =	sadd.s32 $0x60, s2;
	s7 =	sadd.s32 $0x187B8, s7  }
0x160: {  	[hbm4b:s8+s3] =	stream.linear.scatter [tilespmem:s6], [sflag:$0x8], $0x80, $0x38;
	[tilespmem:$0x1A600] =	vst v63  }
0x161: {  	s8 =	sadd.s32 $0x70, s2;
	s2 =	sadd.s32 $0x1000, s2;
	s6 =	smov.u32 s10  }
0x162: {  	[hbm4b:s8+s3] =	stream.linear.scatter [tilespmem:s7], [sflag:$0x8], $0x80, $0x38;
	[tilespmem:$0x1A600] =	vst v63  }
0x163: {  	s6 =	sadd.s32 $0x18400, s0  }
0x164: {  	[hbm4b:s2+s3] =	stream.linear.scatter [tilespmem:s6], [sflag:$0x8], $0x80, $0x38;
	[tilespmem:$0x1A600] =	vst v63  }
0x165: {  	s26 =	sadd.s32 $0x18488, s0;
	s29 =	sadd.s32 $0x10, s2  }
0x166: {  	[hbm4b:s29+s3] =	stream.linear.scatter [tilespmem:s26], [sflag:$0x8], $0x80, $0x38;
	[tilespmem:$0x1A600] =	vst v63  }
0x167: {  	s7 =	sadd.s32 $0x18510, s0;
	s8 =	sadd.s32 $0x20, s2  }
0x168: {  	[hbm4b:s8+s3] =	stream.linear.scatter [tilespmem:s7], [sflag:$0x8], $0x80, $0x38;
	[tilespmem:$0x1A600] =	vst v63  }
0x169: {  	s10 =	sadd.s32 $0x18598, s0;
	s25 =	sadd.s32 $0x30, s2  }
0x16a: {  	[hbm4b:s25+s3] =	stream.linear.scatter [tilespmem:s10], [sflag:$0x8], $0x80, $0x38;
	[tilespmem:$0x1A600] =	vst v63  }
0x16b: {  	s26 =	sadd.s32 $0x18620, s0;
	s29 =	sadd.s32 $0x40, s2  }
0x16c: {  	[hbm4b:s29+s3] =	stream.linear.scatter [tilespmem:s26], [sflag:$0x8], $0x80, $0x38;
	[tilespmem:$0x1A600] =	vst v63  }
0x16d: {  	s7 =	sadd.s32 $0x186A8, s0;
	s8 =	sadd.s32 $0x50, s2  }
0x16e: {  	[hbm4b:s8+s3] =	stream.linear.scatter [tilespmem:s7], [sflag:$0x8], $0x80, $0x38;
	[tilespmem:$0x1A600] =	vst v63  }
0x16f: {  	s10 =	sadd.s32 $0x18730, s0;
	s25 =	sadd.s32 $0x60, s2  }
0x170: {  	[hbm4b:s25+s3] =	stream.linear.scatter [tilespmem:s10], [sflag:$0x8], $0x80, $0x38;
	[tilespmem:$0x1A600] =	vst v63  }
0x171: {  	s26 =	sadd.s32 $0x187B8, s0;
	s29 =	sadd.s32 $0x70, s2  }
0x172: {  	[hbm4b:s29+s3] =	stream.linear.scatter [tilespmem:s26], [sflag:$0x8], $0x80, $0x38;
	[tilespmem:$0x1A600] =	vst v63  }
.LBB2_8:
0x173: {  	s0 =	sor.u32 $0x3, s31  }
0x174: {  	s6 =	sshll.u32 s30, $0x9;
	s2 =	sshll.u32 s0, $0x7  }
0x175: {  	s6 =	sand.u32 $0x7C00, s6;
	s2 =	sand.u32 $0x380, s2  }
0x176: {  	s2 =	sor.u32 s2, s6  }
0x177: {  	[tilespmem:s16], [sflag:$0x4] =	stream.indirect.gather [hbm4b:s4+s12], $0x40, s2, s12, $0xb8;
	[tilespmem:$0x1A600] =	vst v63  }
0x178: {  	s2 =	simm.s32 @!p0 $0x7  }
0x179: {  	_ =	swait.ge @!p0 [sflag:s2], $0x2000  }
0x17a: {  	[sflag:s2] =	ssyncset.done @!p0 $0x0  }
0x17b: {  	[sflag:s2] =	ssyncadd.s32 @!p0 $0xFFFFE000  }
0x17c: {  	s2 =	sor.u32 $0x1, s31;
	_ =	swait.ge [sflag:s17], $0x2000  }
0x17d: {  	s26 =	sshll.u32 s2, $0x6;
	[sflag:s17] =	ssyncset.done $0x0  }
0x17e: {  	s6 =	sand.u32 $0x3FFFFFC0, s26;
	[sflag:s17] =	ssyncadd.s32 $0xFFFFE000  }
0x17f: {  	v5 =	vld [tilespmem:s6+$0x6400]  }
0x180: {  	s8 =	simm.s32 $0x9640;
	v6 =	vld [tilespmem:s6+$0x6410]  }
0x181: {  	v8 =	vld [tilespmem:s8+$0x30]  }
0x182: {  	v7 =	vld [tilespmem:s6+$0x6420]  }
0x183: {  	s7 =	simm.s32 $0xBF00;
	v4 =	vld [tilespmem:s6+$0x6430]  }
0x184: {  	v9 =	vld [tilespmem:s7+$0xC0]  }
0x185: {  	v10 =	vld [tilespmem:s8+$0xFFFFFFD0]  }
0x186: {  	v11 =	vld [tilespmem:s8+$0xFFFFFFE0]  }
0x187: {  	v13 =	vld [tilespmem:s7+$0xFFFFFF40]  }
0x188: {  	v14 =	vld [tilespmem:s7+$0xFFFFFF80]  }
0x189: {  	v15 =	vld [tilespmem:s7+$0xFFFFFFC0];
	v12 =	vadd.s32 v0, v8  }
0x18a: {  	v16 =	vld [tilespmem:s7+$0x0]  }
0x18b: {  	v17 =	vld [tilespmem:s8+$0x0]  }
0x18c: {  	v19 =	vld [tilespmem:s8+$0x10];
	v9 =	vadd.f32 v9, v5  }
0x18d: {  	v21 =	vld [tilespmem:s8+$0x20]  }
0x18e: {  	[tilespmem:v12+s18+$0x0] =	vst.idx.msk $0xffff, v9;
	v12 =	vld [tilespmem:s8+$0xFFFFFFF0]  }
0x18f: {  	v22 =	vld [tilespmem:s8+$0xFFFFFFC0];
	v18 =	vadd.s32 v0, v10  }
0x190: {  	v20 =	vadd.s32 v0, v11;
	v9 =	vld [tilespmem:s7+$0xD0]  }
0x191: {  	v24 =	vld [tilespmem:s7+$0x40];
	v27 =	vadd.s32 v0, v17  }
0x192: {  	v26 =	vld [tilespmem:s7+$0x80];
	v13 =	vadd.f32 v13, v5;
	v25 =	vadd.s32 v1, v8  }
0x193: {  	s29 =	simm.s32 $0x96C0;
	v28 =	vld [tilespmem:s7+$0xFFFFFF00];
	v14 =	vadd.f32 v14, v5;
	v23 =	vadd.s32 v0, v12  }
0x194: {  	s6 =	simm.s32 $0xC100;
	v58 =	vld [tilespmem:s29+$0x20];
	v16 =	vadd.f32 v16, v5;
	[tilespmem:v18+s18+$0x0] =	vst.idx.msk $0xffff, v13;
	v13 =	vadd.f32 v15, v5  }
0x195: {  	v31 =	vld [tilespmem:s6+$0xFFFFFF00];
	v15 =	vadd.s32 v0, v19;
	[tilespmem:v20+s18+$0x0] =	vst.idx.msk $0xffff, v14;
	v9 =	vadd.f32 v9, v6  }
0x196: {  	v18 =	vadd.s32 v0, v21;
	[tilespmem:v27+s18+$0x0] =	vst.idx.msk $0xffff, v16;
	v14 =	vld [tilespmem:s7+$0xFFFFFF50]  }
0x197: {  	v29 =	vadd.s32 v0, v22;
	v20 =	vld [tilespmem:s7+$0xFFFFFF90];
	[tilespmem:v25+s18+$0x0] =	vst.idx.msk $0xffff, v9;
	v25 =	vadd.f32 v26, v5  }
0x198: {  	v26 =	vld [tilespmem:s7+$0xE0];
	[tilespmem:v23+s18+$0x0] =	vst.idx.msk $0xffff, v13;
	v13 =	vadd.s32 v1, v10;
	v23 =	vadd.f32 v24, v5  }
0x199: {  	v16 =	vadd.f32 v28, v5;
	v28 =	vld [tilespmem:s7+$0x10];
	v24 =	vadd.s32 v1, v11  }
0x19a: {  	v9 =	vld [tilespmem:s7+$0xFFFFFFD0];
	[tilespmem:v15+s18+$0x0] =	vst.idx.msk $0xffff, v23;
	v15 =	vadd.s32 v2, v8  }
0x19b: {  	v36 =	vld [tilespmem:s6+$0xFFFFFF80];
	v14 =	vadd.f32 v14, v6;
	[tilespmem:v18+s18+$0x0] =	vst.idx.msk $0xffff, v25;
	v18 =	vadd.s32 v1, v17  }
0x19c: {  	[tilespmem:v29+s18+$0x0] =	vst.idx.msk $0xffff, v16;
	v27 =	vadd.s32 v1, v12;
	v20 =	vadd.f32 v20, v6;
	v23 =	vld [tilespmem:s7+$0x50]  }
0x19d: {  	v25 =	vld [tilespmem:s7+$0x90];
	[tilespmem:v13+s18+$0x0] =	vst.idx.msk $0xffff, v14;
	v14 =	vadd.f32 v26, v7  }
0x19e: {  	v16 =	vadd.s32 v1, v19;
	v29 =	vld [tilespmem:s7+$0xFFFFFF10];
	[tilespmem:v24+s18+$0x0] =	vst.idx.msk $0xffff, v20;
	v24 =	vadd.f32 v28, v6  }
0x19f: {  	v13 =	vadd.s32 v1, v21;
	v9 =	vadd.f32 v9, v6;
	v26 =	vld [tilespmem:s7+$0xFFFFFF60];
	[tilespmem:v15+s18+$0x0] =	vst.idx.msk $0xffff, v14  }
0x1a0: {  	v20 =	vadd.s32 v1, v22;
	v28 =	vld [tilespmem:s7+$0xFFFFFFA0];
	[tilespmem:v18+s18+$0x0] =	vst.idx.msk $0xffff, v24  }
0x1a1: {  	[tilespmem:v27+s18+$0x0] =	vst.idx.msk $0xffff, v9;
	v14 =	vadd.f32 v23, v6;
	v27 =	vld [tilespmem:s7+$0xF0]  }
0x1a2: {  	v18 =	vadd.f32 v25, v6;
	v23 =	vadd.s32 v2, v11;
	v25 =	vld [tilespmem:s7+$0x20]  }
0x1a3: {  	v15 =	vld [tilespmem:s7+$0xFFFFFFE0];
	[tilespmem:v16+s18+$0x0] =	vst.idx.msk $0xffff, v14;
	v14 =	vadd.f32 v29, v6  }
0x1a4: {  	[tilespmem:v13+s18+$0x0] =	vst.idx.msk $0xffff, v18;
	v29 =	vld [tilespmem:s6+$0xC0]  }
0x1a5: {  	v9 =	vadd.s32 v2, v10;
	v16 =	vld [tilespmem:s7+$0x60];
	[tilespmem:v20+s18+$0x0] =	vst.idx.msk $0xffff, v14;
	v14 =	vadd.f32 v28, v7  }
0x1a6: {  	v18 =	vld [tilespmem:s7+$0xA0]  }
0x1a7: {  	v8 =	vadd.s32 v3, v8;
	[tilespmem:v23+s18+$0x0] =	vst.idx.msk $0xffff, v14;
	v23 =	vld [tilespmem:s29+$0x30]  }
0x1a8: {  	v24 =	vadd.s32 v2, v12;
	v13 =	vadd.f32 v26, v7;
	v26 =	vld [tilespmem:s29+$0xFFFFFFE0]  }
0x1a9: {  	v30 =	vadd.s32 v3, v10;
	v32 =	vadd.s32 v3, v11;
	v34 =	vadd.s32 v2, v22;
	v20 =	vld [tilespmem:s7+$0xFFFFFF20]  }
0x1aa: {  	v28 =	vadd.s32 v2, v17;
	[tilespmem:v9+s18+$0x0] =	vst.idx.msk $0xffff, v13;
	v11 =	vadd.f32 v27, v4;
	v27 =	vld [tilespmem:s6+$0xFFFFFF40]  }
0x1ab: {  	v35 =	vadd.s32 v2, v21;
	v10 =	vadd.s32 v2, v19;
	v9 =	vadd.f32 v15, v7;
	v13 =	vld [tilespmem:s7+$0xFFFFFF70]  }
0x1ac: {  	v25 =	vadd.f32 v25, v7;
	v14 =	vld [tilespmem:s7+$0xFFFFFFB0];
	[tilespmem:v8+s18+$0x0] =	vst.idx.msk $0xffff, v11;
	v33 =	vadd.s32 v0, v23  }
0x1ad: {  	v8 =	vadd.s32 v3, v17;
	[tilespmem:v24+s18+$0x0] =	vst.idx.msk $0xffff, v9;
	v24 =	vld [tilespmem:s29+$0xFFFFFFD0];
	v9 =	vadd.s32 v3, v22  }
0x1ae: {  	v11 =	vadd.f32 v16, v7;
	v16 =	vld [tilespmem:s6+$0xFFFFFFC0];
	v22 =	vadd.s32 v3, v12;
	v12 =	vadd.f32 v29, v5  }
0x1af: {  	v17 =	vadd.f32 v18, v7;
	v18 =	vld [tilespmem:s6+$0x40];
	v59 =	vadd.s32 v1, v26;
	[tilespmem:v28+s18+$0x0] =	vst.idx.msk $0xffff, v25  }
0x1b0: {  	v60 =	vadd.s32 v2, v26;
	v15 =	vld [tilespmem:s7+$0xFFFFFFF0];
	[tilespmem:v10+s18+$0x0] =	vst.idx.msk $0xffff, v11;
	v11 =	vadd.f32 v20, v7  }
0x1b1: {  	v28 =	vld [tilespmem:s29+$0xFFFFFFF0];
	v20 =	vadd.s32 v0, v26;
	v14 =	vadd.f32 v14, v4;
	[tilespmem:v33+s18+$0x0] =	vst.idx.msk $0xffff, v12  }
0x1b2: {  	v10 =	vadd.s32 v3, v19;
	[tilespmem:v35+s18+$0x0] =	vst.idx.msk $0xffff, v17;
	v12 =	vadd.f32 v13, v4;
	v17 =	vld [tilespmem:s6+$0xD0]  }
0x1b3: {  	v29 =	vld [tilespmem:s29+$0x0];
	[tilespmem:v32+s18+$0x0] =	vst.idx.msk $0xffff, v14;
	v14 =	vadd.f32 v27, v5;
	v13 =	vadd.s32 v0, v24  }
0x1b4: {  	v25 =	vld [tilespmem:s6+$0x0];
	v27 =	vadd.f32 v36, v5;
	[tilespmem:v30+s18+$0x0] =	vst.idx.msk $0xffff, v12;
	v12 =	vadd.s32 v1, v23  }
0x1b5: {  	[tilespmem:v34+s18+$0x0] =	vst.idx.msk $0xffff, v11;
	v11 =	vadd.s32 v3, v21;
	v15 =	vadd.f32 v15, v4;
	v30 =	vld [tilespmem:s29+$0x10]  }
0x1b6: {  	v19 =	vld [tilespmem:s6+$0x80];
	v21 =	vadd.s32 v1, v24;
	v57 =	vadd.s32 v2, v24;
	[tilespmem:v20+s18+$0x0] =	vst.idx.msk $0xffff, v27  }
0x1b7: {  	v38 =	vld [tilespmem:s7+$0x30];
	v27 =	vadd.s32 v0, v28;
	[tilespmem:v22+s18+$0x0] =	vst.idx.msk $0xffff, v15;
	v17 =	vadd.f32 v17, v6  }
0x1b8: {  	v15 =	vadd.f32 v16, v5;
	v16 =	vadd.s32 v0, v58;
	[tilespmem:v13+s18+$0x0] =	vst.idx.msk $0xffff, v14;
	v14 =	vld [tilespmem:s29+$0xFFFFFFC0]  }
0x1b9: {  	v61 =	vadd.s32 v0, v29;
	v13 =	vadd.s32 v3, v24;
	v24 =	vld [tilespmem:s6+$0xFFFFFF90];
	[tilespmem:v12+s18+$0x0] =	vst.idx.msk $0xffff, v17  }
0x1ba: {  	v12 =	vadd.s32 v3, v26;
	v17 =	vadd.f32 v31, v5;
	v26 =	vadd.s32 v0, v30;
	v31 =	vld [tilespmem:s6+$0xE0]  }
0x1bb: {  	v40 =	vld [tilespmem:s7+$0x70];
	v19 =	vadd.f32 v19, v5  }
0x1bc: {  	v22 =	vadd.f32 v25, v5;
	v25 =	vadd.s32 v2, v23;
	[tilespmem:v27+s18+$0x0] =	vst.idx.msk $0xffff, v15;
	v20 =	vld [tilespmem:s6+$0xFFFFFF50]  }
0x1bd: {  	v18 =	vadd.f32 v18, v5;
	[tilespmem:v16+s18+$0x0] =	vst.idx.msk $0xffff, v19;
	v27 =	vld [tilespmem:s6+$0xFFFFFFD0];
	v39 =	vadd.s32 v0, v14  }
0x1be: {  	[tilespmem:v61+s18+$0x0] =	vst.idx.msk $0xffff, v22;
	v19 =	vld [tilespmem:s6+$0x90];
	v24 =	vadd.f32 v24, v6  }
0x1bf: {  	v41 =	vadd.s32 v2, v28;
	v36 =	vld [tilespmem:s6+$0x10];
	[tilespmem:v26+s18+$0x0] =	vst.idx.msk $0xffff, v18;
	v26 =	vadd.f32 v31, v7  }
0x1c0: {  	v22 =	vadd.s32 v1, v29;
	v15 =	vadd.s32 v1, v28;
	[tilespmem:v59+s18+$0x0] =	vst.idx.msk $0xffff, v24;
	v43 =	vld [tilespmem:s6+$0x50]  }
0x1c1: {  	v37 =	vld [tilespmem:s7+$0xFFFFFF30];
	v23 =	vadd.s32 v3, v23;
	v16 =	vadd.f32 v20, v6;
	[tilespmem:v25+s18+$0x0] =	vst.idx.msk $0xffff, v26  }
0x1c2: {  	v42 =	vadd.s32 v1, v30;
	v20 =	vadd.s32 v1, v58;
	[tilespmem:v39+s18+$0x0] =	vst.idx.msk $0xffff, v17;
	v17 =	vld [tilespmem:s6+$0xF0]  }
0x1c3: {  	v19 =	vadd.f32 v19, v6;
	[tilespmem:v21+s18+$0x0] =	vst.idx.msk $0xffff, v16;
	v16 =	vadd.f32 v27, v6;
	v39 =	vld [tilespmem:s6+$0xFFFFFF10]  }
0x1c4: {  	v24 =	vadd.f32 v36, v6;
	v18 =	vadd.s32 v2, v30;
	v21 =	vadd.s32 v2, v14;
	v44 =	vld [tilespmem:s6+$0xFFFFFF60]  }
0x1c5: {  	v34 =	vld [tilespmem:s6+$0xFFFFFFA0];
	[tilespmem:v15+s18+$0x0] =	vst.idx.msk $0xffff, v16;
	v25 =	vadd.s32 v1, v14;
	v15 =	vadd.f32 v43, v6  }
0x1c6: {  	v27 =	vadd.f32 v37, v4;
	v31 =	vadd.s32 v2, v29;
	[tilespmem:v22+s18+$0x0] =	vst.idx.msk $0xffff, v24;
	v16 =	vld [tilespmem:s6+$0xFFFFFFE0]  }
0x1c7: {  	v22 =	vadd.s32 v3, v14;
	v24 =	vld [tilespmem:s6+$0x20];
	[tilespmem:v42+s18+$0x0] =	vst.idx.msk $0xffff, v15;
	v14 =	vadd.f32 v17, v4  }
0x1c8: {  	[tilespmem:v20+s18+$0x0] =	vst.idx.msk $0xffff, v19;
	v17 =	vadd.s32 v3, v28;
	v28 =	vadd.f32 v39, v6;
	v62 =	vld [tilespmem:s6+$0x60]  }
0x1c9: {  	v26 =	vadd.s32 v2, v58;
	v63 =	vld [tilespmem:s6+$0xA0];
	v19 =	vadd.f32 v44, v7;
	[tilespmem:v23+s18+$0x0] =	vst.idx.msk $0xffff, v14  }
0x1ca: {  	v20 =	vadd.f32 v38, v4;
	[tilespmem:v25+s18+$0x0] =	vst.idx.msk $0xffff, v28;
	v23 =	vadd.f32 v34, v7;
	v28 =	vld [tilespmem:s7+$0xB0]  }
0x1cb: {  	v15 =	vadd.s32 v3, v29;
	[tilespmem:v57+s18+$0x0] =	vst.idx.msk $0xffff, v19;
	v25 =	vadd.f32 v16, v7;
	v29 =	vld [tilespmem:s6+$0xFFFFFF20]  }
0x1cc: {  	v14 =	vadd.s32 v3, v30;
	v30 =	vld [tilespmem:s6+$0xFFFFFF70];
	[tilespmem:v60+s18+$0x0] =	vst.idx.msk $0xffff, v23;
	v23 =	vadd.f32 v24, v7  }
0x1cd: {  	v19 =	vadd.f32 v40, v4;
	[tilespmem:v41+s18+$0x0] =	vst.idx.msk $0xffff, v25;
	v24 =	vld [tilespmem:s6+$0xFFFFFFB0];
	v32 =	vadd.f32 v62, v7  }
0x1ce: {  	s25 =	simm.s32 $0x8;
	s8 =	simm.s32 $0x9740;
	v16 =	vadd.s32 v3, v58;
	s7 =	simm.s32 $0xC100;
	v25 =	vld [tilespmem:s6+$0xFFFFFFF0];
	[tilespmem:v31+s18+$0x0] =	vst.idx.msk $0xffff, v23;
	v31 =	vadd.f32 v63, v7  }
.LBB2_9:
0x1cf: {  	v23 =	vld [tilespmem:s8+$0x30];
	s25 =	sadd.s32 $0x8, s25;
	[tilespmem:v18+s18+$0x0] =	vst.idx.msk $0xffff, v32;
	v18 =	vadd.f32 v28, v4  }
0x1d0: {  	v28 =	vld [tilespmem:s8+$0xFFFFFFD0];
	p0 =	slt.u32 s25, $0x78;
	v29 =	vadd.f32 v29, v7;
	[tilespmem:v26+s18+$0x0] =	vst.idx.msk $0xffff, v31  }
0x1d1: {  	s6 =	sadd.s32 $0x200, s6;
	v26 =	vld [tilespmem:s8+$0xFFFFFFE0];
	v30 =	vadd.f32 v30, v4;
	[tilespmem:v9+s18+$0x0] =	vst.idx.msk $0xffff, v27;
	v9 =	vmov v22  }
0x1d2: {  	v22 =	vld [tilespmem:s6+$0xC0];
	[tilespmem:v21+s18+$0x0] =	vst.idx.msk $0xffff, v29;
	v21 =	vadd.f32 v24, v4  }
0x1d3: {  	v27 =	vld [tilespmem:s6+$0xFFFFFF00];
	[tilespmem:v13+s18+$0x0] =	vst.idx.msk $0xffff, v30;
	v29 =	vadd.f32 v25, v4  }
0x1d4: {  	v30 =	vld [tilespmem:s6+$0xFFFFFF40];
	v31 =	vadd.s32 v0, v23;
	[tilespmem:v12+s18+$0x0] =	vst.idx.msk $0xffff, v21  }
0x1d5: {  	v21 =	vadd.s32 v0, v28;
	v32 =	vadd.s32 v1, v28;
	v24 =	vadd.s32 v2, v28;
	v33 =	vld [tilespmem:s6+$0xFFFFFF80]  }
0x1d6: {  	v34 =	vadd.s32 v0, v26;
	v35 =	vadd.s32 v1, v26;
	v25 =	vadd.s32 v2, v26;
	v36 =	vld [tilespmem:s6+$0xFFFFFFC0]  }
0x1d7: {  	v13 =	vadd.s32 v3, v28;
	v12 =	vadd.s32 v3, v26;
	v26 =	vld [tilespmem:s6+$0x0];
	v22 =	vadd.f32 v22, v5  }
0x1d8: {  	v28 =	vadd.f32 v27, v5;
	v27 =	vld [tilespmem:s6+$0x40];
	[tilespmem:v17+s18+$0x0] =	vst.idx.msk $0xffff, v29  }
0x1d9: {  	v17 =	vadd.f32 v30, v5;
	v29 =	vld [tilespmem:s6+$0x80];
	[tilespmem:v31+s18+$0x0] =	vst.idx.msk $0xffff, v22  }
0x1da: {  	v22 =	vadd.f32 v33, v5;
	v30 =	vld [tilespmem:s6+$0xD0];
	[tilespmem:v8+s18+$0x0] =	vst.idx.msk $0xffff, v20;
	v8 =	vmov v15  }
0x1db: {  	[tilespmem:v21+s18+$0x0] =	vst.idx.msk $0xffff, v17;
	v15 =	vld [tilespmem:s8+$0xFFFFFFF0];
	v17 =	vadd.f32 v36, v5  }
0x1dc: {  	v21 =	vadd.s32 v1, v23;
	[tilespmem:v34+s18+$0x0] =	vst.idx.msk $0xffff, v22;
	v20 =	vld [tilespmem:s8+$0x0];
	v22 =	vadd.f32 v26, v5  }
0x1dd: {  	v31 =	vld [tilespmem:s8+$0x10];
	v27 =	vadd.f32 v27, v5;
	[tilespmem:v10+s18+$0x0] =	vst.idx.msk $0xffff, v19;
	v10 =	vmov v14  }
0x1de: {  	v33 =	vld [tilespmem:s8+$0x20];
	v14 =	vadd.f32 v29, v5;
	[tilespmem:v11+s18+$0x0] =	vst.idx.msk $0xffff, v18;
	v11 =	vmov v16  }
0x1df: {  	v16 =	vld [tilespmem:s8+$0xFFFFFFC0];
	v18 =	vadd.f32 v30, v6  }
0x1e0: {  	v19 =	vld [tilespmem:s6+$0xFFFFFF50];
	v26 =	vadd.s32 v0, v15;
	v29 =	vadd.s32 v1, v15;
	v34 =	vadd.s32 v2, v15  }
0x1e1: {  	v30 =	vld [tilespmem:s6+$0xFFFFFF90];
	v36 =	vadd.s32 v0, v20;
	v37 =	vadd.s32 v1, v20;
	[tilespmem:v21+s18+$0x0] =	vst.idx.msk $0xffff, v18  }
0x1e2: {  	v38 =	vadd.s32 v2, v20;
	v39 =	vadd.s32 v0, v31;
	v40 =	vadd.s32 v1, v31;
	v41 =	vld [tilespmem:s6+$0xE0]  }
0x1e3: {  	v18 =	vadd.s32 v2, v31;
	v42 =	vadd.s32 v0, v33;
	v43 =	vadd.s32 v1, v33;
	v44 =	vld [tilespmem:s7+$0xFFFFFF30]  }
0x1e4: {  	v47 =	vadd.s32 v2, v23;
	v45 =	vadd.s32 v0, v16;
	v46 =	vadd.s32 v1, v16;
	v48 =	vld [tilespmem:s7+$0x30]  }
0x1e5: {  	v21 =	vadd.s32 v2, v16;
	v49 =	vadd.f32 v19, v6;
	[tilespmem:v26+s18+$0x0] =	vst.idx.msk $0xffff, v17;
	v19 =	vld [tilespmem:s7+$0x70]  }
0x1e6: {  	v26 =	vadd.s32 v2, v33;
	v30 =	vadd.f32 v30, v6;
	v50 =	vld [tilespmem:s6+$0xFFFFFFD0];
	[tilespmem:v36+s18+$0x0] =	vst.idx.msk $0xffff, v22  }
0x1e7: {  	v22 =	vadd.s32 v3, v16;
	v36 =	vld [tilespmem:s6+$0x10];
	[tilespmem:v39+s18+$0x0] =	vst.idx.msk $0xffff, v27;
	v16 =	vadd.f32 v41, v7  }
0x1e8: {  	v17 =	vadd.s32 v3, v15;
	v39 =	vld [tilespmem:s6+$0x50];
	[tilespmem:v42+s18+$0x0] =	vst.idx.msk $0xffff, v14;
	v27 =	vadd.f32 v44, v4  }
0x1e9: {  	v15 =	vadd.s32 v3, v20;
	v41 =	vld [tilespmem:s6+$0x90];
	[tilespmem:v47+s18+$0x0] =	vst.idx.msk $0xffff, v16;
	v20 =	vadd.f32 v48, v4  }
0x1ea: {  	v14 =	vadd.s32 v3, v31;
	[tilespmem:v45+s18+$0x0] =	vst.idx.msk $0xffff, v28;
	v28 =	vld [tilespmem:s6+$0xF0];
	v19 =	vadd.f32 v19, v4  }
0x1eb: {  	v16 =	vadd.s32 v3, v33;
	v31 =	vld [tilespmem:s6+$0xFFFFFF10];
	[tilespmem:v32+s18+$0x0] =	vst.idx.msk $0xffff, v49;
	v32 =	vadd.f32 v50, v6  }
0x1ec: {  	v23 =	vadd.s32 v3, v23;
	v33 =	vld [tilespmem:s6+$0xFFFFFF60];
	[tilespmem:v35+s18+$0x0] =	vst.idx.msk $0xffff, v30;
	v30 =	vadd.f32 v36, v6  }
0x1ed: {  	v35 =	vld [tilespmem:s6+$0xFFFFFFA0];
	[tilespmem:v29+s18+$0x0] =	vst.idx.msk $0xffff, v32;
	v29 =	vadd.f32 v39, v6  }
0x1ee: {  	v32 =	vld [tilespmem:s6+$0xFFFFFFE0];
	[tilespmem:v37+s18+$0x0] =	vst.idx.msk $0xffff, v30;
	v30 =	vadd.f32 v41, v6  }
0x1ef: {  	v36 =	vld [tilespmem:s6+$0x20];
	[tilespmem:v40+s18+$0x0] =	vst.idx.msk $0xffff, v29;
	v28 =	vadd.f32 v28, v4  }
0x1f0: {  	v29 =	vadd.f32 v31, v6;
	v31 =	vld [tilespmem:s6+$0x60];
	[tilespmem:v43+s18+$0x0] =	vst.idx.msk $0xffff, v30  }
0x1f1: {  	v30 =	vadd.f32 v33, v7;
	v33 =	vld [tilespmem:s6+$0xA0];
	[tilespmem:v23+s18+$0x0] =	vst.idx.msk $0xffff, v28  }
.Ltmp3:
0x1f2: {  	[tilespmem:v46+s18+$0x0] =	vst.idx.msk $0xffff, v29;
	v23 =	vadd.f32 v35, v7;
	v28 =	vld [tilespmem:s7+$0xB0];
	s7 =	smov.u32 s6;
	(pc) =	sbr.rel @p0 .LBB2_9-.Ltmp3, $4  }
0x1f3: {  	v29 =	vld [tilespmem:s6+$0xFFFFFF20];
	[tilespmem:v24+s18+$0x0] =	vst.idx.msk $0xffff, v30;
	v32 =	vadd.f32 v32, v7  }
0x1f4: {  	v30 =	vld [tilespmem:s6+$0xFFFFFF70];
	[tilespmem:v25+s18+$0x0] =	vst.idx.msk $0xffff, v23;
	v23 =	vadd.f32 v36, v7  }
0x1f5: {  	v24 =	vld [tilespmem:s6+$0xFFFFFFB0];
	[tilespmem:v34+s18+$0x0] =	vst.idx.msk $0xffff, v32;
	v32 =	vadd.f32 v31, v7  }
0x1f6: {  	s8 =	sadd.s32 $0x80, s8;
	v25 =	vld [tilespmem:s6+$0xFFFFFFF0];
	[tilespmem:v38+s18+$0x0] =	vst.idx.msk $0xffff, v23;
	v31 =	vadd.f32 v33, v7  }
0x1f7: {  	_ =	sdelay $0x3  }
0x1f8: {  	[tilespmem:v18+s18+$0x0] =	vst.idx.msk $0xffff, v32  }
0x1f9: {  	[tilespmem:v9+s18+$0x0] =	vst.idx.msk $0xffff, v27;
	v5 =	vadd.f32 v29, v7  }
0x1fa: {  	[tilespmem:v8+s18+$0x0] =	vst.idx.msk $0xffff, v20  }
0x1fb: {  	v60 =	vld [tilespmem:s7+$0x30];
	[tilespmem:v21+s18+$0x0] =	vst.idx.msk $0xffff, v5;
	v5 =	vadd.f32 v24, v4  }
0x1fc: {  	[tilespmem:v26+s18+$0x0] =	vst.idx.msk $0xffff, v31;
	v58 =	vld [tilespmem:s7+$0xFFFFFF30]  }
0x1fd: {  	v62 =	vadd.f32 v28, v4;
	[tilespmem:v12+s18+$0x0] =	vst.idx.msk $0xffff, v5;
	v5 =	vld [tilespmem:s7+$0x70]  }
0x1fe: {  	[tilespmem:v10+s18+$0x0] =	vst.idx.msk $0xffff, v19;
	v6 =	vadd.f32 v30, v4;
	v61 =	vld [tilespmem:s7+$0xB0]  }
0x1ff: {  	[tilespmem:v11+s18+$0x0] =	vst.idx.msk $0xffff, v62;
	v59 =	vadd.f32 v25, v4  }
0x200: {  	[tilespmem:v13+s18+$0x0] =	vst.idx.msk $0xffff, v6;
	v63 =	vadd.f32 v60, v4  }
0x201: {  	[tilespmem:v17+s18+$0x0] =	vst.idx.msk $0xffff, v59;
	v7 =	vadd.f32 v58, v4  }
0x202: {  	s6 =	sshll.u32 s30, $0x14;
	[tilespmem:v15+s18+$0x0] =	vst.idx.msk $0xffff, v63;
	v5 =	vadd.f32 v5, v4  }
0x203: {  	s6 =	sor.u32 s5, s6;
	v4 =	vadd.f32 v61, v4;
	[tilespmem:v22+s18+$0x0] =	vst.idx.msk $0xffff, v7  }
0x204: {  	s6 =	sshrl.u32 s6, $0x3;
	[tilespmem:v14+s18+$0x0] =	vst.idx.msk $0xffff, v5  }
0x205: {  	s10 =	simm.s32 $0x11E00;
	s7 =	sadd.s32 s1, s6;
	[tilespmem:v16+s18+$0x0] =	vst.idx.msk $0xffff, v4  }
0x206: {  	[hbm4b:s7+s3] =	stream.linear.scatter [tilespmem:s10], [sflag:$0x5], $0x80, $0x38;
	[tilespmem:$0x1A600] =	vst v63  }
0x207: {  	s25 =	simm.s32 $0x11E88;
	s8 =	sadd.s32 $0x10, s7  }
0x208: {  	[hbm4b:s8+s3] =	stream.linear.scatter [tilespmem:s25], [sflag:$0x5], $0x80, $0x38;
	[tilespmem:$0x1A600] =	vst v63  }
0x209: {  	s26 =	simm.s32 $0x11F10;
	s6 =	simm.s32 $0x440;
	s29 =	sadd.s32 $0x20, s7  }
0x20a: {  	[hbm4b:s29+s3] =	stream.linear.scatter [tilespmem:s26], [sflag:$0x5], $0x80, $0x38;
	[tilespmem:$0x1A600] =	vst v63  }
0x20b: {  	s10 =	simm.s32 $0x11F98;
	s25 =	sadd.s32 $0x30, s7;
	s8 =	simm.s32 $0x2200  }
0x20c: {  	[hbm4b:s25+s3] =	stream.linear.scatter [tilespmem:s10], [sflag:$0x5], $0x80, $0x38;
	[tilespmem:$0x1A600] =	vst v63  }
0x20d: {  	s26 =	simm.s32 $0x12020;
	s29 =	sadd.s32 $0x40, s7;
	s10 =	simm.s32 $0x120A8  }
0x20e: {  	[hbm4b:s29+s3] =	stream.linear.scatter [tilespmem:s26], [sflag:$0x5], $0x80, $0x38;
	[tilespmem:$0x1A600] =	vst v63  }
0x20f: {  	s25 =	sadd.s32 $0x50, s7;
	s26 =	simm.s32 $0x12130;
	s29 =	sadd.s32 $0x60, s7  }
0x210: {  	[hbm4b:s25+s3] =	stream.linear.scatter [tilespmem:s10], [sflag:$0x5], $0x80, $0x38;
	[tilespmem:$0x1A600] =	vst v63  }
0x211: {  	s10 =	simm.s32 $0x121B8;
	s25 =	sadd.s32 $0x70, s7;
	s7 =	sadd.s32 $0x1000, s7  }
0x212: {  	[hbm4b:s29+s3] =	stream.linear.scatter [tilespmem:s26], [sflag:$0x5], $0x80, $0x38;
	[tilespmem:$0x1A600] =	vst v63  }
.LBB2_11:
0x213: {  	[hbm4b:s25+s3] =	stream.linear.scatter [tilespmem:s10], [sflag:$0x5], $0x80, $0x38;
	[tilespmem:$0x1A600] =	vst v63  }
0x214: {  	s10 =	smov.u32 s6;
	s6 =	smov.u32 s8  }
0x215: {  	s26 =	sadd.s32 $0x1100, s8;
	s6 =	sshra.s32 s6, $0x2;
	s25 =	sadd.s32 $0x11E00, s10  }
0x216: {  	[hbm4b:s7+s3] =	stream.linear.scatter [tilespmem:s25], [sflag:$0x5], $0x80, $0x38;
	[tilespmem:$0x1A600] =	vst v63  }
0x217: {  	p0 =	sne.s32 s8, $0x7700;
	s8 =	sadd.s32 $0x11E88, s10;
	s25 =	sadd.s32 $0x10, s7  }
0x218: {  	[hbm4b:s25+s3] =	stream.linear.scatter [tilespmem:s8], [sflag:$0x5], $0x80, $0x38;
	[tilespmem:$0x1A600] =	vst v63  }
0x219: {  	s8 =	sadd.s32 $0x11F10, s10;
	s25 =	sadd.s32 $0x20, s7  }
0x21a: {  	[hbm4b:s25+s3] =	stream.linear.scatter [tilespmem:s8], [sflag:$0x5], $0x80, $0x38;
	[tilespmem:$0x1A600] =	vst v63  }
0x21b: {  	s8 =	sadd.s32 $0x11F98, s10;
	s25 =	sadd.s32 $0x30, s7  }
0x21c: {  	[hbm4b:s25+s3] =	stream.linear.scatter [tilespmem:s8], [sflag:$0x5], $0x80, $0x38;
	[tilespmem:$0x1A600] =	vst v63  }
0x21d: {  	s8 =	sadd.s32 $0x12020, s10;
	s25 =	sadd.s32 $0x40, s7  }
0x21e: {  	[hbm4b:s25+s3] =	stream.linear.scatter [tilespmem:s8], [sflag:$0x5], $0x80, $0x38;
	[tilespmem:$0x1A600] =	vst v63  }
.Ltmp4:
0x21f: {  	s8 =	sadd.s32 $0x120A8, s10;
	s25 =	sadd.s32 $0x50, s7;
	(pc) =	sbr.rel @p0 .LBB2_11-.Ltmp4, $4  }
0x220: {  	[hbm4b:s25+s3] =	stream.linear.scatter [tilespmem:s8], [sflag:$0x5], $0x80, $0x38;
	[tilespmem:$0x1A600] =	vst v63  }
0x221: {  	s8 =	sadd.s32 $0x12130, s10;
	s25 =	sadd.s32 $0x60, s7;
	s10 =	sadd.s32 $0x121B8, s10  }
0x222: {  	[hbm4b:s25+s3] =	stream.linear.scatter [tilespmem:s8], [sflag:$0x5], $0x80, $0x38;
	[tilespmem:$0x1A600] =	vst v63  }
0x223: {  	s25 =	sadd.s32 $0x70, s7;
	s7 =	sadd.s32 $0x1000, s7;
	s8 =	smov.u32 s26  }
0x224: {  	[hbm4b:s25+s3] =	stream.linear.scatter [tilespmem:s10], [sflag:$0x5], $0x80, $0x38;
	[tilespmem:$0x1A600] =	vst v63  }
0x225: {  	s8 =	sadd.s32 $0x11E00, s6  }
0x226: {  	[hbm4b:s7+s3] =	stream.linear.scatter [tilespmem:s8], [sflag:$0x5], $0x80, $0x38;
	[tilespmem:$0x1A600] =	vst v63  }
0x227: {  	s26 =	sadd.s32 $0x11E88, s6;
	s29 =	sadd.s32 $0x10, s7  }
0x228: {  	[hbm4b:s29+s3] =	stream.linear.scatter [tilespmem:s26], [sflag:$0x5], $0x80, $0x38;
	[tilespmem:$0x1A600] =	vst v63  }
0x229: {  	s10 =	sadd.s32 $0x11F10, s6;
	s25 =	sadd.s32 $0x20, s7;
	p0 =	seq.s32 s30, $0x31  }
0x22a: {  	[hbm4b:s25+s3] =	stream.linear.scatter [tilespmem:s10], [sflag:$0x5], $0x80, $0x38;
	[tilespmem:$0x1A600] =	vst v63  }
0x22b: {  	p1 =	seq.s32 @!p0 s30, $0x0;
	s26 =	sadd.s32 $0x11F98, s6;
	s29 =	sadd.s32 $0x30, s7  }
0x22c: {  	[hbm4b:s29+s3] =	stream.linear.scatter [tilespmem:s26], [sflag:$0x5], $0x80, $0x38;
	[tilespmem:$0x1A600] =	vst v63  }
0x22d: {  	p1 =	por p0, !p1;
	s10 =	sadd.s32 $0x12020, s6;
	s25 =	sadd.s32 $0x40, s7  }
0x22e: {  	[hbm4b:s25+s3] =	stream.linear.scatter [tilespmem:s10], [sflag:$0x5], $0x80, $0x38;
	[tilespmem:$0x1A600] =	vst v63  }
0x22f: {  	s26 =	sadd.s32 $0x120A8, s6;
	s29 =	sadd.s32 $0x50, s7;
	s10 =	sadd.s32 $0x12130, s6  }
0x230: {  	[hbm4b:s29+s3] =	stream.linear.scatter [tilespmem:s26], [sflag:$0x5], $0x80, $0x38;
	[tilespmem:$0x1A600] =	vst v63  }
0x231: {  	s25 =	sadd.s32 $0x60, s7;
	s29 =	sadd.s32 $0x70, s7;
	s7 =	sshll.u32 @!p0 s31, $0x7  }
0x232: {  	[hbm4b:s25+s3] =	stream.linear.scatter [tilespmem:s10], [sflag:$0x5], $0x80, $0x38;
	[tilespmem:$0x1A600] =	vst v63  }
.Ltmp5:
0x233: {  	s26 =	sadd.s32 $0x121B8, s6;
	s6 =	sadd.s32 @!p0 $0x200, s7;
	(pc) =	sbr.rel @!p1 .LBB2_14-.Ltmp5, $4  }
0x234: {  	[hbm4b:s29+s3] =	stream.linear.scatter [tilespmem:s26], [sflag:$0x5], $0x80, $0x38;
	[tilespmem:$0x1A600] =	vst v63  }
0x235: {  	s8 =	simm.s32 @!p0 $0x80;
	s6 =	sand.u32 @!p0 $0xFE00, s6;
	s10 =	simm.s32 @!p0 $0x9E00  }
0x236: {  	[tilespmem:s10], [sflag:$0x1] =	stream.indirect.gather @!p0 [hbm4b:s4+s8], $0x40, s6, s8, $0xb8;
	[tilespmem:$0x1A600] =	vst v63  }
0x237: {  	s6 =	sor.u32 @!p0 $0x2, s31  }
0x238: {  	_ =	swait.ge [sflag:s28], $0x2000  }
0x239: {  	[sflag:s28] =	ssyncset.done $0x0  }
0x23a: {  	s6 =	simm.s32 @p0 $0xC6;
	[sflag:s28] =	ssyncadd.s32 $0xFFFFE000  }
.LBB2_14:
0x23b: {  	_ =	swait.ge [sflag:s19], $0x2000  }
0x23c: {  	s8 =	sshll.u32 s6, $0x8;
	[sflag:s19] =	ssyncset.done $0x0  }
0x23d: {  	s8 =	sshra.s32 s8, $0x2;
	[sflag:s19] =	ssyncadd.s32 $0xFFFFE000  }
0x23e: {  	v5 =	vld [tilespmem:s8+$0x6400]  }
0x23f: {  	s10 =	simm.s32 $0x9640;
	v6 =	vld [tilespmem:s8+$0x6410]  }
0x240: {  	v8 =	vld [tilespmem:s10+$0x30]  }
0x241: {  	v7 =	vld [tilespmem:s8+$0x6420]  }
0x242: {  	s26 =	simm.s32 $0xDF00;
	v4 =	vld [tilespmem:s8+$0x6430]  }
0x243: {  	v9 =	vld [tilespmem:s26+$0xC0]  }
0x244: {  	v10 =	vld [tilespmem:s10+$0xFFFFFFD0]  }
0x245: {  	v11 =	vld [tilespmem:s10+$0xFFFFFFE0]  }
0x246: {  	v13 =	vld [tilespmem:s26+$0xFFFFFF40]  }
0x247: {  	v14 =	vld [tilespmem:s26+$0xFFFFFF80]  }
0x248: {  	v15 =	vld [tilespmem:s26+$0xFFFFFFC0];
	v12 =	vadd.s32 v0, v8  }
0x249: {  	v16 =	vld [tilespmem:s26+$0x0]  }
0x24a: {  	v17 =	vld [tilespmem:s10+$0x0]  }
0x24b: {  	v19 =	vld [tilespmem:s10+$0x10];
	v9 =	vadd.f32 v9, v5  }
0x24c: {  	v21 =	vld [tilespmem:s10+$0x20]  }
0x24d: {  	[tilespmem:v12+s20+$0x0] =	vst.idx.msk $0xffff, v9;
	v12 =	vld [tilespmem:s10+$0xFFFFFFF0]  }
0x24e: {  	v22 =	vld [tilespmem:s10+$0xFFFFFFC0];
	v18 =	vadd.s32 v0, v10  }
0x24f: {  	v20 =	vadd.s32 v0, v11;
	v9 =	vld [tilespmem:s26+$0xD0]  }
0x250: {  	v24 =	vld [tilespmem:s26+$0x40];
	v27 =	vadd.s32 v0, v17  }
0x251: {  	v26 =	vld [tilespmem:s26+$0x80];
	v13 =	vadd.f32 v13, v5;
	v25 =	vadd.s32 v1, v8  }
0x252: {  	s25 =	simm.s32 $0xE100;
	v28 =	vld [tilespmem:s26+$0xFFFFFF00];
	v14 =	vadd.f32 v14, v5;
	v23 =	vadd.s32 v0, v12  }
0x253: {  	v31 =	vld [tilespmem:s25+$0xFFFFFF00];
	v16 =	vadd.f32 v16, v5;
	[tilespmem:v18+s20+$0x0] =	vst.idx.msk $0xffff, v13;
	v13 =	vadd.f32 v15, v5  }
0x254: {  	v36 =	vld [tilespmem:s25+$0xFFFFFF80];
	v15 =	vadd.s32 v0, v19;
	[tilespmem:v20+s20+$0x0] =	vst.idx.msk $0xffff, v14;
	v9 =	vadd.f32 v9, v6  }
0x255: {  	v18 =	vadd.s32 v0, v21;
	[tilespmem:v27+s20+$0x0] =	vst.idx.msk $0xffff, v16;
	v14 =	vld [tilespmem:s26+$0xFFFFFF50]  }
0x256: {  	v29 =	vadd.s32 v0, v22;
	v20 =	vld [tilespmem:s26+$0xFFFFFF90];
	[tilespmem:v25+s20+$0x0] =	vst.idx.msk $0xffff, v9;
	v25 =	vadd.f32 v26, v5  }
0x257: {  	v26 =	vld [tilespmem:s26+$0xE0];
	[tilespmem:v23+s20+$0x0] =	vst.idx.msk $0xffff, v13;
	v13 =	vadd.s32 v1, v10;
	v23 =	vadd.f32 v24, v5  }
0x258: {  	v16 =	vadd.f32 v28, v5;
	v28 =	vld [tilespmem:s26+$0x10];
	v24 =	vadd.s32 v1, v11  }
0x259: {  	s29 =	simm.s32 $0x96C0;
	v9 =	vld [tilespmem:s26+$0xFFFFFFD0];
	[tilespmem:v15+s20+$0x0] =	vst.idx.msk $0xffff, v23;
	v15 =	vadd.s32 v2, v8  }
0x25a: {  	v58 =	vld [tilespmem:s29+$0x20];
	v14 =	vadd.f32 v14, v6;
	[tilespmem:v18+s20+$0x0] =	vst.idx.msk $0xffff, v25;
	v18 =	vadd.s32 v1, v17  }
0x25b: {  	[tilespmem:v29+s20+$0x0] =	vst.idx.msk $0xffff, v16;
	v27 =	vadd.s32 v1, v12;
	v20 =	vadd.f32 v20, v6;
	v23 =	vld [tilespmem:s26+$0x50]  }
0x25c: {  	v25 =	vld [tilespmem:s26+$0x90];
	[tilespmem:v13+s20+$0x0] =	vst.idx.msk $0xffff, v14;
	v14 =	vadd.f32 v26, v7  }
0x25d: {  	v16 =	vadd.s32 v1, v19;
	v29 =	vld [tilespmem:s26+$0xFFFFFF10];
	[tilespmem:v24+s20+$0x0] =	vst.idx.msk $0xffff, v20;
	v24 =	vadd.f32 v28, v6  }
0x25e: {  	v13 =	vadd.s32 v1, v21;
	v9 =	vadd.f32 v9, v6;
	v26 =	vld [tilespmem:s26+$0xFFFFFF60];
	[tilespmem:v15+s20+$0x0] =	vst.idx.msk $0xffff, v14  }
0x25f: {  	v20 =	vadd.s32 v1, v22;
	v28 =	vld [tilespmem:s26+$0xFFFFFFA0];
	[tilespmem:v18+s20+$0x0] =	vst.idx.msk $0xffff, v24  }
0x260: {  	[tilespmem:v27+s20+$0x0] =	vst.idx.msk $0xffff, v9;
	v14 =	vadd.f32 v23, v6;
	v27 =	vld [tilespmem:s26+$0xF0]  }
0x261: {  	v18 =	vadd.f32 v25, v6;
	v23 =	vadd.s32 v2, v11;
	v25 =	vld [tilespmem:s26+$0x20]  }
0x262: {  	v15 =	vld [tilespmem:s26+$0xFFFFFFE0];
	[tilespmem:v16+s20+$0x0] =	vst.idx.msk $0xffff, v14;
	v14 =	vadd.f32 v29, v6  }
0x263: {  	[tilespmem:v13+s20+$0x0] =	vst.idx.msk $0xffff, v18;
	v29 =	vld [tilespmem:s25+$0xC0]  }
0x264: {  	v9 =	vadd.s32 v2, v10;
	v16 =	vld [tilespmem:s26+$0x60];
	[tilespmem:v20+s20+$0x0] =	vst.idx.msk $0xffff, v14;
	v14 =	vadd.f32 v28, v7  }
0x265: {  	v18 =	vld [tilespmem:s26+$0xA0]  }
0x266: {  	v8 =	vadd.s32 v3, v8;
	[tilespmem:v23+s20+$0x0] =	vst.idx.msk $0xffff, v14;
	v23 =	vld [tilespmem:s29+$0x30]  }
0x267: {  	v24 =	vadd.s32 v2, v12;
	v13 =	vadd.f32 v26, v7;
	v26 =	vld [tilespmem:s29+$0xFFFFFFE0]  }
0x268: {  	v30 =	vadd.s32 v3, v10;
	v32 =	vadd.s32 v3, v11;
	v34 =	vadd.s32 v2, v22;
	v20 =	vld [tilespmem:s26+$0xFFFFFF20]  }
0x269: {  	v28 =	vadd.s32 v2, v17;
	[tilespmem:v9+s20+$0x0] =	vst.idx.msk $0xffff, v13;
	v11 =	vadd.f32 v27, v4;
	v27 =	vld [tilespmem:s25+$0xFFFFFF40]  }
0x26a: {  	v35 =	vadd.s32 v2, v21;
	v10 =	vadd.s32 v2, v19;
	v9 =	vadd.f32 v15, v7;
	v13 =	vld [tilespmem:s26+$0xFFFFFF70]  }
0x26b: {  	v25 =	vadd.f32 v25, v7;
	v14 =	vld [tilespmem:s26+$0xFFFFFFB0];
	[tilespmem:v8+s20+$0x0] =	vst.idx.msk $0xffff, v11;
	v33 =	vadd.s32 v0, v23  }
0x26c: {  	v8 =	vadd.s32 v3, v17;
	[tilespmem:v24+s20+$0x0] =	vst.idx.msk $0xffff, v9;
	v24 =	vld [tilespmem:s29+$0xFFFFFFD0];
	v9 =	vadd.s32 v3, v22  }
0x26d: {  	v11 =	vadd.f32 v16, v7;
	v16 =	vld [tilespmem:s25+$0xFFFFFFC0];
	v22 =	vadd.s32 v3, v12;
	v12 =	vadd.f32 v29, v5  }
0x26e: {  	v17 =	vadd.f32 v18, v7;
	v18 =	vld [tilespmem:s25+$0x40];
	v59 =	vadd.s32 v1, v26;
	[tilespmem:v28+s20+$0x0] =	vst.idx.msk $0xffff, v25  }
0x26f: {  	v60 =	vadd.s32 v2, v26;
	v15 =	vld [tilespmem:s26+$0xFFFFFFF0];
	[tilespmem:v10+s20+$0x0] =	vst.idx.msk $0xffff, v11;
	v11 =	vadd.f32 v20, v7  }
0x270: {  	v28 =	vld [tilespmem:s29+$0xFFFFFFF0];
	v20 =	vadd.s32 v0, v26;
	v14 =	vadd.f32 v14, v4;
	[tilespmem:v33+s20+$0x0] =	vst.idx.msk $0xffff, v12  }
0x271: {  	v10 =	vadd.s32 v3, v19;
	[tilespmem:v35+s20+$0x0] =	vst.idx.msk $0xffff, v17;
	v12 =	vadd.f32 v13, v4;
	v17 =	vld [tilespmem:s25+$0xD0]  }
0x272: {  	v29 =	vld [tilespmem:s29+$0x0];
	[tilespmem:v32+s20+$0x0] =	vst.idx.msk $0xffff, v14;
	v14 =	vadd.f32 v27, v5;
	v13 =	vadd.s32 v0, v24  }
0x273: {  	v25 =	vld [tilespmem:s25+$0x0];
	v27 =	vadd.f32 v36, v5;
	[tilespmem:v30+s20+$0x0] =	vst.idx.msk $0xffff, v12;
	v12 =	vadd.s32 v1, v23  }
0x274: {  	[tilespmem:v34+s20+$0x0] =	vst.idx.msk $0xffff, v11;
	v11 =	vadd.s32 v3, v21;
	v15 =	vadd.f32 v15, v4;
	v30 =	vld [tilespmem:s29+$0x10]  }
0x275: {  	v19 =	vld [tilespmem:s25+$0x80];
	v21 =	vadd.s32 v1, v24;
	v57 =	vadd.s32 v2, v24;
	[tilespmem:v20+s20+$0x0] =	vst.idx.msk $0xffff, v27  }
0x276: {  	v38 =	vld [tilespmem:s26+$0x30];
	v27 =	vadd.s32 v0, v28;
	[tilespmem:v22+s20+$0x0] =	vst.idx.msk $0xffff, v15;
	v17 =	vadd.f32 v17, v6  }
0x277: {  	v15 =	vadd.f32 v16, v5;
	v16 =	vadd.s32 v0, v58;
	[tilespmem:v13+s20+$0x0] =	vst.idx.msk $0xffff, v14;
	v14 =	vld [tilespmem:s29+$0xFFFFFFC0]  }
0x278: {  	v61 =	vadd.s32 v0, v29;
	v13 =	vadd.s32 v3, v24;
	v24 =	vld [tilespmem:s25+$0xFFFFFF90];
	[tilespmem:v12+s20+$0x0] =	vst.idx.msk $0xffff, v17  }
0x279: {  	v12 =	vadd.s32 v3, v26;
	v17 =	vadd.f32 v31, v5;
	v26 =	vadd.s32 v0, v30;
	v31 =	vld [tilespmem:s25+$0xE0]  }
0x27a: {  	v40 =	vld [tilespmem:s26+$0x70];
	v19 =	vadd.f32 v19, v5  }
0x27b: {  	v22 =	vadd.f32 v25, v5;
	v25 =	vadd.s32 v2, v23;
	[tilespmem:v27+s20+$0x0] =	vst.idx.msk $0xffff, v15;
	v20 =	vld [tilespmem:s25+$0xFFFFFF50]  }
0x27c: {  	v18 =	vadd.f32 v18, v5;
	[tilespmem:v16+s20+$0x0] =	vst.idx.msk $0xffff, v19;
	v27 =	vld [tilespmem:s25+$0xFFFFFFD0];
	v39 =	vadd.s32 v0, v14  }
0x27d: {  	[tilespmem:v61+s20+$0x0] =	vst.idx.msk $0xffff, v22;
	v19 =	vld [tilespmem:s25+$0x90];
	v24 =	vadd.f32 v24, v6  }
0x27e: {  	v41 =	vadd.s32 v2, v28;
	v36 =	vld [tilespmem:s25+$0x10];
	[tilespmem:v26+s20+$0x0] =	vst.idx.msk $0xffff, v18;
	v26 =	vadd.f32 v31, v7  }
0x27f: {  	v22 =	vadd.s32 v1, v29;
	v15 =	vadd.s32 v1, v28;
	[tilespmem:v59+s20+$0x0] =	vst.idx.msk $0xffff, v24;
	v43 =	vld [tilespmem:s25+$0x50]  }
0x280: {  	v37 =	vld [tilespmem:s26+$0xFFFFFF30];
	v23 =	vadd.s32 v3, v23;
	v16 =	vadd.f32 v20, v6;
	[tilespmem:v25+s20+$0x0] =	vst.idx.msk $0xffff, v26  }
0x281: {  	v42 =	vadd.s32 v1, v30;
	v20 =	vadd.s32 v1, v58;
	[tilespmem:v39+s20+$0x0] =	vst.idx.msk $0xffff, v17;
	v17 =	vld [tilespmem:s25+$0xF0]  }
0x282: {  	v19 =	vadd.f32 v19, v6;
	[tilespmem:v21+s20+$0x0] =	vst.idx.msk $0xffff, v16;
	v16 =	vadd.f32 v27, v6;
	v39 =	vld [tilespmem:s25+$0xFFFFFF10]  }
0x283: {  	v24 =	vadd.f32 v36, v6;
	v18 =	vadd.s32 v2, v30;
	v21 =	vadd.s32 v2, v14;
	v44 =	vld [tilespmem:s25+$0xFFFFFF60]  }
0x284: {  	v34 =	vld [tilespmem:s25+$0xFFFFFFA0];
	[tilespmem:v15+s20+$0x0] =	vst.idx.msk $0xffff, v16;
	v25 =	vadd.s32 v1, v14;
	v15 =	vadd.f32 v43, v6  }
0x285: {  	v27 =	vadd.f32 v37, v4;
	v31 =	vadd.s32 v2, v29;
	[tilespmem:v22+s20+$0x0] =	vst.idx.msk $0xffff, v24;
	v16 =	vld [tilespmem:s25+$0xFFFFFFE0]  }
0x286: {  	v22 =	vadd.s32 v3, v14;
	v24 =	vld [tilespmem:s25+$0x20];
	[tilespmem:v42+s20+$0x0] =	vst.idx.msk $0xffff, v15;
	v14 =	vadd.f32 v17, v4  }
0x287: {  	[tilespmem:v20+s20+$0x0] =	vst.idx.msk $0xffff, v19;
	v17 =	vadd.s32 v3, v28;
	v28 =	vadd.f32 v39, v6;
	v62 =	vld [tilespmem:s25+$0x60]  }
0x288: {  	v26 =	vadd.s32 v2, v58;
	v63 =	vld [tilespmem:s25+$0xA0];
	v19 =	vadd.f32 v44, v7;
	[tilespmem:v23+s20+$0x0] =	vst.idx.msk $0xffff, v14  }
0x289: {  	v20 =	vadd.f32 v38, v4;
	[tilespmem:v25+s20+$0x0] =	vst.idx.msk $0xffff, v28;
	v23 =	vadd.f32 v34, v7;
	v28 =	vld [tilespmem:s26+$0xB0]  }
0x28a: {  	v15 =	vadd.s32 v3, v29;
	[tilespmem:v57+s20+$0x0] =	vst.idx.msk $0xffff, v19;
	v25 =	vadd.f32 v16, v7;
	v29 =	vld [tilespmem:s25+$0xFFFFFF20]  }
0x28b: {  	v14 =	vadd.s32 v3, v30;
	v30 =	vld [tilespmem:s25+$0xFFFFFF70];
	[tilespmem:v60+s20+$0x0] =	vst.idx.msk $0xffff, v23;
	v23 =	vadd.f32 v24, v7  }
0x28c: {  	v19 =	vadd.f32 v40, v4;
	[tilespmem:v41+s20+$0x0] =	vst.idx.msk $0xffff, v25;
	v24 =	vld [tilespmem:s25+$0xFFFFFFB0];
	v32 =	vadd.f32 v62, v7  }
0x28d: {  	s8 =	simm.s32 $0x8;
	s10 =	simm.s32 $0x9740;
	v16 =	vadd.s32 v3, v58;
	s26 =	simm.s32 $0xE100;
	v25 =	vld [tilespmem:s25+$0xFFFFFFF0];
	[tilespmem:v31+s20+$0x0] =	vst.idx.msk $0xffff, v23;
	v31 =	vadd.f32 v63, v7  }
.LBB2_15:
0x28e: {  	v23 =	vld [tilespmem:s10+$0x30];
	s8 =	sadd.s32 $0x8, s8;
	[tilespmem:v18+s20+$0x0] =	vst.idx.msk $0xffff, v32;
	v18 =	vadd.f32 v28, v4  }
0x28f: {  	v28 =	vld [tilespmem:s10+$0xFFFFFFD0];
	p1 =	slt.u32 s8, $0x78;
	v29 =	vadd.f32 v29, v7;
	[tilespmem:v26+s20+$0x0] =	vst.idx.msk $0xffff, v31  }
0x290: {  	s25 =	sadd.s32 $0x200, s25;
	v26 =	vld [tilespmem:s10+$0xFFFFFFE0];
	v30 =	vadd.f32 v30, v4;
	[tilespmem:v9+s20+$0x0] =	vst.idx.msk $0xffff, v27;
	v9 =	vmov v22  }
0x291: {  	v22 =	vld [tilespmem:s25+$0xC0];
	[tilespmem:v21+s20+$0x0] =	vst.idx.msk $0xffff, v29;
	v21 =	vadd.f32 v24, v4  }
0x292: {  	v27 =	vld [tilespmem:s25+$0xFFFFFF00];
	[tilespmem:v13+s20+$0x0] =	vst.idx.msk $0xffff, v30;
	v29 =	vadd.f32 v25, v4  }
0x293: {  	v30 =	vld [tilespmem:s25+$0xFFFFFF40];
	v31 =	vadd.s32 v0, v23;
	[tilespmem:v12+s20+$0x0] =	vst.idx.msk $0xffff, v21  }
0x294: {  	v21 =	vadd.s32 v0, v28;
	v32 =	vadd.s32 v1, v28;
	v24 =	vadd.s32 v2, v28;
	v33 =	vld [tilespmem:s25+$0xFFFFFF80]  }
0x295: {  	v34 =	vadd.s32 v0, v26;
	v35 =	vadd.s32 v1, v26;
	v25 =	vadd.s32 v2, v26;
	v36 =	vld [tilespmem:s25+$0xFFFFFFC0]  }
0x296: {  	v13 =	vadd.s32 v3, v28;
	v12 =	vadd.s32 v3, v26;
	v26 =	vld [tilespmem:s25+$0x0];
	v22 =	vadd.f32 v22, v5  }
0x297: {  	v28 =	vadd.f32 v27, v5;
	v27 =	vld [tilespmem:s25+$0x40];
	[tilespmem:v17+s20+$0x0] =	vst.idx.msk $0xffff, v29  }
0x298: {  	v17 =	vadd.f32 v30, v5;
	v29 =	vld [tilespmem:s25+$0x80];
	[tilespmem:v31+s20+$0x0] =	vst.idx.msk $0xffff, v22  }
0x299: {  	v22 =	vadd.f32 v33, v5;
	v30 =	vld [tilespmem:s25+$0xD0];
	[tilespmem:v8+s20+$0x0] =	vst.idx.msk $0xffff, v20;
	v8 =	vmov v15  }
0x29a: {  	[tilespmem:v21+s20+$0x0] =	vst.idx.msk $0xffff, v17;
	v15 =	vld [tilespmem:s10+$0xFFFFFFF0];
	v17 =	vadd.f32 v36, v5  }
0x29b: {  	v21 =	vadd.s32 v1, v23;
	[tilespmem:v34+s20+$0x0] =	vst.idx.msk $0xffff, v22;
	v20 =	vld [tilespmem:s10+$0x0];
	v22 =	vadd.f32 v26, v5  }
0x29c: {  	v31 =	vld [tilespmem:s10+$0x10];
	v27 =	vadd.f32 v27, v5;
	[tilespmem:v10+s20+$0x0] =	vst.idx.msk $0xffff, v19;
	v10 =	vmov v14  }
0x29d: {  	v33 =	vld [tilespmem:s10+$0x20];
	v14 =	vadd.f32 v29, v5;
	[tilespmem:v11+s20+$0x0] =	vst.idx.msk $0xffff, v18;
	v11 =	vmov v16  }
0x29e: {  	v16 =	vld [tilespmem:s10+$0xFFFFFFC0];
	v18 =	vadd.f32 v30, v6  }
0x29f: {  	v19 =	vld [tilespmem:s25+$0xFFFFFF50];
	v26 =	vadd.s32 v0, v15;
	v29 =	vadd.s32 v1, v15;
	v34 =	vadd.s32 v2, v15  }
0x2a0: {  	v30 =	vld [tilespmem:s25+$0xFFFFFF90];
	v36 =	vadd.s32 v0, v20;
	v37 =	vadd.s32 v1, v20;
	[tilespmem:v21+s20+$0x0] =	vst.idx.msk $0xffff, v18  }
0x2a1: {  	v38 =	vadd.s32 v2, v20;
	v39 =	vadd.s32 v0, v31;
	v40 =	vadd.s32 v1, v31;
	v41 =	vld [tilespmem:s25+$0xE0]  }
0x2a2: {  	v18 =	vadd.s32 v2, v31;
	v42 =	vadd.s32 v0, v33;
	v43 =	vadd.s32 v1, v33;
	v44 =	vld [tilespmem:s26+$0xFFFFFF30]  }
0x2a3: {  	v47 =	vadd.s32 v2, v23;
	v45 =	vadd.s32 v0, v16;
	v46 =	vadd.s32 v1, v16;
	v48 =	vld [tilespmem:s26+$0x30]  }
0x2a4: {  	v21 =	vadd.s32 v2, v16;
	v49 =	vadd.f32 v19, v6;
	[tilespmem:v26+s20+$0x0] =	vst.idx.msk $0xffff, v17;
	v19 =	vld [tilespmem:s26+$0x70]  }
0x2a5: {  	v26 =	vadd.s32 v2, v33;
	v30 =	vadd.f32 v30, v6;
	v50 =	vld [tilespmem:s25+$0xFFFFFFD0];
	[tilespmem:v36+s20+$0x0] =	vst.idx.msk $0xffff, v22  }
0x2a6: {  	v22 =	vadd.s32 v3, v16;
	v36 =	vld [tilespmem:s25+$0x10];
	[tilespmem:v39+s20+$0x0] =	vst.idx.msk $0xffff, v27;
	v16 =	vadd.f32 v41, v7  }
0x2a7: {  	v17 =	vadd.s32 v3, v15;
	v39 =	vld [tilespmem:s25+$0x50];
	[tilespmem:v42+s20+$0x0] =	vst.idx.msk $0xffff, v14;
	v27 =	vadd.f32 v44, v4  }
0x2a8: {  	v15 =	vadd.s32 v3, v20;
	v41 =	vld [tilespmem:s25+$0x90];
	[tilespmem:v47+s20+$0x0] =	vst.idx.msk $0xffff, v16;
	v20 =	vadd.f32 v48, v4  }
0x2a9: {  	v14 =	vadd.s32 v3, v31;
	[tilespmem:v45+s20+$0x0] =	vst.idx.msk $0xffff, v28;
	v28 =	vld [tilespmem:s25+$0xF0];
	v19 =	vadd.f32 v19, v4  }
0x2aa: {  	v16 =	vadd.s32 v3, v33;
	v31 =	vld [tilespmem:s25+$0xFFFFFF10];
	[tilespmem:v32+s20+$0x0] =	vst.idx.msk $0xffff, v49;
	v32 =	vadd.f32 v50, v6  }
0x2ab: {  	v23 =	vadd.s32 v3, v23;
	v33 =	vld [tilespmem:s25+$0xFFFFFF60];
	[tilespmem:v35+s20+$0x0] =	vst.idx.msk $0xffff, v30;
	v30 =	vadd.f32 v36, v6  }
0x2ac: {  	v35 =	vld [tilespmem:s25+$0xFFFFFFA0];
	[tilespmem:v29+s20+$0x0] =	vst.idx.msk $0xffff, v32;
	v29 =	vadd.f32 v39, v6  }
0x2ad: {  	v32 =	vld [tilespmem:s25+$0xFFFFFFE0];
	[tilespmem:v37+s20+$0x0] =	vst.idx.msk $0xffff, v30;
	v30 =	vadd.f32 v41, v6  }
0x2ae: {  	v36 =	vld [tilespmem:s25+$0x20];
	[tilespmem:v40+s20+$0x0] =	vst.idx.msk $0xffff, v29;
	v28 =	vadd.f32 v28, v4  }
0x2af: {  	v29 =	vadd.f32 v31, v6;
	v31 =	vld [tilespmem:s25+$0x60];
	[tilespmem:v43+s20+$0x0] =	vst.idx.msk $0xffff, v30  }
0x2b0: {  	v30 =	vadd.f32 v33, v7;
	v33 =	vld [tilespmem:s25+$0xA0];
	[tilespmem:v23+s20+$0x0] =	vst.idx.msk $0xffff, v28  }
.Ltmp6:
0x2b1: {  	[tilespmem:v46+s20+$0x0] =	vst.idx.msk $0xffff, v29;
	v23 =	vadd.f32 v35, v7;
	v28 =	vld [tilespmem:s26+$0xB0];
	s26 =	smov.u32 s25;
	(pc) =	sbr.rel @p1 .LBB2_15-.Ltmp6, $4  }
0x2b2: {  	v29 =	vld [tilespmem:s25+$0xFFFFFF20];
	[tilespmem:v24+s20+$0x0] =	vst.idx.msk $0xffff, v30;
	v32 =	vadd.f32 v32, v7  }
0x2b3: {  	v30 =	vld [tilespmem:s25+$0xFFFFFF70];
	[tilespmem:v25+s20+$0x0] =	vst.idx.msk $0xffff, v23;
	v23 =	vadd.f32 v36, v7  }
0x2b4: {  	v24 =	vld [tilespmem:s25+$0xFFFFFFB0];
	[tilespmem:v34+s20+$0x0] =	vst.idx.msk $0xffff, v32;
	v32 =	vadd.f32 v31, v7  }
0x2b5: {  	s10 =	sadd.s32 $0x80, s10;
	v25 =	vld [tilespmem:s25+$0xFFFFFFF0];
	[tilespmem:v38+s20+$0x0] =	vst.idx.msk $0xffff, v23;
	v31 =	vadd.f32 v33, v7  }
0x2b6: {  	_ =	sdelay $0x3  }
0x2b7: {  	[tilespmem:v18+s20+$0x0] =	vst.idx.msk $0xffff, v32  }
0x2b8: {  	[tilespmem:v9+s20+$0x0] =	vst.idx.msk $0xffff, v27;
	v5 =	vadd.f32 v29, v7  }
0x2b9: {  	[tilespmem:v8+s20+$0x0] =	vst.idx.msk $0xffff, v20  }
0x2ba: {  	v60 =	vld [tilespmem:s26+$0x30];
	[tilespmem:v21+s20+$0x0] =	vst.idx.msk $0xffff, v5;
	v5 =	vadd.f32 v24, v4  }
0x2bb: {  	[tilespmem:v26+s20+$0x0] =	vst.idx.msk $0xffff, v31;
	v58 =	vld [tilespmem:s26+$0xFFFFFF30]  }
0x2bc: {  	v62 =	vadd.f32 v28, v4;
	[tilespmem:v12+s20+$0x0] =	vst.idx.msk $0xffff, v5;
	v5 =	vld [tilespmem:s26+$0x70]  }
0x2bd: {  	[tilespmem:v10+s20+$0x0] =	vst.idx.msk $0xffff, v19;
	v6 =	vadd.f32 v30, v4;
	v61 =	vld [tilespmem:s26+$0xB0]  }
0x2be: {  	[tilespmem:v11+s20+$0x0] =	vst.idx.msk $0xffff, v62;
	v59 =	vadd.f32 v25, v4  }
0x2bf: {  	[tilespmem:v13+s20+$0x0] =	vst.idx.msk $0xffff, v6;
	v63 =	vadd.f32 v60, v4  }
0x2c0: {  	[tilespmem:v17+s20+$0x0] =	vst.idx.msk $0xffff, v59;
	v7 =	vadd.f32 v58, v4  }
0x2c1: {  	s2 =	sshll.u32 s2, $0x12;
	[tilespmem:v15+s20+$0x0] =	vst.idx.msk $0xffff, v63;
	v5 =	vadd.f32 v5, v4  }
0x2c2: {  	s2 =	sor.u32 s5, s2;
	v4 =	vadd.f32 v61, v4;
	[tilespmem:v22+s20+$0x0] =	vst.idx.msk $0xffff, v7  }
0x2c3: {  	s2 =	sshrl.u32 s2, $0x3;
	[tilespmem:v14+s20+$0x0] =	vst.idx.msk $0xffff, v5  }
0x2c4: {  	s10 =	simm.s32 $0x14000;
	s8 =	sadd.s32 s1, s2;
	[tilespmem:v16+s20+$0x0] =	vst.idx.msk $0xffff, v4  }
0x2c5: {  	[hbm4b:s8+s3] =	stream.linear.scatter [tilespmem:s10], [sflag:$0x6], $0x80, $0x38;
	[tilespmem:$0x1A600] =	vst v63  }
0x2c6: {  	s25 =	simm.s32 $0x14088;
	s10 =	sadd.s32 $0x10, s8  }
0x2c7: {  	[hbm4b:s10+s3] =	stream.linear.scatter [tilespmem:s25], [sflag:$0x6], $0x80, $0x38;
	[tilespmem:$0x1A600] =	vst v63  }
0x2c8: {  	s29 =	sadd.s32 $0x20, s8;
	s26 =	simm.s32 $0x14110  }
0x2c9: {  	[hbm4b:s29+s3] =	stream.linear.scatter [tilespmem:s26], [sflag:$0x6], $0x80, $0x38;
	[tilespmem:$0x1A600] =	vst v63  }
0x2ca: {  	s10 =	simm.s32 $0x14198;
	s25 =	sadd.s32 $0x30, s8  }
0x2cb: {  	[hbm4b:s25+s3] =	stream.linear.scatter [tilespmem:s10], [sflag:$0x6], $0x80, $0x38;
	[tilespmem:$0x1A600] =	vst v63  }
0x2cc: {  	s26 =	simm.s32 $0x14220;
	s29 =	sadd.s32 $0x40, s8  }
0x2cd: {  	[hbm4b:s29+s3] =	stream.linear.scatter [tilespmem:s26], [sflag:$0x6], $0x80, $0x38;
	[tilespmem:$0x1A600] =	vst v63  }
0x2ce: {  	s2 =	simm.s32 $0x440;
	s10 =	simm.s32 $0x142A8;
	s25 =	sadd.s32 $0x50, s8  }
0x2cf: {  	[hbm4b:s25+s3] =	stream.linear.scatter [tilespmem:s10], [sflag:$0x6], $0x80, $0x38;
	[tilespmem:$0x1A600] =	vst v63  }
0x2d0: {  	s26 =	simm.s32 $0x14330;
	s29 =	sadd.s32 $0x60, s8;
	s10 =	simm.s32 $0x2200  }
0x2d1: {  	[hbm4b:s29+s3] =	stream.linear.scatter [tilespmem:s26], [sflag:$0x6], $0x80, $0x38;
	[tilespmem:$0x1A600] =	vst v63  }
0x2d2: {  	s25 =	simm.s32 $0x143B8;
	s26 =	sadd.s32 $0x70, s8;
	s8 =	sadd.s32 $0x1000, s8  }
.LBB2_17:
0x2d3: {  	[hbm4b:s26+s3] =	stream.linear.scatter [tilespmem:s25], [sflag:$0x6], $0x80, $0x38;
	[tilespmem:$0x1A600] =	vst v63  }
0x2d4: {  	s25 =	smov.u32 s2;
	s2 =	smov.u32 s10  }
0x2d5: {  	s29 =	sadd.s32 $0x1100, s10;
	s2 =	sshra.s32 s2, $0x2;
	s26 =	sadd.s32 $0x14000, s25  }
0x2d6: {  	[hbm4b:s8+s3] =	stream.linear.scatter [tilespmem:s26], [sflag:$0x6], $0x80, $0x38;
	[tilespmem:$0x1A600] =	vst v63  }
0x2d7: {  	p1 =	sne.s32 s10, $0x7700;
	s10 =	sadd.s32 $0x14088, s25;
	s26 =	sadd.s32 $0x10, s8  }
0x2d8: {  	[hbm4b:s26+s3] =	stream.linear.scatter [tilespmem:s10], [sflag:$0x6], $0x80, $0x38;
	[tilespmem:$0x1A600] =	vst v63  }
0x2d9: {  	s10 =	sadd.s32 $0x14110, s25;
	s26 =	sadd.s32 $0x20, s8  }
0x2da: {  	[hbm4b:s26+s3] =	stream.linear.scatter [tilespmem:s10], [sflag:$0x6], $0x80, $0x38;
	[tilespmem:$0x1A600] =	vst v63  }
0x2db: {  	s10 =	sadd.s32 $0x14198, s25;
	s26 =	sadd.s32 $0x30, s8  }
0x2dc: {  	[hbm4b:s26+s3] =	stream.linear.scatter [tilespmem:s10], [sflag:$0x6], $0x80, $0x38;
	[tilespmem:$0x1A600] =	vst v63  }
0x2dd: {  	s10 =	sadd.s32 $0x14220, s25;
	s26 =	sadd.s32 $0x40, s8  }
0x2de: {  	[hbm4b:s26+s3] =	stream.linear.scatter [tilespmem:s10], [sflag:$0x6], $0x80, $0x38;
	[tilespmem:$0x1A600] =	vst v63  }
.Ltmp7:
0x2df: {  	s10 =	sadd.s32 $0x142A8, s25;
	s26 =	sadd.s32 $0x50, s8;
	(pc) =	sbr.rel @p1 .LBB2_17-.Ltmp7, $4  }
0x2e0: {  	[hbm4b:s26+s3] =	stream.linear.scatter [tilespmem:s10], [sflag:$0x6], $0x80, $0x38;
	[tilespmem:$0x1A600] =	vst v63  }
0x2e1: {  	s10 =	sadd.s32 $0x14330, s25;
	s26 =	sadd.s32 $0x60, s8;
	s25 =	sadd.s32 $0x143B8, s25  }
0x2e2: {  	[hbm4b:s26+s3] =	stream.linear.scatter [tilespmem:s10], [sflag:$0x6], $0x80, $0x38;
	[tilespmem:$0x1A600] =	vst v63  }
0x2e3: {  	s26 =	sadd.s32 $0x70, s8;
	s8 =	sadd.s32 $0x1000, s8;
	s10 =	smov.u32 s29  }
0x2e4: {  	[hbm4b:s26+s3] =	stream.linear.scatter [tilespmem:s25], [sflag:$0x6], $0x80, $0x38;
	[tilespmem:$0x1A600] =	vst v63  }
0x2e5: {  	s10 =	sadd.s32 $0x14000, s2  }
0x2e6: {  	[hbm4b:s8+s3] =	stream.linear.scatter [tilespmem:s10], [sflag:$0x6], $0x80, $0x38;
	[tilespmem:$0x1A600] =	vst v63  }
0x2e7: {  	s26 =	sadd.s32 $0x14088, s2;
	s29 =	sadd.s32 $0x10, s8  }
0x2e8: {  	[hbm4b:s29+s3] =	stream.linear.scatter [tilespmem:s26], [sflag:$0x6], $0x80, $0x38;
	[tilespmem:$0x1A600] =	vst v63  }
0x2e9: {  	s26 =	sadd.s32 $0x14110, s2;
	s29 =	sadd.s32 $0x20, s8  }
0x2ea: {  	[hbm4b:s29+s3] =	stream.linear.scatter [tilespmem:s26], [sflag:$0x6], $0x80, $0x38;
	[tilespmem:$0x1A600] =	vst v63  }
0x2eb: {  	s26 =	sadd.s32 $0x14198, s2;
	s29 =	sadd.s32 $0x30, s8  }
0x2ec: {  	[hbm4b:s29+s3] =	stream.linear.scatter [tilespmem:s26], [sflag:$0x6], $0x80, $0x38;
	[tilespmem:$0x1A600] =	vst v63  }
0x2ed: {  	s26 =	sadd.s32 $0x14220, s2;
	s29 =	sadd.s32 $0x40, s8  }
0x2ee: {  	[hbm4b:s29+s3] =	stream.linear.scatter [tilespmem:s26], [sflag:$0x6], $0x80, $0x38;
	[tilespmem:$0x1A600] =	vst v63  }
0x2ef: {  	s26 =	sadd.s32 $0x142A8, s2;
	s29 =	sadd.s32 $0x50, s8  }
0x2f0: {  	[hbm4b:s29+s3] =	stream.linear.scatter [tilespmem:s26], [sflag:$0x6], $0x80, $0x38;
	[tilespmem:$0x1A600] =	vst v63  }
0x2f1: {  	s25 =	sadd.s32 $0x14330, s2;
	s26 =	sadd.s32 $0x60, s8  }
0x2f2: {  	[hbm4b:s26+s3] =	stream.linear.scatter [tilespmem:s25], [sflag:$0x6], $0x80, $0x38;
	[tilespmem:$0x1A600] =	vst v63  }
0x2f3: {  	s10 =	sadd.s32 $0x70, s8;
	s29 =	sadd.s32 $0x143B8, s2;
	s2 =	sadd.s32 @!p0 $0x280, s7  }
0x2f4: {  	[hbm4b:s10+s3] =	stream.linear.scatter [tilespmem:s29], [sflag:$0x6], $0x80, $0x38;
	[tilespmem:$0x1A600] =	vst v63  }
0x2f5: {  	s7 =	simm.s32 @!p0 $0x80;
	s8 =	simm.s32 @!p0 $0xBE00;
	s2 =	sand.u32 @!p0 $0xFE80, s2  }
0x2f6: {  	[tilespmem:s8], [sflag:$0x2] =	stream.indirect.gather @!p0 [hbm4b:s4+s7], $0x40, s2, s7, $0xb8;
	[tilespmem:$0x1A600] =	vst v63  }
0x2f7: {  	_ =	swait.ge [sflag:s21], $0x2000  }
0x2f8: {  	[sflag:s21] =	ssyncset.done $0x0  }
0x2f9: {  	[sflag:s21] =	ssyncadd.s32 $0xFFFFE000  }
0x2fa: {  	_ =	swait.ge [sflag:s22], $0x2000  }
0x2fb: {  	s0 =	sshll.u32 s0, $0x6;
	[sflag:s22] =	ssyncset.done $0x0  }
0x2fc: {  	s0 =	sand.u32 $0x3FFFFFC0, s0;
	[sflag:s22] =	ssyncadd.s32 $0xFFFFE000  }
0x2fd: {  	v5 =	vld [tilespmem:s0+$0x6400]  }
0x2fe: {  	s25 =	simm.s32 $0x9640;
	v6 =	vld [tilespmem:s0+$0x6410]  }
0x2ff: {  	v8 =	vld [tilespmem:s25+$0x30]  }
0x300: {  	v7 =	vld [tilespmem:s0+$0x6420]  }
0x301: {  	s26 =	simm.s32 $0xFF00;
	v4 =	vld [tilespmem:s0+$0x6430]  }
0x302: {  	v9 =	vld [tilespmem:s26+$0xC0]  }
0x303: {  	v10 =	vld [tilespmem:s25+$0xFFFFFFD0]  }
0x304: {  	v11 =	vld [tilespmem:s25+$0xFFFFFFE0]  }
0x305: {  	v13 =	vld [tilespmem:s26+$0xFFFFFF40]  }
0x306: {  	v14 =	vld [tilespmem:s26+$0xFFFFFF80]  }
0x307: {  	v15 =	vld [tilespmem:s26+$0xFFFFFFC0];
	v12 =	vadd.s32 v0, v8  }
0x308: {  	v16 =	vld [tilespmem:s26+$0x0]  }
0x309: {  	v17 =	vld [tilespmem:s25+$0x0]  }
0x30a: {  	v19 =	vld [tilespmem:s25+$0x10];
	v9 =	vadd.f32 v9, v5  }
0x30b: {  	v21 =	vld [tilespmem:s25+$0x20]  }
0x30c: {  	[tilespmem:v12+s23+$0x0] =	vst.idx.msk $0xffff, v9;
	v12 =	vld [tilespmem:s25+$0xFFFFFFF0]  }
0x30d: {  	v22 =	vld [tilespmem:s25+$0xFFFFFFC0];
	v18 =	vadd.s32 v0, v10  }
0x30e: {  	v20 =	vadd.s32 v0, v11;
	v9 =	vld [tilespmem:s26+$0xD0]  }
0x30f: {  	v24 =	vld [tilespmem:s26+$0x40];
	v27 =	vadd.s32 v0, v17  }
0x310: {  	v26 =	vld [tilespmem:s26+$0x80];
	v13 =	vadd.f32 v13, v5;
	v25 =	vadd.s32 v1, v8  }
0x311: {  	s29 =	simm.s32 $0x96C0;
	v28 =	vld [tilespmem:s26+$0xFFFFFF00];
	v14 =	vadd.f32 v14, v5;
	v23 =	vadd.s32 v0, v12  }
0x312: {  	s0 =	simm.s32 $0x10100;
	v58 =	vld [tilespmem:s29+$0x20];
	v16 =	vadd.f32 v16, v5;
	[tilespmem:v18+s23+$0x0] =	vst.idx.msk $0xffff, v13;
	v13 =	vadd.f32 v15, v5  }
0x313: {  	v31 =	vld [tilespmem:s0+$0xFFFFFF00];
	v15 =	vadd.s32 v0, v19;
	[tilespmem:v20+s23+$0x0] =	vst.idx.msk $0xffff, v14;
	v9 =	vadd.f32 v9, v6  }
0x314: {  	v18 =	vadd.s32 v0, v21;
	[tilespmem:v27+s23+$0x0] =	vst.idx.msk $0xffff, v16;
	v14 =	vld [tilespmem:s26+$0xFFFFFF50]  }
0x315: {  	v29 =	vadd.s32 v0, v22;
	v20 =	vld [tilespmem:s26+$0xFFFFFF90];
	[tilespmem:v25+s23+$0x0] =	vst.idx.msk $0xffff, v9;
	v25 =	vadd.f32 v26, v5  }
0x316: {  	v26 =	vld [tilespmem:s26+$0xE0];
	[tilespmem:v23+s23+$0x0] =	vst.idx.msk $0xffff, v13;
	v13 =	vadd.s32 v1, v10;
	v23 =	vadd.f32 v24, v5  }
0x317: {  	v16 =	vadd.f32 v28, v5;
	v28 =	vld [tilespmem:s26+$0x10];
	v24 =	vadd.s32 v1, v11  }
0x318: {  	v9 =	vld [tilespmem:s26+$0xFFFFFFD0];
	[tilespmem:v15+s23+$0x0] =	vst.idx.msk $0xffff, v23;
	v15 =	vadd.s32 v2, v8  }
0x319: {  	v36 =	vld [tilespmem:s0+$0xFFFFFF80];
	v14 =	vadd.f32 v14, v6;
	[tilespmem:v18+s23+$0x0] =	vst.idx.msk $0xffff, v25;
	v18 =	vadd.s32 v1, v17  }
0x31a: {  	[tilespmem:v29+s23+$0x0] =	vst.idx.msk $0xffff, v16;
	v27 =	vadd.s32 v1, v12;
	v20 =	vadd.f32 v20, v6;
	v23 =	vld [tilespmem:s26+$0x50]  }
0x31b: {  	v25 =	vld [tilespmem:s26+$0x90];
	[tilespmem:v13+s23+$0x0] =	vst.idx.msk $0xffff, v14;
	v14 =	vadd.f32 v26, v7  }
0x31c: {  	v16 =	vadd.s32 v1, v19;
	v29 =	vld [tilespmem:s26+$0xFFFFFF10];
	[tilespmem:v24+s23+$0x0] =	vst.idx.msk $0xffff, v20;
	v24 =	vadd.f32 v28, v6  }
0x31d: {  	v13 =	vadd.s32 v1, v21;
	v9 =	vadd.f32 v9, v6;
	v26 =	vld [tilespmem:s26+$0xFFFFFF60];
	[tilespmem:v15+s23+$0x0] =	vst.idx.msk $0xffff, v14  }
0x31e: {  	v20 =	vadd.s32 v1, v22;
	v28 =	vld [tilespmem:s26+$0xFFFFFFA0];
	[tilespmem:v18+s23+$0x0] =	vst.idx.msk $0xffff, v24  }
0x31f: {  	[tilespmem:v27+s23+$0x0] =	vst.idx.msk $0xffff, v9;
	v14 =	vadd.f32 v23, v6;
	v27 =	vld [tilespmem:s26+$0xF0]  }
0x320: {  	v18 =	vadd.f32 v25, v6;
	v23 =	vadd.s32 v2, v11;
	v25 =	vld [tilespmem:s26+$0x20]  }
0x321: {  	v15 =	vld [tilespmem:s26+$0xFFFFFFE0];
	[tilespmem:v16+s23+$0x0] =	vst.idx.msk $0xffff, v14;
	v14 =	vadd.f32 v29, v6  }
0x322: {  	[tilespmem:v13+s23+$0x0] =	vst.idx.msk $0xffff, v18;
	v29 =	vld [tilespmem:s0+$0xC0]  }
0x323: {  	v9 =	vadd.s32 v2, v10;
	v16 =	vld [tilespmem:s26+$0x60];
	[tilespmem:v20+s23+$0x0] =	vst.idx.msk $0xffff, v14;
	v14 =	vadd.f32 v28, v7  }
0x324: {  	v18 =	vld [tilespmem:s26+$0xA0]  }
0x325: {  	v8 =	vadd.s32 v3, v8;
	[tilespmem:v23+s23+$0x0] =	vst.idx.msk $0xffff, v14;
	v23 =	vld [tilespmem:s29+$0x30]  }
0x326: {  	v24 =	vadd.s32 v2, v12;
	v13 =	vadd.f32 v26, v7;
	v26 =	vld [tilespmem:s29+$0xFFFFFFE0]  }
0x327: {  	v30 =	vadd.s32 v3, v10;
	v32 =	vadd.s32 v3, v11;
	v34 =	vadd.s32 v2, v22;
	v20 =	vld [tilespmem:s26+$0xFFFFFF20]  }
0x328: {  	v28 =	vadd.s32 v2, v17;
	[tilespmem:v9+s23+$0x0] =	vst.idx.msk $0xffff, v13;
	v11 =	vadd.f32 v27, v4;
	v27 =	vld [tilespmem:s0+$0xFFFFFF40]  }
0x329: {  	v35 =	vadd.s32 v2, v21;
	v10 =	vadd.s32 v2, v19;
	v9 =	vadd.f32 v15, v7;
	v13 =	vld [tilespmem:s26+$0xFFFFFF70]  }
0x32a: {  	v25 =	vadd.f32 v25, v7;
	v14 =	vld [tilespmem:s26+$0xFFFFFFB0];
	[tilespmem:v8+s23+$0x0] =	vst.idx.msk $0xffff, v11;
	v33 =	vadd.s32 v0, v23  }
0x32b: {  	v8 =	vadd.s32 v3, v17;
	[tilespmem:v24+s23+$0x0] =	vst.idx.msk $0xffff, v9;
	v24 =	vld [tilespmem:s29+$0xFFFFFFD0];
	v9 =	vadd.s32 v3, v22  }
0x32c: {  	v11 =	vadd.f32 v16, v7;
	v16 =	vld [tilespmem:s0+$0xFFFFFFC0];
	v22 =	vadd.s32 v3, v12;
	v12 =	vadd.f32 v29, v5  }
0x32d: {  	v17 =	vadd.f32 v18, v7;
	v18 =	vld [tilespmem:s0+$0x40];
	v59 =	vadd.s32 v1, v26;
	[tilespmem:v28+s23+$0x0] =	vst.idx.msk $0xffff, v25  }
0x32e: {  	v60 =	vadd.s32 v2, v26;
	v15 =	vld [tilespmem:s26+$0xFFFFFFF0];
	[tilespmem:v10+s23+$0x0] =	vst.idx.msk $0xffff, v11;
	v11 =	vadd.f32 v20, v7  }
0x32f: {  	v28 =	vld [tilespmem:s29+$0xFFFFFFF0];
	v20 =	vadd.s32 v0, v26;
	v14 =	vadd.f32 v14, v4;
	[tilespmem:v33+s23+$0x0] =	vst.idx.msk $0xffff, v12  }
0x330: {  	v10 =	vadd.s32 v3, v19;
	[tilespmem:v35+s23+$0x0] =	vst.idx.msk $0xffff, v17;
	v12 =	vadd.f32 v13, v4;
	v17 =	vld [tilespmem:s0+$0xD0]  }
0x331: {  	v29 =	vld [tilespmem:s29+$0x0];
	[tilespmem:v32+s23+$0x0] =	vst.idx.msk $0xffff, v14;
	v14 =	vadd.f32 v27, v5;
	v13 =	vadd.s32 v0, v24  }
0x332: {  	v25 =	vld [tilespmem:s0+$0x0];
	v27 =	vadd.f32 v36, v5;
	[tilespmem:v30+s23+$0x0] =	vst.idx.msk $0xffff, v12;
	v12 =	vadd.s32 v1, v23  }
0x333: {  	[tilespmem:v34+s23+$0x0] =	vst.idx.msk $0xffff, v11;
	v11 =	vadd.s32 v3, v21;
	v15 =	vadd.f32 v15, v4;
	v30 =	vld [tilespmem:s29+$0x10]  }
0x334: {  	v19 =	vld [tilespmem:s0+$0x80];
	v21 =	vadd.s32 v1, v24;
	v57 =	vadd.s32 v2, v24;
	[tilespmem:v20+s23+$0x0] =	vst.idx.msk $0xffff, v27  }
0x335: {  	v38 =	vld [tilespmem:s26+$0x30];
	v27 =	vadd.s32 v0, v28;
	[tilespmem:v22+s23+$0x0] =	vst.idx.msk $0xffff, v15;
	v17 =	vadd.f32 v17, v6  }
0x336: {  	v15 =	vadd.f32 v16, v5;
	v16 =	vadd.s32 v0, v58;
	[tilespmem:v13+s23+$0x0] =	vst.idx.msk $0xffff, v14;
	v14 =	vld [tilespmem:s29+$0xFFFFFFC0]  }
0x337: {  	v61 =	vadd.s32 v0, v29;
	v13 =	vadd.s32 v3, v24;
	v24 =	vld [tilespmem:s0+$0xFFFFFF90];
	[tilespmem:v12+s23+$0x0] =	vst.idx.msk $0xffff, v17  }
0x338: {  	v12 =	vadd.s32 v3, v26;
	v17 =	vadd.f32 v31, v5;
	v26 =	vadd.s32 v0, v30;
	v31 =	vld [tilespmem:s0+$0xE0]  }
0x339: {  	v40 =	vld [tilespmem:s26+$0x70];
	v19 =	vadd.f32 v19, v5  }
0x33a: {  	v22 =	vadd.f32 v25, v5;
	v25 =	vadd.s32 v2, v23;
	[tilespmem:v27+s23+$0x0] =	vst.idx.msk $0xffff, v15;
	v20 =	vld [tilespmem:s0+$0xFFFFFF50]  }
0x33b: {  	v18 =	vadd.f32 v18, v5;
	[tilespmem:v16+s23+$0x0] =	vst.idx.msk $0xffff, v19;
	v27 =	vld [tilespmem:s0+$0xFFFFFFD0];
	v39 =	vadd.s32 v0, v14  }
0x33c: {  	[tilespmem:v61+s23+$0x0] =	vst.idx.msk $0xffff, v22;
	v19 =	vld [tilespmem:s0+$0x90];
	v24 =	vadd.f32 v24, v6  }
0x33d: {  	v41 =	vadd.s32 v2, v28;
	v36 =	vld [tilespmem:s0+$0x10];
	[tilespmem:v26+s23+$0x0] =	vst.idx.msk $0xffff, v18;
	v26 =	vadd.f32 v31, v7  }
0x33e: {  	v22 =	vadd.s32 v1, v29;
	v15 =	vadd.s32 v1, v28;
	[tilespmem:v59+s23+$0x0] =	vst.idx.msk $0xffff, v24;
	v43 =	vld [tilespmem:s0+$0x50]  }
0x33f: {  	v37 =	vld [tilespmem:s26+$0xFFFFFF30];
	v23 =	vadd.s32 v3, v23;
	v16 =	vadd.f32 v20, v6;
	[tilespmem:v25+s23+$0x0] =	vst.idx.msk $0xffff, v26  }
0x340: {  	v42 =	vadd.s32 v1, v30;
	v20 =	vadd.s32 v1, v58;
	[tilespmem:v39+s23+$0x0] =	vst.idx.msk $0xffff, v17;
	v17 =	vld [tilespmem:s0+$0xF0]  }
0x341: {  	v19 =	vadd.f32 v19, v6;
	[tilespmem:v21+s23+$0x0] =	vst.idx.msk $0xffff, v16;
	v16 =	vadd.f32 v27, v6;
	v39 =	vld [tilespmem:s0+$0xFFFFFF10]  }
0x342: {  	v24 =	vadd.f32 v36, v6;
	v18 =	vadd.s32 v2, v30;
	v21 =	vadd.s32 v2, v14;
	v44 =	vld [tilespmem:s0+$0xFFFFFF60]  }
0x343: {  	v34 =	vld [tilespmem:s0+$0xFFFFFFA0];
	[tilespmem:v15+s23+$0x0] =	vst.idx.msk $0xffff, v16;
	v25 =	vadd.s32 v1, v14;
	v15 =	vadd.f32 v43, v6  }
0x344: {  	v27 =	vadd.f32 v37, v4;
	v31 =	vadd.s32 v2, v29;
	[tilespmem:v22+s23+$0x0] =	vst.idx.msk $0xffff, v24;
	v16 =	vld [tilespmem:s0+$0xFFFFFFE0]  }
0x345: {  	v22 =	vadd.s32 v3, v14;
	v24 =	vld [tilespmem:s0+$0x20];
	[tilespmem:v42+s23+$0x0] =	vst.idx.msk $0xffff, v15;
	v14 =	vadd.f32 v17, v4  }
0x346: {  	[tilespmem:v20+s23+$0x0] =	vst.idx.msk $0xffff, v19;
	v17 =	vadd.s32 v3, v28;
	v28 =	vadd.f32 v39, v6;
	v62 =	vld [tilespmem:s0+$0x60]  }
0x347: {  	v26 =	vadd.s32 v2, v58;
	v63 =	vld [tilespmem:s0+$0xA0];
	v19 =	vadd.f32 v44, v7;
	[tilespmem:v23+s23+$0x0] =	vst.idx.msk $0xffff, v14  }
0x348: {  	v20 =	vadd.f32 v38, v4;
	[tilespmem:v25+s23+$0x0] =	vst.idx.msk $0xffff, v28;
	v23 =	vadd.f32 v34, v7;
	v28 =	vld [tilespmem:s26+$0xB0]  }
0x349: {  	v15 =	vadd.s32 v3, v29;
	[tilespmem:v57+s23+$0x0] =	vst.idx.msk $0xffff, v19;
	v25 =	vadd.f32 v16, v7;
	v29 =	vld [tilespmem:s0+$0xFFFFFF20]  }
0x34a: {  	v14 =	vadd.s32 v3, v30;
	v30 =	vld [tilespmem:s0+$0xFFFFFF70];
	[tilespmem:v60+s23+$0x0] =	vst.idx.msk $0xffff, v23;
	v23 =	vadd.f32 v24, v7  }
0x34b: {  	v19 =	vadd.f32 v40, v4;
	[tilespmem:v41+s23+$0x0] =	vst.idx.msk $0xffff, v25;
	v24 =	vld [tilespmem:s0+$0xFFFFFFB0];
	v32 =	vadd.f32 v62, v7  }
0x34c: {  	s7 =	simm.s32 $0x8;
	s8 =	simm.s32 $0x9740;
	s2 =	simm.s32 $0x10100;
	v16 =	vadd.s32 v3, v58;
	v25 =	vld [tilespmem:s0+$0xFFFFFFF0];
	[tilespmem:v31+s23+$0x0] =	vst.idx.msk $0xffff, v23;
	v31 =	vadd.f32 v63, v7  }
.LBB2_19:
0x34d: {  	v23 =	vld [tilespmem:s8+$0x30];
	s7 =	sadd.s32 $0x8, s7;
	[tilespmem:v18+s23+$0x0] =	vst.idx.msk $0xffff, v32;
	v18 =	vadd.f32 v28, v4  }
0x34e: {  	v28 =	vld [tilespmem:s8+$0xFFFFFFD0];
	p1 =	slt.u32 s7, $0x78;
	v29 =	vadd.f32 v29, v7;
	[tilespmem:v26+s23+$0x0] =	vst.idx.msk $0xffff, v31  }
0x34f: {  	s0 =	sadd.s32 $0x200, s0;
	v26 =	vld [tilespmem:s8+$0xFFFFFFE0];
	v30 =	vadd.f32 v30, v4;
	[tilespmem:v9+s23+$0x0] =	vst.idx.msk $0xffff, v27;
	v9 =	vmov v22  }
0x350: {  	v22 =	vld [tilespmem:s0+$0xC0];
	[tilespmem:v21+s23+$0x0] =	vst.idx.msk $0xffff, v29;
	v21 =	vadd.f32 v24, v4  }
0x351: {  	v27 =	vld [tilespmem:s0+$0xFFFFFF00];
	[tilespmem:v13+s23+$0x0] =	vst.idx.msk $0xffff, v30;
	v29 =	vadd.f32 v25, v4  }
0x352: {  	v30 =	vld [tilespmem:s0+$0xFFFFFF40];
	v31 =	vadd.s32 v0, v23;
	[tilespmem:v12+s23+$0x0] =	vst.idx.msk $0xffff, v21  }
0x353: {  	v21 =	vadd.s32 v0, v28;
	v32 =	vadd.s32 v1, v28;
	v24 =	vadd.s32 v2, v28;
	v33 =	vld [tilespmem:s0+$0xFFFFFF80]  }
0x354: {  	v34 =	vadd.s32 v0, v26;
	v35 =	vadd.s32 v1, v26;
	v25 =	vadd.s32 v2, v26;
	v36 =	vld [tilespmem:s0+$0xFFFFFFC0]  }
0x355: {  	v13 =	vadd.s32 v3, v28;
	v12 =	vadd.s32 v3, v26;
	v26 =	vld [tilespmem:s0+$0x0];
	v22 =	vadd.f32 v22, v5  }
0x356: {  	v28 =	vadd.f32 v27, v5;
	v27 =	vld [tilespmem:s0+$0x40];
	[tilespmem:v17+s23+$0x0] =	vst.idx.msk $0xffff, v29  }
0x357: {  	v17 =	vadd.f32 v30, v5;
	v29 =	vld [tilespmem:s0+$0x80];
	[tilespmem:v31+s23+$0x0] =	vst.idx.msk $0xffff, v22  }
0x358: {  	v22 =	vadd.f32 v33, v5;
	v30 =	vld [tilespmem:s0+$0xD0];
	[tilespmem:v8+s23+$0x0] =	vst.idx.msk $0xffff, v20;
	v8 =	vmov v15  }
0x359: {  	[tilespmem:v21+s23+$0x0] =	vst.idx.msk $0xffff, v17;
	v15 =	vld [tilespmem:s8+$0xFFFFFFF0];
	v17 =	vadd.f32 v36, v5  }
0x35a: {  	v21 =	vadd.s32 v1, v23;
	[tilespmem:v34+s23+$0x0] =	vst.idx.msk $0xffff, v22;
	v20 =	vld [tilespmem:s8+$0x0];
	v22 =	vadd.f32 v26, v5  }
0x35b: {  	v31 =	vld [tilespmem:s8+$0x10];
	v27 =	vadd.f32 v27, v5;
	[tilespmem:v10+s23+$0x0] =	vst.idx.msk $0xffff, v19;
	v10 =	vmov v14  }
0x35c: {  	v33 =	vld [tilespmem:s8+$0x20];
	v14 =	vadd.f32 v29, v5;
	[tilespmem:v11+s23+$0x0] =	vst.idx.msk $0xffff, v18;
	v11 =	vmov v16  }
0x35d: {  	v16 =	vld [tilespmem:s8+$0xFFFFFFC0];
	v18 =	vadd.f32 v30, v6  }
0x35e: {  	v19 =	vld [tilespmem:s0+$0xFFFFFF50];
	v26 =	vadd.s32 v0, v15;
	v29 =	vadd.s32 v1, v15;
	v34 =	vadd.s32 v2, v15  }
0x35f: {  	v30 =	vld [tilespmem:s0+$0xFFFFFF90];
	v36 =	vadd.s32 v0, v20;
	v37 =	vadd.s32 v1, v20;
	[tilespmem:v21+s23+$0x0] =	vst.idx.msk $0xffff, v18  }
0x360: {  	v38 =	vadd.s32 v2, v20;
	v39 =	vadd.s32 v0, v31;
	v40 =	vadd.s32 v1, v31;
	v41 =	vld [tilespmem:s0+$0xE0]  }
0x361: {  	v18 =	vadd.s32 v2, v31;
	v42 =	vadd.s32 v0, v33;
	v43 =	vadd.s32 v1, v33;
	v44 =	vld [tilespmem:s2+$0xFFFFFF30]  }
0x362: {  	v47 =	vadd.s32 v2, v23;
	v45 =	vadd.s32 v0, v16;
	v46 =	vadd.s32 v1, v16;
	v48 =	vld [tilespmem:s2+$0x30]  }
0x363: {  	v21 =	vadd.s32 v2, v16;
	v49 =	vadd.f32 v19, v6;
	[tilespmem:v26+s23+$0x0] =	vst.idx.msk $0xffff, v17;
	v19 =	vld [tilespmem:s2+$0x70]  }
0x364: {  	v26 =	vadd.s32 v2, v33;
	v30 =	vadd.f32 v30, v6;
	v50 =	vld [tilespmem:s0+$0xFFFFFFD0];
	[tilespmem:v36+s23+$0x0] =	vst.idx.msk $0xffff, v22  }
0x365: {  	v22 =	vadd.s32 v3, v16;
	v36 =	vld [tilespmem:s0+$0x10];
	[tilespmem:v39+s23+$0x0] =	vst.idx.msk $0xffff, v27;
	v16 =	vadd.f32 v41, v7  }
0x366: {  	v17 =	vadd.s32 v3, v15;
	v39 =	vld [tilespmem:s0+$0x50];
	[tilespmem:v42+s23+$0x0] =	vst.idx.msk $0xffff, v14;
	v27 =	vadd.f32 v44, v4  }
0x367: {  	v15 =	vadd.s32 v3, v20;
	v41 =	vld [tilespmem:s0+$0x90];
	[tilespmem:v47+s23+$0x0] =	vst.idx.msk $0xffff, v16;
	v20 =	vadd.f32 v48, v4  }
0x368: {  	v14 =	vadd.s32 v3, v31;
	[tilespmem:v45+s23+$0x0] =	vst.idx.msk $0xffff, v28;
	v28 =	vld [tilespmem:s0+$0xF0];
	v19 =	vadd.f32 v19, v4  }
0x369: {  	v16 =	vadd.s32 v3, v33;
	v31 =	vld [tilespmem:s0+$0xFFFFFF10];
	[tilespmem:v32+s23+$0x0] =	vst.idx.msk $0xffff, v49;
	v32 =	vadd.f32 v50, v6  }
0x36a: {  	v23 =	vadd.s32 v3, v23;
	v33 =	vld [tilespmem:s0+$0xFFFFFF60];
	[tilespmem:v35+s23+$0x0] =	vst.idx.msk $0xffff, v30;
	v30 =	vadd.f32 v36, v6  }
0x36b: {  	v35 =	vld [tilespmem:s0+$0xFFFFFFA0];
	[tilespmem:v29+s23+$0x0] =	vst.idx.msk $0xffff, v32;
	v29 =	vadd.f32 v39, v6  }
0x36c: {  	v32 =	vld [tilespmem:s0+$0xFFFFFFE0];
	[tilespmem:v37+s23+$0x0] =	vst.idx.msk $0xffff, v30;
	v30 =	vadd.f32 v41, v6  }
0x36d: {  	v36 =	vld [tilespmem:s0+$0x20];
	[tilespmem:v40+s23+$0x0] =	vst.idx.msk $0xffff, v29;
	v28 =	vadd.f32 v28, v4  }
0x36e: {  	v29 =	vadd.f32 v31, v6;
	v31 =	vld [tilespmem:s0+$0x60];
	[tilespmem:v43+s23+$0x0] =	vst.idx.msk $0xffff, v30  }
0x36f: {  	v30 =	vadd.f32 v33, v7;
	v33 =	vld [tilespmem:s0+$0xA0];
	[tilespmem:v23+s23+$0x0] =	vst.idx.msk $0xffff, v28  }
.Ltmp8:
0x370: {  	[tilespmem:v46+s23+$0x0] =	vst.idx.msk $0xffff, v29;
	v23 =	vadd.f32 v35, v7;
	v28 =	vld [tilespmem:s2+$0xB0];
	s2 =	smov.u32 s0;
	(pc) =	sbr.rel @p1 .LBB2_19-.Ltmp8, $4  }
0x371: {  	v29 =	vld [tilespmem:s0+$0xFFFFFF20];
	[tilespmem:v24+s23+$0x0] =	vst.idx.msk $0xffff, v30;
	v32 =	vadd.f32 v32, v7  }
0x372: {  	v30 =	vld [tilespmem:s0+$0xFFFFFF70];
	[tilespmem:v25+s23+$0x0] =	vst.idx.msk $0xffff, v23;
	v23 =	vadd.f32 v36, v7  }
0x373: {  	v24 =	vld [tilespmem:s0+$0xFFFFFFB0];
	[tilespmem:v34+s23+$0x0] =	vst.idx.msk $0xffff, v32;
	v32 =	vadd.f32 v31, v7  }
0x374: {  	s8 =	sadd.s32 $0x80, s8;
	v25 =	vld [tilespmem:s0+$0xFFFFFFF0];
	[tilespmem:v38+s23+$0x0] =	vst.idx.msk $0xffff, v23;
	v31 =	vadd.f32 v33, v7  }
0x375: {  	_ =	sdelay $0x3  }
0x376: {  	[tilespmem:v18+s23+$0x0] =	vst.idx.msk $0xffff, v32  }
0x377: {  	[tilespmem:v9+s23+$0x0] =	vst.idx.msk $0xffff, v27;
	v5 =	vadd.f32 v29, v7  }
0x378: {  	[tilespmem:v8+s23+$0x0] =	vst.idx.msk $0xffff, v20  }
0x379: {  	v60 =	vld [tilespmem:s2+$0x30];
	[tilespmem:v21+s23+$0x0] =	vst.idx.msk $0xffff, v5;
	v5 =	vadd.f32 v24, v4  }
0x37a: {  	[tilespmem:v26+s23+$0x0] =	vst.idx.msk $0xffff, v31;
	v58 =	vld [tilespmem:s2+$0xFFFFFF30]  }
0x37b: {  	v62 =	vadd.f32 v28, v4;
	[tilespmem:v12+s23+$0x0] =	vst.idx.msk $0xffff, v5;
	v5 =	vld [tilespmem:s2+$0x70]  }
0x37c: {  	[tilespmem:v10+s23+$0x0] =	vst.idx.msk $0xffff, v19;
	v6 =	vadd.f32 v30, v4;
	v61 =	vld [tilespmem:s2+$0xB0]  }
0x37d: {  	[tilespmem:v11+s23+$0x0] =	vst.idx.msk $0xffff, v62;
	v59 =	vadd.f32 v25, v4  }
0x37e: {  	[tilespmem:v13+s23+$0x0] =	vst.idx.msk $0xffff, v6;
	v63 =	vadd.f32 v60, v4  }
0x37f: {  	[tilespmem:v17+s23+$0x0] =	vst.idx.msk $0xffff, v59;
	v7 =	vadd.f32 v58, v4  }
0x380: {  	s0 =	sshll.u32 s6, $0x12;
	[tilespmem:v15+s23+$0x0] =	vst.idx.msk $0xffff, v63;
	v5 =	vadd.f32 v5, v4  }
0x381: {  	s0 =	sor.u32 s5, s0;
	v4 =	vadd.f32 v61, v4;
	[tilespmem:v22+s23+$0x0] =	vst.idx.msk $0xffff, v7  }
0x382: {  	s0 =	sshrl.u32 s0, $0x3;
	[tilespmem:v14+s23+$0x0] =	vst.idx.msk $0xffff, v5  }
0x383: {  	s6 =	simm.s32 $0x16200;
	s2 =	sadd.s32 s1, s0;
	[tilespmem:v16+s23+$0x0] =	vst.idx.msk $0xffff, v4  }
0x384: {  	[hbm4b:s2+s3] =	stream.linear.scatter [tilespmem:s6], [sflag:$0x7], $0x80, $0x38;
	[tilespmem:$0x1A600] =	vst v63  }
0x385: {  	s7 =	simm.s32 $0x16288;
	s8 =	sadd.s32 $0x10, s2  }
0x386: {  	[hbm4b:s8+s3] =	stream.linear.scatter [tilespmem:s7], [sflag:$0x7], $0x80, $0x38;
	[tilespmem:$0x1A600] =	vst v63  }
0x387: {  	s10 =	simm.s32 $0x16310;
	s26 =	simm.s32 $0x16398;
	s25 =	sadd.s32 $0x20, s2  }
0x388: {  	[hbm4b:s25+s3] =	stream.linear.scatter [tilespmem:s10], [sflag:$0x7], $0x80, $0x38;
	[tilespmem:$0x1A600] =	vst v63  }
0x389: {  	s0 =	simm.s32 $0x440;
	s29 =	sadd.s32 $0x30, s2;
	s6 =	simm.s32 $0x2200  }
0x38a: {  	[hbm4b:s29+s3] =	stream.linear.scatter [tilespmem:s26], [sflag:$0x7], $0x80, $0x38;
	[tilespmem:$0x1A600] =	vst v63  }
0x38b: {  	s7 =	simm.s32 $0x16420;
	s8 =	sadd.s32 $0x40, s2;
	s10 =	simm.s32 $0x164A8  }
0x38c: {  	[hbm4b:s8+s3] =	stream.linear.scatter [tilespmem:s7], [sflag:$0x7], $0x80, $0x38;
	[tilespmem:$0x1A600] =	vst v63  }
0x38d: {  	s25 =	sadd.s32 $0x50, s2;
	s26 =	simm.s32 $0x16530;
	s29 =	sadd.s32 $0x60, s2  }
0x38e: {  	[hbm4b:s25+s3] =	stream.linear.scatter [tilespmem:s10], [sflag:$0x7], $0x80, $0x38;
	[tilespmem:$0x1A600] =	vst v63  }
0x38f: {  	s7 =	simm.s32 $0x165B8;
	s8 =	sadd.s32 $0x70, s2;
	s2 =	sadd.s32 $0x1000, s2  }
0x390: {  	[hbm4b:s29+s3] =	stream.linear.scatter [tilespmem:s26], [sflag:$0x7], $0x80, $0x38;
	[tilespmem:$0x1A600] =	vst v63  }
.LBB2_21:
0x391: {  	[hbm4b:s8+s3] =	stream.linear.scatter [tilespmem:s7], [sflag:$0x7], $0x80, $0x38;
	[tilespmem:$0x1A600] =	vst v63  }
0x392: {  	s7 =	smov.u32 s0;
	s0 =	smov.u32 s6  }
0x393: {  	s10 =	sadd.s32 $0x1100, s6;
	s0 =	sshra.s32 s0, $0x2;
	s8 =	sadd.s32 $0x16200, s7  }
0x394: {  	[hbm4b:s2+s3] =	stream.linear.scatter [tilespmem:s8], [sflag:$0x7], $0x80, $0x38;
	[tilespmem:$0x1A600] =	vst v63  }
0x395: {  	p1 =	sne.s32 s6, $0x7700;
	s6 =	sadd.s32 $0x16288, s7;
	s8 =	sadd.s32 $0x10, s2  }
0x396: {  	[hbm4b:s8+s3] =	stream.linear.scatter [tilespmem:s6], [sflag:$0x7], $0x80, $0x38;
	[tilespmem:$0x1A600] =	vst v63  }
0x397: {  	s6 =	sadd.s32 $0x16310, s7;
	s8 =	sadd.s32 $0x20, s2  }
0x398: {  	[hbm4b:s8+s3] =	stream.linear.scatter [tilespmem:s6], [sflag:$0x7], $0x80, $0x38;
	[tilespmem:$0x1A600] =	vst v63  }
0x399: {  	s6 =	sadd.s32 $0x16398, s7;
	s8 =	sadd.s32 $0x30, s2  }
0x39a: {  	[hbm4b:s8+s3] =	stream.linear.scatter [tilespmem:s6], [sflag:$0x7], $0x80, $0x38;
	[tilespmem:$0x1A600] =	vst v63  }
0x39b: {  	s6 =	sadd.s32 $0x16420, s7;
	s8 =	sadd.s32 $0x40, s2  }
0x39c: {  	[hbm4b:s8+s3] =	stream.linear.scatter [tilespmem:s6], [sflag:$0x7], $0x80, $0x38;
	[tilespmem:$0x1A600] =	vst v63  }
.Ltmp9:
0x39d: {  	s6 =	sadd.s32 $0x164A8, s7;
	s8 =	sadd.s32 $0x50, s2;
	(pc) =	sbr.rel @p1 .LBB2_21-.Ltmp9, $4  }
0x39e: {  	[hbm4b:s8+s3] =	stream.linear.scatter [tilespmem:s6], [sflag:$0x7], $0x80, $0x38;
	[tilespmem:$0x1A600] =	vst v63  }
0x39f: {  	s6 =	sadd.s32 $0x16530, s7;
	s8 =	sadd.s32 $0x60, s2;
	s7 =	sadd.s32 $0x165B8, s7  }
0x3a0: {  	[hbm4b:s8+s3] =	stream.linear.scatter [tilespmem:s6], [sflag:$0x7], $0x80, $0x38;
	[tilespmem:$0x1A600] =	vst v63  }
0x3a1: {  	s8 =	sadd.s32 $0x70, s2;
	s2 =	sadd.s32 $0x1000, s2;
	s6 =	smov.u32 s10  }
0x3a2: {  	[hbm4b:s8+s3] =	stream.linear.scatter [tilespmem:s7], [sflag:$0x7], $0x80, $0x38;
	[tilespmem:$0x1A600] =	vst v63  }
0x3a3: {  	s6 =	sadd.s32 $0x16200, s0  }
0x3a4: {  	[hbm4b:s2+s3] =	stream.linear.scatter [tilespmem:s6], [sflag:$0x7], $0x80, $0x38;
	[tilespmem:$0x1A600] =	vst v63  }
0x3a5: {  	s26 =	sadd.s32 $0x16288, s0;
	s29 =	sadd.s32 $0x10, s2  }
0x3a6: {  	[hbm4b:s29+s3] =	stream.linear.scatter [tilespmem:s26], [sflag:$0x7], $0x80, $0x38;
	[tilespmem:$0x1A600] =	vst v63  }
0x3a7: {  	s7 =	sadd.s32 $0x16310, s0;
	s8 =	sadd.s32 $0x20, s2  }
0x3a8: {  	[hbm4b:s8+s3] =	stream.linear.scatter [tilespmem:s7], [sflag:$0x7], $0x80, $0x38;
	[tilespmem:$0x1A600] =	vst v63  }
0x3a9: {  	s10 =	sadd.s32 $0x16398, s0;
	s25 =	sadd.s32 $0x30, s2  }
0x3aa: {  	[hbm4b:s25+s3] =	stream.linear.scatter [tilespmem:s10], [sflag:$0x7], $0x80, $0x38;
	[tilespmem:$0x1A600] =	vst v63  }
0x3ab: {  	s26 =	sadd.s32 $0x16420, s0;
	s29 =	sadd.s32 $0x40, s2  }
0x3ac: {  	[hbm4b:s29+s3] =	stream.linear.scatter [tilespmem:s26], [sflag:$0x7], $0x80, $0x38;
	[tilespmem:$0x1A600] =	vst v63  }
0x3ad: {  	s7 =	sadd.s32 $0x164A8, s0;
	s8 =	sadd.s32 $0x50, s2  }
0x3ae: {  	[hbm4b:s8+s3] =	stream.linear.scatter [tilespmem:s7], [sflag:$0x7], $0x80, $0x38;
	[tilespmem:$0x1A600] =	vst v63  }
.Ltmp10:
0x3af: {  	_ = 	snop;
	(pc) =	sbr.rel @p0 .LBB2_24-.Ltmp10, $4  }
0x3b0: {  	s10 =	sadd.s32 $0x16530, s0;
	s25 =	sadd.s32 $0x60, s2  }
0x3b1: {  	[hbm4b:s25+s3] =	stream.linear.scatter [tilespmem:s10], [sflag:$0x7], $0x80, $0x38;
	[tilespmem:$0x1A600] =	vst v63  }
0x3b2: {  	s26 =	sadd.s32 $0x165B8, s0;
	s29 =	sadd.s32 $0x70, s2  }
0x3b3: {  	[hbm4b:s29+s3] =	stream.linear.scatter [tilespmem:s26], [sflag:$0x7], $0x80, $0x38;
	[tilespmem:$0x1A600] =	vst v63  }
.Ltmp11:
0x3b4: {  	(pc) =	sbr.rel .LBB2_2-.Ltmp11, $4  }
0x3b5: {  	s0 =	sshll.u32 s31, $0x7  }
0x3b6: {  	s0 =	sadd.s32 $0x300, s0  }
0x3b7: {  	s30 =	sadd.s32 $0x1, s30;
	s0 =	sand.u32 $0xFF00, s0  }
0x3b8: {  	[tilespmem:s13], [sflag:$0x3] =	stream.indirect.gather [hbm4b:s4+s12], $0x40, s0, s12, $0xb8;
	[tilespmem:$0x1A600] =	vst v63  }
.LBB2_24:
0x3b9: {  	s0 =	simm.s32 $0x18400  }
0x3ba: {  	[hbm4b:s24+s3] =	stream.linear.scatter [tilespmem:s0], [sflag:$0x8], $0x80, $0x38;
	[tilespmem:$0x1A600] =	vst v63  }
0x3bb: {  	s31 =	simm.s32 $0x18488;
	s2 =	sadd.s32 $0x10, s24  }
0x3bc: {  	[hbm4b:s2+s3] =	stream.linear.scatter [tilespmem:s31], [sflag:$0x8], $0x80, $0x38;
	[tilespmem:$0x1A600] =	vst v63  }
0x3bd: {  	s6 =	sadd.s32 $0x20, s24;
	s7 =	simm.s32 $0x18598;
	s2 =	simm.s32 $0x18510  }
0x3be: {  	[hbm4b:s6+s3] =	stream.linear.scatter [tilespmem:s2], [sflag:$0x8], $0x80, $0x38;
	[tilespmem:$0x1A600] =	vst v63  }
0x3bf: {  	s8 =	sadd.s32 $0x30, s24;
	s10 =	simm.s32 $0x18620;
	s25 =	sadd.s32 $0x40, s24  }
0x3c0: {  	[hbm4b:s8+s3] =	stream.linear.scatter [tilespmem:s7], [sflag:$0x8], $0x80, $0x38;
	[tilespmem:$0x1A600] =	vst v63  }
0x3c1: {  	s26 =	simm.s32 $0x186A8;
	s29 =	sadd.s32 $0x50, s24;
	s30 =	simm.s32 $0x18730  }
0x3c2: {  	[hbm4b:s25+s3] =	stream.linear.scatter [tilespmem:s10], [sflag:$0x8], $0x80, $0x38;
	[tilespmem:$0x1A600] =	vst v63  }
0x3c3: {  	s0 =	simm.s32 $0x440;
	s31 =	sadd.s32 $0x60, s24;
	s6 =	simm.s32 $0x2200  }
0x3c4: {  	[hbm4b:s29+s3] =	stream.linear.scatter [tilespmem:s26], [sflag:$0x8], $0x80, $0x38;
	[tilespmem:$0x1A600] =	vst v63  }
0x3c5: {  	s2 =	sadd.s32 $0x1000, s24;
	s7 =	simm.s32 $0x187B8;
	s8 =	sadd.s32 $0x70, s24  }
0x3c6: {  	[hbm4b:s31+s3] =	stream.linear.scatter [tilespmem:s30], [sflag:$0x8], $0x80, $0x38;
	[tilespmem:$0x1A600] =	vst v63  }
.LBB2_25:
0x3c7: {  	[hbm4b:s8+s3] =	stream.linear.scatter [tilespmem:s7], [sflag:$0x8], $0x80, $0x38;
	[tilespmem:$0x1A600] =	vst v63  }
0x3c8: {  	s7 =	smov.u32 s0;
	s0 =	smov.u32 s6  }
0x3c9: {  	s10 =	sadd.s32 $0x1100, s6;
	s0 =	sshra.s32 s0, $0x2;
	s8 =	sadd.s32 $0x18400, s7  }
0x3ca: {  	[hbm4b:s2+s3] =	stream.linear.scatter [tilespmem:s8], [sflag:$0x8], $0x80, $0x38;
	[tilespmem:$0x1A600] =	vst v63  }
0x3cb: {  	p0 =	sne.s32 s6, $0x7700;
	s6 =	sadd.s32 $0x18488, s7;
	s8 =	sadd.s32 $0x10, s2  }
0x3cc: {  	[hbm4b:s8+s3] =	stream.linear.scatter [tilespmem:s6], [sflag:$0x8], $0x80, $0x38;
	[tilespmem:$0x1A600] =	vst v63  }
0x3cd: {  	s6 =	sadd.s32 $0x18510, s7;
	s8 =	sadd.s32 $0x20, s2  }
0x3ce: {  	[hbm4b:s8+s3] =	stream.linear.scatter [tilespmem:s6], [sflag:$0x8], $0x80, $0x38;
	[tilespmem:$0x1A600] =	vst v63  }
0x3cf: {  	s6 =	sadd.s32 $0x18598, s7;
	s8 =	sadd.s32 $0x30, s2  }
0x3d0: {  	[hbm4b:s8+s3] =	stream.linear.scatter [tilespmem:s6], [sflag:$0x8], $0x80, $0x38;
	[tilespmem:$0x1A600] =	vst v63  }
0x3d1: {  	s6 =	sadd.s32 $0x18620, s7;
	s8 =	sadd.s32 $0x40, s2  }
0x3d2: {  	[hbm4b:s8+s3] =	stream.linear.scatter [tilespmem:s6], [sflag:$0x8], $0x80, $0x38;
	[tilespmem:$0x1A600] =	vst v63  }
.Ltmp12:
0x3d3: {  	s6 =	sadd.s32 $0x186A8, s7;
	s8 =	sadd.s32 $0x50, s2;
	(pc) =	sbr.rel @p0 .LBB2_25-.Ltmp12, $4  }
0x3d4: {  	[hbm4b:s8+s3] =	stream.linear.scatter [tilespmem:s6], [sflag:$0x8], $0x80, $0x38;
	[tilespmem:$0x1A600] =	vst v63  }
0x3d5: {  	s6 =	sadd.s32 $0x18730, s7;
	s8 =	sadd.s32 $0x60, s2;
	s7 =	sadd.s32 $0x187B8, s7  }
0x3d6: {  	[hbm4b:s8+s3] =	stream.linear.scatter [tilespmem:s6], [sflag:$0x8], $0x80, $0x38;
	[tilespmem:$0x1A600] =	vst v63  }
0x3d7: {  	s8 =	sadd.s32 $0x70, s2;
	s2 =	sadd.s32 $0x1000, s2;
	s6 =	smov.u32 s10  }
0x3d8: {  	[hbm4b:s8+s3] =	stream.linear.scatter [tilespmem:s7], [sflag:$0x8], $0x80, $0x38;
	[tilespmem:$0x1A600] =	vst v63  }
0x3d9: {  	s6 =	sadd.s32 $0x18400, s0  }
0x3da: {  	[hbm4b:s2+s3] =	stream.linear.scatter [tilespmem:s6], [sflag:$0x8], $0x80, $0x38;
	[tilespmem:$0x1A600] =	vst v63  }
0x3db: {  	s30 =	sadd.s32 $0x18488, s0;
	s31 =	sadd.s32 $0x10, s2  }
0x3dc: {  	[hbm4b:s31+s3] =	stream.linear.scatter [tilespmem:s30], [sflag:$0x8], $0x80, $0x38;
	[tilespmem:$0x1A600] =	vst v63  }
0x3dd: {  	s7 =	sadd.s32 $0x18510, s0;
	s8 =	sadd.s32 $0x20, s2  }
0x3de: {  	[hbm4b:s8+s3] =	stream.linear.scatter [tilespmem:s7], [sflag:$0x8], $0x80, $0x38;
	[tilespmem:$0x1A600] =	vst v63  }
0x3df: {  	s10 =	sadd.s32 $0x18598, s0;
	s25 =	sadd.s32 $0x30, s2  }
0x3e0: {  	[hbm4b:s25+s3] =	stream.linear.scatter [tilespmem:s10], [sflag:$0x8], $0x80, $0x38;
	[tilespmem:$0x1A600] =	vst v63  }
0x3e1: {  	s26 =	sadd.s32 $0x18620, s0;
	s29 =	sadd.s32 $0x40, s2  }
0x3e2: {  	[hbm4b:s29+s3] =	stream.linear.scatter [tilespmem:s26], [sflag:$0x8], $0x80, $0x38;
	[tilespmem:$0x1A600] =	vst v63  }
0x3e3: {  	s30 =	sadd.s32 $0x186A8, s0;
	s31 =	sadd.s32 $0x50, s2  }
0x3e4: {  	[hbm4b:s31+s3] =	stream.linear.scatter [tilespmem:s30], [sflag:$0x8], $0x80, $0x38;
	[tilespmem:$0x1A600] =	vst v63  }
0x3e5: {  	s7 =	sadd.s32 $0x18730, s0;
	s8 =	sadd.s32 $0x60, s2  }
0x3e6: {  	[hbm4b:s8+s3] =	stream.linear.scatter [tilespmem:s7], [sflag:$0x8], $0x80, $0x38;
	[tilespmem:$0x1A600] =	vst v63  }
0x3e7: {  	s10 =	sadd.s32 $0x187B8, s0;
	s25 =	sadd.s32 $0x70, s2;
	s26 =	simm.s32 $0x6  }
0x3e8: {  	[hbm4b:s25+s3] =	stream.linear.scatter [tilespmem:s10], [sflag:$0x8], $0x80, $0x38;
	[tilespmem:$0x1A600] =	vst v63  }
0x3e9: {  	_ =	swait.ge [sflag:s26], $0x2000  }
0x3ea: {  	[sflag:s26] =	ssyncset.done $0x0  }
0x3eb: {  	s29 =	simm.s32 $0x7;
	[sflag:s26] =	ssyncadd.s32 $0xFFFFE000  }
0x3ec: {  	_ =	swait.ge [sflag:s29], $0x2000  }
0x3ed: {  	[sflag:s29] =	ssyncset.done $0x0  }
0x3ee: {  	[sflag:s29] =	ssyncadd.s32 $0xFFFFE000  }
0x3ef: {  	_ =	swait.ge [sflag:s28], $0x2000  }
0x3f0: {  	s30 =	sld [smem:$0x7FD];
	_ =	sdelay $0x2  }
0x3f1: {  	s31 =	rddreg [dreg:$0x16];
	s2 =	sadd.s32 $0x1, s30  }
0x3f2: {  	p0 =	sne.s32 s2, s31  }
.Ltmp13:
0x3f3: {  	_ = 	snop;
	(pc) =	sbr.rel @p0 .LBB2_1-.Ltmp13, $3  }
0x3f4: {  	_ =	sdelay $0x1  }
0x3f5: {  	[sflag:s28] =	ssyncset.done $0x0  }
0x3f6: {  	[sflag:s28] =	ssyncadd.s32 $0xFFFFE000  }
0x3f7: {  	_ =	sfence.sel $0x180000  }
0x3f8: {  	[bflag:$0x0] =	sbarrier.arrive $0xFFFF  }
0x3f9: {  	_ =	strace $0x90000047  }
0x3fa: {  	s0 =	stileid.u32;
	[bflag:$0x2] =	sbarrier.arrive $0xFFFF  }
0x3fb: {  	p0 =	sne.s32 s0, $0x0;
	s0 =	rddreg [dreg:$0x3]  }
0x3fc: {  	s0 =	sadd.s32 @!p0 $0x100000, s0  }
0x3fd: {  	[sflag:s0] =	ssyncadd.tile.s32 @!p0 $0x1;
	_ =	shalt  }
.Lfunc_end2:
_tile_overlayer_lowered:
.L_overlay_start_2:
0x3fe: {  	(tag) =	ssettag $0x2  }
0x3ff: {  	s0 =	rddreg [dreg:$0x0];
	s2 =	stileid.u32  }
0x400: {  	s1 =	rddreg [dreg:$0x1];
	p0 =	sne.s32 s2, $0x0  }
0x401: {  	s3 =	rddreg [dreg:$0x2];
	[bflag:$0x3] =	sbarrier.arrive $0xFFFF;
	s2 =	simm.s32 @!p0 $0x1C0A  }
0x402: {  	[timem:s3], [sflag:s2] =	dma.local @!p0 [hbm:s0], s1  }
0x403: {  	s0 =	simm.s32 @!p0 $0xA  }
0x404: {  	_ =	swait.ge @!p0 [sflag:s0], s1  }
0x405: {  	s1 =	ssub.s32 @!p0 $0x0, s1;
	[sflag:s0] =	ssyncset.done @!p0 $0x0  }
0x406: {  	[sflag:s0] =	ssyncadd.s32 @!p0 s1  }
0x407: {  	[bflag:$0x3] =	sbarrier.arrive $0xFFFF  }
0x408: {  	_ =	shalt  }

</sc_bundles>
